<compile_context>
chip_gen: v7x
topology: tpu7x:2x2x1
jax: 0.10.2.dev20260603
libtpu: 0.0.44.dev20260713+nightly
codegen_flags: <defaults>
</compile_context>

<pallas_src>
import functools
import math

import jax
import jax.numpy as jnp
import numpy as np
from jax import lax
from jax.experimental import pallas as pl
from jax.experimental.pallas import tpu as pltpu
from jax.experimental.pallas import tpu_sc as plsc

_NUM_PROJS = 7
_BLOCK = 256
_SAMPLES = 256
_F32_MIN = float(np.finfo(np.float32).min)

_SC_LANES = 16
_CHUNK = 128
_D2 = 128


def _rank_body(codes_ref, p_ref, cnt_ref, *, n, nbins, chunk):
    nchunks = n // chunk
    bin_row = lax.broadcasted_iota(jnp.int32, (nbins, chunk), 0)
    ir = lax.broadcasted_iota(jnp.int32, (chunk, chunk), 0)
    ic = lax.broadcasted_iota(jnp.int32, (chunk, chunk), 1)
    triu_incl = (ir <= ic).astype(jnp.float32)

    dot = functools.partial(
        lax.dot_general, preferred_element_type=jnp.float32,
        precision=lax.Precision.HIGHEST)

    def onehot_at(c):
        codes_c = codes_ref[0, 0, c * chunk:(c + 1) * chunk]
        return (codes_c[None, :] == bin_row).astype(jnp.float32)

    for c in range(nchunks):
        cnt_ref[:, c:c + 1] = jnp.sum(onehot_at(c), axis=1, keepdims=True)

    counts = cnt_ref[:]
    ich_r = lax.broadcasted_iota(jnp.int32, (nchunks, nchunks), 0)
    ich_c = lax.broadcasted_iota(jnp.int32, (nchunks, nchunks), 1)
    chunk_tril = (ich_r < ich_c).astype(jnp.float32)
    carries = dot(counts, chunk_tril,
                  dimension_numbers=(((1,), (0,)), ((), ())))

    totals = jnp.sum(counts, axis=1, keepdims=True)
    ib_r = lax.broadcasted_iota(jnp.int32, (nbins, nbins), 0)
    ib_c = lax.broadcasted_iota(jnp.int32, (nbins, nbins), 1)
    tril_strict = (ib_r > ib_c).astype(jnp.float32)
    offsets = dot(tril_strict, totals,
                  dimension_numbers=(((1,), (0,)), ((), ())))
    obase = offsets + carries

    for c in range(nchunks):
        onehot = onehot_at(c)
        s_c = dot(onehot, triu_incl,
                  dimension_numbers=(((1,), (0,)), ((), ())))
        s_c = s_c + obase[:, c:c + 1]
        pos = jnp.sum(s_c * onehot, axis=0, keepdims=True) - 1.0
        p_ref[0, :, c * chunk:(c + 1) * chunk] = pos.astype(jnp.int32)


_SC_PARAMS = pltpu.CompilerParams(needs_layout_passes=False)


def _load_positions(p_hbm, wid, p_v):
    pltpu.sync_copy(p_hbm.at[wid], p_v)


def _make_sort_gather(bh, n, nsamp):
    mesh = plsc.VectorSubcoreMesh(core_axis_name="c", subcore_axis_name="s")
    f32 = jnp.float32
    nrow = n // _CHUNK

    @functools.partial(
        pl.kernel, mesh=mesh,
        out_type=[
            jax.ShapeDtypeStruct((bh * n, _D2), f32),
            jax.ShapeDtypeStruct((bh * n, _D2), f32),
            jax.ShapeDtypeStruct((bh * nsamp, _D2), f32),
        ],
        scratch_types=[
            pltpu.VMEM((nrow, _CHUNK), jnp.int32),
            pltpu.VMEM((nrow, _CHUNK), jnp.int32),
            pltpu.VMEM((n,), jnp.int32),
            pltpu.VMEM((n,), jnp.int32),
            pltpu.VMEM((nsamp // _CHUNK, _CHUNK), jnp.int32),
            pltpu.VMEM((nsamp,), jnp.int32),
            pltpu.VMEM((_CHUNK, _D2), f32),
            pltpu.VMEM((_CHUNK, _D2), f32),
            pltpu.VMEM((_CHUNK, _D2), f32),
            pltpu.VMEM((_CHUNK, _D2), f32),
            pltpu.SemaphoreType.DMA,
            pltpu.SemaphoreType.DMA,
            pltpu.SemaphoreType.DMA,
            pltpu.SemaphoreType.DMA,
        ],
        compiler_params=_SC_PARAMS,
    )
    def sort_gather(pq_hbm, pk_hbm, samp_hbm, tq_hbm, tkv_hbm,
                    qs_hbm, kvs_hbm, kvsub_hbm,
                    pq_v, pk_v, invq_v, invk_v, samp_v, sampg_v,
                    bufqa, bufqb, bufka, bufkb, semqa, semqb, semka, semkb):
        wid = lax.axis_index("s") * 2 + lax.axis_index("c")
        base = wid * n
        _load_positions(pq_hbm, wid, pq_v)
        _load_positions(pk_hbm, wid, pk_v)
        pltpu.sync_copy(samp_hbm.at[wid], samp_v)

        lane = lax.iota(jnp.int32, _SC_LANES)
        per_row = _CHUNK // _SC_LANES

        def inv_body(g, carry):
            r = g // per_row
            sl = pl.ds((g % per_row) * _SC_LANES, _SC_LANES)
            rid = lane + (g * _SC_LANES + base)
            plsc.store_scatter(invq_v, [pq_v[r, sl]], rid)
            plsc.store_scatter(invk_v, [pk_v[r, sl]], rid)
            return carry

        lax.fori_loop(0, n // _SC_LANES, inv_body, 0)

        def samp_body(g, carry):
            r = g // per_row
            sl = pl.ds((g % per_row) * _SC_LANES, _SC_LANES)
            sampg_v[pl.ds(g * _SC_LANES, _SC_LANES)] = plsc.load_gather(
                invk_v, [samp_v[r, sl]])
            return carry

        lax.fori_loop(0, nsamp // _SC_LANES, samp_body, 0)

        def gq(c, buf, sem):
            return pltpu.async_copy(
                tq_hbm.at[invq_v.at[pl.ds(c * _CHUNK, _CHUNK)]], buf, sem)

        def gkv(c, buf, sem):
            return pltpu.async_copy(
                tkv_hbm.at[invk_v.at[pl.ds(c * _CHUNK, _CHUNK)]], buf, sem)

        def wq(c, buf):
            pltpu.sync_copy(buf, qs_hbm.at[pl.ds(base + c * _CHUNK, _CHUNK)])

        def wkv(c, buf):
            pltpu.sync_copy(buf, kvs_hbm.at[pl.ds(base + c * _CHUNK, _CHUNK)])

        nhalf = n // (2 * _CHUNK)
        gq(0, bufqa, semqa)
        gkv(0, bufka, semka)

        def g_body(i, carry):
            c0 = 2 * i
            gq(c0 + 1, bufqb, semqb)
            gkv(c0 + 1, bufkb, semkb)
            pltpu.make_async_copy(
                tq_hbm.at[invq_v.at[pl.ds(c0 * _CHUNK, _CHUNK)]],
                bufqa, semqa).wait()
            wq(c0, bufqa)
            pltpu.make_async_copy(
                tkv_hbm.at[invk_v.at[pl.ds(c0 * _CHUNK, _CHUNK)]],
                bufka, semka).wait()
            wkv(c0, bufka)

            @pl.when(i < nhalf - 1)
            def _():
                gq(c0 + 2, bufqa, semqa)
                gkv(c0 + 2, bufka, semka)

            pltpu.make_async_copy(
                tq_hbm.at[invq_v.at[pl.ds((c0 + 1) * _CHUNK, _CHUNK)]],
                bufqb, semqb).wait()
            wq(c0 + 1, bufqb)
            pltpu.make_async_copy(
                tkv_hbm.at[invk_v.at[pl.ds((c0 + 1) * _CHUNK, _CHUNK)]],
                bufkb, semkb).wait()
            wkv(c0 + 1, bufkb)
            return carry

        lax.fori_loop(0, nhalf, g_body, 0)

        def s_body(c, carry):
            sl = pl.ds(c * _CHUNK, _CHUNK)
            pltpu.async_copy(tkv_hbm.at[sampg_v.at[sl]], bufqa, semqa).wait()
            pltpu.sync_copy(
                bufqa, kvsub_hbm.at[pl.ds(wid * nsamp + c * _CHUNK, _CHUNK)])
            return carry

        lax.fori_loop(0, nsamp // _CHUNK, s_body, 0)

    return sort_gather


def _make_unsort(bh, n):
    mesh = plsc.VectorSubcoreMesh(core_axis_name="c", subcore_axis_name="s")
    nrow = n // _CHUNK

    @functools.partial(
        pl.kernel, mesh=mesh,
        out_type=jax.ShapeDtypeStruct((bh * n, _D2), jnp.float32),
        scratch_types=[
            pltpu.VMEM((nrow, _CHUNK), jnp.int32),
            pltpu.VMEM((n,), jnp.int32),
            pltpu.VMEM((_CHUNK, _D2), jnp.float32),
            pltpu.VMEM((_CHUNK, _D2), jnp.float32),
            pltpu.SemaphoreType.DMA,
            pltpu.SemaphoreType.DMA,
        ],
        compiler_params=_SC_PARAMS,
    )
    def unsort(pq_hbm, attn_hbm, out_hbm, pq_v, posg_v, bufa, bufb,
               sema, semb):
        wid = lax.axis_index("s") * 2 + lax.axis_index("c")
        base = wid * n
        _load_positions(pq_hbm, wid, pq_v)

        per_row = _CHUNK // _SC_LANES

        def add_body(g, carry):
            r = g // per_row
            sl = pl.ds((g % per_row) * _SC_LANES, _SC_LANES)
            posg_v[pl.ds(g * _SC_LANES, _SC_LANES)] = pq_v[r, sl] + base
            return carry

        lax.fori_loop(0, n // _SC_LANES, add_body, 0)

        def g(c, buf, sem):
            return pltpu.async_copy(
                attn_hbm.at[posg_v.at[pl.ds(c * _CHUNK, _CHUNK)]], buf, sem)

        def w(c, buf):
            pltpu.sync_copy(buf, out_hbm.at[pl.ds(base + c * _CHUNK, _CHUNK)])

        nhalf = n // (2 * _CHUNK)
        g(0, bufa, sema)

        def g_body(i, carry):
            c0 = 2 * i
            g(c0 + 1, bufb, semb)
            pltpu.make_async_copy(
                attn_hbm.at[posg_v.at[pl.ds(c0 * _CHUNK, _CHUNK)]],
                bufa, sema).wait()
            w(c0, bufa)

            @pl.when(i < nhalf - 1)
            def _():
                g(c0 + 2, bufa, sema)

            pltpu.make_async_copy(
                attn_hbm.at[posg_v.at[pl.ds((c0 + 1) * _CHUNK, _CHUNK)]],
                bufb, semb).wait()
            w(c0 + 1, bufb)
            return carry

        lax.fori_loop(0, nhalf, g_body, 0)

    return unsort


def _attn_body(qs_ref, kvs_ref, kvsub_ref, samp_ref, out_ref,
               *, scale, num_blocks):
    dot = functools.partial(lax.dot_general, preferred_element_type=jnp.float32)

    kvsub = kvsub_ref[0]
    samp = samp_ref[0, 0]

    def block(j):
        sl = pl.ds(j * _BLOCK, _BLOCK)
        q = qs_ref[0, sl, :]
        kv = kvs_ref[0, sl, :]

        qk1 = dot(q, kv, dimension_numbers=(((1,), (1,)), ((), ()))) * scale
        m1 = jnp.max(qk1, axis=-1)
        e1 = jnp.exp(qk1 - m1[:, None])
        s1 = jnp.sum(e1, axis=-1)
        a1 = dot(e1, kv, dimension_numbers=(((1,), (0,)), ((), ())))
        a1 = a1 / s1[:, None]
        lse1 = m1 + jnp.log(s1)

        bias = jnp.where(samp // _BLOCK == j, _F32_MIN, 0.0)
        qk2 = dot(q, kvsub, dimension_numbers=(((1,), (1,)), ((), ()))) * scale
        qk2 = qk2 + bias[None, :].astype(jnp.float32)
        m2 = jnp.max(qk2, axis=-1)
        e2 = jnp.exp(qk2 - m2[:, None])
        s2 = jnp.sum(e2, axis=-1)
        a2 = dot(e2, kvsub, dimension_numbers=(((1,), (0,)), ((), ())))
        a2 = a2 / s2[:, None]
        lse2 = m2 + jnp.log(s2) + math.log(float(num_blocks))

        c = 1.0 / (1.0 + jnp.exp(lse2 - lse1))
        out_ref[0, sl, :] = c[:, None] * a1 + (1.0 - c[:, None]) * a2

    for j in range(num_blocks):
        block(j)


def kernel(query, key, value, proj_dir):
    b, h, n, d = query.shape
    bh = b * h
    num_blocks = n // _BLOCK
    scale = d ** (-0.5)

    enc_vec = (2 ** jnp.arange(_NUM_PROJS)).reshape(1, 1, 1, _NUM_PROJS)

    def lsh_hash(mat):
        mask = jnp.matmul(mat, proj_dir) > 0
        bin_ids = (mask * enc_vec).sum(-1)
        return bin_ids ^ (bin_ids >> 1)

    codes = jnp.stack([lsh_hash(query), lsh_hash(key)])
    codes = codes.reshape(2 * bh, 1, n).astype(jnp.int32)

    nbins = 2 ** _NUM_PROJS
    positions = pl.pallas_call(
        functools.partial(_rank_body, n=n, nbins=nbins, chunk=128),
        grid=(2 * bh,),
        in_specs=[pl.BlockSpec((1, 1, n), lambda i: (i, 0, 0))],
        out_specs=pl.BlockSpec((1, 1, n), lambda i: (i, 0, 0)),
        out_shape=jax.ShapeDtypeStruct((2 * bh, 1, n), jnp.int32),
        scratch_shapes=[pltpu.VMEM((nbins, n // 128), jnp.float32)],
    )(codes)
    positions = positions.reshape(2, bh, n // _CHUNK, _CHUNK)
    pq3, pk3 = positions[0], positions[1]

    sampled_set = jax.random.randint(jax.random.key(42), (b, h, _SAMPLES), 0, n)
    samp3 = sampled_set.reshape(bh, _SAMPLES // _CHUNK, _CHUNK).astype(jnp.int32)

    q2 = query.reshape(bh * n, d)
    k2 = key.reshape(bh * n, d)
    v2 = value.reshape(bh * n, d)
    table_q = jnp.concatenate([q2, jnp.zeros_like(q2)], axis=1)
    table_kv = jnp.concatenate([k2, v2], axis=1)

    sort_gather = _make_sort_gather(bh, n, _SAMPLES)
    qs_f, kvs_f, kvsub_f = sort_gather(pq3, pk3, samp3, table_q, table_kv)

    qs = qs_f.reshape(bh, n, _D2)
    kvs = kvs_f.reshape(bh, n, _D2)
    kvsub = kvsub_f.reshape(bh, _SAMPLES, _D2)
    samp = sampled_set.reshape(bh, 1, _SAMPLES).astype(jnp.int32)

    attn_sorted = pl.pallas_call(
        functools.partial(_attn_body, scale=scale, num_blocks=num_blocks),
        grid=(bh,),
        in_specs=[
            pl.BlockSpec((1, n, _D2), lambda i: (i, 0, 0)),
            pl.BlockSpec((1, n, _D2), lambda i: (i, 0, 0)),
            pl.BlockSpec((1, _SAMPLES, _D2), lambda i: (i, 0, 0)),
            pl.BlockSpec((1, 1, _SAMPLES), lambda i: (i, 0, 0)),
        ],
        out_specs=pl.BlockSpec((1, n, _D2), lambda i: (i, 0, 0)),
        out_shape=jax.ShapeDtypeStruct((bh, n, _D2), jnp.float32),
    )(qs, kvs, kvsub, samp)

    unsort = _make_unsort(bh, n)
    out_pack = unsort(pq3, attn_sorted.reshape(bh * n, _D2))
    return out_pack[:, d:].reshape(b, h, n, d)

# --- scband reference (transcript-rebuilt; emitter-appended) ---
"""Pipeline reference for scband-hyper-attention-74775380623855 (READ-ONLY COPY).

The authoritative reference and input builder live on the scoring server;
editing this copy changes nothing except your own understanding.
"""

import jax, jax.numpy as jnp
import numpy as np

LSH_NUM_PROJS = 7
BLOCK_SIZE = 256
SAMPLE_SIZE = 256
MIN_SEQ_LEN = 4096


def _unit_hamming(size_n):
    if size_n == 1:
        return np.arange(2)
    a = _unit_hamming(size_n - 1)
    return np.concatenate((a, a[::-1] + 2 ** (size_n - 1)))


def exact_attention(q, k, v, scale, bias=None):
    qk = jnp.matmul(q, jnp.swapaxes(k, -1, -2)) * scale
    if bias is not None:
        qk = qk + bias
    out = jnp.matmul(jax.nn.softmax(qk, axis=-1), v)
    lse = jax.scipy.special.logsumexp(qk, axis=-1, keepdims=True)
    return out, lse


def add_self_attentions(attn1, lse1, attn2, lse2):
    c = (1.0 / (1.0 + jnp.exp(lse2 - lse1))).astype(attn1.dtype)
    attn = c * attn1 + (1 - c) * attn2
    lse = lse1 - jnp.log(c + jnp.finfo(lse1.dtype).eps)
    return attn, lse


def _indexing(x, idx):
    # x: [b,h,n,d], idx: [b,h,s] -> [b,h,s,d]
    return jnp.take_along_axis(x, idx[..., None], axis=2)


def setup_inputs(seed: int = 0) -> dict:
    key = jax.random.key(seed)
    kq, kk, kv, kp = jax.random.split(key, 4)
    b, h, n, d = 2, 16, 4096, 64
    query = jax.random.normal(kq, (b, h, n, d), dtype=jnp.float32)
    key_t = jax.random.normal(kk, (b, h, n, d), dtype=jnp.float32)
    value = jax.random.normal(kv, (b, h, n, d), dtype=jnp.float32)
    proj_dir = jax.random.normal(kp, (1, 1, d, LSH_NUM_PROJS), dtype=jnp.float32)
    return {"query": query, "key": key_t, "value": value, "proj_dir": proj_dir}


def _forward(query, key, value, proj_dir):
    b, h, n_key, dim = key.shape
    n_query = query.shape[2]
    scale = dim ** (-0.5)

    # non-causal path; n_query >= MIN_SEQ_LEN so the LSH block path is taken
    perm = jnp.asarray(_unit_hamming(LSH_NUM_PROJS))
    enc_vec = (2 ** jnp.arange(LSH_NUM_PROJS)).reshape(1, 1, 1, LSH_NUM_PROJS)

    def lsh_hash(mat):
        mask = jnp.matmul(mat, proj_dir) > 0
        bin_ids = (mask * enc_vec).sum(-1)
        return perm[bin_ids]

    q_idx = jnp.argsort(lsh_hash(query), axis=2, stable=True)
    k_idx = jnp.argsort(lsh_hash(key), axis=2, stable=True)
    q_idx_inv = jnp.argsort(q_idx, axis=2, stable=True)

    query_sorted = _indexing(query, q_idx)
    key_sorted = _indexing(key, k_idx)
    value_sorted = _indexing(value, k_idx)

    # block-diagonal attention over LSH-sorted tokens
    num_blocks = n_key // BLOCK_SIZE
    qbs = n_query // num_blocks
    q_blk = query_sorted.reshape(-1, 1, qbs, dim)
    k_blk = key_sorted.reshape(-1, 1, BLOCK_SIZE, dim)
    v_blk = value_sorted.reshape(-1, 1, BLOCK_SIZE, dim)
    attn_block, lse_block = exact_attention(q_blk, k_blk, v_blk, scale)
    attn_block = attn_block.reshape(b, h, n_query, dim)
    lse_block = lse_block.reshape(b, h, n_query, 1)

    # uniformly sampled residual attention
    sampled_set = jax.random.randint(jax.random.key(42), (b, h, SAMPLE_SIZE), 0, n_key)
    value_subset = _indexing(value_sorted, sampled_set)
    key_subset = _indexing(key_sorted, sampled_set)
    offset_n = jnp.arange(n_query).reshape(1, 1, n_query, 1)
    block_mask = (offset_n // qbs) == (sampled_set[:, :, None, :] // BLOCK_SIZE)
    bias = block_mask.astype(query.dtype) * jnp.finfo(query.dtype).min
    attn_res, lse_res = exact_attention(query_sorted, key_subset, value_subset, scale, bias=bias)
    lse_res = lse_res + float(np.log(n_key / SAMPLE_SIZE))

    attn, lse = add_self_attentions(attn_block, lse_block, attn_res, lse_res)
    attn = _indexing(attn, q_idx_inv)
    return attn


def reference(query, key, value, proj_dir):
    return _forward(query, key, value, proj_dir)

if __name__ == "__main__":
    import jax
    _d = setup_inputs()
    print(jax.jit(kernel)(*tuple(_d.values())))

</pallas_src>

<mosaic_0001>
#map = affine_map<(d0, d1) -> (0, 0, 0)>
#map1 = affine_map<(d0, d1) -> (0, 0)>
module attributes {stable_mosaic.version = 14 : i64} {
  func.func @sort_gather(%arg0: i32, %arg1: i32, %arg2: memref<32x32x128xi32, #tpu.memory_space<hbm>>, %arg3: memref<32x32x128xi32, #tpu.memory_space<hbm>>, %arg4: memref<32x2x128xi32, #tpu.memory_space<hbm>>, %arg5: memref<131072x128xf32, #tpu.memory_space<hbm>>, %arg6: memref<131072x128xf32, #tpu.memory_space<hbm>>, %arg7: memref<131072x128xf32, #tpu.memory_space<hbm>>, %arg8: memref<131072x128xf32, #tpu.memory_space<hbm>>, %arg9: memref<8192x128xf32, #tpu.memory_space<hbm>>, %arg10: memref<32x128xi32, #tpu.memory_space<vmem>>, %arg11: memref<32x128xi32, #tpu.memory_space<vmem>>, %arg12: memref<4096xi32, #tpu.memory_space<vmem>>, %arg13: memref<4096xi32, #tpu.memory_space<vmem>>, %arg14: memref<2x128xi32, #tpu.memory_space<vmem>>, %arg15: memref<256xi32, #tpu.memory_space<vmem>>, %arg16: memref<128x128xf32, #tpu.memory_space<vmem>>, %arg17: memref<128x128xf32, #tpu.memory_space<vmem>>, %arg18: memref<128x128xf32, #tpu.memory_space<vmem>>, %arg19: memref<128x128xf32, #tpu.memory_space<vmem>>, %arg20: memref<!tpu.dma_semaphore, #tpu.memory_space<semaphore_mem>>, %arg21: memref<!tpu.dma_semaphore, #tpu.memory_space<semaphore_mem>>, %arg22: memref<!tpu.dma_semaphore, #tpu.memory_space<semaphore_mem>>, %arg23: memref<!tpu.dma_semaphore, #tpu.memory_space<semaphore_mem>>) attributes {dimension_semantics = [#tpu.dimension_semantics<core_parallel>, #tpu.dimension_semantics<subcore_parallel>], iteration_bounds = array<i64: 2, 16>, scalar_prefetch = 0 : i64, scratch_operands = 14 : i64, tpu.core_type = #tpu.core_type<sc_vector_subcore>, window_params = [{transform_indices = #map}, {transform_indices = #map}, {transform_indices = #map}, {transform_indices = #map1}, {transform_indices = #map1}, {transform_indices = #map1}, {transform_indices = #map1}, {transform_indices = #map1}]} {
    %mul3A = arith.constant 2 : i32
    %mul3A_0 = arith.muli %arg1, %mul3A : i32
    %add3A = arith.addi %mul3A_0, %arg0 : i32
    %mul3A_1 = arith.constant 4096 : i32
    %mul3A_2 = arith.muli %add3A, %mul3A_1 : i32
    "tpu.region"() ({
      %run_scoped3A = tpu.sem_alloc : memref<!tpu.dma_semaphore, #tpu.memory_space<semaphore_mem>>
      %dma_start3A_35 = arith.constant 0 : i32
      %dma_start3A_36 = arith.constant 0 : i32
      %dma_start3A_37 = tpu.memref_slice %arg2[%add3A, %dma_start3A_35, %dma_start3A_36] : memref<32x32x128xi32, #tpu.memory_space<hbm>> -> memref<1x32x128xi32, #tpu.memory_space<hbm>>
      %dma_start3A_38 = tpu.memref_squeeze %dma_start3A_37 : memref<1x32x128xi32, #tpu.memory_space<hbm>> -> memref<32x128xi32, #tpu.memory_space<hbm>>
      %dma_start3A_39 = arith.constant 0 : i32
      %dma_start3A_40 = arith.constant 0 : i32
      %dma_start3A_41 = tpu.memref_slice %arg2[%add3A, %dma_start3A_39, %dma_start3A_40] : memref<32x32x128xi32, #tpu.memory_space<hbm>> -> memref<1x32x128xi32, #tpu.memory_space<hbm>>
      %dma_start3A_42 = tpu.memref_squeeze %dma_start3A_41 : memref<1x32x128xi32, #tpu.memory_space<hbm>> -> memref<32x128xi32, #tpu.memory_space<hbm>>
      tpu.enqueue_dma source(%dma_start3A_42 : memref<32x128xi32, #tpu.memory_space<hbm>>) target(%arg10 : memref<32x128xi32, #tpu.memory_space<vmem>>) target_semaphore(%run_scoped3A : memref<!tpu.dma_semaphore, #tpu.memory_space<semaphore_mem>>)
      %dma_wait3A = arith.constant 0 : i32
      %dma_wait3A_43 = arith.constant 0 : i32
      %dma_wait3A_44 = tpu.memref_slice %arg2[%add3A, %dma_wait3A, %dma_wait3A_43] : memref<32x32x128xi32, #tpu.memory_space<hbm>> -> memref<1x32x128xi32, #tpu.memory_space<hbm>>
      %dma_wait3A_45 = tpu.memref_squeeze %dma_wait3A_44 : memref<1x32x128xi32, #tpu.memory_space<hbm>> -> memref<32x128xi32, #tpu.memory_space<hbm>>
      %dma_wait3A_46 = arith.constant 0 : i32
      %dma_wait3A_47 = arith.constant 0 : i32
      %dma_wait3A_48 = tpu.memref_slice %arg2[%add3A, %dma_wait3A_46, %dma_wait3A_47] : memref<32x32x128xi32, #tpu.memory_space<hbm>> -> memref<1x32x128xi32, #tpu.memory_space<hbm>>
      %dma_wait3A_49 = tpu.memref_squeeze %dma_wait3A_48 : memref<1x32x128xi32, #tpu.memory_space<hbm>> -> memref<32x128xi32, #tpu.memory_space<hbm>>
      tpu.wait_dma2 semaphore(%run_scoped3A : memref<!tpu.dma_semaphore, #tpu.memory_space<semaphore_mem>>) src(%dma_wait3A_49 : memref<32x128xi32, #tpu.memory_space<hbm>>) dst(%arg10 : memref<32x128xi32, #tpu.memory_space<vmem>>)
      tpu.yield
    }) : () -> ()
    "tpu.region"() ({
      %run_scoped3A = tpu.sem_alloc : memref<!tpu.dma_semaphore, #tpu.memory_space<semaphore_mem>>
      %dma_start3A_35 = arith.constant 0 : i32
      %dma_start3A_36 = arith.constant 0 : i32
      %dma_start3A_37 = tpu.memref_slice %arg3[%add3A, %dma_start3A_35, %dma_start3A_36] : memref<32x32x128xi32, #tpu.memory_space<hbm>> -> memref<1x32x128xi32, #tpu.memory_space<hbm>>
      %dma_start3A_38 = tpu.memref_squeeze %dma_start3A_37 : memref<1x32x128xi32, #tpu.memory_space<hbm>> -> memref<32x128xi32, #tpu.memory_space<hbm>>
      %dma_start3A_39 = arith.constant 0 : i32
      %dma_start3A_40 = arith.constant 0 : i32
      %dma_start3A_41 = tpu.memref_slice %arg3[%add3A, %dma_start3A_39, %dma_start3A_40] : memref<32x32x128xi32, #tpu.memory_space<hbm>> -> memref<1x32x128xi32, #tpu.memory_space<hbm>>
      %dma_start3A_42 = tpu.memref_squeeze %dma_start3A_41 : memref<1x32x128xi32, #tpu.memory_space<hbm>> -> memref<32x128xi32, #tpu.memory_space<hbm>>
      tpu.enqueue_dma source(%dma_start3A_42 : memref<32x128xi32, #tpu.memory_space<hbm>>) target(%arg11 : memref<32x128xi32, #tpu.memory_space<vmem>>) target_semaphore(%run_scoped3A : memref<!tpu.dma_semaphore, #tpu.memory_space<semaphore_mem>>)
      %dma_wait3A = arith.constant 0 : i32
      %dma_wait3A_43 = arith.constant 0 : i32
      %dma_wait3A_44 = tpu.memref_slice %arg3[%add3A, %dma_wait3A, %dma_wait3A_43] : memref<32x32x128xi32, #tpu.memory_space<hbm>> -> memref<1x32x128xi32, #tpu.memory_space<hbm>>
      %dma_wait3A_45 = tpu.memref_squeeze %dma_wait3A_44 : memref<1x32x128xi32, #tpu.memory_space<hbm>> -> memref<32x128xi32, #tpu.memory_space<hbm>>
      %dma_wait3A_46 = arith.constant 0 : i32
      %dma_wait3A_47 = arith.constant 0 : i32
      %dma_wait3A_48 = tpu.memref_slice %arg3[%add3A, %dma_wait3A_46, %dma_wait3A_47] : memref<32x32x128xi32, #tpu.memory_space<hbm>> -> memref<1x32x128xi32, #tpu.memory_space<hbm>>
      %dma_wait3A_49 = tpu.memref_squeeze %dma_wait3A_48 : memref<1x32x128xi32, #tpu.memory_space<hbm>> -> memref<32x128xi32, #tpu.memory_space<hbm>>
      tpu.wait_dma2 semaphore(%run_scoped3A : memref<!tpu.dma_semaphore, #tpu.memory_space<semaphore_mem>>) src(%dma_wait3A_49 : memref<32x128xi32, #tpu.memory_space<hbm>>) dst(%arg11 : memref<32x128xi32, #tpu.memory_space<vmem>>)
      tpu.yield
    }) : () -> ()
    "tpu.region"() ({
      %run_scoped3A = tpu.sem_alloc : memref<!tpu.dma_semaphore, #tpu.memory_space<semaphore_mem>>
      %dma_start3A_35 = arith.constant 0 : i32
      %dma_start3A_36 = arith.constant 0 : i32
      %dma_start3A_37 = tpu.memref_slice %arg4[%add3A, %dma_start3A_35, %dma_start3A_36] : memref<32x2x128xi32, #tpu.memory_space<hbm>> -> memref<1x2x128xi32, #tpu.memory_space<hbm>>
      %dma_start3A_38 = tpu.memref_squeeze %dma_start3A_37 : memref<1x2x128xi32, #tpu.memory_space<hbm>> -> memref<2x128xi32, #tpu.memory_space<hbm>>
      %dma_start3A_39 = arith.constant 0 : i32
      %dma_start3A_40 = arith.constant 0 : i32
      %dma_start3A_41 = tpu.memref_slice %arg4[%add3A, %dma_start3A_39, %dma_start3A_40] : memref<32x2x128xi32, #tpu.memory_space<hbm>> -> memref<1x2x128xi32, #tpu.memory_space<hbm>>
      %dma_start3A_42 = tpu.memref_squeeze %dma_start3A_41 : memref<1x2x128xi32, #tpu.memory_space<hbm>> -> memref<2x128xi32, #tpu.memory_space<hbm>>
      tpu.enqueue_dma source(%dma_start3A_42 : memref<2x128xi32, #tpu.memory_space<hbm>>) target(%arg14 : memref<2x128xi32, #tpu.memory_space<vmem>>) target_semaphore(%run_scoped3A : memref<!tpu.dma_semaphore, #tpu.memory_space<semaphore_mem>>)
      %dma_wait3A = arith.constant 0 : i32
      %dma_wait3A_43 = arith.constant 0 : i32
      %dma_wait3A_44 = tpu.memref_slice %arg4[%add3A, %dma_wait3A, %dma_wait3A_43] : memref<32x2x128xi32, #tpu.memory_space<hbm>> -> memref<1x2x128xi32, #tpu.memory_space<hbm>>
      %dma_wait3A_45 = tpu.memref_squeeze %dma_wait3A_44 : memref<1x2x128xi32, #tpu.memory_space<hbm>> -> memref<2x128xi32, #tpu.memory_space<hbm>>
      %dma_wait3A_46 = arith.constant 0 : i32
      %dma_wait3A_47 = arith.constant 0 : i32
      %dma_wait3A_48 = tpu.memref_slice %arg4[%add3A, %dma_wait3A_46, %dma_wait3A_47] : memref<32x2x128xi32, #tpu.memory_space<hbm>> -> memref<1x2x128xi32, #tpu.memory_space<hbm>>
      %dma_wait3A_49 = tpu.memref_squeeze %dma_wait3A_48 : memref<1x2x128xi32, #tpu.memory_space<hbm>> -> memref<2x128xi32, #tpu.memory_space<hbm>>
      tpu.wait_dma2 semaphore(%run_scoped3A : memref<!tpu.dma_semaphore, #tpu.memory_space<semaphore_mem>>) src(%dma_wait3A_49 : memref<2x128xi32, #tpu.memory_space<hbm>>) dst(%arg14 : memref<2x128xi32, #tpu.memory_space<vmem>>)
      tpu.yield
    }) : () -> ()
    %iota3A = tpu.iota {dimensions = array<i32: 0>} : vector<16xi32>
    %scan3A = arith.constant 0 : i32
    %scan3A_3 = arith.constant 0 : i32
    %scan3A_4 = arith.constant 256 : i32
    %scan3A_5 = arith.addi %scan3A_3, %scan3A_4 : i32
    %scan3A_6 = arith.constant 1 : i32
    scf.for %scan3A_35 = %scan3A_3 to %scan3A_5 step %scan3A_6  : i32 {
      %jit3A = arith.constant 8 : i32
      %div3A = arith.divsi %scan3A_35, %jit3A : i32
      %sign3A = arith.constant 0 : i32
      %sign3A_36 = arith.cmpi sgt, %scan3A_35, %sign3A : i32
      %sign3A_37 = arith.extui %sign3A_36 : i1 to i32
      %sign3A_38 = arith.constant 0 : i32
      %sign3A_39 = arith.cmpi slt, %scan3A_35, %sign3A_38 : i32
      %sign3A_40 = arith.extui %sign3A_39 : i1 to i32
      %sign3A_41 = arith.subi %sign3A_37, %sign3A_40 : i32
      %sign3A_42 = arith.constant 0 : i32
      %sign3A_43 = arith.cmpi sgt, %jit3A, %sign3A_42 : i32
      %sign3A_44 = arith.extui %sign3A_43 : i1 to i32
      %sign3A_45 = arith.constant 0 : i32
      %sign3A_46 = arith.cmpi slt, %jit3A, %sign3A_45 : i32
      %sign3A_47 = arith.extui %sign3A_46 : i1 to i32
      %sign3A_48 = arith.subi %sign3A_44, %sign3A_47 : i32
      %ne3A = arith.cmpi ne, %sign3A_41, %sign3A_48 : i32
      %rem3A = arith.remsi %scan3A_35, %jit3A : i32
      %ne3A_49 = arith.constant 0 : i32
      %ne3A_50 = arith.cmpi ne, %rem3A, %ne3A_49 : i32
      %and3A = arith.andi %ne3A, %ne3A_50 : i1
      %sub3A = arith.constant 1 : i32
      %sub3A_51 = arith.subi %div3A, %sub3A : i32
      %select_n3A = arith.select %and3A, %sub3A_51, %div3A : i32
      %jit3A_52 = arith.constant 8 : i32
      %eq3A = arith.constant 0 : i32
      %eq3A_53 = arith.cmpi eq, %jit3A_52, %eq3A : i32
      %jit3A_54 = arith.constant 1 : i32
      %select_n3A_55 = arith.select %eq3A_53, %jit3A_54, %jit3A_52 : i32
      %rem3A_56 = arith.remsi %scan3A_35, %select_n3A_55 : i32
      %ne3A_57 = arith.constant 0 : i32
      %ne3A_58 = arith.cmpi ne, %rem3A_56, %ne3A_57 : i32
      %lt3A = arith.constant 0 : i32
      %lt3A_59 = arith.cmpi slt, %rem3A_56, %lt3A : i32
      %lt3A_60 = arith.constant 0 : i32
      %lt3A_61 = arith.cmpi slt, %select_n3A_55, %lt3A_60 : i32
      %ne3A_62 = arith.xori %lt3A_59, %lt3A_61 : i1
      %and3A_63 = arith.andi %ne3A_62, %ne3A_58 : i1
      %add3A_64 = arith.addi %rem3A_56, %select_n3A_55 : i32
      %select_n3A_65 = arith.select %and3A_63, %add3A_64, %rem3A_56 : i32
      %mul3A_66 = arith.constant 16 : i32
      %mul3A_67 = arith.muli %select_n3A_65, %mul3A_66 : i32
      %mul3A_68 = arith.constant 16 : i32
      %mul3A_69 = arith.muli %scan3A_35, %mul3A_68 : i32
      %add3A_70 = arith.addi %mul3A_69, %mul3A_2 : i32
      %add3A_71 = vector.broadcast %add3A_70 : i32 to vector<16xi32>
      %add3A_72 = arith.addi %iota3A, %add3A_71 : vector<16xi32>
      %get3A = arith.index_cast %select_n3A : i32 to index
      %get3A_73 = arith.index_cast %mul3A_67 : i32 to index
      %get3A_74 = tpu.vector_load %arg10[%get3A, %get3A_73] {strides = array<i32>} : memref<32x128xi32, #tpu.memory_space<vmem>>, vector<16xi32>,
      tpu.vector_store_idx %arg12[%get3A_74], %add3A_72 : memref<4096xi32, #tpu.memory_space<vmem>>[vector<16xi32>], vector<16xi32>,
      %get3A_75 = arith.index_cast %select_n3A : i32 to index
      %get3A_76 = arith.index_cast %mul3A_67 : i32 to index
      %get3A_77 = tpu.vector_load %arg11[%get3A_75, %get3A_76] {strides = array<i32>} : memref<32x128xi32, #tpu.memory_space<vmem>>, vector<16xi32>,
      tpu.vector_store_idx %arg13[%get3A_77], %add3A_72 : memref<4096xi32, #tpu.memory_space<vmem>>[vector<16xi32>], vector<16xi32>,
    }
    %scan3A_7 = arith.constant 256 : i32
    %scan3A_8 = arith.constant 0 : i32
    %scan3A_9 = arith.constant 0 : i32
    %scan3A_10 = arith.constant 16 : i32
    %scan3A_11 = arith.addi %scan3A_9, %scan3A_10 : i32
    %scan3A_12 = arith.constant 1 : i32
    scf.for %scan3A_35 = %scan3A_9 to %scan3A_11 step %scan3A_12  : i32 {
      %jit3A = arith.constant 8 : i32
      %div3A = arith.divsi %scan3A_35, %jit3A : i32
      %sign3A = arith.constant 0 : i32
      %sign3A_36 = arith.cmpi sgt, %scan3A_35, %sign3A : i32
      %sign3A_37 = arith.extui %sign3A_36 : i1 to i32
      %sign3A_38 = arith.constant 0 : i32
      %sign3A_39 = arith.cmpi slt, %scan3A_35, %sign3A_38 : i32
      %sign3A_40 = arith.extui %sign3A_39 : i1 to i32
      %sign3A_41 = arith.subi %sign3A_37, %sign3A_40 : i32
      %sign3A_42 = arith.constant 0 : i32
      %sign3A_43 = arith.cmpi sgt, %jit3A, %sign3A_42 : i32
      %sign3A_44 = arith.extui %sign3A_43 : i1 to i32
      %sign3A_45 = arith.constant 0 : i32
      %sign3A_46 = arith.cmpi slt, %jit3A, %sign3A_45 : i32
      %sign3A_47 = arith.extui %sign3A_46 : i1 to i32
      %sign3A_48 = arith.subi %sign3A_44, %sign3A_47 : i32
      %ne3A = arith.cmpi ne, %sign3A_41, %sign3A_48 : i32
      %rem3A = arith.remsi %scan3A_35, %jit3A : i32
      %ne3A_49 = arith.constant 0 : i32
      %ne3A_50 = arith.cmpi ne, %rem3A, %ne3A_49 : i32
      %and3A = arith.andi %ne3A, %ne3A_50 : i1
      %sub3A = arith.constant 1 : i32
      %sub3A_51 = arith.subi %div3A, %sub3A : i32
      %select_n3A = arith.select %and3A, %sub3A_51, %div3A : i32
      %jit3A_52 = arith.constant 8 : i32
      %eq3A = arith.constant 0 : i32
      %eq3A_53 = arith.cmpi eq, %jit3A_52, %eq3A : i32
      %jit3A_54 = arith.constant 1 : i32
      %select_n3A_55 = arith.select %eq3A_53, %jit3A_54, %jit3A_52 : i32
      %rem3A_56 = arith.remsi %scan3A_35, %select_n3A_55 : i32
      %ne3A_57 = arith.constant 0 : i32
      %ne3A_58 = arith.cmpi ne, %rem3A_56, %ne3A_57 : i32
      %lt3A = arith.constant 0 : i32
      %lt3A_59 = arith.cmpi slt, %rem3A_56, %lt3A : i32
      %lt3A_60 = arith.constant 0 : i32
      %lt3A_61 = arith.cmpi slt, %select_n3A_55, %lt3A_60 : i32
      %ne3A_62 = arith.xori %lt3A_59, %lt3A_61 : i1
      %and3A_63 = arith.andi %ne3A_62, %ne3A_58 : i1
      %add3A_64 = arith.addi %rem3A_56, %select_n3A_55 : i32
      %select_n3A_65 = arith.select %and3A_63, %add3A_64, %rem3A_56 : i32
      %mul3A_66 = arith.constant 16 : i32
      %mul3A_67 = arith.muli %select_n3A_65, %mul3A_66 : i32
      %get3A = arith.index_cast %select_n3A : i32 to index
      %get3A_68 = arith.index_cast %mul3A_67 : i32 to index
      %get3A_69 = tpu.vector_load %arg14[%get3A, %get3A_68] {strides = array<i32>} : memref<2x128xi32, #tpu.memory_space<vmem>>, vector<16xi32>,
      %gather3A = tpu.vector_load_idx %arg13[%get3A_69] : memref<4096xi32, #tpu.memory_space<vmem>>[vector<16xi32>], vector<16xi32>,
      %mul3A_70 = arith.constant 16 : i32
      %mul3A_71 = arith.muli %scan3A_35, %mul3A_70 : i32
      %swap3A = arith.index_cast %mul3A_71 : i32 to index
      %swap3A_72 = tpu.vector_load %arg15[%swap3A] {strides = array<i32>} : memref<256xi32, #tpu.memory_space<vmem>>, vector<16xi32>,
      tpu.vector_store %arg15[%swap3A], %gather3A {strides = array<i32>} : memref<256xi32, #tpu.memory_space<vmem>>, vector<16xi32>,
    }
    %scan3A_13 = arith.constant 16 : i32
    %dma_start3A = arith.constant 0 : i32
    %dma_start3A_14 = tpu.memref_slice %arg12[%dma_start3A] : memref<4096xi32, #tpu.memory_space<vmem>> -> memref<128xi32, #tpu.memory_space<vmem>>
    %dma_start3A_15 = arith.constant 0 : i32
    %dma_start3A_16 = arith.constant 0 : i32
    %dma_start3A_17 = tpu.memref_slice %arg5[%dma_start3A_15, %dma_start3A_16] : memref<131072x128xf32, #tpu.memory_space<hbm>> -> memref<131072x128xf32, #tpu.memory_space<hbm>>
    tpu.enqueue_indirect_dma source(%dma_start3A_17 : memref<131072x128xf32, #tpu.memory_space<hbm>>) target(%arg16 : memref<128x128xf32, #tpu.memory_space<vmem>>) offsets(%dma_start3A_14 : memref<128xi32, #tpu.memory_space<vmem>>) semaphore(%arg20 : memref<!tpu.dma_semaphore, #tpu.memory_space<semaphore_mem>>)
    %dma_start3A_18 = arith.constant 0 : i32
    %dma_start3A_19 = tpu.memref_slice %arg13[%dma_start3A_18] : memref<4096xi32, #tpu.memory_space<vmem>> -> memref<128xi32, #tpu.memory_space<vmem>>
    %dma_start3A_20 = arith.constant 0 : i32
    %dma_start3A_21 = arith.constant 0 : i32
    %dma_start3A_22 = tpu.memref_slice %arg6[%dma_start3A_20, %dma_start3A_21] : memref<131072x128xf32, #tpu.memory_space<hbm>> -> memref<131072x128xf32, #tpu.memory_space<hbm>>
    tpu.enqueue_indirect_dma source(%dma_start3A_22 : memref<131072x128xf32, #tpu.memory_space<hbm>>) target(%arg18 : memref<128x128xf32, #tpu.memory_space<vmem>>) offsets(%dma_start3A_19 : memref<128xi32, #tpu.memory_space<vmem>>) semaphore(%arg22 : memref<!tpu.dma_semaphore, #tpu.memory_space<semaphore_mem>>)
    %scan3A_23 = arith.constant 0 : i32
    %scan3A_24 = arith.constant 0 : i32
    %scan3A_25 = arith.constant 16 : i32
    %scan3A_26 = arith.addi %scan3A_24, %scan3A_25 : i32
    %scan3A_27 = arith.constant 1 : i32
    scf.for %scan3A_35 = %scan3A_24 to %scan3A_26 step %scan3A_27  : i32 {
      %mul3A_36 = arith.constant 2 : i32
      %mul3A_37 = arith.muli %mul3A_36, %scan3A_35 : i32
      %add3A_38 = arith.constant 1 : i32
      %add3A_39 = arith.addi %mul3A_37, %add3A_38 : i32
      %mul3A_40 = arith.constant 128 : i32
      %mul3A_41 = arith.muli %add3A_39, %mul3A_40 : i32
      %dma_start3A_42 = tpu.memref_slice %arg12[%mul3A_41] : memref<4096xi32, #tpu.memory_space<vmem>> -> memref<128xi32, #tpu.memory_space<vmem>>
      %dma_start3A_43 = arith.constant 0 : i32
      %dma_start3A_44 = arith.constant 0 : i32
      %dma_start3A_45 = tpu.memref_slice %arg5[%dma_start3A_43, %dma_start3A_44] : memref<131072x128xf32, #tpu.memory_space<hbm>> -> memref<131072x128xf32, #tpu.memory_space<hbm>>
      tpu.enqueue_indirect_dma source(%dma_start3A_45 : memref<131072x128xf32, #tpu.memory_space<hbm>>) target(%arg17 : memref<128x128xf32, #tpu.memory_space<vmem>>) offsets(%dma_start3A_42 : memref<128xi32, #tpu.memory_space<vmem>>) semaphore(%arg21 : memref<!tpu.dma_semaphore, #tpu.memory_space<semaphore_mem>>)
      %add3A_46 = arith.constant 1 : i32
      %add3A_47 = arith.addi %mul3A_37, %add3A_46 : i32
      %mul3A_48 = arith.constant 128 : i32
      %mul3A_49 = arith.muli %add3A_47, %mul3A_48 : i32
      %dma_start3A_50 = tpu.memref_slice %arg13[%mul3A_49] : memref<4096xi32, #tpu.memory_space<vmem>> -> memref<128xi32, #tpu.memory_space<vmem>>
      %dma_start3A_51 = arith.constant 0 : i32
      %dma_start3A_52 = arith.constant 0 : i32
      %dma_start3A_53 = tpu.memref_slice %arg6[%dma_start3A_51, %dma_start3A_52] : memref<131072x128xf32, #tpu.memory_space<hbm>> -> memref<131072x128xf32, #tpu.memory_space<hbm>>
      tpu.enqueue_indirect_dma source(%dma_start3A_53 : memref<131072x128xf32, #tpu.memory_space<hbm>>) target(%arg19 : memref<128x128xf32, #tpu.memory_space<vmem>>) offsets(%dma_start3A_50 : memref<128xi32, #tpu.memory_space<vmem>>) semaphore(%arg23 : memref<!tpu.dma_semaphore, #tpu.memory_space<semaphore_mem>>)
      %mul3A_54 = arith.constant 128 : i32
      %mul3A_55 = arith.muli %mul3A_37, %mul3A_54 : i32
      %dma_wait3A = tpu.memref_slice %arg12[%mul3A_55] : memref<4096xi32, #tpu.memory_space<vmem>> -> memref<128xi32, #tpu.memory_space<vmem>>
      %dma_wait3A_56 = arith.constant 0 : i32
      %dma_wait3A_57 = arith.constant 0 : i32
      %dma_wait3A_58 = tpu.memref_slice %arg5[%dma_wait3A_56, %dma_wait3A_57] : memref<131072x128xf32, #tpu.memory_space<hbm>> -> memref<131072x128xf32, #tpu.memory_space<hbm>>
      tpu.wait_indirect_dma semaphore(%arg20 : memref<!tpu.dma_semaphore, #tpu.memory_space<semaphore_mem>>) src(%dma_wait3A_58 : memref<131072x128xf32, #tpu.memory_space<hbm>>) dst(%arg16 : memref<128x128xf32, #tpu.memory_space<vmem>>)
      %mul3A_59 = arith.constant 128 : i32
      %mul3A_60 = arith.muli %mul3A_37, %mul3A_59 : i32
      %add3A_61 = arith.addi %mul3A_2, %mul3A_60 : i32
      "tpu.region"() ({
        %run_scoped3A = tpu.sem_alloc : memref<!tpu.dma_semaphore, #tpu.memory_space<semaphore_mem>>
        %dma_start3A_99 = arith.constant 0 : i32
        %dma_start3A_100 = tpu.memref_slice %arg7[%add3A_61, %dma_start3A_99] : memref<131072x128xf32, #tpu.memory_space<hbm>> -> memref<128x128xf32, #tpu.memory_space<hbm>>
        %dma_start3A_101 = arith.constant 0 : i32
        %dma_start3A_102 = tpu.memref_slice %arg7[%add3A_61, %dma_start3A_101] : memref<131072x128xf32, #tpu.memory_space<hbm>> -> memref<128x128xf32, #tpu.memory_space<hbm>>
        tpu.enqueue_dma source(%arg16 : memref<128x128xf32, #tpu.memory_space<vmem>>) target(%dma_start3A_102 : memref<128x128xf32, #tpu.memory_space<hbm>>) target_semaphore(%run_scoped3A : memref<!tpu.dma_semaphore, #tpu.memory_space<semaphore_mem>>)
        %dma_wait3A_103 = arith.constant 0 : i32
        %dma_wait3A_104 = tpu.memref_slice %arg7[%add3A_61, %dma_wait3A_103] : memref<131072x128xf32, #tpu.memory_space<hbm>> -> memref<128x128xf32, #tpu.memory_space<hbm>>
        %dma_wait3A_105 = arith.constant 0 : i32
        %dma_wait3A_106 = tpu.memref_slice %arg7[%add3A_61, %dma_wait3A_105] : memref<131072x128xf32, #tpu.memory_space<hbm>> -> memref<128x128xf32, #tpu.memory_space<hbm>>
        tpu.wait_dma2 semaphore(%run_scoped3A : memref<!tpu.dma_semaphore, #tpu.memory_space<semaphore_mem>>) src(%arg16 : memref<128x128xf32, #tpu.memory_space<vmem>>) dst(%dma_wait3A_106 : memref<128x128xf32, #tpu.memory_space<hbm>>)
        tpu.yield
      }) : () -> ()
      %mul3A_62 = arith.constant 128 : i32
      %mul3A_63 = arith.muli %mul3A_37, %mul3A_62 : i32
      %dma_wait3A_64 = tpu.memref_slice %arg13[%mul3A_63] : memref<4096xi32, #tpu.memory_space<vmem>> -> memref<128xi32, #tpu.memory_space<vmem>>
      %dma_wait3A_65 = arith.constant 0 : i32
      %dma_wait3A_66 = arith.constant 0 : i32
      %dma_wait3A_67 = tpu.memref_slice %arg6[%dma_wait3A_65, %dma_wait3A_66] : memref<131072x128xf32, #tpu.memory_space<hbm>> -> memref<131072x128xf32, #tpu.memory_space<hbm>>
      tpu.wait_indirect_dma semaphore(%arg22 : memref<!tpu.dma_semaphore, #tpu.memory_space<semaphore_mem>>) src(%dma_wait3A_67 : memref<131072x128xf32, #tpu.memory_space<hbm>>) dst(%arg18 : memref<128x128xf32, #tpu.memory_space<vmem>>)
      %mul3A_68 = arith.constant 128 : i32
      %mul3A_69 = arith.muli %mul3A_37, %mul3A_68 : i32
      %add3A_70 = arith.addi %mul3A_2, %mul3A_69 : i32
      "tpu.region"() ({
        %run_scoped3A = tpu.sem_alloc : memref<!tpu.dma_semaphore, #tpu.memory_space<semaphore_mem>>
        %dma_start3A_99 = arith.constant 0 : i32
        %dma_start3A_100 = tpu.memref_slice %arg8[%add3A_70, %dma_start3A_99] : memref<131072x128xf32, #tpu.memory_space<hbm>> -> memref<128x128xf32, #tpu.memory_space<hbm>>
        %dma_start3A_101 = arith.constant 0 : i32
        %dma_start3A_102 = tpu.memref_slice %arg8[%add3A_70, %dma_start3A_101] : memref<131072x128xf32, #tpu.memory_space<hbm>> -> memref<128x128xf32, #tpu.memory_space<hbm>>
        tpu.enqueue_dma source(%arg18 : memref<128x128xf32, #tpu.memory_space<vmem>>) target(%dma_start3A_102 : memref<128x128xf32, #tpu.memory_space<hbm>>) target_semaphore(%run_scoped3A : memref<!tpu.dma_semaphore, #tpu.memory_space<semaphore_mem>>)
        %dma_wait3A_103 = arith.constant 0 : i32
        %dma_wait3A_104 = tpu.memref_slice %arg8[%add3A_70, %dma_wait3A_103] : memref<131072x128xf32, #tpu.memory_space<hbm>> -> memref<128x128xf32, #tpu.memory_space<hbm>>
        %dma_wait3A_105 = arith.constant 0 : i32
        %dma_wait3A_106 = tpu.memref_slice %arg8[%add3A_70, %dma_wait3A_105] : memref<131072x128xf32, #tpu.memory_space<hbm>> -> memref<128x128xf32, #tpu.memory_space<hbm>>
        tpu.wait_dma2 semaphore(%run_scoped3A : memref<!tpu.dma_semaphore, #tpu.memory_space<semaphore_mem>>) src(%arg18 : memref<128x128xf32, #tpu.memory_space<vmem>>) dst(%dma_wait3A_106 : memref<128x128xf32, #tpu.memory_space<hbm>>)
        tpu.yield
      }) : () -> ()
      %lt3A = arith.constant 15 : i32
      %lt3A_71 = arith.cmpi slt, %scan3A_35, %lt3A : i32
      %convert_element_type3A = arith.extui %lt3A_71 : i1 to i32
      %cond3A = arith.constant 0 : i32
      %cond3A_72 = arith.cmpi ne, %convert_element_type3A, %cond3A : i32
      scf.if %cond3A_72 {
        %add3A_99 = arith.constant 2 : i32
        %add3A_100 = arith.addi %mul3A_37, %add3A_99 : i32
        %mul3A_101 = arith.constant 128 : i32
        %mul3A_102 = arith.muli %add3A_100, %mul3A_101 : i32
        %dma_start3A_103 = tpu.memref_slice %arg12[%mul3A_102] : memref<4096xi32, #tpu.memory_space<vmem>> -> memref<128xi32, #tpu.memory_space<vmem>>
        %dma_start3A_104 = arith.constant 0 : i32
        %dma_start3A_105 = arith.constant 0 : i32
        %dma_start3A_106 = tpu.memref_slice %arg5[%dma_start3A_104, %dma_start3A_105] : memref<131072x128xf32, #tpu.memory_space<hbm>> -> memref<131072x128xf32, #tpu.memory_space<hbm>>
        tpu.enqueue_indirect_dma source(%dma_start3A_106 : memref<131072x128xf32, #tpu.memory_space<hbm>>) target(%arg16 : memref<128x128xf32, #tpu.memory_space<vmem>>) offsets(%dma_start3A_103 : memref<128xi32, #tpu.memory_space<vmem>>) semaphore(%arg20 : memref<!tpu.dma_semaphore, #tpu.memory_space<semaphore_mem>>)
        %add3A_107 = arith.constant 2 : i32
        %add3A_108 = arith.addi %mul3A_37, %add3A_107 : i32
        %mul3A_109 = arith.constant 128 : i32
        %mul3A_110 = arith.muli %add3A_108, %mul3A_109 : i32
        %dma_start3A_111 = tpu.memref_slice %arg13[%mul3A_110] : memref<4096xi32, #tpu.memory_space<vmem>> -> memref<128xi32, #tpu.memory_space<vmem>>
        %dma_start3A_112 = arith.constant 0 : i32
        %dma_start3A_113 = arith.constant 0 : i32
        %dma_start3A_114 = tpu.memref_slice %arg6[%dma_start3A_112, %dma_start3A_113] : memref<131072x128xf32, #tpu.memory_space<hbm>> -> memref<131072x128xf32, #tpu.memory_space<hbm>>
        tpu.enqueue_indirect_dma source(%dma_start3A_114 : memref<131072x128xf32, #tpu.memory_space<hbm>>) target(%arg18 : memref<128x128xf32, #tpu.memory_space<vmem>>) offsets(%dma_start3A_111 : memref<128xi32, #tpu.memory_space<vmem>>) semaphore(%arg22 : memref<!tpu.dma_semaphore, #tpu.memory_space<semaphore_mem>>)
      } else {
      }
      %add3A_73 = arith.constant 1 : i32
      %add3A_74 = arith.addi %mul3A_37, %add3A_73 : i32
      %mul3A_75 = arith.constant 128 : i32
      %mul3A_76 = arith.muli %add3A_74, %mul3A_75 : i32
      %dma_wait3A_77 = tpu.memref_slice %arg12[%mul3A_76] : memref<4096xi32, #tpu.memory_space<vmem>> -> memref<128xi32, #tpu.memory_space<vmem>>
      %dma_wait3A_78 = arith.constant 0 : i32
      %dma_wait3A_79 = arith.constant 0 : i32
      %dma_wait3A_80 = tpu.memref_slice %arg5[%dma_wait3A_78, %dma_wait3A_79] : memref<131072x128xf32, #tpu.memory_space<hbm>> -> memref<131072x128xf32, #tpu.memory_space<hbm>>
      tpu.wait_indirect_dma semaphore(%arg21 : memref<!tpu.dma_semaphore, #tpu.memory_space<semaphore_mem>>) src(%dma_wait3A_80 : memref<131072x128xf32, #tpu.memory_space<hbm>>) dst(%arg17 : memref<128x128xf32, #tpu.memory_space<vmem>>)
      %add3A_81 = arith.constant 1 : i32
      %add3A_82 = arith.addi %mul3A_37, %add3A_81 : i32
      %mul3A_83 = arith.constant 128 : i32
      %mul3A_84 = arith.muli %add3A_82, %mul3A_83 : i32
      %add3A_85 = arith.addi %mul3A_2, %mul3A_84 : i32
      "tpu.region"() ({
        %run_scoped3A = tpu.sem_alloc : memref<!tpu.dma_semaphore, #tpu.memory_space<semaphore_mem>>
        %dma_start3A_99 = arith.constant 0 : i32
        %dma_start3A_100 = tpu.memref_slice %arg7[%add3A_85, %dma_start3A_99] : memref<131072x128xf32, #tpu.memory_space<hbm>> -> memref<128x128xf32, #tpu.memory_space<hbm>>
        %dma_start3A_101 = arith.constant 0 : i32
        %dma_start3A_102 = tpu.memref_slice %arg7[%add3A_85, %dma_start3A_101] : memref<131072x128xf32, #tpu.memory_space<hbm>> -> memref<128x128xf32, #tpu.memory_space<hbm>>
        tpu.enqueue_dma source(%arg17 : memref<128x128xf32, #tpu.memory_space<vmem>>) target(%dma_start3A_102 : memref<128x128xf32, #tpu.memory_space<hbm>>) target_semaphore(%run_scoped3A : memref<!tpu.dma_semaphore, #tpu.memory_space<semaphore_mem>>)
        %dma_wait3A_103 = arith.constant 0 : i32
        %dma_wait3A_104 = tpu.memref_slice %arg7[%add3A_85, %dma_wait3A_103] : memref<131072x128xf32, #tpu.memory_space<hbm>> -> memref<128x128xf32, #tpu.memory_space<hbm>>
        %dma_wait3A_105 = arith.constant 0 : i32
        %dma_wait3A_106 = tpu.memref_slice %arg7[%add3A_85, %dma_wait3A_105] : memref<131072x128xf32, #tpu.memory_space<hbm>> -> memref<128x128xf32, #tpu.memory_space<hbm>>
        tpu.wait_dma2 semaphore(%run_scoped3A : memref<!tpu.dma_semaphore, #tpu.memory_space<semaphore_mem>>) src(%arg17 : memref<128x128xf32, #tpu.memory_space<vmem>>) dst(%dma_wait3A_106 : memref<128x128xf32, #tpu.memory_space<hbm>>)
        tpu.yield
      }) : () -> ()
      %add3A_86 = arith.constant 1 : i32
      %add3A_87 = arith.addi %mul3A_37, %add3A_86 : i32
      %mul3A_88 = arith.constant 128 : i32
      %mul3A_89 = arith.muli %add3A_87, %mul3A_88 : i32
      %dma_wait3A_90 = tpu.memref_slice %arg13[%mul3A_89] : memref<4096xi32, #tpu.memory_space<vmem>> -> memref<128xi32, #tpu.memory_space<vmem>>
      %dma_wait3A_91 = arith.constant 0 : i32
      %dma_wait3A_92 = arith.constant 0 : i32
      %dma_wait3A_93 = tpu.memref_slice %arg6[%dma_wait3A_91, %dma_wait3A_92] : memref<131072x128xf32, #tpu.memory_space<hbm>> -> memref<131072x128xf32, #tpu.memory_space<hbm>>
      tpu.wait_indirect_dma semaphore(%arg23 : memref<!tpu.dma_semaphore, #tpu.memory_space<semaphore_mem>>) src(%dma_wait3A_93 : memref<131072x128xf32, #tpu.memory_space<hbm>>) dst(%arg19 : memref<128x128xf32, #tpu.memory_space<vmem>>)
      %add3A_94 = arith.constant 1 : i32
      %add3A_95 = arith.addi %mul3A_37, %add3A_94 : i32
      %mul3A_96 = arith.constant 128 : i32
      %mul3A_97 = arith.muli %add3A_95, %mul3A_96 : i32
      %add3A_98 = arith.addi %mul3A_2, %mul3A_97 : i32
      "tpu.region"() ({
        %run_scoped3A = tpu.sem_alloc : memref<!tpu.dma_semaphore, #tpu.memory_space<semaphore_mem>>
        %dma_start3A_99 = arith.constant 0 : i32
        %dma_start3A_100 = tpu.memref_slice %arg8[%add3A_98, %dma_start3A_99] : memref<131072x128xf32, #tpu.memory_space<hbm>> -> memref<128x128xf32, #tpu.memory_space<hbm>>
        %dma_start3A_101 = arith.constant 0 : i32
        %dma_start3A_102 = tpu.memref_slice %arg8[%add3A_98, %dma_start3A_101] : memref<131072x128xf32, #tpu.memory_space<hbm>> -> memref<128x128xf32, #tpu.memory_space<hbm>>
        tpu.enqueue_dma source(%arg19 : memref<128x128xf32, #tpu.memory_space<vmem>>) target(%dma_start3A_102 : memref<128x128xf32, #tpu.memory_space<hbm>>) target_semaphore(%run_scoped3A : memref<!tpu.dma_semaphore, #tpu.memory_space<semaphore_mem>>)
        %dma_wait3A_103 = arith.constant 0 : i32
        %dma_wait3A_104 = tpu.memref_slice %arg8[%add3A_98, %dma_wait3A_103] : memref<131072x128xf32, #tpu.memory_space<hbm>> -> memref<128x128xf32, #tpu.memory_space<hbm>>
        %dma_wait3A_105 = arith.constant 0 : i32
        %dma_wait3A_106 = tpu.memref_slice %arg8[%add3A_98, %dma_wait3A_105] : memref<131072x128xf32, #tpu.memory_space<hbm>> -> memref<128x128xf32, #tpu.memory_space<hbm>>
        tpu.wait_dma2 semaphore(%run_scoped3A : memref<!tpu.dma_semaphore, #tpu.memory_space<semaphore_mem>>) src(%arg19 : memref<128x128xf32, #tpu.memory_space<vmem>>) dst(%dma_wait3A_106 : memref<128x128xf32, #tpu.memory_space<hbm>>)
        tpu.yield
      }) : () -> ()
    }
    %scan3A_28 = arith.constant 16 : i32
    %scan3A_29 = arith.constant 0 : i32
    %scan3A_30 = arith.constant 0 : i32
    %scan3A_31 = arith.constant 2 : i32
    %scan3A_32 = arith.addi %scan3A_30, %scan3A_31 : i32
    %scan3A_33 = arith.constant 1 : i32
    scf.for %scan3A_35 = %scan3A_30 to %scan3A_32 step %scan3A_33  : i32 {
      %mul3A_36 = arith.constant 128 : i32
      %mul3A_37 = arith.muli %scan3A_35, %mul3A_36 : i32
      %dma_start3A_38 = tpu.memref_slice %arg15[%mul3A_37] : memref<256xi32, #tpu.memory_space<vmem>> -> memref<128xi32, #tpu.memory_space<vmem>>
      %dma_start3A_39 = arith.constant 0 : i32
      %dma_start3A_40 = arith.constant 0 : i32
      %dma_start3A_41 = tpu.memref_slice %arg6[%dma_start3A_39, %dma_start3A_40] : memref<131072x128xf32, #tpu.memory_space<hbm>> -> memref<131072x128xf32, #tpu.memory_space<hbm>>
      tpu.enqueue_indirect_dma source(%dma_start3A_41 : memref<131072x128xf32, #tpu.memory_space<hbm>>) target(%arg16 : memref<128x128xf32, #tpu.memory_space<vmem>>) offsets(%dma_start3A_38 : memref<128xi32, #tpu.memory_space<vmem>>) semaphore(%arg20 : memref<!tpu.dma_semaphore, #tpu.memory_space<semaphore_mem>>)
      %dma_wait3A = tpu.memref_slice %arg15[%mul3A_37] : memref<256xi32, #tpu.memory_space<vmem>> -> memref<128xi32, #tpu.memory_space<vmem>>
      %dma_wait3A_42 = arith.constant 0 : i32
      %dma_wait3A_43 = arith.constant 0 : i32
      %dma_wait3A_44 = tpu.memref_slice %arg6[%dma_wait3A_42, %dma_wait3A_43] : memref<131072x128xf32, #tpu.memory_space<hbm>> -> memref<131072x128xf32, #tpu.memory_space<hbm>>
      tpu.wait_indirect_dma semaphore(%arg20 : memref<!tpu.dma_semaphore, #tpu.memory_space<semaphore_mem>>) src(%dma_wait3A_44 : memref<131072x128xf32, #tpu.memory_space<hbm>>) dst(%arg16 : memref<128x128xf32, #tpu.memory_space<vmem>>)
      %mul3A_45 = arith.constant 256 : i32
      %mul3A_46 = arith.muli %add3A, %mul3A_45 : i32
      %mul3A_47 = arith.constant 128 : i32
      %mul3A_48 = arith.muli %scan3A_35, %mul3A_47 : i32
      %add3A_49 = arith.addi %mul3A_46, %mul3A_48 : i32
      "tpu.region"() ({
        %run_scoped3A = tpu.sem_alloc : memref<!tpu.dma_semaphore, #tpu.memory_space<semaphore_mem>>
        %dma_start3A_50 = arith.constant 0 : i32
        %dma_start3A_51 = tpu.memref_slice %arg9[%add3A_49, %dma_start3A_50] : memref<8192x128xf32, #tpu.memory_space<hbm>> -> memref<128x128xf32, #tpu.memory_space<hbm>>
        %dma_start3A_52 = arith.constant 0 : i32
        %dma_start3A_53 = tpu.memref_slice %arg9[%add3A_49, %dma_start3A_52] : memref<8192x128xf32, #tpu.memory_space<hbm>> -> memref<128x128xf32, #tpu.memory_space<hbm>>
        tpu.enqueue_dma source(%arg16 : memref<128x128xf32, #tpu.memory_space<vmem>>) target(%dma_start3A_53 : memref<128x128xf32, #tpu.memory_space<hbm>>) target_semaphore(%run_scoped3A : memref<!tpu.dma_semaphore, #tpu.memory_space<semaphore_mem>>)
        %dma_wait3A_54 = arith.constant 0 : i32
        %dma_wait3A_55 = tpu.memref_slice %arg9[%add3A_49, %dma_wait3A_54] : memref<8192x128xf32, #tpu.memory_space<hbm>> -> memref<128x128xf32, #tpu.memory_space<hbm>>
        %dma_wait3A_56 = arith.constant 0 : i32
        %dma_wait3A_57 = tpu.memref_slice %arg9[%add3A_49, %dma_wait3A_56] : memref<8192x128xf32, #tpu.memory_space<hbm>> -> memref<128x128xf32, #tpu.memory_space<hbm>>
        tpu.wait_dma2 semaphore(%run_scoped3A : memref<!tpu.dma_semaphore, #tpu.memory_space<semaphore_mem>>) src(%arg16 : memref<128x128xf32, #tpu.memory_space<vmem>>) dst(%dma_wait3A_57 : memref<128x128xf32, #tpu.memory_space<hbm>>)
        tpu.yield
      }) : () -> ()
    }
    %scan3A_34 = arith.constant 2 : i32
    return
  }
}

#map = affine_map<(d0, d1) -> (0, 0, 0)>
#map1 = affine_map<(d0, d1) -> (0, 0)>
module attributes {stable_mosaic.version = 14 : i64} {
  func.func @unsort(%arg0: i32, %arg1: i32, %arg2: memref<32x32x128xi32, #tpu.memory_space<hbm>>, %arg3: memref<131072x128xf32, #tpu.memory_space<hbm>>, %arg4: memref<131072x128xf32, #tpu.memory_space<hbm>>, %arg5: memref<32x128xi32, #tpu.memory_space<vmem>>, %arg6: memref<4096xi32, #tpu.memory_space<vmem>>, %arg7: memref<128x128xf32, #tpu.memory_space<vmem>>, %arg8: memref<128x128xf32, #tpu.memory_space<vmem>>, %arg9: memref<!tpu.dma_semaphore, #tpu.memory_space<semaphore_mem>>, %arg10: memref<!tpu.dma_semaphore, #tpu.memory_space<semaphore_mem>>) attributes {dimension_semantics = [#tpu.dimension_semantics<core_parallel>, #tpu.dimension_semantics<subcore_parallel>], iteration_bounds = array<i64: 2, 16>, scalar_prefetch = 0 : i64, scratch_operands = 6 : i64, tpu.core_type = #tpu.core_type<sc_vector_subcore>, window_params = [{transform_indices = #map}, {transform_indices = #map1}, {transform_indices = #map1}]} {
    %mul3A = arith.constant 2 : i32
    %mul3A_0 = arith.muli %arg1, %mul3A : i32
    %add3A = arith.addi %mul3A_0, %arg0 : i32
    %mul3A_1 = arith.constant 4096 : i32
    %mul3A_2 = arith.muli %add3A, %mul3A_1 : i32
    "tpu.region"() ({
      %run_scoped3A = tpu.sem_alloc : memref<!tpu.dma_semaphore, #tpu.memory_space<semaphore_mem>>
      %dma_start3A_18 = arith.constant 0 : i32
      %dma_start3A_19 = arith.constant 0 : i32
      %dma_start3A_20 = tpu.memref_slice %arg2[%add3A, %dma_start3A_18, %dma_start3A_19] : memref<32x32x128xi32, #tpu.memory_space<hbm>> -> memref<1x32x128xi32, #tpu.memory_space<hbm>>
      %dma_start3A_21 = tpu.memref_squeeze %dma_start3A_20 : memref<1x32x128xi32, #tpu.memory_space<hbm>> -> memref<32x128xi32, #tpu.memory_space<hbm>>
      %dma_start3A_22 = arith.constant 0 : i32
      %dma_start3A_23 = arith.constant 0 : i32
      %dma_start3A_24 = tpu.memref_slice %arg2[%add3A, %dma_start3A_22, %dma_start3A_23] : memref<32x32x128xi32, #tpu.memory_space<hbm>> -> memref<1x32x128xi32, #tpu.memory_space<hbm>>
      %dma_start3A_25 = tpu.memref_squeeze %dma_start3A_24 : memref<1x32x128xi32, #tpu.memory_space<hbm>> -> memref<32x128xi32, #tpu.memory_space<hbm>>
      tpu.enqueue_dma source(%dma_start3A_25 : memref<32x128xi32, #tpu.memory_space<hbm>>) target(%arg5 : memref<32x128xi32, #tpu.memory_space<vmem>>) target_semaphore(%run_scoped3A : memref<!tpu.dma_semaphore, #tpu.memory_space<semaphore_mem>>)
      %dma_wait3A = arith.constant 0 : i32
      %dma_wait3A_26 = arith.constant 0 : i32
      %dma_wait3A_27 = tpu.memref_slice %arg2[%add3A, %dma_wait3A, %dma_wait3A_26] : memref<32x32x128xi32, #tpu.memory_space<hbm>> -> memref<1x32x128xi32, #tpu.memory_space<hbm>>
      %dma_wait3A_28 = tpu.memref_squeeze %dma_wait3A_27 : memref<1x32x128xi32, #tpu.memory_space<hbm>> -> memref<32x128xi32, #tpu.memory_space<hbm>>
      %dma_wait3A_29 = arith.constant 0 : i32
      %dma_wait3A_30 = arith.constant 0 : i32
      %dma_wait3A_31 = tpu.memref_slice %arg2[%add3A, %dma_wait3A_29, %dma_wait3A_30] : memref<32x32x128xi32, #tpu.memory_space<hbm>> -> memref<1x32x128xi32, #tpu.memory_space<hbm>>
      %dma_wait3A_32 = tpu.memref_squeeze %dma_wait3A_31 : memref<1x32x128xi32, #tpu.memory_space<hbm>> -> memref<32x128xi32, #tpu.memory_space<hbm>>
      tpu.wait_dma2 semaphore(%run_scoped3A : memref<!tpu.dma_semaphore, #tpu.memory_space<semaphore_mem>>) src(%dma_wait3A_32 : memref<32x128xi32, #tpu.memory_space<hbm>>) dst(%arg5 : memref<32x128xi32, #tpu.memory_space<vmem>>)
      tpu.yield
    }) : () -> ()
    %scan3A = arith.constant 0 : i32
    %scan3A_3 = arith.constant 0 : i32
    %scan3A_4 = arith.constant 256 : i32
    %scan3A_5 = arith.addi %scan3A_3, %scan3A_4 : i32
    %scan3A_6 = arith.constant 1 : i32
    scf.for %scan3A_18 = %scan3A_3 to %scan3A_5 step %scan3A_6  : i32 {
      %jit3A = arith.constant 8 : i32
      %div3A = arith.divsi %scan3A_18, %jit3A : i32
      %sign3A = arith.constant 0 : i32
      %sign3A_19 = arith.cmpi sgt, %scan3A_18, %sign3A : i32
      %sign3A_20 = arith.extui %sign3A_19 : i1 to i32
      %sign3A_21 = arith.constant 0 : i32
      %sign3A_22 = arith.cmpi slt, %scan3A_18, %sign3A_21 : i32
      %sign3A_23 = arith.extui %sign3A_22 : i1 to i32
      %sign3A_24 = arith.subi %sign3A_20, %sign3A_23 : i32
      %sign3A_25 = arith.constant 0 : i32
      %sign3A_26 = arith.cmpi sgt, %jit3A, %sign3A_25 : i32
      %sign3A_27 = arith.extui %sign3A_26 : i1 to i32
      %sign3A_28 = arith.constant 0 : i32
      %sign3A_29 = arith.cmpi slt, %jit3A, %sign3A_28 : i32
      %sign3A_30 = arith.extui %sign3A_29 : i1 to i32
      %sign3A_31 = arith.subi %sign3A_27, %sign3A_30 : i32
      %ne3A = arith.cmpi ne, %sign3A_24, %sign3A_31 : i32
      %rem3A = arith.remsi %scan3A_18, %jit3A : i32
      %ne3A_32 = arith.constant 0 : i32
      %ne3A_33 = arith.cmpi ne, %rem3A, %ne3A_32 : i32
      %and3A = arith.andi %ne3A, %ne3A_33 : i1
      %sub3A = arith.constant 1 : i32
      %sub3A_34 = arith.subi %div3A, %sub3A : i32
      %select_n3A = arith.select %and3A, %sub3A_34, %div3A : i32
      %jit3A_35 = arith.constant 8 : i32
      %eq3A = arith.constant 0 : i32
      %eq3A_36 = arith.cmpi eq, %jit3A_35, %eq3A : i32
      %jit3A_37 = arith.constant 1 : i32
      %select_n3A_38 = arith.select %eq3A_36, %jit3A_37, %jit3A_35 : i32
      %rem3A_39 = arith.remsi %scan3A_18, %select_n3A_38 : i32
      %ne3A_40 = arith.constant 0 : i32
      %ne3A_41 = arith.cmpi ne, %rem3A_39, %ne3A_40 : i32
      %lt3A = arith.constant 0 : i32
      %lt3A_42 = arith.cmpi slt, %rem3A_39, %lt3A : i32
      %lt3A_43 = arith.constant 0 : i32
      %lt3A_44 = arith.cmpi slt, %select_n3A_38, %lt3A_43 : i32
      %ne3A_45 = arith.xori %lt3A_42, %lt3A_44 : i1
      %and3A_46 = arith.andi %ne3A_45, %ne3A_41 : i1
      %add3A_47 = arith.addi %rem3A_39, %select_n3A_38 : i32
      %select_n3A_48 = arith.select %and3A_46, %add3A_47, %rem3A_39 : i32
      %mul3A_49 = arith.constant 16 : i32
      %mul3A_50 = arith.muli %select_n3A_48, %mul3A_49 : i32
      %get3A = arith.index_cast %select_n3A : i32 to index
      %get3A_51 = arith.index_cast %mul3A_50 : i32 to index
      %get3A_52 = tpu.vector_load %arg5[%get3A, %get3A_51] {strides = array<i32>} : memref<32x128xi32, #tpu.memory_space<vmem>>, vector<16xi32>,
      %add3A_53 = vector.broadcast %mul3A_2 : i32 to vector<16xi32>
      %add3A_54 = arith.addi %get3A_52, %add3A_53 : vector<16xi32>
      %mul3A_55 = arith.constant 16 : i32
      %mul3A_56 = arith.muli %scan3A_18, %mul3A_55 : i32
      %swap3A = arith.index_cast %mul3A_56 : i32 to index
      %swap3A_57 = tpu.vector_load %arg6[%swap3A] {strides = array<i32>} : memref<4096xi32, #tpu.memory_space<vmem>>, vector<16xi32>,
      tpu.vector_store %arg6[%swap3A], %add3A_54 {strides = array<i32>} : memref<4096xi32, #tpu.memory_space<vmem>>, vector<16xi32>,
    }
    %scan3A_7 = arith.constant 256 : i32
    %dma_start3A = arith.constant 0 : i32
    %dma_start3A_8 = tpu.memref_slice %arg6[%dma_start3A] : memref<4096xi32, #tpu.memory_space<vmem>> -> memref<128xi32, #tpu.memory_space<vmem>>
    %dma_start3A_9 = arith.constant 0 : i32
    %dma_start3A_10 = arith.constant 0 : i32
    %dma_start3A_11 = tpu.memref_slice %arg3[%dma_start3A_9, %dma_start3A_10] : memref<131072x128xf32, #tpu.memory_space<hbm>> -> memref<131072x128xf32, #tpu.memory_space<hbm>>
    tpu.enqueue_indirect_dma source(%dma_start3A_11 : memref<131072x128xf32, #tpu.memory_space<hbm>>) target(%arg7 : memref<128x128xf32, #tpu.memory_space<vmem>>) offsets(%dma_start3A_8 : memref<128xi32, #tpu.memory_space<vmem>>) semaphore(%arg9 : memref<!tpu.dma_semaphore, #tpu.memory_space<semaphore_mem>>)
    %scan3A_12 = arith.constant 0 : i32
    %scan3A_13 = arith.constant 0 : i32
    %scan3A_14 = arith.constant 16 : i32
    %scan3A_15 = arith.addi %scan3A_13, %scan3A_14 : i32
    %scan3A_16 = arith.constant 1 : i32
    scf.for %scan3A_18 = %scan3A_13 to %scan3A_15 step %scan3A_16  : i32 {
      %mul3A_19 = arith.constant 2 : i32
      %mul3A_20 = arith.muli %mul3A_19, %scan3A_18 : i32
      %add3A_21 = arith.constant 1 : i32
      %add3A_22 = arith.addi %mul3A_20, %add3A_21 : i32
      %mul3A_23 = arith.constant 128 : i32
      %mul3A_24 = arith.muli %add3A_22, %mul3A_23 : i32
      %dma_start3A_25 = tpu.memref_slice %arg6[%mul3A_24] : memref<4096xi32, #tpu.memory_space<vmem>> -> memref<128xi32, #tpu.memory_space<vmem>>
      %dma_start3A_26 = arith.constant 0 : i32
      %dma_start3A_27 = arith.constant 0 : i32
      %dma_start3A_28 = tpu.memref_slice %arg3[%dma_start3A_26, %dma_start3A_27] : memref<131072x128xf32, #tpu.memory_space<hbm>> -> memref<131072x128xf32, #tpu.memory_space<hbm>>
      tpu.enqueue_indirect_dma source(%dma_start3A_28 : memref<131072x128xf32, #tpu.memory_space<hbm>>) target(%arg8 : memref<128x128xf32, #tpu.memory_space<vmem>>) offsets(%dma_start3A_25 : memref<128xi32, #tpu.memory_space<vmem>>) semaphore(%arg10 : memref<!tpu.dma_semaphore, #tpu.memory_space<semaphore_mem>>)
      %mul3A_29 = arith.constant 128 : i32
      %mul3A_30 = arith.muli %mul3A_20, %mul3A_29 : i32
      %dma_wait3A = tpu.memref_slice %arg6[%mul3A_30] : memref<4096xi32, #tpu.memory_space<vmem>> -> memref<128xi32, #tpu.memory_space<vmem>>
      %dma_wait3A_31 = arith.constant 0 : i32
      %dma_wait3A_32 = arith.constant 0 : i32
      %dma_wait3A_33 = tpu.memref_slice %arg3[%dma_wait3A_31, %dma_wait3A_32] : memref<131072x128xf32, #tpu.memory_space<hbm>> -> memref<131072x128xf32, #tpu.memory_space<hbm>>
      tpu.wait_indirect_dma semaphore(%arg9 : memref<!tpu.dma_semaphore, #tpu.memory_space<semaphore_mem>>) src(%dma_wait3A_33 : memref<131072x128xf32, #tpu.memory_space<hbm>>) dst(%arg7 : memref<128x128xf32, #tpu.memory_space<vmem>>)
      %mul3A_34 = arith.constant 128 : i32
      %mul3A_35 = arith.muli %mul3A_20, %mul3A_34 : i32
      %add3A_36 = arith.addi %mul3A_2, %mul3A_35 : i32
      "tpu.region"() ({
        %run_scoped3A = tpu.sem_alloc : memref<!tpu.dma_semaphore, #tpu.memory_space<semaphore_mem>>
        %dma_start3A_52 = arith.constant 0 : i32
        %dma_start3A_53 = tpu.memref_slice %arg4[%add3A_36, %dma_start3A_52] : memref<131072x128xf32, #tpu.memory_space<hbm>> -> memref<128x128xf32, #tpu.memory_space<hbm>>
        %dma_start3A_54 = arith.constant 0 : i32
        %dma_start3A_55 = tpu.memref_slice %arg4[%add3A_36, %dma_start3A_54] : memref<131072x128xf32, #tpu.memory_space<hbm>> -> memref<128x128xf32, #tpu.memory_space<hbm>>
        tpu.enqueue_dma source(%arg7 : memref<128x128xf32, #tpu.memory_space<vmem>>) target(%dma_start3A_55 : memref<128x128xf32, #tpu.memory_space<hbm>>) target_semaphore(%run_scoped3A : memref<!tpu.dma_semaphore, #tpu.memory_space<semaphore_mem>>)
        %dma_wait3A_56 = arith.constant 0 : i32
        %dma_wait3A_57 = tpu.memref_slice %arg4[%add3A_36, %dma_wait3A_56] : memref<131072x128xf32, #tpu.memory_space<hbm>> -> memref<128x128xf32, #tpu.memory_space<hbm>>
        %dma_wait3A_58 = arith.constant 0 : i32
        %dma_wait3A_59 = tpu.memref_slice %arg4[%add3A_36, %dma_wait3A_58] : memref<131072x128xf32, #tpu.memory_space<hbm>> -> memref<128x128xf32, #tpu.memory_space<hbm>>
        tpu.wait_dma2 semaphore(%run_scoped3A : memref<!tpu.dma_semaphore, #tpu.memory_space<semaphore_mem>>) src(%arg7 : memref<128x128xf32, #tpu.memory_space<vmem>>) dst(%dma_wait3A_59 : memref<128x128xf32, #tpu.memory_space<hbm>>)
        tpu.yield
      }) : () -> ()
      %lt3A = arith.constant 15 : i32
      %lt3A_37 = arith.cmpi slt, %scan3A_18, %lt3A : i32
      %convert_element_type3A = arith.extui %lt3A_37 : i1 to i32
      %cond3A = arith.constant 0 : i32
      %cond3A_38 = arith.cmpi ne, %convert_element_type3A, %cond3A : i32
      scf.if %cond3A_38 {
        %add3A_52 = arith.constant 2 : i32
        %add3A_53 = arith.addi %mul3A_20, %add3A_52 : i32
        %mul3A_54 = arith.constant 128 : i32
        %mul3A_55 = arith.muli %add3A_53, %mul3A_54 : i32
        %dma_start3A_56 = tpu.memref_slice %arg6[%mul3A_55] : memref<4096xi32, #tpu.memory_space<vmem>> -> memref<128xi32, #tpu.memory_space<vmem>>
        %dma_start3A_57 = arith.constant 0 : i32
        %dma_start3A_58 = arith.constant 0 : i32
        %dma_start3A_59 = tpu.memref_slice %arg3[%dma_start3A_57, %dma_start3A_58] : memref<131072x128xf32, #tpu.memory_space<hbm>> -> memref<131072x128xf32, #tpu.memory_space<hbm>>
        tpu.enqueue_indirect_dma source(%dma_start3A_59 : memref<131072x128xf32, #tpu.memory_space<hbm>>) target(%arg7 : memref<128x128xf32, #tpu.memory_space<vmem>>) offsets(%dma_start3A_56 : memref<128xi32, #tpu.memory_space<vmem>>) semaphore(%arg9 : memref<!tpu.dma_semaphore, #tpu.memory_space<semaphore_mem>>)
      } else {
      }
      %add3A_39 = arith.constant 1 : i32
      %add3A_40 = arith.addi %mul3A_20, %add3A_39 : i32
      %mul3A_41 = arith.constant 128 : i32
      %mul3A_42 = arith.muli %add3A_40, %mul3A_41 : i32
      %dma_wait3A_43 = tpu.memref_slice %arg6[%mul3A_42] : memref<4096xi32, #tpu.memory_space<vmem>> -> memref<128xi32, #tpu.memory_space<vmem>>
      %dma_wait3A_44 = arith.constant 0 : i32
      %dma_wait3A_45 = arith.constant 0 : i32
      %dma_wait3A_46 = tpu.memref_slice %arg3[%dma_wait3A_44, %dma_wait3A_45] : memref<131072x128xf32, #tpu.memory_space<hbm>> -> memref<131072x128xf32, #tpu.memory_space<hbm>>
      tpu.wait_indirect_dma semaphore(%arg10 : memref<!tpu.dma_semaphore, #tpu.memory_space<semaphore_mem>>) src(%dma_wait3A_46 : memref<131072x128xf32, #tpu.memory_space<hbm>>) dst(%arg8 : memref<128x128xf32, #tpu.memory_space<vmem>>)
      %add3A_47 = arith.constant 1 : i32
      %add3A_48 = arith.addi %mul3A_20, %add3A_47 : i32
      %mul3A_49 = arith.constant 128 : i32
      %mul3A_50 = arith.muli %add3A_48, %mul3A_49 : i32
      %add3A_51 = arith.addi %mul3A_2, %mul3A_50 : i32
      "tpu.region"() ({
        %run_scoped3A = tpu.sem_alloc : memref<!tpu.dma_semaphore, #tpu.memory_space<semaphore_mem>>
        %dma_start3A_52 = arith.constant 0 : i32
        %dma_start3A_53 = tpu.memref_slice %arg4[%add3A_51, %dma_start3A_52] : memref<131072x128xf32, #tpu.memory_space<hbm>> -> memref<128x128xf32, #tpu.memory_space<hbm>>
        %dma_start3A_54 = arith.constant 0 : i32
        %dma_start3A_55 = tpu.memref_slice %arg4[%add3A_51, %dma_start3A_54] : memref<131072x128xf32, #tpu.memory_space<hbm>> -> memref<128x128xf32, #tpu.memory_space<hbm>>
        tpu.enqueue_dma source(%arg8 : memref<128x128xf32, #tpu.memory_space<vmem>>) target(%dma_start3A_55 : memref<128x128xf32, #tpu.memory_space<hbm>>) target_semaphore(%run_scoped3A : memref<!tpu.dma_semaphore, #tpu.memory_space<semaphore_mem>>)
        %dma_wait3A_56 = arith.constant 0 : i32
        %dma_wait3A_57 = tpu.memref_slice %arg4[%add3A_51, %dma_wait3A_56] : memref<131072x128xf32, #tpu.memory_space<hbm>> -> memref<128x128xf32, #tpu.memory_space<hbm>>
        %dma_wait3A_58 = arith.constant 0 : i32
        %dma_wait3A_59 = tpu.memref_slice %arg4[%add3A_51, %dma_wait3A_58] : memref<131072x128xf32, #tpu.memory_space<hbm>> -> memref<128x128xf32, #tpu.memory_space<hbm>>
        tpu.wait_dma2 semaphore(%run_scoped3A : memref<!tpu.dma_semaphore, #tpu.memory_space<semaphore_mem>>) src(%arg8 : memref<128x128xf32, #tpu.memory_space<vmem>>) dst(%dma_wait3A_59 : memref<128x128xf32, #tpu.memory_space<hbm>>)
        tpu.yield
      }) : () -> ()
    }
    %scan3A_17 = arith.constant 16 : i32
    return
  }
}

module attributes {stable_mosaic.version = 14 : i64} {
  func.func @_rank_body(%arg0: i32, %arg1: memref<1x1x4096xi32, #tpu.memory_space<vmem>>, %arg2: memref<1x1x4096xi32, #tpu.memory_space<vmem>>, %arg3: memref<128x32xf32, #tpu.memory_space<vmem>>) attributes {dimension_semantics = [#tpu.dimension_semantics<arbitrary>], iteration_bounds = array<i64: 64>, scalar_prefetch = 0 : i64, scratch_operands = 1 : i64, tpu.core_type = #tpu.core_type<tc>, window_params = [{transform_indices = @transform_0, window_bounds = array<i64: 1, 1, 4096>}, {transform_indices = @transform_1, window_bounds = array<i64: 1, 1, 4096>}]} {
    %iota3A = tpu.iota {dimensions = array<i32: 0>} : vector<128x128xi32>
    %iota3A_0 = tpu.iota {dimensions = array<i32: 0>} : vector<128x128xi32>
    %iota3A_1 = tpu.iota {dimensions = array<i32: 1>} : vector<128x128xi32>
    %le3A = arith.cmpi sle, %iota3A_0, %iota3A_1 : vector<128x128xi32>
    %convert_element_type3A = arith.extui %le3A : vector<128x128xi1> to vector<128x128xi32>
    %convert_element_type3A_2 = arith.sitofp %convert_element_type3A : vector<128x128xi32> to vector<128x128xf32>
    %get3A = arith.constant 0 : index
    %get3A_3 = arith.constant 0 : index
    %get3A_4 = arith.constant 0 : index
    %get3A_5 = vector.load %arg1[%get3A, %get3A_3, %get3A_4] : memref<1x1x4096xi32, #tpu.memory_space<vmem>>, vector<1x1x128xi32>
    %get3A_6 = vector.shape_cast %get3A_5 : vector<1x1x128xi32> to vector<128xi32>
    %broadcast_in_dim3A = vector.shape_cast %get3A_6 : vector<128xi32> to vector<1x128xi32>
    %eq3A = vector.broadcast %broadcast_in_dim3A : vector<1x128xi32> to vector<128x128xi32>
    %eq3A_7 = arith.cmpi eq, %eq3A, %iota3A : vector<128x128xi32>
    %convert_element_type3A_8 = arith.extui %eq3A_7 : vector<128x128xi1> to vector<128x128xi32>
    %convert_element_type3A_9 = arith.sitofp %convert_element_type3A_8 : vector<128x128xi32> to vector<128x128xf32>
    %reduce_sum3A = arith.constant dense<0.000000e+00> : vector<128xf32>
    %reduce_sum3A_10 = vector.multi_reduction <add>, %convert_element_type3A_9, %reduce_sum3A [1] : vector<128x128xf32> to vector<128xf32>
    %broadcast_in_dim3A_11 = vector.shape_cast %reduce_sum3A_10 : vector<128xf32> to vector<128x1xf32>
    %swap3A = arith.constant 0 : index
    %swap3A_12 = arith.constant 0 : index
    %swap3A_13 = vector.load %arg3[%swap3A, %swap3A_12] : memref<128x32xf32, #tpu.memory_space<vmem>>, vector<128x1xf32>
    tpu.vector_store %arg3[%swap3A, %swap3A_12], %broadcast_in_dim3A_11 {strides = array<i32>} : memref<128x32xf32, #tpu.memory_space<vmem>>, vector<128x1xf32>,
    %get3A_14 = arith.constant 0 : index
    %get3A_15 = arith.constant 0 : index
    %get3A_16 = arith.constant 128 : index
    %get3A_17 = vector.load %arg1[%get3A_14, %get3A_15, %get3A_16] : memref<1x1x4096xi32, #tpu.memory_space<vmem>>, vector<1x1x128xi32>
    %get3A_18 = vector.shape_cast %get3A_17 : vector<1x1x128xi32> to vector<128xi32>
    %broadcast_in_dim3A_19 = vector.shape_cast %get3A_18 : vector<128xi32> to vector<1x128xi32>
    %eq3A_20 = vector.broadcast %broadcast_in_dim3A_19 : vector<1x128xi32> to vector<128x128xi32>
    %eq3A_21 = arith.cmpi eq, %eq3A_20, %iota3A : vector<128x128xi32>
    %convert_element_type3A_22 = arith.extui %eq3A_21 : vector<128x128xi1> to vector<128x128xi32>
    %convert_element_type3A_23 = arith.sitofp %convert_element_type3A_22 : vector<128x128xi32> to vector<128x128xf32>
    %reduce_sum3A_24 = arith.constant dense<0.000000e+00> : vector<128xf32>
    %reduce_sum3A_25 = vector.multi_reduction <add>, %convert_element_type3A_23, %reduce_sum3A_24 [1] : vector<128x128xf32> to vector<128xf32>
    %broadcast_in_dim3A_26 = vector.shape_cast %reduce_sum3A_25 : vector<128xf32> to vector<128x1xf32>
    %swap3A_27 = arith.constant 0 : index
    %swap3A_28 = arith.constant 1 : index
    %swap3A_29 = vector.load %arg3[%swap3A_27, %swap3A_28] : memref<128x32xf32, #tpu.memory_space<vmem>>, vector<128x1xf32>
    tpu.vector_store %arg3[%swap3A_27, %swap3A_28], %broadcast_in_dim3A_26 {strides = array<i32>} : memref<128x32xf32, #tpu.memory_space<vmem>>, vector<128x1xf32>,
    %get3A_30 = arith.constant 0 : index
    %get3A_31 = arith.constant 0 : index
    %get3A_32 = arith.constant 256 : index
    %get3A_33 = vector.load %arg1[%get3A_30, %get3A_31, %get3A_32] : memref<1x1x4096xi32, #tpu.memory_space<vmem>>, vector<1x1x128xi32>
    %get3A_34 = vector.shape_cast %get3A_33 : vector<1x1x128xi32> to vector<128xi32>
    %broadcast_in_dim3A_35 = vector.shape_cast %get3A_34 : vector<128xi32> to vector<1x128xi32>
    %eq3A_36 = vector.broadcast %broadcast_in_dim3A_35 : vector<1x128xi32> to vector<128x128xi32>
    %eq3A_37 = arith.cmpi eq, %eq3A_36, %iota3A : vector<128x128xi32>
    %convert_element_type3A_38 = arith.extui %eq3A_37 : vector<128x128xi1> to vector<128x128xi32>
    %convert_element_type3A_39 = arith.sitofp %convert_element_type3A_38 : vector<128x128xi32> to vector<128x128xf32>
    %reduce_sum3A_40 = arith.constant dense<0.000000e+00> : vector<128xf32>
    %reduce_sum3A_41 = vector.multi_reduction <add>, %convert_element_type3A_39, %reduce_sum3A_40 [1] : vector<128x128xf32> to vector<128xf32>
    %broadcast_in_dim3A_42 = vector.shape_cast %reduce_sum3A_41 : vector<128xf32> to vector<128x1xf32>
    %swap3A_43 = arith.constant 0 : index
    %swap3A_44 = arith.constant 2 : index
    %swap3A_45 = vector.load %arg3[%swap3A_43, %swap3A_44] : memref<128x32xf32, #tpu.memory_space<vmem>>, vector<128x1xf32>
    tpu.vector_store %arg3[%swap3A_43, %swap3A_44], %broadcast_in_dim3A_42 {strides = array<i32>} : memref<128x32xf32, #tpu.memory_space<vmem>>, vector<128x1xf32>,
    %get3A_46 = arith.constant 0 : index
    %get3A_47 = arith.constant 0 : index
    %get3A_48 = arith.constant 384 : index
    %get3A_49 = vector.load %arg1[%get3A_46, %get3A_47, %get3A_48] : memref<1x1x4096xi32, #tpu.memory_space<vmem>>, vector<1x1x128xi32>
    %get3A_50 = vector.shape_cast %get3A_49 : vector<1x1x128xi32> to vector<128xi32>
    %broadcast_in_dim3A_51 = vector.shape_cast %get3A_50 : vector<128xi32> to vector<1x128xi32>
    %eq3A_52 = vector.broadcast %broadcast_in_dim3A_51 : vector<1x128xi32> to vector<128x128xi32>
    %eq3A_53 = arith.cmpi eq, %eq3A_52, %iota3A : vector<128x128xi32>
    %convert_element_type3A_54 = arith.extui %eq3A_53 : vector<128x128xi1> to vector<128x128xi32>
    %convert_element_type3A_55 = arith.sitofp %convert_element_type3A_54 : vector<128x128xi32> to vector<128x128xf32>
    %reduce_sum3A_56 = arith.constant dense<0.000000e+00> : vector<128xf32>
    %reduce_sum3A_57 = vector.multi_reduction <add>, %convert_element_type3A_55, %reduce_sum3A_56 [1] : vector<128x128xf32> to vector<128xf32>
    %broadcast_in_dim3A_58 = vector.shape_cast %reduce_sum3A_57 : vector<128xf32> to vector<128x1xf32>
    %swap3A_59 = arith.constant 0 : index
    %swap3A_60 = arith.constant 3 : index
    %swap3A_61 = vector.load %arg3[%swap3A_59, %swap3A_60] : memref<128x32xf32, #tpu.memory_space<vmem>>, vector<128x1xf32>
    tpu.vector_store %arg3[%swap3A_59, %swap3A_60], %broadcast_in_dim3A_58 {strides = array<i32>} : memref<128x32xf32, #tpu.memory_space<vmem>>, vector<128x1xf32>,
    %get3A_62 = arith.constant 0 : index
    %get3A_63 = arith.constant 0 : index
    %get3A_64 = arith.constant 512 : index
    %get3A_65 = vector.load %arg1[%get3A_62, %get3A_63, %get3A_64] : memref<1x1x4096xi32, #tpu.memory_space<vmem>>, vector<1x1x128xi32>
    %get3A_66 = vector.shape_cast %get3A_65 : vector<1x1x128xi32> to vector<128xi32>
    %broadcast_in_dim3A_67 = vector.shape_cast %get3A_66 : vector<128xi32> to vector<1x128xi32>
    %eq3A_68 = vector.broadcast %broadcast_in_dim3A_67 : vector<1x128xi32> to vector<128x128xi32>
    %eq3A_69 = arith.cmpi eq, %eq3A_68, %iota3A : vector<128x128xi32>
    %convert_element_type3A_70 = arith.extui %eq3A_69 : vector<128x128xi1> to vector<128x128xi32>
    %convert_element_type3A_71 = arith.sitofp %convert_element_type3A_70 : vector<128x128xi32> to vector<128x128xf32>
    %reduce_sum3A_72 = arith.constant dense<0.000000e+00> : vector<128xf32>
    %reduce_sum3A_73 = vector.multi_reduction <add>, %convert_element_type3A_71, %reduce_sum3A_72 [1] : vector<128x128xf32> to vector<128xf32>
    %broadcast_in_dim3A_74 = vector.shape_cast %reduce_sum3A_73 : vector<128xf32> to vector<128x1xf32>
    %swap3A_75 = arith.constant 0 : index
    %swap3A_76 = arith.constant 4 : index
    %swap3A_77 = vector.load %arg3[%swap3A_75, %swap3A_76] : memref<128x32xf32, #tpu.memory_space<vmem>>, vector<128x1xf32>
    tpu.vector_store %arg3[%swap3A_75, %swap3A_76], %broadcast_in_dim3A_74 {strides = array<i32>} : memref<128x32xf32, #tpu.memory_space<vmem>>, vector<128x1xf32>,
    %get3A_78 = arith.constant 0 : index
    %get3A_79 = arith.constant 0 : index
    %get3A_80 = arith.constant 640 : index
    %get3A_81 = vector.load %arg1[%get3A_78, %get3A_79, %get3A_80] : memref<1x1x4096xi32, #tpu.memory_space<vmem>>, vector<1x1x128xi32>
    %get3A_82 = vector.shape_cast %get3A_81 : vector<1x1x128xi32> to vector<128xi32>
    %broadcast_in_dim3A_83 = vector.shape_cast %get3A_82 : vector<128xi32> to vector<1x128xi32>
    %eq3A_84 = vector.broadcast %broadcast_in_dim3A_83 : vector<1x128xi32> to vector<128x128xi32>
    %eq3A_85 = arith.cmpi eq, %eq3A_84, %iota3A : vector<128x128xi32>
    %convert_element_type3A_86 = arith.extui %eq3A_85 : vector<128x128xi1> to vector<128x128xi32>
    %convert_element_type3A_87 = arith.sitofp %convert_element_type3A_86 : vector<128x128xi32> to vector<128x128xf32>
    %reduce_sum3A_88 = arith.constant dense<0.000000e+00> : vector<128xf32>
    %reduce_sum3A_89 = vector.multi_reduction <add>, %convert_element_type3A_87, %reduce_sum3A_88 [1] : vector<128x128xf32> to vector<128xf32>
    %broadcast_in_dim3A_90 = vector.shape_cast %reduce_sum3A_89 : vector<128xf32> to vector<128x1xf32>
    %swap3A_91 = arith.constant 0 : index
    %swap3A_92 = arith.constant 5 : index
    %swap3A_93 = vector.load %arg3[%swap3A_91, %swap3A_92] : memref<128x32xf32, #tpu.memory_space<vmem>>, vector<128x1xf32>
    tpu.vector_store %arg3[%swap3A_91, %swap3A_92], %broadcast_in_dim3A_90 {strides = array<i32>} : memref<128x32xf32, #tpu.memory_space<vmem>>, vector<128x1xf32>,
    %get3A_94 = arith.constant 0 : index
    %get3A_95 = arith.constant 0 : index
    %get3A_96 = arith.constant 768 : index
    %get3A_97 = vector.load %arg1[%get3A_94, %get3A_95, %get3A_96] : memref<1x1x4096xi32, #tpu.memory_space<vmem>>, vector<1x1x128xi32>
    %get3A_98 = vector.shape_cast %get3A_97 : vector<1x1x128xi32> to vector<128xi32>
    %broadcast_in_dim3A_99 = vector.shape_cast %get3A_98 : vector<128xi32> to vector<1x128xi32>
    %eq3A_100 = vector.broadcast %broadcast_in_dim3A_99 : vector<1x128xi32> to vector<128x128xi32>
    %eq3A_101 = arith.cmpi eq, %eq3A_100, %iota3A : vector<128x128xi32>
    %convert_element_type3A_102 = arith.extui %eq3A_101 : vector<128x128xi1> to vector<128x128xi32>
    %convert_element_type3A_103 = arith.sitofp %convert_element_type3A_102 : vector<128x128xi32> to vector<128x128xf32>
    %reduce_sum3A_104 = arith.constant dense<0.000000e+00> : vector<128xf32>
    %reduce_sum3A_105 = vector.multi_reduction <add>, %convert_element_type3A_103, %reduce_sum3A_104 [1] : vector<128x128xf32> to vector<128xf32>
    %broadcast_in_dim3A_106 = vector.shape_cast %reduce_sum3A_105 : vector<128xf32> to vector<128x1xf32>
    %swap3A_107 = arith.constant 0 : index
    %swap3A_108 = arith.constant 6 : index
    %swap3A_109 = vector.load %arg3[%swap3A_107, %swap3A_108] : memref<128x32xf32, #tpu.memory_space<vmem>>, vector<128x1xf32>
    tpu.vector_store %arg3[%swap3A_107, %swap3A_108], %broadcast_in_dim3A_106 {strides = array<i32>} : memref<128x32xf32, #tpu.memory_space<vmem>>, vector<128x1xf32>,
    %get3A_110 = arith.constant 0 : index
    %get3A_111 = arith.constant 0 : index
    %get3A_112 = arith.constant 896 : index
    %get3A_113 = vector.load %arg1[%get3A_110, %get3A_111, %get3A_112] : memref<1x1x4096xi32, #tpu.memory_space<vmem>>, vector<1x1x128xi32>
    %get3A_114 = vector.shape_cast %get3A_113 : vector<1x1x128xi32> to vector<128xi32>
    %broadcast_in_dim3A_115 = vector.shape_cast %get3A_114 : vector<128xi32> to vector<1x128xi32>
    %eq3A_116 = vector.broadcast %broadcast_in_dim3A_115 : vector<1x128xi32> to vector<128x128xi32>
    %eq3A_117 = arith.cmpi eq, %eq3A_116, %iota3A : vector<128x128xi32>
    %convert_element_type3A_118 = arith.extui %eq3A_117 : vector<128x128xi1> to vector<128x128xi32>
    %convert_element_type3A_119 = arith.sitofp %convert_element_type3A_118 : vector<128x128xi32> to vector<128x128xf32>
    %reduce_sum3A_120 = arith.constant dense<0.000000e+00> : vector<128xf32>
    %reduce_sum3A_121 = vector.multi_reduction <add>, %convert_element_type3A_119, %reduce_sum3A_120 [1] : vector<128x128xf32> to vector<128xf32>
    %broadcast_in_dim3A_122 = vector.shape_cast %reduce_sum3A_121 : vector<128xf32> to vector<128x1xf32>
    %swap3A_123 = arith.constant 0 : index
    %swap3A_124 = arith.constant 7 : index
    %swap3A_125 = vector.load %arg3[%swap3A_123, %swap3A_124] : memref<128x32xf32, #tpu.memory_space<vmem>>, vector<128x1xf32>
    tpu.vector_store %arg3[%swap3A_123, %swap3A_124], %broadcast_in_dim3A_122 {strides = array<i32>} : memref<128x32xf32, #tpu.memory_space<vmem>>, vector<128x1xf32>,
    %get3A_126 = arith.constant 0 : index
    %get3A_127 = arith.constant 0 : index
    %get3A_128 = arith.constant 1024 : index
    %get3A_129 = vector.load %arg1[%get3A_126, %get3A_127, %get3A_128] : memref<1x1x4096xi32, #tpu.memory_space<vmem>>, vector<1x1x128xi32>
    %get3A_130 = vector.shape_cast %get3A_129 : vector<1x1x128xi32> to vector<128xi32>
    %broadcast_in_dim3A_131 = vector.shape_cast %get3A_130 : vector<128xi32> to vector<1x128xi32>
    %eq3A_132 = vector.broadcast %broadcast_in_dim3A_131 : vector<1x128xi32> to vector<128x128xi32>
    %eq3A_133 = arith.cmpi eq, %eq3A_132, %iota3A : vector<128x128xi32>
    %convert_element_type3A_134 = arith.extui %eq3A_133 : vector<128x128xi1> to vector<128x128xi32>
    %convert_element_type3A_135 = arith.sitofp %convert_element_type3A_134 : vector<128x128xi32> to vector<128x128xf32>
    %reduce_sum3A_136 = arith.constant dense<0.000000e+00> : vector<128xf32>
    %reduce_sum3A_137 = vector.multi_reduction <add>, %convert_element_type3A_135, %reduce_sum3A_136 [1] : vector<128x128xf32> to vector<128xf32>
    %broadcast_in_dim3A_138 = vector.shape_cast %reduce_sum3A_137 : vector<128xf32> to vector<128x1xf32>
    %swap3A_139 = arith.constant 0 : index
    %swap3A_140 = arith.constant 8 : index
    %swap3A_141 = vector.load %arg3[%swap3A_139, %swap3A_140] : memref<128x32xf32, #tpu.memory_space<vmem>>, vector<128x1xf32>
    tpu.vector_store %arg3[%swap3A_139, %swap3A_140], %broadcast_in_dim3A_138 {strides = array<i32>} : memref<128x32xf32, #tpu.memory_space<vmem>>, vector<128x1xf32>,
    %get3A_142 = arith.constant 0 : index
    %get3A_143 = arith.constant 0 : index
    %get3A_144 = arith.constant 1152 : index
    %get3A_145 = vector.load %arg1[%get3A_142, %get3A_143, %get3A_144] : memref<1x1x4096xi32, #tpu.memory_space<vmem>>, vector<1x1x128xi32>
    %get3A_146 = vector.shape_cast %get3A_145 : vector<1x1x128xi32> to vector<128xi32>
    %broadcast_in_dim3A_147 = vector.shape_cast %get3A_146 : vector<128xi32> to vector<1x128xi32>
    %eq3A_148 = vector.broadcast %broadcast_in_dim3A_147 : vector<1x128xi32> to vector<128x128xi32>
    %eq3A_149 = arith.cmpi eq, %eq3A_148, %iota3A : vector<128x128xi32>
    %convert_element_type3A_150 = arith.extui %eq3A_149 : vector<128x128xi1> to vector<128x128xi32>
    %convert_element_type3A_151 = arith.sitofp %convert_element_type3A_150 : vector<128x128xi32> to vector<128x128xf32>
    %reduce_sum3A_152 = arith.constant dense<0.000000e+00> : vector<128xf32>
    %reduce_sum3A_153 = vector.multi_reduction <add>, %convert_element_type3A_151, %reduce_sum3A_152 [1] : vector<128x128xf32> to vector<128xf32>
    %broadcast_in_dim3A_154 = vector.shape_cast %reduce_sum3A_153 : vector<128xf32> to vector<128x1xf32>
    %swap3A_155 = arith.constant 0 : index
    %swap3A_156 = arith.constant 9 : index
    %swap3A_157 = vector.load %arg3[%swap3A_155, %swap3A_156] : memref<128x32xf32, #tpu.memory_space<vmem>>, vector<128x1xf32>
    tpu.vector_store %arg3[%swap3A_155, %swap3A_156], %broadcast_in_dim3A_154 {strides = array<i32>} : memref<128x32xf32, #tpu.memory_space<vmem>>, vector<128x1xf32>,
    %get3A_158 = arith.constant 0 : index
    %get3A_159 = arith.constant 0 : index
    %get3A_160 = arith.constant 1280 : index
    %get3A_161 = vector.load %arg1[%get3A_158, %get3A_159, %get3A_160] : memref<1x1x4096xi32, #tpu.memory_space<vmem>>, vector<1x1x128xi32>
    %get3A_162 = vector.shape_cast %get3A_161 : vector<1x1x128xi32> to vector<128xi32>
    %broadcast_in_dim3A_163 = vector.shape_cast %get3A_162 : vector<128xi32> to vector<1x128xi32>
    %eq3A_164 = vector.broadcast %broadcast_in_dim3A_163 : vector<1x128xi32> to vector<128x128xi32>
    %eq3A_165 = arith.cmpi eq, %eq3A_164, %iota3A : vector<128x128xi32>
    %convert_element_type3A_166 = arith.extui %eq3A_165 : vector<128x128xi1> to vector<128x128xi32>
    %convert_element_type3A_167 = arith.sitofp %convert_element_type3A_166 : vector<128x128xi32> to vector<128x128xf32>
    %reduce_sum3A_168 = arith.constant dense<0.000000e+00> : vector<128xf32>
    %reduce_sum3A_169 = vector.multi_reduction <add>, %convert_element_type3A_167, %reduce_sum3A_168 [1] : vector<128x128xf32> to vector<128xf32>
    %broadcast_in_dim3A_170 = vector.shape_cast %reduce_sum3A_169 : vector<128xf32> to vector<128x1xf32>
    %swap3A_171 = arith.constant 0 : index
    %swap3A_172 = arith.constant 10 : index
    %swap3A_173 = vector.load %arg3[%swap3A_171, %swap3A_172] : memref<128x32xf32, #tpu.memory_space<vmem>>, vector<128x1xf32>
    tpu.vector_store %arg3[%swap3A_171, %swap3A_172], %broadcast_in_dim3A_170 {strides = array<i32>} : memref<128x32xf32, #tpu.memory_space<vmem>>, vector<128x1xf32>,
    %get3A_174 = arith.constant 0 : index
    %get3A_175 = arith.constant 0 : index
    %get3A_176 = arith.constant 1408 : index
    %get3A_177 = vector.load %arg1[%get3A_174, %get3A_175, %get3A_176] : memref<1x1x4096xi32, #tpu.memory_space<vmem>>, vector<1x1x128xi32>
    %get3A_178 = vector.shape_cast %get3A_177 : vector<1x1x128xi32> to vector<128xi32>
    %broadcast_in_dim3A_179 = vector.shape_cast %get3A_178 : vector<128xi32> to vector<1x128xi32>
    %eq3A_180 = vector.broadcast %broadcast_in_dim3A_179 : vector<1x128xi32> to vector<128x128xi32>
    %eq3A_181 = arith.cmpi eq, %eq3A_180, %iota3A : vector<128x128xi32>
    %convert_element_type3A_182 = arith.extui %eq3A_181 : vector<128x128xi1> to vector<128x128xi32>
    %convert_element_type3A_183 = arith.sitofp %convert_element_type3A_182 : vector<128x128xi32> to vector<128x128xf32>
    %reduce_sum3A_184 = arith.constant dense<0.000000e+00> : vector<128xf32>
    %reduce_sum3A_185 = vector.multi_reduction <add>, %convert_element_type3A_183, %reduce_sum3A_184 [1] : vector<128x128xf32> to vector<128xf32>
    %broadcast_in_dim3A_186 = vector.shape_cast %reduce_sum3A_185 : vector<128xf32> to vector<128x1xf32>
    %swap3A_187 = arith.constant 0 : index
    %swap3A_188 = arith.constant 11 : index
    %swap3A_189 = vector.load %arg3[%swap3A_187, %swap3A_188] : memref<128x32xf32, #tpu.memory_space<vmem>>, vector<128x1xf32>
    tpu.vector_store %arg3[%swap3A_187, %swap3A_188], %broadcast_in_dim3A_186 {strides = array<i32>} : memref<128x32xf32, #tpu.memory_space<vmem>>, vector<128x1xf32>,
    %get3A_190 = arith.constant 0 : index
    %get3A_191 = arith.constant 0 : index
    %get3A_192 = arith.constant 1536 : index
    %get3A_193 = vector.load %arg1[%get3A_190, %get3A_191, %get3A_192] : memref<1x1x4096xi32, #tpu.memory_space<vmem>>, vector<1x1x128xi32>
    %get3A_194 = vector.shape_cast %get3A_193 : vector<1x1x128xi32> to vector<128xi32>
    %broadcast_in_dim3A_195 = vector.shape_cast %get3A_194 : vector<128xi32> to vector<1x128xi32>
    %eq3A_196 = vector.broadcast %broadcast_in_dim3A_195 : vector<1x128xi32> to vector<128x128xi32>
    %eq3A_197 = arith.cmpi eq, %eq3A_196, %iota3A : vector<128x128xi32>
    %convert_element_type3A_198 = arith.extui %eq3A_197 : vector<128x128xi1> to vector<128x128xi32>
    %convert_element_type3A_199 = arith.sitofp %convert_element_type3A_198 : vector<128x128xi32> to vector<128x128xf32>
    %reduce_sum3A_200 = arith.constant dense<0.000000e+00> : vector<128xf32>
    %reduce_sum3A_201 = vector.multi_reduction <add>, %convert_element_type3A_199, %reduce_sum3A_200 [1] : vector<128x128xf32> to vector<128xf32>
    %broadcast_in_dim3A_202 = vector.shape_cast %reduce_sum3A_201 : vector<128xf32> to vector<128x1xf32>
    %swap3A_203 = arith.constant 0 : index
    %swap3A_204 = arith.constant 12 : index
    %swap3A_205 = vector.load %arg3[%swap3A_203, %swap3A_204] : memref<128x32xf32, #tpu.memory_space<vmem>>, vector<128x1xf32>
    tpu.vector_store %arg3[%swap3A_203, %swap3A_204], %broadcast_in_dim3A_202 {strides = array<i32>} : memref<128x32xf32, #tpu.memory_space<vmem>>, vector<128x1xf32>,
    %get3A_206 = arith.constant 0 : index
    %get3A_207 = arith.constant 0 : index
    %get3A_208 = arith.constant 1664 : index
    %get3A_209 = vector.load %arg1[%get3A_206, %get3A_207, %get3A_208] : memref<1x1x4096xi32, #tpu.memory_space<vmem>>, vector<1x1x128xi32>
    %get3A_210 = vector.shape_cast %get3A_209 : vector<1x1x128xi32> to vector<128xi32>
    %broadcast_in_dim3A_211 = vector.shape_cast %get3A_210 : vector<128xi32> to vector<1x128xi32>
    %eq3A_212 = vector.broadcast %broadcast_in_dim3A_211 : vector<1x128xi32> to vector<128x128xi32>
    %eq3A_213 = arith.cmpi eq, %eq3A_212, %iota3A : vector<128x128xi32>
    %convert_element_type3A_214 = arith.extui %eq3A_213 : vector<128x128xi1> to vector<128x128xi32>
    %convert_element_type3A_215 = arith.sitofp %convert_element_type3A_214 : vector<128x128xi32> to vector<128x128xf32>
    %reduce_sum3A_216 = arith.constant dense<0.000000e+00> : vector<128xf32>
    %reduce_sum3A_217 = vector.multi_reduction <add>, %convert_element_type3A_215, %reduce_sum3A_216 [1] : vector<128x128xf32> to vector<128xf32>
    %broadcast_in_dim3A_218 = vector.shape_cast %reduce_sum3A_217 : vector<128xf32> to vector<128x1xf32>
    %swap3A_219 = arith.constant 0 : index
    %swap3A_220 = arith.constant 13 : index
    %swap3A_221 = vector.load %arg3[%swap3A_219, %swap3A_220] : memref<128x32xf32, #tpu.memory_space<vmem>>, vector<128x1xf32>
    tpu.vector_store %arg3[%swap3A_219, %swap3A_220], %broadcast_in_dim3A_218 {strides = array<i32>} : memref<128x32xf32, #tpu.memory_space<vmem>>, vector<128x1xf32>,
    %get3A_222 = arith.constant 0 : index
    %get3A_223 = arith.constant 0 : index
    %get3A_224 = arith.constant 1792 : index
    %get3A_225 = vector.load %arg1[%get3A_222, %get3A_223, %get3A_224] : memref<1x1x4096xi32, #tpu.memory_space<vmem>>, vector<1x1x128xi32>
    %get3A_226 = vector.shape_cast %get3A_225 : vector<1x1x128xi32> to vector<128xi32>
    %broadcast_in_dim3A_227 = vector.shape_cast %get3A_226 : vector<128xi32> to vector<1x128xi32>
    %eq3A_228 = vector.broadcast %broadcast_in_dim3A_227 : vector<1x128xi32> to vector<128x128xi32>
    %eq3A_229 = arith.cmpi eq, %eq3A_228, %iota3A : vector<128x128xi32>
    %convert_element_type3A_230 = arith.extui %eq3A_229 : vector<128x128xi1> to vector<128x128xi32>
    %convert_element_type3A_231 = arith.sitofp %convert_element_type3A_230 : vector<128x128xi32> to vector<128x128xf32>
    %reduce_sum3A_232 = arith.constant dense<0.000000e+00> : vector<128xf32>
    %reduce_sum3A_233 = vector.multi_reduction <add>, %convert_element_type3A_231, %reduce_sum3A_232 [1] : vector<128x128xf32> to vector<128xf32>
    %broadcast_in_dim3A_234 = vector.shape_cast %reduce_sum3A_233 : vector<128xf32> to vector<128x1xf32>
    %swap3A_235 = arith.constant 0 : index
    %swap3A_236 = arith.constant 14 : index
    %swap3A_237 = vector.load %arg3[%swap3A_235, %swap3A_236] : memref<128x32xf32, #tpu.memory_space<vmem>>, vector<128x1xf32>
    tpu.vector_store %arg3[%swap3A_235, %swap3A_236], %broadcast_in_dim3A_234 {strides = array<i32>} : memref<128x32xf32, #tpu.memory_space<vmem>>, vector<128x1xf32>,
    %get3A_238 = arith.constant 0 : index
    %get3A_239 = arith.constant 0 : index
    %get3A_240 = arith.constant 1920 : index
    %get3A_241 = vector.load %arg1[%get3A_238, %get3A_239, %get3A_240] : memref<1x1x4096xi32, #tpu.memory_space<vmem>>, vector<1x1x128xi32>
    %get3A_242 = vector.shape_cast %get3A_241 : vector<1x1x128xi32> to vector<128xi32>
    %broadcast_in_dim3A_243 = vector.shape_cast %get3A_242 : vector<128xi32> to vector<1x128xi32>
    %eq3A_244 = vector.broadcast %broadcast_in_dim3A_243 : vector<1x128xi32> to vector<128x128xi32>
    %eq3A_245 = arith.cmpi eq, %eq3A_244, %iota3A : vector<128x128xi32>
    %convert_element_type3A_246 = arith.extui %eq3A_245 : vector<128x128xi1> to vector<128x128xi32>
    %convert_element_type3A_247 = arith.sitofp %convert_element_type3A_246 : vector<128x128xi32> to vector<128x128xf32>
    %reduce_sum3A_248 = arith.constant dense<0.000000e+00> : vector<128xf32>
    %reduce_sum3A_249 = vector.multi_reduction <add>, %convert_element_type3A_247, %reduce_sum3A_248 [1] : vector<128x128xf32> to vector<128xf32>
    %broadcast_in_dim3A_250 = vector.shape_cast %reduce_sum3A_249 : vector<128xf32> to vector<128x1xf32>
    %swap3A_251 = arith.constant 0 : index
    %swap3A_252 = arith.constant 15 : index
    %swap3A_253 = vector.load %arg3[%swap3A_251, %swap3A_252] : memref<128x32xf32, #tpu.memory_space<vmem>>, vector<128x1xf32>
    tpu.vector_store %arg3[%swap3A_251, %swap3A_252], %broadcast_in_dim3A_250 {strides = array<i32>} : memref<128x32xf32, #tpu.memory_space<vmem>>, vector<128x1xf32>,
    %get3A_254 = arith.constant 0 : index
    %get3A_255 = arith.constant 0 : index
    %get3A_256 = arith.constant 2048 : index
    %get3A_257 = vector.load %arg1[%get3A_254, %get3A_255, %get3A_256] : memref<1x1x4096xi32, #tpu.memory_space<vmem>>, vector<1x1x128xi32>
    %get3A_258 = vector.shape_cast %get3A_257 : vector<1x1x128xi32> to vector<128xi32>
    %broadcast_in_dim3A_259 = vector.shape_cast %get3A_258 : vector<128xi32> to vector<1x128xi32>
    %eq3A_260 = vector.broadcast %broadcast_in_dim3A_259 : vector<1x128xi32> to vector<128x128xi32>
    %eq3A_261 = arith.cmpi eq, %eq3A_260, %iota3A : vector<128x128xi32>
    %convert_element_type3A_262 = arith.extui %eq3A_261 : vector<128x128xi1> to vector<128x128xi32>
    %convert_element_type3A_263 = arith.sitofp %convert_element_type3A_262 : vector<128x128xi32> to vector<128x128xf32>
    %reduce_sum3A_264 = arith.constant dense<0.000000e+00> : vector<128xf32>
    %reduce_sum3A_265 = vector.multi_reduction <add>, %convert_element_type3A_263, %reduce_sum3A_264 [1] : vector<128x128xf32> to vector<128xf32>
    %broadcast_in_dim3A_266 = vector.shape_cast %reduce_sum3A_265 : vector<128xf32> to vector<128x1xf32>
    %swap3A_267 = arith.constant 0 : index
    %swap3A_268 = arith.constant 16 : index
    %swap3A_269 = vector.load %arg3[%swap3A_267, %swap3A_268] : memref<128x32xf32, #tpu.memory_space<vmem>>, vector<128x1xf32>
    tpu.vector_store %arg3[%swap3A_267, %swap3A_268], %broadcast_in_dim3A_266 {strides = array<i32>} : memref<128x32xf32, #tpu.memory_space<vmem>>, vector<128x1xf32>,
    %get3A_270 = arith.constant 0 : index
    %get3A_271 = arith.constant 0 : index
    %get3A_272 = arith.constant 2176 : index
    %get3A_273 = vector.load %arg1[%get3A_270, %get3A_271, %get3A_272] : memref<1x1x4096xi32, #tpu.memory_space<vmem>>, vector<1x1x128xi32>
    %get3A_274 = vector.shape_cast %get3A_273 : vector<1x1x128xi32> to vector<128xi32>
    %broadcast_in_dim3A_275 = vector.shape_cast %get3A_274 : vector<128xi32> to vector<1x128xi32>
    %eq3A_276 = vector.broadcast %broadcast_in_dim3A_275 : vector<1x128xi32> to vector<128x128xi32>
    %eq3A_277 = arith.cmpi eq, %eq3A_276, %iota3A : vector<128x128xi32>
    %convert_element_type3A_278 = arith.extui %eq3A_277 : vector<128x128xi1> to vector<128x128xi32>
    %convert_element_type3A_279 = arith.sitofp %convert_element_type3A_278 : vector<128x128xi32> to vector<128x128xf32>
    %reduce_sum3A_280 = arith.constant dense<0.000000e+00> : vector<128xf32>
    %reduce_sum3A_281 = vector.multi_reduction <add>, %convert_element_type3A_279, %reduce_sum3A_280 [1] : vector<128x128xf32> to vector<128xf32>
    %broadcast_in_dim3A_282 = vector.shape_cast %reduce_sum3A_281 : vector<128xf32> to vector<128x1xf32>
    %swap3A_283 = arith.constant 0 : index
    %swap3A_284 = arith.constant 17 : index
    %swap3A_285 = vector.load %arg3[%swap3A_283, %swap3A_284] : memref<128x32xf32, #tpu.memory_space<vmem>>, vector<128x1xf32>
    tpu.vector_store %arg3[%swap3A_283, %swap3A_284], %broadcast_in_dim3A_282 {strides = array<i32>} : memref<128x32xf32, #tpu.memory_space<vmem>>, vector<128x1xf32>,
    %get3A_286 = arith.constant 0 : index
    %get3A_287 = arith.constant 0 : index
    %get3A_288 = arith.constant 2304 : index
    %get3A_289 = vector.load %arg1[%get3A_286, %get3A_287, %get3A_288] : memref<1x1x4096xi32, #tpu.memory_space<vmem>>, vector<1x1x128xi32>
    %get3A_290 = vector.shape_cast %get3A_289 : vector<1x1x128xi32> to vector<128xi32>
    %broadcast_in_dim3A_291 = vector.shape_cast %get3A_290 : vector<128xi32> to vector<1x128xi32>
    %eq3A_292 = vector.broadcast %broadcast_in_dim3A_291 : vector<1x128xi32> to vector<128x128xi32>
    %eq3A_293 = arith.cmpi eq, %eq3A_292, %iota3A : vector<128x128xi32>
    %convert_element_type3A_294 = arith.extui %eq3A_293 : vector<128x128xi1> to vector<128x128xi32>
    %convert_element_type3A_295 = arith.sitofp %convert_element_type3A_294 : vector<128x128xi32> to vector<128x128xf32>
    %reduce_sum3A_296 = arith.constant dense<0.000000e+00> : vector<128xf32>
    %reduce_sum3A_297 = vector.multi_reduction <add>, %convert_element_type3A_295, %reduce_sum3A_296 [1] : vector<128x128xf32> to vector<128xf32>
    %broadcast_in_dim3A_298 = vector.shape_cast %reduce_sum3A_297 : vector<128xf32> to vector<128x1xf32>
    %swap3A_299 = arith.constant 0 : index
    %swap3A_300 = arith.constant 18 : index
    %swap3A_301 = vector.load %arg3[%swap3A_299, %swap3A_300] : memref<128x32xf32, #tpu.memory_space<vmem>>, vector<128x1xf32>
    tpu.vector_store %arg3[%swap3A_299, %swap3A_300], %broadcast_in_dim3A_298 {strides = array<i32>} : memref<128x32xf32, #tpu.memory_space<vmem>>, vector<128x1xf32>,
    %get3A_302 = arith.constant 0 : index
    %get3A_303 = arith.constant 0 : index
    %get3A_304 = arith.constant 2432 : index
    %get3A_305 = vector.load %arg1[%get3A_302, %get3A_303, %get3A_304] : memref<1x1x4096xi32, #tpu.memory_space<vmem>>, vector<1x1x128xi32>
    %get3A_306 = vector.shape_cast %get3A_305 : vector<1x1x128xi32> to vector<128xi32>
    %broadcast_in_dim3A_307 = vector.shape_cast %get3A_306 : vector<128xi32> to vector<1x128xi32>
    %eq3A_308 = vector.broadcast %broadcast_in_dim3A_307 : vector<1x128xi32> to vector<128x128xi32>
    %eq3A_309 = arith.cmpi eq, %eq3A_308, %iota3A : vector<128x128xi32>
    %convert_element_type3A_310 = arith.extui %eq3A_309 : vector<128x128xi1> to vector<128x128xi32>
    %convert_element_type3A_311 = arith.sitofp %convert_element_type3A_310 : vector<128x128xi32> to vector<128x128xf32>
    %reduce_sum3A_312 = arith.constant dense<0.000000e+00> : vector<128xf32>
    %reduce_sum3A_313 = vector.multi_reduction <add>, %convert_element_type3A_311, %reduce_sum3A_312 [1] : vector<128x128xf32> to vector<128xf32>
    %broadcast_in_dim3A_314 = vector.shape_cast %reduce_sum3A_313 : vector<128xf32> to vector<128x1xf32>
    %swap3A_315 = arith.constant 0 : index
    %swap3A_316 = arith.constant 19 : index
    %swap3A_317 = vector.load %arg3[%swap3A_315, %swap3A_316] : memref<128x32xf32, #tpu.memory_space<vmem>>, vector<128x1xf32>
    tpu.vector_store %arg3[%swap3A_315, %swap3A_316], %broadcast_in_dim3A_314 {strides = array<i32>} : memref<128x32xf32, #tpu.memory_space<vmem>>, vector<128x1xf32>,
    %get3A_318 = arith.constant 0 : index
    %get3A_319 = arith.constant 0 : index
    %get3A_320 = arith.constant 2560 : index
    %get3A_321 = vector.load %arg1[%get3A_318, %get3A_319, %get3A_320] : memref<1x1x4096xi32, #tpu.memory_space<vmem>>, vector<1x1x128xi32>
    %get3A_322 = vector.shape_cast %get3A_321 : vector<1x1x128xi32> to vector<128xi32>
    %broadcast_in_dim3A_323 = vector.shape_cast %get3A_322 : vector<128xi32> to vector<1x128xi32>
    %eq3A_324 = vector.broadcast %broadcast_in_dim3A_323 : vector<1x128xi32> to vector<128x128xi32>
    %eq3A_325 = arith.cmpi eq, %eq3A_324, %iota3A : vector<128x128xi32>
    %convert_element_type3A_326 = arith.extui %eq3A_325 : vector<128x128xi1> to vector<128x128xi32>
    %convert_element_type3A_327 = arith.sitofp %convert_element_type3A_326 : vector<128x128xi32> to vector<128x128xf32>
    %reduce_sum3A_328 = arith.constant dense<0.000000e+00> : vector<128xf32>
    %reduce_sum3A_329 = vector.multi_reduction <add>, %convert_element_type3A_327, %reduce_sum3A_328 [1] : vector<128x128xf32> to vector<128xf32>
    %broadcast_in_dim3A_330 = vector.shape_cast %reduce_sum3A_329 : vector<128xf32> to vector<128x1xf32>
    %swap3A_331 = arith.constant 0 : index
    %swap3A_332 = arith.constant 20 : index
    %swap3A_333 = vector.load %arg3[%swap3A_331, %swap3A_332] : memref<128x32xf32, #tpu.memory_space<vmem>>, vector<128x1xf32>
    tpu.vector_store %arg3[%swap3A_331, %swap3A_332], %broadcast_in_dim3A_330 {strides = array<i32>} : memref<128x32xf32, #tpu.memory_space<vmem>>, vector<128x1xf32>,
    %get3A_334 = arith.constant 0 : index
    %get3A_335 = arith.constant 0 : index
    %get3A_336 = arith.constant 2688 : index
    %get3A_337 = vector.load %arg1[%get3A_334, %get3A_335, %get3A_336] : memref<1x1x4096xi32, #tpu.memory_space<vmem>>, vector<1x1x128xi32>
    %get3A_338 = vector.shape_cast %get3A_337 : vector<1x1x128xi32> to vector<128xi32>
    %broadcast_in_dim3A_339 = vector.shape_cast %get3A_338 : vector<128xi32> to vector<1x128xi32>
    %eq3A_340 = vector.broadcast %broadcast_in_dim3A_339 : vector<1x128xi32> to vector<128x128xi32>
    %eq3A_341 = arith.cmpi eq, %eq3A_340, %iota3A : vector<128x128xi32>
    %convert_element_type3A_342 = arith.extui %eq3A_341 : vector<128x128xi1> to vector<128x128xi32>
    %convert_element_type3A_343 = arith.sitofp %convert_element_type3A_342 : vector<128x128xi32> to vector<128x128xf32>
    %reduce_sum3A_344 = arith.constant dense<0.000000e+00> : vector<128xf32>
    %reduce_sum3A_345 = vector.multi_reduction <add>, %convert_element_type3A_343, %reduce_sum3A_344 [1] : vector<128x128xf32> to vector<128xf32>
    %broadcast_in_dim3A_346 = vector.shape_cast %reduce_sum3A_345 : vector<128xf32> to vector<128x1xf32>
    %swap3A_347 = arith.constant 0 : index
    %swap3A_348 = arith.constant 21 : index
    %swap3A_349 = vector.load %arg3[%swap3A_347, %swap3A_348] : memref<128x32xf32, #tpu.memory_space<vmem>>, vector<128x1xf32>
    tpu.vector_store %arg3[%swap3A_347, %swap3A_348], %broadcast_in_dim3A_346 {strides = array<i32>} : memref<128x32xf32, #tpu.memory_space<vmem>>, vector<128x1xf32>,
    %get3A_350 = arith.constant 0 : index
    %get3A_351 = arith.constant 0 : index
    %get3A_352 = arith.constant 2816 : index
    %get3A_353 = vector.load %arg1[%get3A_350, %get3A_351, %get3A_352] : memref<1x1x4096xi32, #tpu.memory_space<vmem>>, vector<1x1x128xi32>
    %get3A_354 = vector.shape_cast %get3A_353 : vector<1x1x128xi32> to vector<128xi32>
    %broadcast_in_dim3A_355 = vector.shape_cast %get3A_354 : vector<128xi32> to vector<1x128xi32>
    %eq3A_356 = vector.broadcast %broadcast_in_dim3A_355 : vector<1x128xi32> to vector<128x128xi32>
    %eq3A_357 = arith.cmpi eq, %eq3A_356, %iota3A : vector<128x128xi32>
    %convert_element_type3A_358 = arith.extui %eq3A_357 : vector<128x128xi1> to vector<128x128xi32>
    %convert_element_type3A_359 = arith.sitofp %convert_element_type3A_358 : vector<128x128xi32> to vector<128x128xf32>
    %reduce_sum3A_360 = arith.constant dense<0.000000e+00> : vector<128xf32>
    %reduce_sum3A_361 = vector.multi_reduction <add>, %convert_element_type3A_359, %reduce_sum3A_360 [1] : vector<128x128xf32> to vector<128xf32>
    %broadcast_in_dim3A_362 = vector.shape_cast %reduce_sum3A_361 : vector<128xf32> to vector<128x1xf32>
    %swap3A_363 = arith.constant 0 : index
    %swap3A_364 = arith.constant 22 : index
    %swap3A_365 = vector.load %arg3[%swap3A_363, %swap3A_364] : memref<128x32xf32, #tpu.memory_space<vmem>>, vector<128x1xf32>
    tpu.vector_store %arg3[%swap3A_363, %swap3A_364], %broadcast_in_dim3A_362 {strides = array<i32>} : memref<128x32xf32, #tpu.memory_space<vmem>>, vector<128x1xf32>,
    %get3A_366 = arith.constant 0 : index
    %get3A_367 = arith.constant 0 : index
    %get3A_368 = arith.constant 2944 : index
    %get3A_369 = vector.load %arg1[%get3A_366, %get3A_367, %get3A_368] : memref<1x1x4096xi32, #tpu.memory_space<vmem>>, vector<1x1x128xi32>
    %get3A_370 = vector.shape_cast %get3A_369 : vector<1x1x128xi32> to vector<128xi32>
    %broadcast_in_dim3A_371 = vector.shape_cast %get3A_370 : vector<128xi32> to vector<1x128xi32>
    %eq3A_372 = vector.broadcast %broadcast_in_dim3A_371 : vector<1x128xi32> to vector<128x128xi32>
    %eq3A_373 = arith.cmpi eq, %eq3A_372, %iota3A : vector<128x128xi32>
    %convert_element_type3A_374 = arith.extui %eq3A_373 : vector<128x128xi1> to vector<128x128xi32>
    %convert_element_type3A_375 = arith.sitofp %convert_element_type3A_374 : vector<128x128xi32> to vector<128x128xf32>
    %reduce_sum3A_376 = arith.constant dense<0.000000e+00> : vector<128xf32>
    %reduce_sum3A_377 = vector.multi_reduction <add>, %convert_element_type3A_375, %reduce_sum3A_376 [1] : vector<128x128xf32> to vector<128xf32>
    %broadcast_in_dim3A_378 = vector.shape_cast %reduce_sum3A_377 : vector<128xf32> to vector<128x1xf32>
    %swap3A_379 = arith.constant 0 : index
    %swap3A_380 = arith.constant 23 : index
    %swap3A_381 = vector.load %arg3[%swap3A_379, %swap3A_380] : memref<128x32xf32, #tpu.memory_space<vmem>>, vector<128x1xf32>
    tpu.vector_store %arg3[%swap3A_379, %swap3A_380], %broadcast_in_dim3A_378 {strides = array<i32>} : memref<128x32xf32, #tpu.memory_space<vmem>>, vector<128x1xf32>,
    %get3A_382 = arith.constant 0 : index
    %get3A_383 = arith.constant 0 : index
    %get3A_384 = arith.constant 3072 : index
    %get3A_385 = vector.load %arg1[%get3A_382, %get3A_383, %get3A_384] : memref<1x1x4096xi32, #tpu.memory_space<vmem>>, vector<1x1x128xi32>
    %get3A_386 = vector.shape_cast %get3A_385 : vector<1x1x128xi32> to vector<128xi32>
    %broadcast_in_dim3A_387 = vector.shape_cast %get3A_386 : vector<128xi32> to vector<1x128xi32>
    %eq3A_388 = vector.broadcast %broadcast_in_dim3A_387 : vector<1x128xi32> to vector<128x128xi32>
    %eq3A_389 = arith.cmpi eq, %eq3A_388, %iota3A : vector<128x128xi32>
    %convert_element_type3A_390 = arith.extui %eq3A_389 : vector<128x128xi1> to vector<128x128xi32>
    %convert_element_type3A_391 = arith.sitofp %convert_element_type3A_390 : vector<128x128xi32> to vector<128x128xf32>
    %reduce_sum3A_392 = arith.constant dense<0.000000e+00> : vector<128xf32>
    %reduce_sum3A_393 = vector.multi_reduction <add>, %convert_element_type3A_391, %reduce_sum3A_392 [1] : vector<128x128xf32> to vector<128xf32>
    %broadcast_in_dim3A_394 = vector.shape_cast %reduce_sum3A_393 : vector<128xf32> to vector<128x1xf32>
    %swap3A_395 = arith.constant 0 : index
    %swap3A_396 = arith.constant 24 : index
    %swap3A_397 = vector.load %arg3[%swap3A_395, %swap3A_396] : memref<128x32xf32, #tpu.memory_space<vmem>>, vector<128x1xf32>
    tpu.vector_store %arg3[%swap3A_395, %swap3A_396], %broadcast_in_dim3A_394 {strides = array<i32>} : memref<128x32xf32, #tpu.memory_space<vmem>>, vector<128x1xf32>,
    %get3A_398 = arith.constant 0 : index
    %get3A_399 = arith.constant 0 : index
    %get3A_400 = arith.constant 3200 : index
    %get3A_401 = vector.load %arg1[%get3A_398, %get3A_399, %get3A_400] : memref<1x1x4096xi32, #tpu.memory_space<vmem>>, vector<1x1x128xi32>
    %get3A_402 = vector.shape_cast %get3A_401 : vector<1x1x128xi32> to vector<128xi32>
    %broadcast_in_dim3A_403 = vector.shape_cast %get3A_402 : vector<128xi32> to vector<1x128xi32>
    %eq3A_404 = vector.broadcast %broadcast_in_dim3A_403 : vector<1x128xi32> to vector<128x128xi32>
    %eq3A_405 = arith.cmpi eq, %eq3A_404, %iota3A : vector<128x128xi32>
    %convert_element_type3A_406 = arith.extui %eq3A_405 : vector<128x128xi1> to vector<128x128xi32>
    %convert_element_type3A_407 = arith.sitofp %convert_element_type3A_406 : vector<128x128xi32> to vector<128x128xf32>
    %reduce_sum3A_408 = arith.constant dense<0.000000e+00> : vector<128xf32>
    %reduce_sum3A_409 = vector.multi_reduction <add>, %convert_element_type3A_407, %reduce_sum3A_408 [1] : vector<128x128xf32> to vector<128xf32>
    %broadcast_in_dim3A_410 = vector.shape_cast %reduce_sum3A_409 : vector<128xf32> to vector<128x1xf32>
    %swap3A_411 = arith.constant 0 : index
    %swap3A_412 = arith.constant 25 : index
    %swap3A_413 = vector.load %arg3[%swap3A_411, %swap3A_412] : memref<128x32xf32, #tpu.memory_space<vmem>>, vector<128x1xf32>
    tpu.vector_store %arg3[%swap3A_411, %swap3A_412], %broadcast_in_dim3A_410 {strides = array<i32>} : memref<128x32xf32, #tpu.memory_space<vmem>>, vector<128x1xf32>,
    %get3A_414 = arith.constant 0 : index
    %get3A_415 = arith.constant 0 : index
    %get3A_416 = arith.constant 3328 : index
    %get3A_417 = vector.load %arg1[%get3A_414, %get3A_415, %get3A_416] : memref<1x1x4096xi32, #tpu.memory_space<vmem>>, vector<1x1x128xi32>
    %get3A_418 = vector.shape_cast %get3A_417 : vector<1x1x128xi32> to vector<128xi32>
    %broadcast_in_dim3A_419 = vector.shape_cast %get3A_418 : vector<128xi32> to vector<1x128xi32>
    %eq3A_420 = vector.broadcast %broadcast_in_dim3A_419 : vector<1x128xi32> to vector<128x128xi32>
    %eq3A_421 = arith.cmpi eq, %eq3A_420, %iota3A : vector<128x128xi32>
    %convert_element_type3A_422 = arith.extui %eq3A_421 : vector<128x128xi1> to vector<128x128xi32>
    %convert_element_type3A_423 = arith.sitofp %convert_element_type3A_422 : vector<128x128xi32> to vector<128x128xf32>
    %reduce_sum3A_424 = arith.constant dense<0.000000e+00> : vector<128xf32>
    %reduce_sum3A_425 = vector.multi_reduction <add>, %convert_element_type3A_423, %reduce_sum3A_424 [1] : vector<128x128xf32> to vector<128xf32>
    %broadcast_in_dim3A_426 = vector.shape_cast %reduce_sum3A_425 : vector<128xf32> to vector<128x1xf32>
    %swap3A_427 = arith.constant 0 : index
    %swap3A_428 = arith.constant 26 : index
    %swap3A_429 = vector.load %arg3[%swap3A_427, %swap3A_428] : memref<128x32xf32, #tpu.memory_space<vmem>>, vector<128x1xf32>
    tpu.vector_store %arg3[%swap3A_427, %swap3A_428], %broadcast_in_dim3A_426 {strides = array<i32>} : memref<128x32xf32, #tpu.memory_space<vmem>>, vector<128x1xf32>,
    %get3A_430 = arith.constant 0 : index
    %get3A_431 = arith.constant 0 : index
    %get3A_432 = arith.constant 3456 : index
    %get3A_433 = vector.load %arg1[%get3A_430, %get3A_431, %get3A_432] : memref<1x1x4096xi32, #tpu.memory_space<vmem>>, vector<1x1x128xi32>
    %get3A_434 = vector.shape_cast %get3A_433 : vector<1x1x128xi32> to vector<128xi32>
    %broadcast_in_dim3A_435 = vector.shape_cast %get3A_434 : vector<128xi32> to vector<1x128xi32>
    %eq3A_436 = vector.broadcast %broadcast_in_dim3A_435 : vector<1x128xi32> to vector<128x128xi32>
    %eq3A_437 = arith.cmpi eq, %eq3A_436, %iota3A : vector<128x128xi32>
    %convert_element_type3A_438 = arith.extui %eq3A_437 : vector<128x128xi1> to vector<128x128xi32>
    %convert_element_type3A_439 = arith.sitofp %convert_element_type3A_438 : vector<128x128xi32> to vector<128x128xf32>
    %reduce_sum3A_440 = arith.constant dense<0.000000e+00> : vector<128xf32>
    %reduce_sum3A_441 = vector.multi_reduction <add>, %convert_element_type3A_439, %reduce_sum3A_440 [1] : vector<128x128xf32> to vector<128xf32>
    %broadcast_in_dim3A_442 = vector.shape_cast %reduce_sum3A_441 : vector<128xf32> to vector<128x1xf32>
    %swap3A_443 = arith.constant 0 : index
    %swap3A_444 = arith.constant 27 : index
    %swap3A_445 = vector.load %arg3[%swap3A_443, %swap3A_444] : memref<128x32xf32, #tpu.memory_space<vmem>>, vector<128x1xf32>
    tpu.vector_store %arg3[%swap3A_443, %swap3A_444], %broadcast_in_dim3A_442 {strides = array<i32>} : memref<128x32xf32, #tpu.memory_space<vmem>>, vector<128x1xf32>,
    %get3A_446 = arith.constant 0 : index
    %get3A_447 = arith.constant 0 : index
    %get3A_448 = arith.constant 3584 : index
    %get3A_449 = vector.load %arg1[%get3A_446, %get3A_447, %get3A_448] : memref<1x1x4096xi32, #tpu.memory_space<vmem>>, vector<1x1x128xi32>
    %get3A_450 = vector.shape_cast %get3A_449 : vector<1x1x128xi32> to vector<128xi32>
    %broadcast_in_dim3A_451 = vector.shape_cast %get3A_450 : vector<128xi32> to vector<1x128xi32>
    %eq3A_452 = vector.broadcast %broadcast_in_dim3A_451 : vector<1x128xi32> to vector<128x128xi32>
    %eq3A_453 = arith.cmpi eq, %eq3A_452, %iota3A : vector<128x128xi32>
    %convert_element_type3A_454 = arith.extui %eq3A_453 : vector<128x128xi1> to vector<128x128xi32>
    %convert_element_type3A_455 = arith.sitofp %convert_element_type3A_454 : vector<128x128xi32> to vector<128x128xf32>
    %reduce_sum3A_456 = arith.constant dense<0.000000e+00> : vector<128xf32>
    %reduce_sum3A_457 = vector.multi_reduction <add>, %convert_element_type3A_455, %reduce_sum3A_456 [1] : vector<128x128xf32> to vector<128xf32>
    %broadcast_in_dim3A_458 = vector.shape_cast %reduce_sum3A_457 : vector<128xf32> to vector<128x1xf32>
    %swap3A_459 = arith.constant 0 : index
    %swap3A_460 = arith.constant 28 : index
    %swap3A_461 = vector.load %arg3[%swap3A_459, %swap3A_460] : memref<128x32xf32, #tpu.memory_space<vmem>>, vector<128x1xf32>
    tpu.vector_store %arg3[%swap3A_459, %swap3A_460], %broadcast_in_dim3A_458 {strides = array<i32>} : memref<128x32xf32, #tpu.memory_space<vmem>>, vector<128x1xf32>,
    %get3A_462 = arith.constant 0 : index
    %get3A_463 = arith.constant 0 : index
    %get3A_464 = arith.constant 3712 : index
    %get3A_465 = vector.load %arg1[%get3A_462, %get3A_463, %get3A_464] : memref<1x1x4096xi32, #tpu.memory_space<vmem>>, vector<1x1x128xi32>
    %get3A_466 = vector.shape_cast %get3A_465 : vector<1x1x128xi32> to vector<128xi32>
    %broadcast_in_dim3A_467 = vector.shape_cast %get3A_466 : vector<128xi32> to vector<1x128xi32>
    %eq3A_468 = vector.broadcast %broadcast_in_dim3A_467 : vector<1x128xi32> to vector<128x128xi32>
    %eq3A_469 = arith.cmpi eq, %eq3A_468, %iota3A : vector<128x128xi32>
    %convert_element_type3A_470 = arith.extui %eq3A_469 : vector<128x128xi1> to vector<128x128xi32>
    %convert_element_type3A_471 = arith.sitofp %convert_element_type3A_470 : vector<128x128xi32> to vector<128x128xf32>
    %reduce_sum3A_472 = arith.constant dense<0.000000e+00> : vector<128xf32>
    %reduce_sum3A_473 = vector.multi_reduction <add>, %convert_element_type3A_471, %reduce_sum3A_472 [1] : vector<128x128xf32> to vector<128xf32>
    %broadcast_in_dim3A_474 = vector.shape_cast %reduce_sum3A_473 : vector<128xf32> to vector<128x1xf32>
    %swap3A_475 = arith.constant 0 : index
    %swap3A_476 = arith.constant 29 : index
    %swap3A_477 = vector.load %arg3[%swap3A_475, %swap3A_476] : memref<128x32xf32, #tpu.memory_space<vmem>>, vector<128x1xf32>
    tpu.vector_store %arg3[%swap3A_475, %swap3A_476], %broadcast_in_dim3A_474 {strides = array<i32>} : memref<128x32xf32, #tpu.memory_space<vmem>>, vector<128x1xf32>,
    %get3A_478 = arith.constant 0 : index
    %get3A_479 = arith.constant 0 : index
    %get3A_480 = arith.constant 3840 : index
    %get3A_481 = vector.load %arg1[%get3A_478, %get3A_479, %get3A_480] : memref<1x1x4096xi32, #tpu.memory_space<vmem>>, vector<1x1x128xi32>
    %get3A_482 = vector.shape_cast %get3A_481 : vector<1x1x128xi32> to vector<128xi32>
    %broadcast_in_dim3A_483 = vector.shape_cast %get3A_482 : vector<128xi32> to vector<1x128xi32>
    %eq3A_484 = vector.broadcast %broadcast_in_dim3A_483 : vector<1x128xi32> to vector<128x128xi32>
    %eq3A_485 = arith.cmpi eq, %eq3A_484, %iota3A : vector<128x128xi32>
    %convert_element_type3A_486 = arith.extui %eq3A_485 : vector<128x128xi1> to vector<128x128xi32>
    %convert_element_type3A_487 = arith.sitofp %convert_element_type3A_486 : vector<128x128xi32> to vector<128x128xf32>
    %reduce_sum3A_488 = arith.constant dense<0.000000e+00> : vector<128xf32>
    %reduce_sum3A_489 = vector.multi_reduction <add>, %convert_element_type3A_487, %reduce_sum3A_488 [1] : vector<128x128xf32> to vector<128xf32>
    %broadcast_in_dim3A_490 = vector.shape_cast %reduce_sum3A_489 : vector<128xf32> to vector<128x1xf32>
    %swap3A_491 = arith.constant 0 : index
    %swap3A_492 = arith.constant 30 : index
    %swap3A_493 = vector.load %arg3[%swap3A_491, %swap3A_492] : memref<128x32xf32, #tpu.memory_space<vmem>>, vector<128x1xf32>
    tpu.vector_store %arg3[%swap3A_491, %swap3A_492], %broadcast_in_dim3A_490 {strides = array<i32>} : memref<128x32xf32, #tpu.memory_space<vmem>>, vector<128x1xf32>,
    %get3A_494 = arith.constant 0 : index
    %get3A_495 = arith.constant 0 : index
    %get3A_496 = arith.constant 3968 : index
    %get3A_497 = vector.load %arg1[%get3A_494, %get3A_495, %get3A_496] : memref<1x1x4096xi32, #tpu.memory_space<vmem>>, vector<1x1x128xi32>
    %get3A_498 = vector.shape_cast %get3A_497 : vector<1x1x128xi32> to vector<128xi32>
    %broadcast_in_dim3A_499 = vector.shape_cast %get3A_498 : vector<128xi32> to vector<1x128xi32>
    %eq3A_500 = vector.broadcast %broadcast_in_dim3A_499 : vector<1x128xi32> to vector<128x128xi32>
    %eq3A_501 = arith.cmpi eq, %eq3A_500, %iota3A : vector<128x128xi32>
    %convert_element_type3A_502 = arith.extui %eq3A_501 : vector<128x128xi1> to vector<128x128xi32>
    %convert_element_type3A_503 = arith.sitofp %convert_element_type3A_502 : vector<128x128xi32> to vector<128x128xf32>
    %reduce_sum3A_504 = arith.constant dense<0.000000e+00> : vector<128xf32>
    %reduce_sum3A_505 = vector.multi_reduction <add>, %convert_element_type3A_503, %reduce_sum3A_504 [1] : vector<128x128xf32> to vector<128xf32>
    %broadcast_in_dim3A_506 = vector.shape_cast %reduce_sum3A_505 : vector<128xf32> to vector<128x1xf32>
    %swap3A_507 = arith.constant 0 : index
    %swap3A_508 = arith.constant 31 : index
    %swap3A_509 = vector.load %arg3[%swap3A_507, %swap3A_508] : memref<128x32xf32, #tpu.memory_space<vmem>>, vector<128x1xf32>
    tpu.vector_store %arg3[%swap3A_507, %swap3A_508], %broadcast_in_dim3A_506 {strides = array<i32>} : memref<128x32xf32, #tpu.memory_space<vmem>>, vector<128x1xf32>,
    %get3A_510 = arith.constant 0 : index
    %get3A_511 = arith.constant 0 : index
    %get3A_512 = vector.load %arg3[%get3A_510, %get3A_511] : memref<128x32xf32, #tpu.memory_space<vmem>>, vector<128x32xf32>
    %iota3A_513 = tpu.iota {dimensions = array<i32: 0>} : vector<32x32xi32>
    %iota3A_514 = tpu.iota {dimensions = array<i32: 1>} : vector<32x32xi32>
    %lt3A = arith.cmpi slt, %iota3A_513, %iota3A_514 : vector<32x32xi32>
    %convert_element_type3A_515 = arith.extui %lt3A : vector<32x32xi1> to vector<32x32xi32>
    %convert_element_type3A_516 = arith.sitofp %convert_element_type3A_515 : vector<32x32xi32> to vector<32x32xf32>
    %dot_general3A = arith.constant dense<0.000000e+00> : vector<128x32xf32>
    %dot_general3A_517 = tpu.matmul %get3A_512, %convert_element_type3A_516, %dot_general3A {dimension_numbers = #tpu.dot_dimension_numbers<[1], [0], [0], [1], [0, 0, 1, 1], [], []>, precision = #tpu.contract_precision<fp32>, transpose_lhs_hint = false} : vector<128x32xf32>, vector<32x32xf32>, vector<128x32xf32> -> vector<128x32xf32>
    %reduce_sum3A_518 = arith.constant dense<0.000000e+00> : vector<128xf32>
    %reduce_sum3A_519 = vector.multi_reduction <add>, %get3A_512, %reduce_sum3A_518 [1] : vector<128x32xf32> to vector<128xf32>
    %broadcast_in_dim3A_520 = vector.shape_cast %reduce_sum3A_519 : vector<128xf32> to vector<128x1xf32>
    %iota3A_521 = tpu.iota {dimensions = array<i32: 0>} : vector<128x128xi32>
    %iota3A_522 = tpu.iota {dimensions = array<i32: 1>} : vector<128x128xi32>
    %gt3A = arith.cmpi sgt, %iota3A_521, %iota3A_522 : vector<128x128xi32>
    %convert_element_type3A_523 = arith.extui %gt3A : vector<128x128xi1> to vector<128x128xi32>
    %convert_element_type3A_524 = arith.sitofp %convert_element_type3A_523 : vector<128x128xi32> to vector<128x128xf32>
    %dot_general3A_525 = arith.constant dense<0.000000e+00> : vector<128x1xf32>
    %dot_general3A_526 = tpu.matmul %convert_element_type3A_524, %broadcast_in_dim3A_520, %dot_general3A_525 {dimension_numbers = #tpu.dot_dimension_numbers<[1], [0], [0], [1], [0, 0, 1, 1], [], []>, precision = #tpu.contract_precision<fp32>, transpose_lhs_hint = false} : vector<128x128xf32>, vector<128x1xf32>, vector<128x1xf32> -> vector<128x1xf32>
    %add3A = vector.broadcast %dot_general3A_526 : vector<128x1xf32> to vector<128x32xf32>
    %add3A_527 = arith.addf %add3A, %dot_general3A_517 : vector<128x32xf32>
    %get3A_528 = arith.constant 0 : index
    %get3A_529 = arith.constant 0 : index
    %get3A_530 = arith.constant 0 : index
    %get3A_531 = vector.load %arg1[%get3A_528, %get3A_529, %get3A_530] : memref<1x1x4096xi32, #tpu.memory_space<vmem>>, vector<1x1x128xi32>
    %get3A_532 = vector.shape_cast %get3A_531 : vector<1x1x128xi32> to vector<128xi32>
    %broadcast_in_dim3A_533 = vector.shape_cast %get3A_532 : vector<128xi32> to vector<1x128xi32>
    %eq3A_534 = vector.broadcast %broadcast_in_dim3A_533 : vector<1x128xi32> to vector<128x128xi32>
    %eq3A_535 = arith.cmpi eq, %eq3A_534, %iota3A : vector<128x128xi32>
    %convert_element_type3A_536 = arith.extui %eq3A_535 : vector<128x128xi1> to vector<128x128xi32>
    %convert_element_type3A_537 = arith.sitofp %convert_element_type3A_536 : vector<128x128xi32> to vector<128x128xf32>
    %dot_general3A_538 = arith.constant dense<0.000000e+00> : vector<128x128xf32>
    %dot_general3A_539 = tpu.matmul %convert_element_type3A_537, %convert_element_type3A_2, %dot_general3A_538 {dimension_numbers = #tpu.dot_dimension_numbers<[1], [0], [0], [1], [0, 0, 1, 1], [], []>, precision = #tpu.contract_precision<fp32>, transpose_lhs_hint = false} : vector<128x128xf32>, vector<128x128xf32>, vector<128x128xf32> -> vector<128x128xf32>
    %slice3A = vector.extract_strided_slice %add3A_527 {offsets = [0, 0], sizes = [128, 1], strides = [1, 1]} : vector<128x32xf32> to vector<128x1xf32>
    %add3A_540 = vector.broadcast %slice3A : vector<128x1xf32> to vector<128x128xf32>
    %add3A_541 = arith.addf %dot_general3A_539, %add3A_540 : vector<128x128xf32>
    %mul3A = arith.mulf %add3A_541, %convert_element_type3A_537 : vector<128x128xf32>
    %reduce_sum3A_542 = arith.constant dense<0.000000e+00> : vector<128xf32>
    %reduce_sum3A_543 = vector.multi_reduction <add>, %mul3A, %reduce_sum3A_542 [0] : vector<128x128xf32> to vector<128xf32>
    %broadcast_in_dim3A_544 = vector.shape_cast %reduce_sum3A_543 : vector<128xf32> to vector<1x128xf32>
    %sub3A = arith.constant 1.000000e+00 : f32
    %sub3A_545 = vector.broadcast %sub3A : f32 to vector<1x128xf32>
    %sub3A_546 = arith.subf %broadcast_in_dim3A_544, %sub3A_545 : vector<1x128xf32>
    %convert_element_type3A_547 = arith.fptosi %sub3A_546 : vector<1x128xf32> to vector<1x128xi32>
    %swap3A_548 = arith.constant 0 : index
    %swap3A_549 = arith.constant 0 : index
    %swap3A_550 = arith.constant 0 : index
    %swap3A_551 = vector.load %arg2[%swap3A_548, %swap3A_549, %swap3A_550] : memref<1x1x4096xi32, #tpu.memory_space<vmem>>, vector<1x1x128xi32>
    %swap3A_552 = vector.shape_cast %swap3A_551 : vector<1x1x128xi32> to vector<1x128xi32>
    %swap3A_553 = vector.shape_cast %convert_element_type3A_547 : vector<1x128xi32> to vector<1x1x128xi32>
    tpu.vector_store %arg2[%swap3A_548, %swap3A_549, %swap3A_550], %swap3A_553 {strides = array<i32>} : memref<1x1x4096xi32, #tpu.memory_space<vmem>>, vector<1x1x128xi32>,
    %get3A_554 = arith.constant 0 : index
    %get3A_555 = arith.constant 0 : index
    %get3A_556 = arith.constant 128 : index
    %get3A_557 = vector.load %arg1[%get3A_554, %get3A_555, %get3A_556] : memref<1x1x4096xi32, #tpu.memory_space<vmem>>, vector<1x1x128xi32>
    %get3A_558 = vector.shape_cast %get3A_557 : vector<1x1x128xi32> to vector<128xi32>
    %broadcast_in_dim3A_559 = vector.shape_cast %get3A_558 : vector<128xi32> to vector<1x128xi32>
    %eq3A_560 = vector.broadcast %broadcast_in_dim3A_559 : vector<1x128xi32> to vector<128x128xi32>
    %eq3A_561 = arith.cmpi eq, %eq3A_560, %iota3A : vector<128x128xi32>
    %convert_element_type3A_562 = arith.extui %eq3A_561 : vector<128x128xi1> to vector<128x128xi32>
    %convert_element_type3A_563 = arith.sitofp %convert_element_type3A_562 : vector<128x128xi32> to vector<128x128xf32>
    %dot_general3A_564 = arith.constant dense<0.000000e+00> : vector<128x128xf32>
    %dot_general3A_565 = tpu.matmul %convert_element_type3A_563, %convert_element_type3A_2, %dot_general3A_564 {dimension_numbers = #tpu.dot_dimension_numbers<[1], [0], [0], [1], [0, 0, 1, 1], [], []>, precision = #tpu.contract_precision<fp32>, transpose_lhs_hint = false} : vector<128x128xf32>, vector<128x128xf32>, vector<128x128xf32> -> vector<128x128xf32>
    %slice3A_566 = vector.extract_strided_slice %add3A_527 {offsets = [0, 1], sizes = [128, 1], strides = [1, 1]} : vector<128x32xf32> to vector<128x1xf32>
    %add3A_567 = vector.broadcast %slice3A_566 : vector<128x1xf32> to vector<128x128xf32>
    %add3A_568 = arith.addf %dot_general3A_565, %add3A_567 : vector<128x128xf32>
    %mul3A_569 = arith.mulf %add3A_568, %convert_element_type3A_563 : vector<128x128xf32>
    %reduce_sum3A_570 = arith.constant dense<0.000000e+00> : vector<128xf32>
    %reduce_sum3A_571 = vector.multi_reduction <add>, %mul3A_569, %reduce_sum3A_570 [0] : vector<128x128xf32> to vector<128xf32>
    %broadcast_in_dim3A_572 = vector.shape_cast %reduce_sum3A_571 : vector<128xf32> to vector<1x128xf32>
    %sub3A_573 = arith.constant 1.000000e+00 : f32
    %sub3A_574 = vector.broadcast %sub3A_573 : f32 to vector<1x128xf32>
    %sub3A_575 = arith.subf %broadcast_in_dim3A_572, %sub3A_574 : vector<1x128xf32>
    %convert_element_type3A_576 = arith.fptosi %sub3A_575 : vector<1x128xf32> to vector<1x128xi32>
    %swap3A_577 = arith.constant 0 : index
    %swap3A_578 = arith.constant 0 : index
    %swap3A_579 = arith.constant 128 : index
    %swap3A_580 = vector.load %arg2[%swap3A_577, %swap3A_578, %swap3A_579] : memref<1x1x4096xi32, #tpu.memory_space<vmem>>, vector<1x1x128xi32>
    %swap3A_581 = vector.shape_cast %swap3A_580 : vector<1x1x128xi32> to vector<1x128xi32>
    %swap3A_582 = vector.shape_cast %convert_element_type3A_576 : vector<1x128xi32> to vector<1x1x128xi32>
    tpu.vector_store %arg2[%swap3A_577, %swap3A_578, %swap3A_579], %swap3A_582 {strides = array<i32>} : memref<1x1x4096xi32, #tpu.memory_space<vmem>>, vector<1x1x128xi32>,
    %get3A_583 = arith.constant 0 : index
    %get3A_584 = arith.constant 0 : index
    %get3A_585 = arith.constant 256 : index
    %get3A_586 = vector.load %arg1[%get3A_583, %get3A_584, %get3A_585] : memref<1x1x4096xi32, #tpu.memory_space<vmem>>, vector<1x1x128xi32>
    %get3A_587 = vector.shape_cast %get3A_586 : vector<1x1x128xi32> to vector<128xi32>
    %broadcast_in_dim3A_588 = vector.shape_cast %get3A_587 : vector<128xi32> to vector<1x128xi32>
    %eq3A_589 = vector.broadcast %broadcast_in_dim3A_588 : vector<1x128xi32> to vector<128x128xi32>
    %eq3A_590 = arith.cmpi eq, %eq3A_589, %iota3A : vector<128x128xi32>
    %convert_element_type3A_591 = arith.extui %eq3A_590 : vector<128x128xi1> to vector<128x128xi32>
    %convert_element_type3A_592 = arith.sitofp %convert_element_type3A_591 : vector<128x128xi32> to vector<128x128xf32>
    %dot_general3A_593 = arith.constant dense<0.000000e+00> : vector<128x128xf32>
    %dot_general3A_594 = tpu.matmul %convert_element_type3A_592, %convert_element_type3A_2, %dot_general3A_593 {dimension_numbers = #tpu.dot_dimension_numbers<[1], [0], [0], [1], [0, 0, 1, 1], [], []>, precision = #tpu.contract_precision<fp32>, transpose_lhs_hint = false} : vector<128x128xf32>, vector<128x128xf32>, vector<128x128xf32> -> vector<128x128xf32>
    %slice3A_595 = vector.extract_strided_slice %add3A_527 {offsets = [0, 2], sizes = [128, 1], strides = [1, 1]} : vector<128x32xf32> to vector<128x1xf32>
    %add3A_596 = vector.broadcast %slice3A_595 : vector<128x1xf32> to vector<128x128xf32>
    %add3A_597 = arith.addf %dot_general3A_594, %add3A_596 : vector<128x128xf32>
    %mul3A_598 = arith.mulf %add3A_597, %convert_element_type3A_592 : vector<128x128xf32>
    %reduce_sum3A_599 = arith.constant dense<0.000000e+00> : vector<128xf32>
    %reduce_sum3A_600 = vector.multi_reduction <add>, %mul3A_598, %reduce_sum3A_599 [0] : vector<128x128xf32> to vector<128xf32>
    %broadcast_in_dim3A_601 = vector.shape_cast %reduce_sum3A_600 : vector<128xf32> to vector<1x128xf32>
    %sub3A_602 = arith.constant 1.000000e+00 : f32
    %sub3A_603 = vector.broadcast %sub3A_602 : f32 to vector<1x128xf32>
    %sub3A_604 = arith.subf %broadcast_in_dim3A_601, %sub3A_603 : vector<1x128xf32>
    %convert_element_type3A_605 = arith.fptosi %sub3A_604 : vector<1x128xf32> to vector<1x128xi32>
    %swap3A_606 = arith.constant 0 : index
    %swap3A_607 = arith.constant 0 : index
    %swap3A_608 = arith.constant 256 : index
    %swap3A_609 = vector.load %arg2[%swap3A_606, %swap3A_607, %swap3A_608] : memref<1x1x4096xi32, #tpu.memory_space<vmem>>, vector<1x1x128xi32>
    %swap3A_610 = vector.shape_cast %swap3A_609 : vector<1x1x128xi32> to vector<1x128xi32>
    %swap3A_611 = vector.shape_cast %convert_element_type3A_605 : vector<1x128xi32> to vector<1x1x128xi32>
    tpu.vector_store %arg2[%swap3A_606, %swap3A_607, %swap3A_608], %swap3A_611 {strides = array<i32>} : memref<1x1x4096xi32, #tpu.memory_space<vmem>>, vector<1x1x128xi32>,
    %get3A_612 = arith.constant 0 : index
    %get3A_613 = arith.constant 0 : index
    %get3A_614 = arith.constant 384 : index
    %get3A_615 = vector.load %arg1[%get3A_612, %get3A_613, %get3A_614] : memref<1x1x4096xi32, #tpu.memory_space<vmem>>, vector<1x1x128xi32>
    %get3A_616 = vector.shape_cast %get3A_615 : vector<1x1x128xi32> to vector<128xi32>
    %broadcast_in_dim3A_617 = vector.shape_cast %get3A_616 : vector<128xi32> to vector<1x128xi32>
    %eq3A_618 = vector.broadcast %broadcast_in_dim3A_617 : vector<1x128xi32> to vector<128x128xi32>
    %eq3A_619 = arith.cmpi eq, %eq3A_618, %iota3A : vector<128x128xi32>
    %convert_element_type3A_620 = arith.extui %eq3A_619 : vector<128x128xi1> to vector<128x128xi32>
    %convert_element_type3A_621 = arith.sitofp %convert_element_type3A_620 : vector<128x128xi32> to vector<128x128xf32>
    %dot_general3A_622 = arith.constant dense<0.000000e+00> : vector<128x128xf32>
    %dot_general3A_623 = tpu.matmul %convert_element_type3A_621, %convert_element_type3A_2, %dot_general3A_622 {dimension_numbers = #tpu.dot_dimension_numbers<[1], [0], [0], [1], [0, 0, 1, 1], [], []>, precision = #tpu.contract_precision<fp32>, transpose_lhs_hint = false} : vector<128x128xf32>, vector<128x128xf32>, vector<128x128xf32> -> vector<128x128xf32>
    %slice3A_624 = vector.extract_strided_slice %add3A_527 {offsets = [0, 3], sizes = [128, 1], strides = [1, 1]} : vector<128x32xf32> to vector<128x1xf32>
    %add3A_625 = vector.broadcast %slice3A_624 : vector<128x1xf32> to vector<128x128xf32>
    %add3A_626 = arith.addf %dot_general3A_623, %add3A_625 : vector<128x128xf32>
    %mul3A_627 = arith.mulf %add3A_626, %convert_element_type3A_621 : vector<128x128xf32>
    %reduce_sum3A_628 = arith.constant dense<0.000000e+00> : vector<128xf32>
    %reduce_sum3A_629 = vector.multi_reduction <add>, %mul3A_627, %reduce_sum3A_628 [0] : vector<128x128xf32> to vector<128xf32>
    %broadcast_in_dim3A_630 = vector.shape_cast %reduce_sum3A_629 : vector<128xf32> to vector<1x128xf32>
    %sub3A_631 = arith.constant 1.000000e+00 : f32
    %sub3A_632 = vector.broadcast %sub3A_631 : f32 to vector<1x128xf32>
    %sub3A_633 = arith.subf %broadcast_in_dim3A_630, %sub3A_632 : vector<1x128xf32>
    %convert_element_type3A_634 = arith.fptosi %sub3A_633 : vector<1x128xf32> to vector<1x128xi32>
    %swap3A_635 = arith.constant 0 : index
    %swap3A_636 = arith.constant 0 : index
    %swap3A_637 = arith.constant 384 : index
    %swap3A_638 = vector.load %arg2[%swap3A_635, %swap3A_636, %swap3A_637] : memref<1x1x4096xi32, #tpu.memory_space<vmem>>, vector<1x1x128xi32>
    %swap3A_639 = vector.shape_cast %swap3A_638 : vector<1x1x128xi32> to vector<1x128xi32>
    %swap3A_640 = vector.shape_cast %convert_element_type3A_634 : vector<1x128xi32> to vector<1x1x128xi32>
    tpu.vector_store %arg2[%swap3A_635, %swap3A_636, %swap3A_637], %swap3A_640 {strides = array<i32>} : memref<1x1x4096xi32, #tpu.memory_space<vmem>>, vector<1x1x128xi32>,
    %get3A_641 = arith.constant 0 : index
    %get3A_642 = arith.constant 0 : index
    %get3A_643 = arith.constant 512 : index
    %get3A_644 = vector.load %arg1[%get3A_641, %get3A_642, %get3A_643] : memref<1x1x4096xi32, #tpu.memory_space<vmem>>, vector<1x1x128xi32>
    %get3A_645 = vector.shape_cast %get3A_644 : vector<1x1x128xi32> to vector<128xi32>
    %broadcast_in_dim3A_646 = vector.shape_cast %get3A_645 : vector<128xi32> to vector<1x128xi32>
    %eq3A_647 = vector.broadcast %broadcast_in_dim3A_646 : vector<1x128xi32> to vector<128x128xi32>
    %eq3A_648 = arith.cmpi eq, %eq3A_647, %iota3A : vector<128x128xi32>
    %convert_element_type3A_649 = arith.extui %eq3A_648 : vector<128x128xi1> to vector<128x128xi32>
    %convert_element_type3A_650 = arith.sitofp %convert_element_type3A_649 : vector<128x128xi32> to vector<128x128xf32>
    %dot_general3A_651 = arith.constant dense<0.000000e+00> : vector<128x128xf32>
    %dot_general3A_652 = tpu.matmul %convert_element_type3A_650, %convert_element_type3A_2, %dot_general3A_651 {dimension_numbers = #tpu.dot_dimension_numbers<[1], [0], [0], [1], [0, 0, 1, 1], [], []>, precision = #tpu.contract_precision<fp32>, transpose_lhs_hint = false} : vector<128x128xf32>, vector<128x128xf32>, vector<128x128xf32> -> vector<128x128xf32>
    %slice3A_653 = vector.extract_strided_slice %add3A_527 {offsets = [0, 4], sizes = [128, 1], strides = [1, 1]} : vector<128x32xf32> to vector<128x1xf32>
    %add3A_654 = vector.broadcast %slice3A_653 : vector<128x1xf32> to vector<128x128xf32>
    %add3A_655 = arith.addf %dot_general3A_652, %add3A_654 : vector<128x128xf32>
    %mul3A_656 = arith.mulf %add3A_655, %convert_element_type3A_650 : vector<128x128xf32>
    %reduce_sum3A_657 = arith.constant dense<0.000000e+00> : vector<128xf32>
    %reduce_sum3A_658 = vector.multi_reduction <add>, %mul3A_656, %reduce_sum3A_657 [0] : vector<128x128xf32> to vector<128xf32>
    %broadcast_in_dim3A_659 = vector.shape_cast %reduce_sum3A_658 : vector<128xf32> to vector<1x128xf32>
    %sub3A_660 = arith.constant 1.000000e+00 : f32
    %sub3A_661 = vector.broadcast %sub3A_660 : f32 to vector<1x128xf32>
    %sub3A_662 = arith.subf %broadcast_in_dim3A_659, %sub3A_661 : vector<1x128xf32>
    %convert_element_type3A_663 = arith.fptosi %sub3A_662 : vector<1x128xf32> to vector<1x128xi32>
    %swap3A_664 = arith.constant 0 : index
    %swap3A_665 = arith.constant 0 : index
    %swap3A_666 = arith.constant 512 : index
    %swap3A_667 = vector.load %arg2[%swap3A_664, %swap3A_665, %swap3A_666] : memref<1x1x4096xi32, #tpu.memory_space<vmem>>, vector<1x1x128xi32>
    %swap3A_668 = vector.shape_cast %swap3A_667 : vector<1x1x128xi32> to vector<1x128xi32>
    %swap3A_669 = vector.shape_cast %convert_element_type3A_663 : vector<1x128xi32> to vector<1x1x128xi32>
    tpu.vector_store %arg2[%swap3A_664, %swap3A_665, %swap3A_666], %swap3A_669 {strides = array<i32>} : memref<1x1x4096xi32, #tpu.memory_space<vmem>>, vector<1x1x128xi32>,
    %get3A_670 = arith.constant 0 : index
    %get3A_671 = arith.constant 0 : index
    %get3A_672 = arith.constant 640 : index
    %get3A_673 = vector.load %arg1[%get3A_670, %get3A_671, %get3A_672] : memref<1x1x4096xi32, #tpu.memory_space<vmem>>, vector<1x1x128xi32>
    %get3A_674 = vector.shape_cast %get3A_673 : vector<1x1x128xi32> to vector<128xi32>
    %broadcast_in_dim3A_675 = vector.shape_cast %get3A_674 : vector<128xi32> to vector<1x128xi32>
    %eq3A_676 = vector.broadcast %broadcast_in_dim3A_675 : vector<1x128xi32> to vector<128x128xi32>
    %eq3A_677 = arith.cmpi eq, %eq3A_676, %iota3A : vector<128x128xi32>
    %convert_element_type3A_678 = arith.extui %eq3A_677 : vector<128x128xi1> to vector<128x128xi32>
    %convert_element_type3A_679 = arith.sitofp %convert_element_type3A_678 : vector<128x128xi32> to vector<128x128xf32>
    %dot_general3A_680 = arith.constant dense<0.000000e+00> : vector<128x128xf32>
    %dot_general3A_681 = tpu.matmul %convert_element_type3A_679, %convert_element_type3A_2, %dot_general3A_680 {dimension_numbers = #tpu.dot_dimension_numbers<[1], [0], [0], [1], [0, 0, 1, 1], [], []>, precision = #tpu.contract_precision<fp32>, transpose_lhs_hint = false} : vector<128x128xf32>, vector<128x128xf32>, vector<128x128xf32> -> vector<128x128xf32>
    %slice3A_682 = vector.extract_strided_slice %add3A_527 {offsets = [0, 5], sizes = [128, 1], strides = [1, 1]} : vector<128x32xf32> to vector<128x1xf32>
    %add3A_683 = vector.broadcast %slice3A_682 : vector<128x1xf32> to vector<128x128xf32>
    %add3A_684 = arith.addf %dot_general3A_681, %add3A_683 : vector<128x128xf32>
    %mul3A_685 = arith.mulf %add3A_684, %convert_element_type3A_679 : vector<128x128xf32>
    %reduce_sum3A_686 = arith.constant dense<0.000000e+00> : vector<128xf32>
    %reduce_sum3A_687 = vector.multi_reduction <add>, %mul3A_685, %reduce_sum3A_686 [0] : vector<128x128xf32> to vector<128xf32>
    %broadcast_in_dim3A_688 = vector.shape_cast %reduce_sum3A_687 : vector<128xf32> to vector<1x128xf32>
    %sub3A_689 = arith.constant 1.000000e+00 : f32
    %sub3A_690 = vector.broadcast %sub3A_689 : f32 to vector<1x128xf32>
    %sub3A_691 = arith.subf %broadcast_in_dim3A_688, %sub3A_690 : vector<1x128xf32>
    %convert_element_type3A_692 = arith.fptosi %sub3A_691 : vector<1x128xf32> to vector<1x128xi32>
    %swap3A_693 = arith.constant 0 : index
    %swap3A_694 = arith.constant 0 : index
    %swap3A_695 = arith.constant 640 : index
    %swap3A_696 = vector.load %arg2[%swap3A_693, %swap3A_694, %swap3A_695] : memref<1x1x4096xi32, #tpu.memory_space<vmem>>, vector<1x1x128xi32>
    %swap3A_697 = vector.shape_cast %swap3A_696 : vector<1x1x128xi32> to vector<1x128xi32>
    %swap3A_698 = vector.shape_cast %convert_element_type3A_692 : vector<1x128xi32> to vector<1x1x128xi32>
    tpu.vector_store %arg2[%swap3A_693, %swap3A_694, %swap3A_695], %swap3A_698 {strides = array<i32>} : memref<1x1x4096xi32, #tpu.memory_space<vmem>>, vector<1x1x128xi32>,
    %get3A_699 = arith.constant 0 : index
    %get3A_700 = arith.constant 0 : index
    %get3A_701 = arith.constant 768 : index
    %get3A_702 = vector.load %arg1[%get3A_699, %get3A_700, %get3A_701] : memref<1x1x4096xi32, #tpu.memory_space<vmem>>, vector<1x1x128xi32>
    %get3A_703 = vector.shape_cast %get3A_702 : vector<1x1x128xi32> to vector<128xi32>
    %broadcast_in_dim3A_704 = vector.shape_cast %get3A_703 : vector<128xi32> to vector<1x128xi32>
    %eq3A_705 = vector.broadcast %broadcast_in_dim3A_704 : vector<1x128xi32> to vector<128x128xi32>
    %eq3A_706 = arith.cmpi eq, %eq3A_705, %iota3A : vector<128x128xi32>
    %convert_element_type3A_707 = arith.extui %eq3A_706 : vector<128x128xi1> to vector<128x128xi32>
    %convert_element_type3A_708 = arith.sitofp %convert_element_type3A_707 : vector<128x128xi32> to vector<128x128xf32>
    %dot_general3A_709 = arith.constant dense<0.000000e+00> : vector<128x128xf32>
    %dot_general3A_710 = tpu.matmul %convert_element_type3A_708, %convert_element_type3A_2, %dot_general3A_709 {dimension_numbers = #tpu.dot_dimension_numbers<[1], [0], [0], [1], [0, 0, 1, 1], [], []>, precision = #tpu.contract_precision<fp32>, transpose_lhs_hint = false} : vector<128x128xf32>, vector<128x128xf32>, vector<128x128xf32> -> vector<128x128xf32>
    %slice3A_711 = vector.extract_strided_slice %add3A_527 {offsets = [0, 6], sizes = [128, 1], strides = [1, 1]} : vector<128x32xf32> to vector<128x1xf32>
    %add3A_712 = vector.broadcast %slice3A_711 : vector<128x1xf32> to vector<128x128xf32>
    %add3A_713 = arith.addf %dot_general3A_710, %add3A_712 : vector<128x128xf32>
    %mul3A_714 = arith.mulf %add3A_713, %convert_element_type3A_708 : vector<128x128xf32>
    %reduce_sum3A_715 = arith.constant dense<0.000000e+00> : vector<128xf32>
    %reduce_sum3A_716 = vector.multi_reduction <add>, %mul3A_714, %reduce_sum3A_715 [0] : vector<128x128xf32> to vector<128xf32>
    %broadcast_in_dim3A_717 = vector.shape_cast %reduce_sum3A_716 : vector<128xf32> to vector<1x128xf32>
    %sub3A_718 = arith.constant 1.000000e+00 : f32
    %sub3A_719 = vector.broadcast %sub3A_718 : f32 to vector<1x128xf32>
    %sub3A_720 = arith.subf %broadcast_in_dim3A_717, %sub3A_719 : vector<1x128xf32>
    %convert_element_type3A_721 = arith.fptosi %sub3A_720 : vector<1x128xf32> to vector<1x128xi32>
    %swap3A_722 = arith.constant 0 : index
    %swap3A_723 = arith.constant 0 : index
    %swap3A_724 = arith.constant 768 : index
    %swap3A_725 = vector.load %arg2[%swap3A_722, %swap3A_723, %swap3A_724] : memref<1x1x4096xi32, #tpu.memory_space<vmem>>, vector<1x1x128xi32>
    %swap3A_726 = vector.shape_cast %swap3A_725 : vector<1x1x128xi32> to vector<1x128xi32>
    %swap3A_727 = vector.shape_cast %convert_element_type3A_721 : vector<1x128xi32> to vector<1x1x128xi32>
    tpu.vector_store %arg2[%swap3A_722, %swap3A_723, %swap3A_724], %swap3A_727 {strides = array<i32>} : memref<1x1x4096xi32, #tpu.memory_space<vmem>>, vector<1x1x128xi32>,
    %get3A_728 = arith.constant 0 : index
    %get3A_729 = arith.constant 0 : index
    %get3A_730 = arith.constant 896 : index
    %get3A_731 = vector.load %arg1[%get3A_728, %get3A_729, %get3A_730] : memref<1x1x4096xi32, #tpu.memory_space<vmem>>, vector<1x1x128xi32>
    %get3A_732 = vector.shape_cast %get3A_731 : vector<1x1x128xi32> to vector<128xi32>
    %broadcast_in_dim3A_733 = vector.shape_cast %get3A_732 : vector<128xi32> to vector<1x128xi32>
    %eq3A_734 = vector.broadcast %broadcast_in_dim3A_733 : vector<1x128xi32> to vector<128x128xi32>
    %eq3A_735 = arith.cmpi eq, %eq3A_734, %iota3A : vector<128x128xi32>
    %convert_element_type3A_736 = arith.extui %eq3A_735 : vector<128x128xi1> to vector<128x128xi32>
    %convert_element_type3A_737 = arith.sitofp %convert_element_type3A_736 : vector<128x128xi32> to vector<128x128xf32>
    %dot_general3A_738 = arith.constant dense<0.000000e+00> : vector<128x128xf32>
    %dot_general3A_739 = tpu.matmul %convert_element_type3A_737, %convert_element_type3A_2, %dot_general3A_738 {dimension_numbers = #tpu.dot_dimension_numbers<[1], [0], [0], [1], [0, 0, 1, 1], [], []>, precision = #tpu.contract_precision<fp32>, transpose_lhs_hint = false} : vector<128x128xf32>, vector<128x128xf32>, vector<128x128xf32> -> vector<128x128xf32>
    %slice3A_740 = vector.extract_strided_slice %add3A_527 {offsets = [0, 7], sizes = [128, 1], strides = [1, 1]} : vector<128x32xf32> to vector<128x1xf32>
    %add3A_741 = vector.broadcast %slice3A_740 : vector<128x1xf32> to vector<128x128xf32>
    %add3A_742 = arith.addf %dot_general3A_739, %add3A_741 : vector<128x128xf32>
    %mul3A_743 = arith.mulf %add3A_742, %convert_element_type3A_737 : vector<128x128xf32>
    %reduce_sum3A_744 = arith.constant dense<0.000000e+00> : vector<128xf32>
    %reduce_sum3A_745 = vector.multi_reduction <add>, %mul3A_743, %reduce_sum3A_744 [0] : vector<128x128xf32> to vector<128xf32>
    %broadcast_in_dim3A_746 = vector.shape_cast %reduce_sum3A_745 : vector<128xf32> to vector<1x128xf32>
    %sub3A_747 = arith.constant 1.000000e+00 : f32
    %sub3A_748 = vector.broadcast %sub3A_747 : f32 to vector<1x128xf32>
    %sub3A_749 = arith.subf %broadcast_in_dim3A_746, %sub3A_748 : vector<1x128xf32>
    %convert_element_type3A_750 = arith.fptosi %sub3A_749 : vector<1x128xf32> to vector<1x128xi32>
    %swap3A_751 = arith.constant 0 : index
    %swap3A_752 = arith.constant 0 : index
    %swap3A_753 = arith.constant 896 : index
    %swap3A_754 = vector.load %arg2[%swap3A_751, %swap3A_752, %swap3A_753] : memref<1x1x4096xi32, #tpu.memory_space<vmem>>, vector<1x1x128xi32>
    %swap3A_755 = vector.shape_cast %swap3A_754 : vector<1x1x128xi32> to vector<1x128xi32>
    %swap3A_756 = vector.shape_cast %convert_element_type3A_750 : vector<1x128xi32> to vector<1x1x128xi32>
    tpu.vector_store %arg2[%swap3A_751, %swap3A_752, %swap3A_753], %swap3A_756 {strides = array<i32>} : memref<1x1x4096xi32, #tpu.memory_space<vmem>>, vector<1x1x128xi32>,
    %get3A_757 = arith.constant 0 : index
    %get3A_758 = arith.constant 0 : index
    %get3A_759 = arith.constant 1024 : index
    %get3A_760 = vector.load %arg1[%get3A_757, %get3A_758, %get3A_759] : memref<1x1x4096xi32, #tpu.memory_space<vmem>>, vector<1x1x128xi32>
    %get3A_761 = vector.shape_cast %get3A_760 : vector<1x1x128xi32> to vector<128xi32>
    %broadcast_in_dim3A_762 = vector.shape_cast %get3A_761 : vector<128xi32> to vector<1x128xi32>
    %eq3A_763 = vector.broadcast %broadcast_in_dim3A_762 : vector<1x128xi32> to vector<128x128xi32>
    %eq3A_764 = arith.cmpi eq, %eq3A_763, %iota3A : vector<128x128xi32>
    %convert_element_type3A_765 = arith.extui %eq3A_764 : vector<128x128xi1> to vector<128x128xi32>
    %convert_element_type3A_766 = arith.sitofp %convert_element_type3A_765 : vector<128x128xi32> to vector<128x128xf32>
    %dot_general3A_767 = arith.constant dense<0.000000e+00> : vector<128x128xf32>
    %dot_general3A_768 = tpu.matmul %convert_element_type3A_766, %convert_element_type3A_2, %dot_general3A_767 {dimension_numbers = #tpu.dot_dimension_numbers<[1], [0], [0], [1], [0, 0, 1, 1], [], []>, precision = #tpu.contract_precision<fp32>, transpose_lhs_hint = false} : vector<128x128xf32>, vector<128x128xf32>, vector<128x128xf32> -> vector<128x128xf32>
    %slice3A_769 = vector.extract_strided_slice %add3A_527 {offsets = [0, 8], sizes = [128, 1], strides = [1, 1]} : vector<128x32xf32> to vector<128x1xf32>
    %add3A_770 = vector.broadcast %slice3A_769 : vector<128x1xf32> to vector<128x128xf32>
    %add3A_771 = arith.addf %dot_general3A_768, %add3A_770 : vector<128x128xf32>
    %mul3A_772 = arith.mulf %add3A_771, %convert_element_type3A_766 : vector<128x128xf32>
    %reduce_sum3A_773 = arith.constant dense<0.000000e+00> : vector<128xf32>
    %reduce_sum3A_774 = vector.multi_reduction <add>, %mul3A_772, %reduce_sum3A_773 [0] : vector<128x128xf32> to vector<128xf32>
    %broadcast_in_dim3A_775 = vector.shape_cast %reduce_sum3A_774 : vector<128xf32> to vector<1x128xf32>
    %sub3A_776 = arith.constant 1.000000e+00 : f32
    %sub3A_777 = vector.broadcast %sub3A_776 : f32 to vector<1x128xf32>
    %sub3A_778 = arith.subf %broadcast_in_dim3A_775, %sub3A_777 : vector<1x128xf32>
    %convert_element_type3A_779 = arith.fptosi %sub3A_778 : vector<1x128xf32> to vector<1x128xi32>
    %swap3A_780 = arith.constant 0 : index
    %swap3A_781 = arith.constant 0 : index
    %swap3A_782 = arith.constant 1024 : index
    %swap3A_783 = vector.load %arg2[%swap3A_780, %swap3A_781, %swap3A_782] : memref<1x1x4096xi32, #tpu.memory_space<vmem>>, vector<1x1x128xi32>
    %swap3A_784 = vector.shape_cast %swap3A_783 : vector<1x1x128xi32> to vector<1x128xi32>
    %swap3A_785 = vector.shape_cast %convert_element_type3A_779 : vector<1x128xi32> to vector<1x1x128xi32>
    tpu.vector_store %arg2[%swap3A_780, %swap3A_781, %swap3A_782], %swap3A_785 {strides = array<i32>} : memref<1x1x4096xi32, #tpu.memory_space<vmem>>, vector<1x1x128xi32>,
    %get3A_786 = arith.constant 0 : index
    %get3A_787 = arith.constant 0 : index
    %get3A_788 = arith.constant 1152 : index
    %get3A_789 = vector.load %arg1[%get3A_786, %get3A_787, %get3A_788] : memref<1x1x4096xi32, #tpu.memory_space<vmem>>, vector<1x1x128xi32>
    %get3A_790 = vector.shape_cast %get3A_789 : vector<1x1x128xi32> to vector<128xi32>
    %broadcast_in_dim3A_791 = vector.shape_cast %get3A_790 : vector<128xi32> to vector<1x128xi32>
    %eq3A_792 = vector.broadcast %broadcast_in_dim3A_791 : vector<1x128xi32> to vector<128x128xi32>
    %eq3A_793 = arith.cmpi eq, %eq3A_792, %iota3A : vector<128x128xi32>
    %convert_element_type3A_794 = arith.extui %eq3A_793 : vector<128x128xi1> to vector<128x128xi32>
    %convert_element_type3A_795 = arith.sitofp %convert_element_type3A_794 : vector<128x128xi32> to vector<128x128xf32>
    %dot_general3A_796 = arith.constant dense<0.000000e+00> : vector<128x128xf32>
    %dot_general3A_797 = tpu.matmul %convert_element_type3A_795, %convert_element_type3A_2, %dot_general3A_796 {dimension_numbers = #tpu.dot_dimension_numbers<[1], [0], [0], [1], [0, 0, 1, 1], [], []>, precision = #tpu.contract_precision<fp32>, transpose_lhs_hint = false} : vector<128x128xf32>, vector<128x128xf32>, vector<128x128xf32> -> vector<128x128xf32>
    %slice3A_798 = vector.extract_strided_slice %add3A_527 {offsets = [0, 9], sizes = [128, 1], strides = [1, 1]} : vector<128x32xf32> to vector<128x1xf32>
    %add3A_799 = vector.broadcast %slice3A_798 : vector<128x1xf32> to vector<128x128xf32>
    %add3A_800 = arith.addf %dot_general3A_797, %add3A_799 : vector<128x128xf32>
    %mul3A_801 = arith.mulf %add3A_800, %convert_element_type3A_795 : vector<128x128xf32>
    %reduce_sum3A_802 = arith.constant dense<0.000000e+00> : vector<128xf32>
    %reduce_sum3A_803 = vector.multi_reduction <add>, %mul3A_801, %reduce_sum3A_802 [0] : vector<128x128xf32> to vector<128xf32>
    %broadcast_in_dim3A_804 = vector.shape_cast %reduce_sum3A_803 : vector<128xf32> to vector<1x128xf32>
    %sub3A_805 = arith.constant 1.000000e+00 : f32
    %sub3A_806 = vector.broadcast %sub3A_805 : f32 to vector<1x128xf32>
    %sub3A_807 = arith.subf %broadcast_in_dim3A_804, %sub3A_806 : vector<1x128xf32>
    %convert_element_type3A_808 = arith.fptosi %sub3A_807 : vector<1x128xf32> to vector<1x128xi32>
    %swap3A_809 = arith.constant 0 : index
    %swap3A_810 = arith.constant 0 : index
    %swap3A_811 = arith.constant 1152 : index
    %swap3A_812 = vector.load %arg2[%swap3A_809, %swap3A_810, %swap3A_811] : memref<1x1x4096xi32, #tpu.memory_space<vmem>>, vector<1x1x128xi32>
    %swap3A_813 = vector.shape_cast %swap3A_812 : vector<1x1x128xi32> to vector<1x128xi32>
    %swap3A_814 = vector.shape_cast %convert_element_type3A_808 : vector<1x128xi32> to vector<1x1x128xi32>
    tpu.vector_store %arg2[%swap3A_809, %swap3A_810, %swap3A_811], %swap3A_814 {strides = array<i32>} : memref<1x1x4096xi32, #tpu.memory_space<vmem>>, vector<1x1x128xi32>,
    %get3A_815 = arith.constant 0 : index
    %get3A_816 = arith.constant 0 : index
    %get3A_817 = arith.constant 1280 : index
    %get3A_818 = vector.load %arg1[%get3A_815, %get3A_816, %get3A_817] : memref<1x1x4096xi32, #tpu.memory_space<vmem>>, vector<1x1x128xi32>
    %get3A_819 = vector.shape_cast %get3A_818 : vector<1x1x128xi32> to vector<128xi32>
    %broadcast_in_dim3A_820 = vector.shape_cast %get3A_819 : vector<128xi32> to vector<1x128xi32>
    %eq3A_821 = vector.broadcast %broadcast_in_dim3A_820 : vector<1x128xi32> to vector<128x128xi32>
    %eq3A_822 = arith.cmpi eq, %eq3A_821, %iota3A : vector<128x128xi32>
    %convert_element_type3A_823 = arith.extui %eq3A_822 : vector<128x128xi1> to vector<128x128xi32>
    %convert_element_type3A_824 = arith.sitofp %convert_element_type3A_823 : vector<128x128xi32> to vector<128x128xf32>
    %dot_general3A_825 = arith.constant dense<0.000000e+00> : vector<128x128xf32>
    %dot_general3A_826 = tpu.matmul %convert_element_type3A_824, %convert_element_type3A_2, %dot_general3A_825 {dimension_numbers = #tpu.dot_dimension_numbers<[1], [0], [0], [1], [0, 0, 1, 1], [], []>, precision = #tpu.contract_precision<fp32>, transpose_lhs_hint = false} : vector<128x128xf32>, vector<128x128xf32>, vector<128x128xf32> -> vector<128x128xf32>
    %slice3A_827 = vector.extract_strided_slice %add3A_527 {offsets = [0, 10], sizes = [128, 1], strides = [1, 1]} : vector<128x32xf32> to vector<128x1xf32>
    %add3A_828 = vector.broadcast %slice3A_827 : vector<128x1xf32> to vector<128x128xf32>
    %add3A_829 = arith.addf %dot_general3A_826, %add3A_828 : vector<128x128xf32>
    %mul3A_830 = arith.mulf %add3A_829, %convert_element_type3A_824 : vector<128x128xf32>
    %reduce_sum3A_831 = arith.constant dense<0.000000e+00> : vector<128xf32>
    %reduce_sum3A_832 = vector.multi_reduction <add>, %mul3A_830, %reduce_sum3A_831 [0] : vector<128x128xf32> to vector<128xf32>
    %broadcast_in_dim3A_833 = vector.shape_cast %reduce_sum3A_832 : vector<128xf32> to vector<1x128xf32>
    %sub3A_834 = arith.constant 1.000000e+00 : f32
    %sub3A_835 = vector.broadcast %sub3A_834 : f32 to vector<1x128xf32>
    %sub3A_836 = arith.subf %broadcast_in_dim3A_833, %sub3A_835 : vector<1x128xf32>
    %convert_element_type3A_837 = arith.fptosi %sub3A_836 : vector<1x128xf32> to vector<1x128xi32>
    %swap3A_838 = arith.constant 0 : index
    %swap3A_839 = arith.constant 0 : index
    %swap3A_840 = arith.constant 1280 : index
    %swap3A_841 = vector.load %arg2[%swap3A_838, %swap3A_839, %swap3A_840] : memref<1x1x4096xi32, #tpu.memory_space<vmem>>, vector<1x1x128xi32>
    %swap3A_842 = vector.shape_cast %swap3A_841 : vector<1x1x128xi32> to vector<1x128xi32>
    %swap3A_843 = vector.shape_cast %convert_element_type3A_837 : vector<1x128xi32> to vector<1x1x128xi32>
    tpu.vector_store %arg2[%swap3A_838, %swap3A_839, %swap3A_840], %swap3A_843 {strides = array<i32>} : memref<1x1x4096xi32, #tpu.memory_space<vmem>>, vector<1x1x128xi32>,
    %get3A_844 = arith.constant 0 : index
    %get3A_845 = arith.constant 0 : index
    %get3A_846 = arith.constant 1408 : index
    %get3A_847 = vector.load %arg1[%get3A_844, %get3A_845, %get3A_846] : memref<1x1x4096xi32, #tpu.memory_space<vmem>>, vector<1x1x128xi32>
    %get3A_848 = vector.shape_cast %get3A_847 : vector<1x1x128xi32> to vector<128xi32>
    %broadcast_in_dim3A_849 = vector.shape_cast %get3A_848 : vector<128xi32> to vector<1x128xi32>
    %eq3A_850 = vector.broadcast %broadcast_in_dim3A_849 : vector<1x128xi32> to vector<128x128xi32>
    %eq3A_851 = arith.cmpi eq, %eq3A_850, %iota3A : vector<128x128xi32>
    %convert_element_type3A_852 = arith.extui %eq3A_851 : vector<128x128xi1> to vector<128x128xi32>
    %convert_element_type3A_853 = arith.sitofp %convert_element_type3A_852 : vector<128x128xi32> to vector<128x128xf32>
    %dot_general3A_854 = arith.constant dense<0.000000e+00> : vector<128x128xf32>
    %dot_general3A_855 = tpu.matmul %convert_element_type3A_853, %convert_element_type3A_2, %dot_general3A_854 {dimension_numbers = #tpu.dot_dimension_numbers<[1], [0], [0], [1], [0, 0, 1, 1], [], []>, precision = #tpu.contract_precision<fp32>, transpose_lhs_hint = false} : vector<128x128xf32>, vector<128x128xf32>, vector<128x128xf32> -> vector<128x128xf32>
    %slice3A_856 = vector.extract_strided_slice %add3A_527 {offsets = [0, 11], sizes = [128, 1], strides = [1, 1]} : vector<128x32xf32> to vector<128x1xf32>
    %add3A_857 = vector.broadcast %slice3A_856 : vector<128x1xf32> to vector<128x128xf32>
    %add3A_858 = arith.addf %dot_general3A_855, %add3A_857 : vector<128x128xf32>
    %mul3A_859 = arith.mulf %add3A_858, %convert_element_type3A_853 : vector<128x128xf32>
    %reduce_sum3A_860 = arith.constant dense<0.000000e+00> : vector<128xf32>
    %reduce_sum3A_861 = vector.multi_reduction <add>, %mul3A_859, %reduce_sum3A_860 [0] : vector<128x128xf32> to vector<128xf32>
    %broadcast_in_dim3A_862 = vector.shape_cast %reduce_sum3A_861 : vector<128xf32> to vector<1x128xf32>
    %sub3A_863 = arith.constant 1.000000e+00 : f32
    %sub3A_864 = vector.broadcast %sub3A_863 : f32 to vector<1x128xf32>
    %sub3A_865 = arith.subf %broadcast_in_dim3A_862, %sub3A_864 : vector<1x128xf32>
    %convert_element_type3A_866 = arith.fptosi %sub3A_865 : vector<1x128xf32> to vector<1x128xi32>
    %swap3A_867 = arith.constant 0 : index
    %swap3A_868 = arith.constant 0 : index
    %swap3A_869 = arith.constant 1408 : index
    %swap3A_870 = vector.load %arg2[%swap3A_867, %swap3A_868, %swap3A_869] : memref<1x1x4096xi32, #tpu.memory_space<vmem>>, vector<1x1x128xi32>
    %swap3A_871 = vector.shape_cast %swap3A_870 : vector<1x1x128xi32> to vector<1x128xi32>
    %swap3A_872 = vector.shape_cast %convert_element_type3A_866 : vector<1x128xi32> to vector<1x1x128xi32>
    tpu.vector_store %arg2[%swap3A_867, %swap3A_868, %swap3A_869], %swap3A_872 {strides = array<i32>} : memref<1x1x4096xi32, #tpu.memory_space<vmem>>, vector<1x1x128xi32>,
    %get3A_873 = arith.constant 0 : index
    %get3A_874 = arith.constant 0 : index
    %get3A_875 = arith.constant 1536 : index
    %get3A_876 = vector.load %arg1[%get3A_873, %get3A_874, %get3A_875] : memref<1x1x4096xi32, #tpu.memory_space<vmem>>, vector<1x1x128xi32>
    %get3A_877 = vector.shape_cast %get3A_876 : vector<1x1x128xi32> to vector<128xi32>
    %broadcast_in_dim3A_878 = vector.shape_cast %get3A_877 : vector<128xi32> to vector<1x128xi32>
    %eq3A_879 = vector.broadcast %broadcast_in_dim3A_878 : vector<1x128xi32> to vector<128x128xi32>
    %eq3A_880 = arith.cmpi eq, %eq3A_879, %iota3A : vector<128x128xi32>
    %convert_element_type3A_881 = arith.extui %eq3A_880 : vector<128x128xi1> to vector<128x128xi32>
    %convert_element_type3A_882 = arith.sitofp %convert_element_type3A_881 : vector<128x128xi32> to vector<128x128xf32>
    %dot_general3A_883 = arith.constant dense<0.000000e+00> : vector<128x128xf32>
    %dot_general3A_884 = tpu.matmul %convert_element_type3A_882, %convert_element_type3A_2, %dot_general3A_883 {dimension_numbers = #tpu.dot_dimension_numbers<[1], [0], [0], [1], [0, 0, 1, 1], [], []>, precision = #tpu.contract_precision<fp32>, transpose_lhs_hint = false} : vector<128x128xf32>, vector<128x128xf32>, vector<128x128xf32> -> vector<128x128xf32>
    %slice3A_885 = vector.extract_strided_slice %add3A_527 {offsets = [0, 12], sizes = [128, 1], strides = [1, 1]} : vector<128x32xf32> to vector<128x1xf32>
    %add3A_886 = vector.broadcast %slice3A_885 : vector<128x1xf32> to vector<128x128xf32>
    %add3A_887 = arith.addf %dot_general3A_884, %add3A_886 : vector<128x128xf32>
    %mul3A_888 = arith.mulf %add3A_887, %convert_element_type3A_882 : vector<128x128xf32>
    %reduce_sum3A_889 = arith.constant dense<0.000000e+00> : vector<128xf32>
    %reduce_sum3A_890 = vector.multi_reduction <add>, %mul3A_888, %reduce_sum3A_889 [0] : vector<128x128xf32> to vector<128xf32>
    %broadcast_in_dim3A_891 = vector.shape_cast %reduce_sum3A_890 : vector<128xf32> to vector<1x128xf32>
    %sub3A_892 = arith.constant 1.000000e+00 : f32
    %sub3A_893 = vector.broadcast %sub3A_892 : f32 to vector<1x128xf32>
    %sub3A_894 = arith.subf %broadcast_in_dim3A_891, %sub3A_893 : vector<1x128xf32>
    %convert_element_type3A_895 = arith.fptosi %sub3A_894 : vector<1x128xf32> to vector<1x128xi32>
    %swap3A_896 = arith.constant 0 : index
    %swap3A_897 = arith.constant 0 : index
    %swap3A_898 = arith.constant 1536 : index
    %swap3A_899 = vector.load %arg2[%swap3A_896, %swap3A_897, %swap3A_898] : memref<1x1x4096xi32, #tpu.memory_space<vmem>>, vector<1x1x128xi32>
    %swap3A_900 = vector.shape_cast %swap3A_899 : vector<1x1x128xi32> to vector<1x128xi32>
    %swap3A_901 = vector.shape_cast %convert_element_type3A_895 : vector<1x128xi32> to vector<1x1x128xi32>
    tpu.vector_store %arg2[%swap3A_896, %swap3A_897, %swap3A_898], %swap3A_901 {strides = array<i32>} : memref<1x1x4096xi32, #tpu.memory_space<vmem>>, vector<1x1x128xi32>,
    %get3A_902 = arith.constant 0 : index
    %get3A_903 = arith.constant 0 : index
    %get3A_904 = arith.constant 1664 : index
    %get3A_905 = vector.load %arg1[%get3A_902, %get3A_903, %get3A_904] : memref<1x1x4096xi32, #tpu.memory_space<vmem>>, vector<1x1x128xi32>
    %get3A_906 = vector.shape_cast %get3A_905 : vector<1x1x128xi32> to vector<128xi32>
    %broadcast_in_dim3A_907 = vector.shape_cast %get3A_906 : vector<128xi32> to vector<1x128xi32>
    %eq3A_908 = vector.broadcast %broadcast_in_dim3A_907 : vector<1x128xi32> to vector<128x128xi32>
    %eq3A_909 = arith.cmpi eq, %eq3A_908, %iota3A : vector<128x128xi32>
    %convert_element_type3A_910 = arith.extui %eq3A_909 : vector<128x128xi1> to vector<128x128xi32>
    %convert_element_type3A_911 = arith.sitofp %convert_element_type3A_910 : vector<128x128xi32> to vector<128x128xf32>
    %dot_general3A_912 = arith.constant dense<0.000000e+00> : vector<128x128xf32>
    %dot_general3A_913 = tpu.matmul %convert_element_type3A_911, %convert_element_type3A_2, %dot_general3A_912 {dimension_numbers = #tpu.dot_dimension_numbers<[1], [0], [0], [1], [0, 0, 1, 1], [], []>, precision = #tpu.contract_precision<fp32>, transpose_lhs_hint = false} : vector<128x128xf32>, vector<128x128xf32>, vector<128x128xf32> -> vector<128x128xf32>
    %slice3A_914 = vector.extract_strided_slice %add3A_527 {offsets = [0, 13], sizes = [128, 1], strides = [1, 1]} : vector<128x32xf32> to vector<128x1xf32>
    %add3A_915 = vector.broadcast %slice3A_914 : vector<128x1xf32> to vector<128x128xf32>
    %add3A_916 = arith.addf %dot_general3A_913, %add3A_915 : vector<128x128xf32>
    %mul3A_917 = arith.mulf %add3A_916, %convert_element_type3A_911 : vector<128x128xf32>
    %reduce_sum3A_918 = arith.constant dense<0.000000e+00> : vector<128xf32>
    %reduce_sum3A_919 = vector.multi_reduction <add>, %mul3A_917, %reduce_sum3A_918 [0] : vector<128x128xf32> to vector<128xf32>
    %broadcast_in_dim3A_920 = vector.shape_cast %reduce_sum3A_919 : vector<128xf32> to vector<1x128xf32>
    %sub3A_921 = arith.constant 1.000000e+00 : f32
    %sub3A_922 = vector.broadcast %sub3A_921 : f32 to vector<1x128xf32>
    %sub3A_923 = arith.subf %broadcast_in_dim3A_920, %sub3A_922 : vector<1x128xf32>
    %convert_element_type3A_924 = arith.fptosi %sub3A_923 : vector<1x128xf32> to vector<1x128xi32>
    %swap3A_925 = arith.constant 0 : index
    %swap3A_926 = arith.constant 0 : index
    %swap3A_927 = arith.constant 1664 : index
    %swap3A_928 = vector.load %arg2[%swap3A_925, %swap3A_926, %swap3A_927] : memref<1x1x4096xi32, #tpu.memory_space<vmem>>, vector<1x1x128xi32>
    %swap3A_929 = vector.shape_cast %swap3A_928 : vector<1x1x128xi32> to vector<1x128xi32>
    %swap3A_930 = vector.shape_cast %convert_element_type3A_924 : vector<1x128xi32> to vector<1x1x128xi32>
    tpu.vector_store %arg2[%swap3A_925, %swap3A_926, %swap3A_927], %swap3A_930 {strides = array<i32>} : memref<1x1x4096xi32, #tpu.memory_space<vmem>>, vector<1x1x128xi32>,
    %get3A_931 = arith.constant 0 : index
    %get3A_932 = arith.constant 0 : index
    %get3A_933 = arith.constant 1792 : index
    %get3A_934 = vector.load %arg1[%get3A_931, %get3A_932, %get3A_933] : memref<1x1x4096xi32, #tpu.memory_space<vmem>>, vector<1x1x128xi32>
    %get3A_935 = vector.shape_cast %get3A_934 : vector<1x1x128xi32> to vector<128xi32>
    %broadcast_in_dim3A_936 = vector.shape_cast %get3A_935 : vector<128xi32> to vector<1x128xi32>
    %eq3A_937 = vector.broadcast %broadcast_in_dim3A_936 : vector<1x128xi32> to vector<128x128xi32>
    %eq3A_938 = arith.cmpi eq, %eq3A_937, %iota3A : vector<128x128xi32>
    %convert_element_type3A_939 = arith.extui %eq3A_938 : vector<128x128xi1> to vector<128x128xi32>
    %convert_element_type3A_940 = arith.sitofp %convert_element_type3A_939 : vector<128x128xi32> to vector<128x128xf32>
    %dot_general3A_941 = arith.constant dense<0.000000e+00> : vector<128x128xf32>
    %dot_general3A_942 = tpu.matmul %convert_element_type3A_940, %convert_element_type3A_2, %dot_general3A_941 {dimension_numbers = #tpu.dot_dimension_numbers<[1], [0], [0], [1], [0, 0, 1, 1], [], []>, precision = #tpu.contract_precision<fp32>, transpose_lhs_hint = false} : vector<128x128xf32>, vector<128x128xf32>, vector<128x128xf32> -> vector<128x128xf32>
    %slice3A_943 = vector.extract_strided_slice %add3A_527 {offsets = [0, 14], sizes = [128, 1], strides = [1, 1]} : vector<128x32xf32> to vector<128x1xf32>
    %add3A_944 = vector.broadcast %slice3A_943 : vector<128x1xf32> to vector<128x128xf32>
    %add3A_945 = arith.addf %dot_general3A_942, %add3A_944 : vector<128x128xf32>
    %mul3A_946 = arith.mulf %add3A_945, %convert_element_type3A_940 : vector<128x128xf32>
    %reduce_sum3A_947 = arith.constant dense<0.000000e+00> : vector<128xf32>
    %reduce_sum3A_948 = vector.multi_reduction <add>, %mul3A_946, %reduce_sum3A_947 [0] : vector<128x128xf32> to vector<128xf32>
    %broadcast_in_dim3A_949 = vector.shape_cast %reduce_sum3A_948 : vector<128xf32> to vector<1x128xf32>
    %sub3A_950 = arith.constant 1.000000e+00 : f32
    %sub3A_951 = vector.broadcast %sub3A_950 : f32 to vector<1x128xf32>
    %sub3A_952 = arith.subf %broadcast_in_dim3A_949, %sub3A_951 : vector<1x128xf32>
    %convert_element_type3A_953 = arith.fptosi %sub3A_952 : vector<1x128xf32> to vector<1x128xi32>
    %swap3A_954 = arith.constant 0 : index
    %swap3A_955 = arith.constant 0 : index
    %swap3A_956 = arith.constant 1792 : index
    %swap3A_957 = vector.load %arg2[%swap3A_954, %swap3A_955, %swap3A_956] : memref<1x1x4096xi32, #tpu.memory_space<vmem>>, vector<1x1x128xi32>
    %swap3A_958 = vector.shape_cast %swap3A_957 : vector<1x1x128xi32> to vector<1x128xi32>
    %swap3A_959 = vector.shape_cast %convert_element_type3A_953 : vector<1x128xi32> to vector<1x1x128xi32>
    tpu.vector_store %arg2[%swap3A_954, %swap3A_955, %swap3A_956], %swap3A_959 {strides = array<i32>} : memref<1x1x4096xi32, #tpu.memory_space<vmem>>, vector<1x1x128xi32>,
    %get3A_960 = arith.constant 0 : index
    %get3A_961 = arith.constant 0 : index
    %get3A_962 = arith.constant 1920 : index
    %get3A_963 = vector.load %arg1[%get3A_960, %get3A_961, %get3A_962] : memref<1x1x4096xi32, #tpu.memory_space<vmem>>, vector<1x1x128xi32>
    %get3A_964 = vector.shape_cast %get3A_963 : vector<1x1x128xi32> to vector<128xi32>
    %broadcast_in_dim3A_965 = vector.shape_cast %get3A_964 : vector<128xi32> to vector<1x128xi32>
    %eq3A_966 = vector.broadcast %broadcast_in_dim3A_965 : vector<1x128xi32> to vector<128x128xi32>
    %eq3A_967 = arith.cmpi eq, %eq3A_966, %iota3A : vector<128x128xi32>
    %convert_element_type3A_968 = arith.extui %eq3A_967 : vector<128x128xi1> to vector<128x128xi32>
    %convert_element_type3A_969 = arith.sitofp %convert_element_type3A_968 : vector<128x128xi32> to vector<128x128xf32>
    %dot_general3A_970 = arith.constant dense<0.000000e+00> : vector<128x128xf32>
    %dot_general3A_971 = tpu.matmul %convert_element_type3A_969, %convert_element_type3A_2, %dot_general3A_970 {dimension_numbers = #tpu.dot_dimension_numbers<[1], [0], [0], [1], [0, 0, 1, 1], [], []>, precision = #tpu.contract_precision<fp32>, transpose_lhs_hint = false} : vector<128x128xf32>, vector<128x128xf32>, vector<128x128xf32> -> vector<128x128xf32>
    %slice3A_972 = vector.extract_strided_slice %add3A_527 {offsets = [0, 15], sizes = [128, 1], strides = [1, 1]} : vector<128x32xf32> to vector<128x1xf32>
    %add3A_973 = vector.broadcast %slice3A_972 : vector<128x1xf32> to vector<128x128xf32>
    %add3A_974 = arith.addf %dot_general3A_971, %add3A_973 : vector<128x128xf32>
    %mul3A_975 = arith.mulf %add3A_974, %convert_element_type3A_969 : vector<128x128xf32>
    %reduce_sum3A_976 = arith.constant dense<0.000000e+00> : vector<128xf32>
    %reduce_sum3A_977 = vector.multi_reduction <add>, %mul3A_975, %reduce_sum3A_976 [0] : vector<128x128xf32> to vector<128xf32>
    %broadcast_in_dim3A_978 = vector.shape_cast %reduce_sum3A_977 : vector<128xf32> to vector<1x128xf32>
    %sub3A_979 = arith.constant 1.000000e+00 : f32
    %sub3A_980 = vector.broadcast %sub3A_979 : f32 to vector<1x128xf32>
    %sub3A_981 = arith.subf %broadcast_in_dim3A_978, %sub3A_980 : vector<1x128xf32>
    %convert_element_type3A_982 = arith.fptosi %sub3A_981 : vector<1x128xf32> to vector<1x128xi32>
    %swap3A_983 = arith.constant 0 : index
    %swap3A_984 = arith.constant 0 : index
    %swap3A_985 = arith.constant 1920 : index
    %swap3A_986 = vector.load %arg2[%swap3A_983, %swap3A_984, %swap3A_985] : memref<1x1x4096xi32, #tpu.memory_space<vmem>>, vector<1x1x128xi32>
    %swap3A_987 = vector.shape_cast %swap3A_986 : vector<1x1x128xi32> to vector<1x128xi32>
    %swap3A_988 = vector.shape_cast %convert_element_type3A_982 : vector<1x128xi32> to vector<1x1x128xi32>
    tpu.vector_store %arg2[%swap3A_983, %swap3A_984, %swap3A_985], %swap3A_988 {strides = array<i32>} : memref<1x1x4096xi32, #tpu.memory_space<vmem>>, vector<1x1x128xi32>,
    %get3A_989 = arith.constant 0 : index
    %get3A_990 = arith.constant 0 : index
    %get3A_991 = arith.constant 2048 : index
    %get3A_992 = vector.load %arg1[%get3A_989, %get3A_990, %get3A_991] : memref<1x1x4096xi32, #tpu.memory_space<vmem>>, vector<1x1x128xi32>
    %get3A_993 = vector.shape_cast %get3A_992 : vector<1x1x128xi32> to vector<128xi32>
    %broadcast_in_dim3A_994 = vector.shape_cast %get3A_993 : vector<128xi32> to vector<1x128xi32>
    %eq3A_995 = vector.broadcast %broadcast_in_dim3A_994 : vector<1x128xi32> to vector<128x128xi32>
    %eq3A_996 = arith.cmpi eq, %eq3A_995, %iota3A : vector<128x128xi32>
    %convert_element_type3A_997 = arith.extui %eq3A_996 : vector<128x128xi1> to vector<128x128xi32>
    %convert_element_type3A_998 = arith.sitofp %convert_element_type3A_997 : vector<128x128xi32> to vector<128x128xf32>
    %dot_general3A_999 = arith.constant dense<0.000000e+00> : vector<128x128xf32>
    %dot_general3A_1000 = tpu.matmul %convert_element_type3A_998, %convert_element_type3A_2, %dot_general3A_999 {dimension_numbers = #tpu.dot_dimension_numbers<[1], [0], [0], [1], [0, 0, 1, 1], [], []>, precision = #tpu.contract_precision<fp32>, transpose_lhs_hint = false} : vector<128x128xf32>, vector<128x128xf32>, vector<128x128xf32> -> vector<128x128xf32>
    %slice3A_1001 = vector.extract_strided_slice %add3A_527 {offsets = [0, 16], sizes = [128, 1], strides = [1, 1]} : vector<128x32xf32> to vector<128x1xf32>
    %add3A_1002 = vector.broadcast %slice3A_1001 : vector<128x1xf32> to vector<128x128xf32>
    %add3A_1003 = arith.addf %dot_general3A_1000, %add3A_1002 : vector<128x128xf32>
    %mul3A_1004 = arith.mulf %add3A_1003, %convert_element_type3A_998 : vector<128x128xf32>
    %reduce_sum3A_1005 = arith.constant dense<0.000000e+00> : vector<128xf32>
    %reduce_sum3A_1006 = vector.multi_reduction <add>, %mul3A_1004, %reduce_sum3A_1005 [0] : vector<128x128xf32> to vector<128xf32>
    %broadcast_in_dim3A_1007 = vector.shape_cast %reduce_sum3A_1006 : vector<128xf32> to vector<1x128xf32>
    %sub3A_1008 = arith.constant 1.000000e+00 : f32
    %sub3A_1009 = vector.broadcast %sub3A_1008 : f32 to vector<1x128xf32>
    %sub3A_1010 = arith.subf %broadcast_in_dim3A_1007, %sub3A_1009 : vector<1x128xf32>
    %convert_element_type3A_1011 = arith.fptosi %sub3A_1010 : vector<1x128xf32> to vector<1x128xi32>
    %swap3A_1012 = arith.constant 0 : index
    %swap3A_1013 = arith.constant 0 : index
    %swap3A_1014 = arith.constant 2048 : index
    %swap3A_1015 = vector.load %arg2[%swap3A_1012, %swap3A_1013, %swap3A_1014] : memref<1x1x4096xi32, #tpu.memory_space<vmem>>, vector<1x1x128xi32>
    %swap3A_1016 = vector.shape_cast %swap3A_1015 : vector<1x1x128xi32> to vector<1x128xi32>
    %swap3A_1017 = vector.shape_cast %convert_element_type3A_1011 : vector<1x128xi32> to vector<1x1x128xi32>
    tpu.vector_store %arg2[%swap3A_1012, %swap3A_1013, %swap3A_1014], %swap3A_1017 {strides = array<i32>} : memref<1x1x4096xi32, #tpu.memory_space<vmem>>, vector<1x1x128xi32>,
    %get3A_1018 = arith.constant 0 : index
    %get3A_1019 = arith.constant 0 : index
    %get3A_1020 = arith.constant 2176 : index
    %get3A_1021 = vector.load %arg1[%get3A_1018, %get3A_1019, %get3A_1020] : memref<1x1x4096xi32, #tpu.memory_space<vmem>>, vector<1x1x128xi32>
    %get3A_1022 = vector.shape_cast %get3A_1021 : vector<1x1x128xi32> to vector<128xi32>
    %broadcast_in_dim3A_1023 = vector.shape_cast %get3A_1022 : vector<128xi32> to vector<1x128xi32>
    %eq3A_1024 = vector.broadcast %broadcast_in_dim3A_1023 : vector<1x128xi32> to vector<128x128xi32>
    %eq3A_1025 = arith.cmpi eq, %eq3A_1024, %iota3A : vector<128x128xi32>
    %convert_element_type3A_1026 = arith.extui %eq3A_1025 : vector<128x128xi1> to vector<128x128xi32>
    %convert_element_type3A_1027 = arith.sitofp %convert_element_type3A_1026 : vector<128x128xi32> to vector<128x128xf32>
    %dot_general3A_1028 = arith.constant dense<0.000000e+00> : vector<128x128xf32>
    %dot_general3A_1029 = tpu.matmul %convert_element_type3A_1027, %convert_element_type3A_2, %dot_general3A_1028 {dimension_numbers = #tpu.dot_dimension_numbers<[1], [0], [0], [1], [0, 0, 1, 1], [], []>, precision = #tpu.contract_precision<fp32>, transpose_lhs_hint = false} : vector<128x128xf32>, vector<128x128xf32>, vector<128x128xf32> -> vector<128x128xf32>
    %slice3A_1030 = vector.extract_strided_slice %add3A_527 {offsets = [0, 17], sizes = [128, 1], strides = [1, 1]} : vector<128x32xf32> to vector<128x1xf32>
    %add3A_1031 = vector.broadcast %slice3A_1030 : vector<128x1xf32> to vector<128x128xf32>
    %add3A_1032 = arith.addf %dot_general3A_1029, %add3A_1031 : vector<128x128xf32>
    %mul3A_1033 = arith.mulf %add3A_1032, %convert_element_type3A_1027 : vector<128x128xf32>
    %reduce_sum3A_1034 = arith.constant dense<0.000000e+00> : vector<128xf32>
    %reduce_sum3A_1035 = vector.multi_reduction <add>, %mul3A_1033, %reduce_sum3A_1034 [0] : vector<128x128xf32> to vector<128xf32>
    %broadcast_in_dim3A_1036 = vector.shape_cast %reduce_sum3A_1035 : vector<128xf32> to vector<1x128xf32>
    %sub3A_1037 = arith.constant 1.000000e+00 : f32
    %sub3A_1038 = vector.broadcast %sub3A_1037 : f32 to vector<1x128xf32>
    %sub3A_1039 = arith.subf %broadcast_in_dim3A_1036, %sub3A_1038 : vector<1x128xf32>
    %convert_element_type3A_1040 = arith.fptosi %sub3A_1039 : vector<1x128xf32> to vector<1x128xi32>
    %swap3A_1041 = arith.constant 0 : index
    %swap3A_1042 = arith.constant 0 : index
    %swap3A_1043 = arith.constant 2176 : index
    %swap3A_1044 = vector.load %arg2[%swap3A_1041, %swap3A_1042, %swap3A_1043] : memref<1x1x4096xi32, #tpu.memory_space<vmem>>, vector<1x1x128xi32>
    %swap3A_1045 = vector.shape_cast %swap3A_1044 : vector<1x1x128xi32> to vector<1x128xi32>
    %swap3A_1046 = vector.shape_cast %convert_element_type3A_1040 : vector<1x128xi32> to vector<1x1x128xi32>
    tpu.vector_store %arg2[%swap3A_1041, %swap3A_1042, %swap3A_1043], %swap3A_1046 {strides = array<i32>} : memref<1x1x4096xi32, #tpu.memory_space<vmem>>, vector<1x1x128xi32>,
    %get3A_1047 = arith.constant 0 : index
    %get3A_1048 = arith.constant 0 : index
    %get3A_1049 = arith.constant 2304 : index
    %get3A_1050 = vector.load %arg1[%get3A_1047, %get3A_1048, %get3A_1049] : memref<1x1x4096xi32, #tpu.memory_space<vmem>>, vector<1x1x128xi32>
    %get3A_1051 = vector.shape_cast %get3A_1050 : vector<1x1x128xi32> to vector<128xi32>
    %broadcast_in_dim3A_1052 = vector.shape_cast %get3A_1051 : vector<128xi32> to vector<1x128xi32>
    %eq3A_1053 = vector.broadcast %broadcast_in_dim3A_1052 : vector<1x128xi32> to vector<128x128xi32>
    %eq3A_1054 = arith.cmpi eq, %eq3A_1053, %iota3A : vector<128x128xi32>
    %convert_element_type3A_1055 = arith.extui %eq3A_1054 : vector<128x128xi1> to vector<128x128xi32>
    %convert_element_type3A_1056 = arith.sitofp %convert_element_type3A_1055 : vector<128x128xi32> to vector<128x128xf32>
    %dot_general3A_1057 = arith.constant dense<0.000000e+00> : vector<128x128xf32>
    %dot_general3A_1058 = tpu.matmul %convert_element_type3A_1056, %convert_element_type3A_2, %dot_general3A_1057 {dimension_numbers = #tpu.dot_dimension_numbers<[1], [0], [0], [1], [0, 0, 1, 1], [], []>, precision = #tpu.contract_precision<fp32>, transpose_lhs_hint = false} : vector<128x128xf32>, vector<128x128xf32>, vector<128x128xf32> -> vector<128x128xf32>
    %slice3A_1059 = vector.extract_strided_slice %add3A_527 {offsets = [0, 18], sizes = [128, 1], strides = [1, 1]} : vector<128x32xf32> to vector<128x1xf32>
    %add3A_1060 = vector.broadcast %slice3A_1059 : vector<128x1xf32> to vector<128x128xf32>
    %add3A_1061 = arith.addf %dot_general3A_1058, %add3A_1060 : vector<128x128xf32>
    %mul3A_1062 = arith.mulf %add3A_1061, %convert_element_type3A_1056 : vector<128x128xf32>
    %reduce_sum3A_1063 = arith.constant dense<0.000000e+00> : vector<128xf32>
    %reduce_sum3A_1064 = vector.multi_reduction <add>, %mul3A_1062, %reduce_sum3A_1063 [0] : vector<128x128xf32> to vector<128xf32>
    %broadcast_in_dim3A_1065 = vector.shape_cast %reduce_sum3A_1064 : vector<128xf32> to vector<1x128xf32>
    %sub3A_1066 = arith.constant 1.000000e+00 : f32
    %sub3A_1067 = vector.broadcast %sub3A_1066 : f32 to vector<1x128xf32>
    %sub3A_1068 = arith.subf %broadcast_in_dim3A_1065, %sub3A_1067 : vector<1x128xf32>
    %convert_element_type3A_1069 = arith.fptosi %sub3A_1068 : vector<1x128xf32> to vector<1x128xi32>
    %swap3A_1070 = arith.constant 0 : index
    %swap3A_1071 = arith.constant 0 : index
    %swap3A_1072 = arith.constant 2304 : index
    %swap3A_1073 = vector.load %arg2[%swap3A_1070, %swap3A_1071, %swap3A_1072] : memref<1x1x4096xi32, #tpu.memory_space<vmem>>, vector<1x1x128xi32>
    %swap3A_1074 = vector.shape_cast %swap3A_1073 : vector<1x1x128xi32> to vector<1x128xi32>
    %swap3A_1075 = vector.shape_cast %convert_element_type3A_1069 : vector<1x128xi32> to vector<1x1x128xi32>
    tpu.vector_store %arg2[%swap3A_1070, %swap3A_1071, %swap3A_1072], %swap3A_1075 {strides = array<i32>} : memref<1x1x4096xi32, #tpu.memory_space<vmem>>, vector<1x1x128xi32>,
    %get3A_1076 = arith.constant 0 : index
    %get3A_1077 = arith.constant 0 : index
    %get3A_1078 = arith.constant 2432 : index
    %get3A_1079 = vector.load %arg1[%get3A_1076, %get3A_1077, %get3A_1078] : memref<1x1x4096xi32, #tpu.memory_space<vmem>>, vector<1x1x128xi32>
    %get3A_1080 = vector.shape_cast %get3A_1079 : vector<1x1x128xi32> to vector<128xi32>
    %broadcast_in_dim3A_1081 = vector.shape_cast %get3A_1080 : vector<128xi32> to vector<1x128xi32>
    %eq3A_1082 = vector.broadcast %broadcast_in_dim3A_1081 : vector<1x128xi32> to vector<128x128xi32>
    %eq3A_1083 = arith.cmpi eq, %eq3A_1082, %iota3A : vector<128x128xi32>
    %convert_element_type3A_1084 = arith.extui %eq3A_1083 : vector<128x128xi1> to vector<128x128xi32>
    %convert_element_type3A_1085 = arith.sitofp %convert_element_type3A_1084 : vector<128x128xi32> to vector<128x128xf32>
    %dot_general3A_1086 = arith.constant dense<0.000000e+00> : vector<128x128xf32>
    %dot_general3A_1087 = tpu.matmul %convert_element_type3A_1085, %convert_element_type3A_2, %dot_general3A_1086 {dimension_numbers = #tpu.dot_dimension_numbers<[1], [0], [0], [1], [0, 0, 1, 1], [], []>, precision = #tpu.contract_precision<fp32>, transpose_lhs_hint = false} : vector<128x128xf32>, vector<128x128xf32>, vector<128x128xf32> -> vector<128x128xf32>
    %slice3A_1088 = vector.extract_strided_slice %add3A_527 {offsets = [0, 19], sizes = [128, 1], strides = [1, 1]} : vector<128x32xf32> to vector<128x1xf32>
    %add3A_1089 = vector.broadcast %slice3A_1088 : vector<128x1xf32> to vector<128x128xf32>
    %add3A_1090 = arith.addf %dot_general3A_1087, %add3A_1089 : vector<128x128xf32>
    %mul3A_1091 = arith.mulf %add3A_1090, %convert_element_type3A_1085 : vector<128x128xf32>
    %reduce_sum3A_1092 = arith.constant dense<0.000000e+00> : vector<128xf32>
    %reduce_sum3A_1093 = vector.multi_reduction <add>, %mul3A_1091, %reduce_sum3A_1092 [0] : vector<128x128xf32> to vector<128xf32>
    %broadcast_in_dim3A_1094 = vector.shape_cast %reduce_sum3A_1093 : vector<128xf32> to vector<1x128xf32>
    %sub3A_1095 = arith.constant 1.000000e+00 : f32
    %sub3A_1096 = vector.broadcast %sub3A_1095 : f32 to vector<1x128xf32>
    %sub3A_1097 = arith.subf %broadcast_in_dim3A_1094, %sub3A_1096 : vector<1x128xf32>
    %convert_element_type3A_1098 = arith.fptosi %sub3A_1097 : vector<1x128xf32> to vector<1x128xi32>
    %swap3A_1099 = arith.constant 0 : index
    %swap3A_1100 = arith.constant 0 : index
    %swap3A_1101 = arith.constant 2432 : index
    %swap3A_1102 = vector.load %arg2[%swap3A_1099, %swap3A_1100, %swap3A_1101] : memref<1x1x4096xi32, #tpu.memory_space<vmem>>, vector<1x1x128xi32>
    %swap3A_1103 = vector.shape_cast %swap3A_1102 : vector<1x1x128xi32> to vector<1x128xi32>
    %swap3A_1104 = vector.shape_cast %convert_element_type3A_1098 : vector<1x128xi32> to vector<1x1x128xi32>
    tpu.vector_store %arg2[%swap3A_1099, %swap3A_1100, %swap3A_1101], %swap3A_1104 {strides = array<i32>} : memref<1x1x4096xi32, #tpu.memory_space<vmem>>, vector<1x1x128xi32>,
    %get3A_1105 = arith.constant 0 : index
    %get3A_1106 = arith.constant 0 : index
    %get3A_1107 = arith.constant 2560 : index
    %get3A_1108 = vector.load %arg1[%get3A_1105, %get3A_1106, %get3A_1107] : memref<1x1x4096xi32, #tpu.memory_space<vmem>>, vector<1x1x128xi32>
    %get3A_1109 = vector.shape_cast %get3A_1108 : vector<1x1x128xi32> to vector<128xi32>
    %broadcast_in_dim3A_1110 = vector.shape_cast %get3A_1109 : vector<128xi32> to vector<1x128xi32>
    %eq3A_1111 = vector.broadcast %broadcast_in_dim3A_1110 : vector<1x128xi32> to vector<128x128xi32>
    %eq3A_1112 = arith.cmpi eq, %eq3A_1111, %iota3A : vector<128x128xi32>
    %convert_element_type3A_1113 = arith.extui %eq3A_1112 : vector<128x128xi1> to vector<128x128xi32>
    %convert_element_type3A_1114 = arith.sitofp %convert_element_type3A_1113 : vector<128x128xi32> to vector<128x128xf32>
    %dot_general3A_1115 = arith.constant dense<0.000000e+00> : vector<128x128xf32>
    %dot_general3A_1116 = tpu.matmul %convert_element_type3A_1114, %convert_element_type3A_2, %dot_general3A_1115 {dimension_numbers = #tpu.dot_dimension_numbers<[1], [0], [0], [1], [0, 0, 1, 1], [], []>, precision = #tpu.contract_precision<fp32>, transpose_lhs_hint = false} : vector<128x128xf32>, vector<128x128xf32>, vector<128x128xf32> -> vector<128x128xf32>
    %slice3A_1117 = vector.extract_strided_slice %add3A_527 {offsets = [0, 20], sizes = [128, 1], strides = [1, 1]} : vector<128x32xf32> to vector<128x1xf32>
    %add3A_1118 = vector.broadcast %slice3A_1117 : vector<128x1xf32> to vector<128x128xf32>
    %add3A_1119 = arith.addf %dot_general3A_1116, %add3A_1118 : vector<128x128xf32>
    %mul3A_1120 = arith.mulf %add3A_1119, %convert_element_type3A_1114 : vector<128x128xf32>
    %reduce_sum3A_1121 = arith.constant dense<0.000000e+00> : vector<128xf32>
    %reduce_sum3A_1122 = vector.multi_reduction <add>, %mul3A_1120, %reduce_sum3A_1121 [0] : vector<128x128xf32> to vector<128xf32>
    %broadcast_in_dim3A_1123 = vector.shape_cast %reduce_sum3A_1122 : vector<128xf32> to vector<1x128xf32>
    %sub3A_1124 = arith.constant 1.000000e+00 : f32
    %sub3A_1125 = vector.broadcast %sub3A_1124 : f32 to vector<1x128xf32>
    %sub3A_1126 = arith.subf %broadcast_in_dim3A_1123, %sub3A_1125 : vector<1x128xf32>
    %convert_element_type3A_1127 = arith.fptosi %sub3A_1126 : vector<1x128xf32> to vector<1x128xi32>
    %swap3A_1128 = arith.constant 0 : index
    %swap3A_1129 = arith.constant 0 : index
    %swap3A_1130 = arith.constant 2560 : index
    %swap3A_1131 = vector.load %arg2[%swap3A_1128, %swap3A_1129, %swap3A_1130] : memref<1x1x4096xi32, #tpu.memory_space<vmem>>, vector<1x1x128xi32>
    %swap3A_1132 = vector.shape_cast %swap3A_1131 : vector<1x1x128xi32> to vector<1x128xi32>
    %swap3A_1133 = vector.shape_cast %convert_element_type3A_1127 : vector<1x128xi32> to vector<1x1x128xi32>
    tpu.vector_store %arg2[%swap3A_1128, %swap3A_1129, %swap3A_1130], %swap3A_1133 {strides = array<i32>} : memref<1x1x4096xi32, #tpu.memory_space<vmem>>, vector<1x1x128xi32>,
    %get3A_1134 = arith.constant 0 : index
    %get3A_1135 = arith.constant 0 : index
    %get3A_1136 = arith.constant 2688 : index
    %get3A_1137 = vector.load %arg1[%get3A_1134, %get3A_1135, %get3A_1136] : memref<1x1x4096xi32, #tpu.memory_space<vmem>>, vector<1x1x128xi32>
    %get3A_1138 = vector.shape_cast %get3A_1137 : vector<1x1x128xi32> to vector<128xi32>
    %broadcast_in_dim3A_1139 = vector.shape_cast %get3A_1138 : vector<128xi32> to vector<1x128xi32>
    %eq3A_1140 = vector.broadcast %broadcast_in_dim3A_1139 : vector<1x128xi32> to vector<128x128xi32>
    %eq3A_1141 = arith.cmpi eq, %eq3A_1140, %iota3A : vector<128x128xi32>
    %convert_element_type3A_1142 = arith.extui %eq3A_1141 : vector<128x128xi1> to vector<128x128xi32>
    %convert_element_type3A_1143 = arith.sitofp %convert_element_type3A_1142 : vector<128x128xi32> to vector<128x128xf32>
    %dot_general3A_1144 = arith.constant dense<0.000000e+00> : vector<128x128xf32>
    %dot_general3A_1145 = tpu.matmul %convert_element_type3A_1143, %convert_element_type3A_2, %dot_general3A_1144 {dimension_numbers = #tpu.dot_dimension_numbers<[1], [0], [0], [1], [0, 0, 1, 1], [], []>, precision = #tpu.contract_precision<fp32>, transpose_lhs_hint = false} : vector<128x128xf32>, vector<128x128xf32>, vector<128x128xf32> -> vector<128x128xf32>
    %slice3A_1146 = vector.extract_strided_slice %add3A_527 {offsets = [0, 21], sizes = [128, 1], strides = [1, 1]} : vector<128x32xf32> to vector<128x1xf32>
    %add3A_1147 = vector.broadcast %slice3A_1146 : vector<128x1xf32> to vector<128x128xf32>
    %add3A_1148 = arith.addf %dot_general3A_1145, %add3A_1147 : vector<128x128xf32>
    %mul3A_1149 = arith.mulf %add3A_1148, %convert_element_type3A_1143 : vector<128x128xf32>
    %reduce_sum3A_1150 = arith.constant dense<0.000000e+00> : vector<128xf32>
    %reduce_sum3A_1151 = vector.multi_reduction <add>, %mul3A_1149, %reduce_sum3A_1150 [0] : vector<128x128xf32> to vector<128xf32>
    %broadcast_in_dim3A_1152 = vector.shape_cast %reduce_sum3A_1151 : vector<128xf32> to vector<1x128xf32>
    %sub3A_1153 = arith.constant 1.000000e+00 : f32
    %sub3A_1154 = vector.broadcast %sub3A_1153 : f32 to vector<1x128xf32>
    %sub3A_1155 = arith.subf %broadcast_in_dim3A_1152, %sub3A_1154 : vector<1x128xf32>
    %convert_element_type3A_1156 = arith.fptosi %sub3A_1155 : vector<1x128xf32> to vector<1x128xi32>
    %swap3A_1157 = arith.constant 0 : index
    %swap3A_1158 = arith.constant 0 : index
    %swap3A_1159 = arith.constant 2688 : index
    %swap3A_1160 = vector.load %arg2[%swap3A_1157, %swap3A_1158, %swap3A_1159] : memref<1x1x4096xi32, #tpu.memory_space<vmem>>, vector<1x1x128xi32>
    %swap3A_1161 = vector.shape_cast %swap3A_1160 : vector<1x1x128xi32> to vector<1x128xi32>
    %swap3A_1162 = vector.shape_cast %convert_element_type3A_1156 : vector<1x128xi32> to vector<1x1x128xi32>
    tpu.vector_store %arg2[%swap3A_1157, %swap3A_1158, %swap3A_1159], %swap3A_1162 {strides = array<i32>} : memref<1x1x4096xi32, #tpu.memory_space<vmem>>, vector<1x1x128xi32>,
    %get3A_1163 = arith.constant 0 : index
    %get3A_1164 = arith.constant 0 : index
    %get3A_1165 = arith.constant 2816 : index
    %get3A_1166 = vector.load %arg1[%get3A_1163, %get3A_1164, %get3A_1165] : memref<1x1x4096xi32, #tpu.memory_space<vmem>>, vector<1x1x128xi32>
    %get3A_1167 = vector.shape_cast %get3A_1166 : vector<1x1x128xi32> to vector<128xi32>
    %broadcast_in_dim3A_1168 = vector.shape_cast %get3A_1167 : vector<128xi32> to vector<1x128xi32>
    %eq3A_1169 = vector.broadcast %broadcast_in_dim3A_1168 : vector<1x128xi32> to vector<128x128xi32>
    %eq3A_1170 = arith.cmpi eq, %eq3A_1169, %iota3A : vector<128x128xi32>
    %convert_element_type3A_1171 = arith.extui %eq3A_1170 : vector<128x128xi1> to vector<128x128xi32>
    %convert_element_type3A_1172 = arith.sitofp %convert_element_type3A_1171 : vector<128x128xi32> to vector<128x128xf32>
    %dot_general3A_1173 = arith.constant dense<0.000000e+00> : vector<128x128xf32>
    %dot_general3A_1174 = tpu.matmul %convert_element_type3A_1172, %convert_element_type3A_2, %dot_general3A_1173 {dimension_numbers = #tpu.dot_dimension_numbers<[1], [0], [0], [1], [0, 0, 1, 1], [], []>, precision = #tpu.contract_precision<fp32>, transpose_lhs_hint = false} : vector<128x128xf32>, vector<128x128xf32>, vector<128x128xf32> -> vector<128x128xf32>
    %slice3A_1175 = vector.extract_strided_slice %add3A_527 {offsets = [0, 22], sizes = [128, 1], strides = [1, 1]} : vector<128x32xf32> to vector<128x1xf32>
    %add3A_1176 = vector.broadcast %slice3A_1175 : vector<128x1xf32> to vector<128x128xf32>
    %add3A_1177 = arith.addf %dot_general3A_1174, %add3A_1176 : vector<128x128xf32>
    %mul3A_1178 = arith.mulf %add3A_1177, %convert_element_type3A_1172 : vector<128x128xf32>
    %reduce_sum3A_1179 = arith.constant dense<0.000000e+00> : vector<128xf32>
    %reduce_sum3A_1180 = vector.multi_reduction <add>, %mul3A_1178, %reduce_sum3A_1179 [0] : vector<128x128xf32> to vector<128xf32>
    %broadcast_in_dim3A_1181 = vector.shape_cast %reduce_sum3A_1180 : vector<128xf32> to vector<1x128xf32>
    %sub3A_1182 = arith.constant 1.000000e+00 : f32
    %sub3A_1183 = vector.broadcast %sub3A_1182 : f32 to vector<1x128xf32>
    %sub3A_1184 = arith.subf %broadcast_in_dim3A_1181, %sub3A_1183 : vector<1x128xf32>
    %convert_element_type3A_1185 = arith.fptosi %sub3A_1184 : vector<1x128xf32> to vector<1x128xi32>
    %swap3A_1186 = arith.constant 0 : index
    %swap3A_1187 = arith.constant 0 : index
    %swap3A_1188 = arith.constant 2816 : index
    %swap3A_1189 = vector.load %arg2[%swap3A_1186, %swap3A_1187, %swap3A_1188] : memref<1x1x4096xi32, #tpu.memory_space<vmem>>, vector<1x1x128xi32>
    %swap3A_1190 = vector.shape_cast %swap3A_1189 : vector<1x1x128xi32> to vector<1x128xi32>
    %swap3A_1191 = vector.shape_cast %convert_element_type3A_1185 : vector<1x128xi32> to vector<1x1x128xi32>
    tpu.vector_store %arg2[%swap3A_1186, %swap3A_1187, %swap3A_1188], %swap3A_1191 {strides = array<i32>} : memref<1x1x4096xi32, #tpu.memory_space<vmem>>, vector<1x1x128xi32>,
    %get3A_1192 = arith.constant 0 : index
    %get3A_1193 = arith.constant 0 : index
    %get3A_1194 = arith.constant 2944 : index
    %get3A_1195 = vector.load %arg1[%get3A_1192, %get3A_1193, %get3A_1194] : memref<1x1x4096xi32, #tpu.memory_space<vmem>>, vector<1x1x128xi32>
    %get3A_1196 = vector.shape_cast %get3A_1195 : vector<1x1x128xi32> to vector<128xi32>
    %broadcast_in_dim3A_1197 = vector.shape_cast %get3A_1196 : vector<128xi32> to vector<1x128xi32>
    %eq3A_1198 = vector.broadcast %broadcast_in_dim3A_1197 : vector<1x128xi32> to vector<128x128xi32>
    %eq3A_1199 = arith.cmpi eq, %eq3A_1198, %iota3A : vector<128x128xi32>
    %convert_element_type3A_1200 = arith.extui %eq3A_1199 : vector<128x128xi1> to vector<128x128xi32>
    %convert_element_type3A_1201 = arith.sitofp %convert_element_type3A_1200 : vector<128x128xi32> to vector<128x128xf32>
    %dot_general3A_1202 = arith.constant dense<0.000000e+00> : vector<128x128xf32>
    %dot_general3A_1203 = tpu.matmul %convert_element_type3A_1201, %convert_element_type3A_2, %dot_general3A_1202 {dimension_numbers = #tpu.dot_dimension_numbers<[1], [0], [0], [1], [0, 0, 1, 1], [], []>, precision = #tpu.contract_precision<fp32>, transpose_lhs_hint = false} : vector<128x128xf32>, vector<128x128xf32>, vector<128x128xf32> -> vector<128x128xf32>
    %slice3A_1204 = vector.extract_strided_slice %add3A_527 {offsets = [0, 23], sizes = [128, 1], strides = [1, 1]} : vector<128x32xf32> to vector<128x1xf32>
    %add3A_1205 = vector.broadcast %slice3A_1204 : vector<128x1xf32> to vector<128x128xf32>
    %add3A_1206 = arith.addf %dot_general3A_1203, %add3A_1205 : vector<128x128xf32>
    %mul3A_1207 = arith.mulf %add3A_1206, %convert_element_type3A_1201 : vector<128x128xf32>
    %reduce_sum3A_1208 = arith.constant dense<0.000000e+00> : vector<128xf32>
    %reduce_sum3A_1209 = vector.multi_reduction <add>, %mul3A_1207, %reduce_sum3A_1208 [0] : vector<128x128xf32> to vector<128xf32>
    %broadcast_in_dim3A_1210 = vector.shape_cast %reduce_sum3A_1209 : vector<128xf32> to vector<1x128xf32>
    %sub3A_1211 = arith.constant 1.000000e+00 : f32
    %sub3A_1212 = vector.broadcast %sub3A_1211 : f32 to vector<1x128xf32>
    %sub3A_1213 = arith.subf %broadcast_in_dim3A_1210, %sub3A_1212 : vector<1x128xf32>
    %convert_element_type3A_1214 = arith.fptosi %sub3A_1213 : vector<1x128xf32> to vector<1x128xi32>
    %swap3A_1215 = arith.constant 0 : index
    %swap3A_1216 = arith.constant 0 : index
    %swap3A_1217 = arith.constant 2944 : index
    %swap3A_1218 = vector.load %arg2[%swap3A_1215, %swap3A_1216, %swap3A_1217] : memref<1x1x4096xi32, #tpu.memory_space<vmem>>, vector<1x1x128xi32>
    %swap3A_1219 = vector.shape_cast %swap3A_1218 : vector<1x1x128xi32> to vector<1x128xi32>
    %swap3A_1220 = vector.shape_cast %convert_element_type3A_1214 : vector<1x128xi32> to vector<1x1x128xi32>
    tpu.vector_store %arg2[%swap3A_1215, %swap3A_1216, %swap3A_1217], %swap3A_1220 {strides = array<i32>} : memref<1x1x4096xi32, #tpu.memory_space<vmem>>, vector<1x1x128xi32>,
    %get3A_1221 = arith.constant 0 : index
    %get3A_1222 = arith.constant 0 : index
    %get3A_1223 = arith.constant 3072 : index
    %get3A_1224 = vector.load %arg1[%get3A_1221, %get3A_1222, %get3A_1223] : memref<1x1x4096xi32, #tpu.memory_space<vmem>>, vector<1x1x128xi32>
    %get3A_1225 = vector.shape_cast %get3A_1224 : vector<1x1x128xi32> to vector<128xi32>
    %broadcast_in_dim3A_1226 = vector.shape_cast %get3A_1225 : vector<128xi32> to vector<1x128xi32>
    %eq3A_1227 = vector.broadcast %broadcast_in_dim3A_1226 : vector<1x128xi32> to vector<128x128xi32>
    %eq3A_1228 = arith.cmpi eq, %eq3A_1227, %iota3A : vector<128x128xi32>
    %convert_element_type3A_1229 = arith.extui %eq3A_1228 : vector<128x128xi1> to vector<128x128xi32>
    %convert_element_type3A_1230 = arith.sitofp %convert_element_type3A_1229 : vector<128x128xi32> to vector<128x128xf32>
    %dot_general3A_1231 = arith.constant dense<0.000000e+00> : vector<128x128xf32>
    %dot_general3A_1232 = tpu.matmul %convert_element_type3A_1230, %convert_element_type3A_2, %dot_general3A_1231 {dimension_numbers = #tpu.dot_dimension_numbers<[1], [0], [0], [1], [0, 0, 1, 1], [], []>, precision = #tpu.contract_precision<fp32>, transpose_lhs_hint = false} : vector<128x128xf32>, vector<128x128xf32>, vector<128x128xf32> -> vector<128x128xf32>
    %slice3A_1233 = vector.extract_strided_slice %add3A_527 {offsets = [0, 24], sizes = [128, 1], strides = [1, 1]} : vector<128x32xf32> to vector<128x1xf32>
    %add3A_1234 = vector.broadcast %slice3A_1233 : vector<128x1xf32> to vector<128x128xf32>
    %add3A_1235 = arith.addf %dot_general3A_1232, %add3A_1234 : vector<128x128xf32>
    %mul3A_1236 = arith.mulf %add3A_1235, %convert_element_type3A_1230 : vector<128x128xf32>
    %reduce_sum3A_1237 = arith.constant dense<0.000000e+00> : vector<128xf32>
    %reduce_sum3A_1238 = vector.multi_reduction <add>, %mul3A_1236, %reduce_sum3A_1237 [0] : vector<128x128xf32> to vector<128xf32>
    %broadcast_in_dim3A_1239 = vector.shape_cast %reduce_sum3A_1238 : vector<128xf32> to vector<1x128xf32>
    %sub3A_1240 = arith.constant 1.000000e+00 : f32
    %sub3A_1241 = vector.broadcast %sub3A_1240 : f32 to vector<1x128xf32>
    %sub3A_1242 = arith.subf %broadcast_in_dim3A_1239, %sub3A_1241 : vector<1x128xf32>
    %convert_element_type3A_1243 = arith.fptosi %sub3A_1242 : vector<1x128xf32> to vector<1x128xi32>
    %swap3A_1244 = arith.constant 0 : index
    %swap3A_1245 = arith.constant 0 : index
    %swap3A_1246 = arith.constant 3072 : index
    %swap3A_1247 = vector.load %arg2[%swap3A_1244, %swap3A_1245, %swap3A_1246] : memref<1x1x4096xi32, #tpu.memory_space<vmem>>, vector<1x1x128xi32>
    %swap3A_1248 = vector.shape_cast %swap3A_1247 : vector<1x1x128xi32> to vector<1x128xi32>
    %swap3A_1249 = vector.shape_cast %convert_element_type3A_1243 : vector<1x128xi32> to vector<1x1x128xi32>
    tpu.vector_store %arg2[%swap3A_1244, %swap3A_1245, %swap3A_1246], %swap3A_1249 {strides = array<i32>} : memref<1x1x4096xi32, #tpu.memory_space<vmem>>, vector<1x1x128xi32>,
    %get3A_1250 = arith.constant 0 : index
    %get3A_1251 = arith.constant 0 : index
    %get3A_1252 = arith.constant 3200 : index
    %get3A_1253 = vector.load %arg1[%get3A_1250, %get3A_1251, %get3A_1252] : memref<1x1x4096xi32, #tpu.memory_space<vmem>>, vector<1x1x128xi32>
    %get3A_1254 = vector.shape_cast %get3A_1253 : vector<1x1x128xi32> to vector<128xi32>
    %broadcast_in_dim3A_1255 = vector.shape_cast %get3A_1254 : vector<128xi32> to vector<1x128xi32>
    %eq3A_1256 = vector.broadcast %broadcast_in_dim3A_1255 : vector<1x128xi32> to vector<128x128xi32>
    %eq3A_1257 = arith.cmpi eq, %eq3A_1256, %iota3A : vector<128x128xi32>
    %convert_element_type3A_1258 = arith.extui %eq3A_1257 : vector<128x128xi1> to vector<128x128xi32>
    %convert_element_type3A_1259 = arith.sitofp %convert_element_type3A_1258 : vector<128x128xi32> to vector<128x128xf32>
    %dot_general3A_1260 = arith.constant dense<0.000000e+00> : vector<128x128xf32>
    %dot_general3A_1261 = tpu.matmul %convert_element_type3A_1259, %convert_element_type3A_2, %dot_general3A_1260 {dimension_numbers = #tpu.dot_dimension_numbers<[1], [0], [0], [1], [0, 0, 1, 1], [], []>, precision = #tpu.contract_precision<fp32>, transpose_lhs_hint = false} : vector<128x128xf32>, vector<128x128xf32>, vector<128x128xf32> -> vector<128x128xf32>
    %slice3A_1262 = vector.extract_strided_slice %add3A_527 {offsets = [0, 25], sizes = [128, 1], strides = [1, 1]} : vector<128x32xf32> to vector<128x1xf32>
    %add3A_1263 = vector.broadcast %slice3A_1262 : vector<128x1xf32> to vector<128x128xf32>
    %add3A_1264 = arith.addf %dot_general3A_1261, %add3A_1263 : vector<128x128xf32>
    %mul3A_1265 = arith.mulf %add3A_1264, %convert_element_type3A_1259 : vector<128x128xf32>
    %reduce_sum3A_1266 = arith.constant dense<0.000000e+00> : vector<128xf32>
    %reduce_sum3A_1267 = vector.multi_reduction <add>, %mul3A_1265, %reduce_sum3A_1266 [0] : vector<128x128xf32> to vector<128xf32>
    %broadcast_in_dim3A_1268 = vector.shape_cast %reduce_sum3A_1267 : vector<128xf32> to vector<1x128xf32>
    %sub3A_1269 = arith.constant 1.000000e+00 : f32
    %sub3A_1270 = vector.broadcast %sub3A_1269 : f32 to vector<1x128xf32>
    %sub3A_1271 = arith.subf %broadcast_in_dim3A_1268, %sub3A_1270 : vector<1x128xf32>
    %convert_element_type3A_1272 = arith.fptosi %sub3A_1271 : vector<1x128xf32> to vector<1x128xi32>
    %swap3A_1273 = arith.constant 0 : index
    %swap3A_1274 = arith.constant 0 : index
    %swap3A_1275 = arith.constant 3200 : index
    %swap3A_1276 = vector.load %arg2[%swap3A_1273, %swap3A_1274, %swap3A_1275] : memref<1x1x4096xi32, #tpu.memory_space<vmem>>, vector<1x1x128xi32>
    %swap3A_1277 = vector.shape_cast %swap3A_1276 : vector<1x1x128xi32> to vector<1x128xi32>
    %swap3A_1278 = vector.shape_cast %convert_element_type3A_1272 : vector<1x128xi32> to vector<1x1x128xi32>
    tpu.vector_store %arg2[%swap3A_1273, %swap3A_1274, %swap3A_1275], %swap3A_1278 {strides = array<i32>} : memref<1x1x4096xi32, #tpu.memory_space<vmem>>, vector<1x1x128xi32>,
    %get3A_1279 = arith.constant 0 : index
    %get3A_1280 = arith.constant 0 : index
    %get3A_1281 = arith.constant 3328 : index
    %get3A_1282 = vector.load %arg1[%get3A_1279, %get3A_1280, %get3A_1281] : memref<1x1x4096xi32, #tpu.memory_space<vmem>>, vector<1x1x128xi32>
    %get3A_1283 = vector.shape_cast %get3A_1282 : vector<1x1x128xi32> to vector<128xi32>
    %broadcast_in_dim3A_1284 = vector.shape_cast %get3A_1283 : vector<128xi32> to vector<1x128xi32>
    %eq3A_1285 = vector.broadcast %broadcast_in_dim3A_1284 : vector<1x128xi32> to vector<128x128xi32>
    %eq3A_1286 = arith.cmpi eq, %eq3A_1285, %iota3A : vector<128x128xi32>
    %convert_element_type3A_1287 = arith.extui %eq3A_1286 : vector<128x128xi1> to vector<128x128xi32>
    %convert_element_type3A_1288 = arith.sitofp %convert_element_type3A_1287 : vector<128x128xi32> to vector<128x128xf32>
    %dot_general3A_1289 = arith.constant dense<0.000000e+00> : vector<128x128xf32>
    %dot_general3A_1290 = tpu.matmul %convert_element_type3A_1288, %convert_element_type3A_2, %dot_general3A_1289 {dimension_numbers = #tpu.dot_dimension_numbers<[1], [0], [0], [1], [0, 0, 1, 1], [], []>, precision = #tpu.contract_precision<fp32>, transpose_lhs_hint = false} : vector<128x128xf32>, vector<128x128xf32>, vector<128x128xf32> -> vector<128x128xf32>
    %slice3A_1291 = vector.extract_strided_slice %add3A_527 {offsets = [0, 26], sizes = [128, 1], strides = [1, 1]} : vector<128x32xf32> to vector<128x1xf32>
    %add3A_1292 = vector.broadcast %slice3A_1291 : vector<128x1xf32> to vector<128x128xf32>
    %add3A_1293 = arith.addf %dot_general3A_1290, %add3A_1292 : vector<128x128xf32>
    %mul3A_1294 = arith.mulf %add3A_1293, %convert_element_type3A_1288 : vector<128x128xf32>
    %reduce_sum3A_1295 = arith.constant dense<0.000000e+00> : vector<128xf32>
    %reduce_sum3A_1296 = vector.multi_reduction <add>, %mul3A_1294, %reduce_sum3A_1295 [0] : vector<128x128xf32> to vector<128xf32>
    %broadcast_in_dim3A_1297 = vector.shape_cast %reduce_sum3A_1296 : vector<128xf32> to vector<1x128xf32>
    %sub3A_1298 = arith.constant 1.000000e+00 : f32
    %sub3A_1299 = vector.broadcast %sub3A_1298 : f32 to vector<1x128xf32>
    %sub3A_1300 = arith.subf %broadcast_in_dim3A_1297, %sub3A_1299 : vector<1x128xf32>
    %convert_element_type3A_1301 = arith.fptosi %sub3A_1300 : vector<1x128xf32> to vector<1x128xi32>
    %swap3A_1302 = arith.constant 0 : index
    %swap3A_1303 = arith.constant 0 : index
    %swap3A_1304 = arith.constant 3328 : index
    %swap3A_1305 = vector.load %arg2[%swap3A_1302, %swap3A_1303, %swap3A_1304] : memref<1x1x4096xi32, #tpu.memory_space<vmem>>, vector<1x1x128xi32>
    %swap3A_1306 = vector.shape_cast %swap3A_1305 : vector<1x1x128xi32> to vector<1x128xi32>
    %swap3A_1307 = vector.shape_cast %convert_element_type3A_1301 : vector<1x128xi32> to vector<1x1x128xi32>
    tpu.vector_store %arg2[%swap3A_1302, %swap3A_1303, %swap3A_1304], %swap3A_1307 {strides = array<i32>} : memref<1x1x4096xi32, #tpu.memory_space<vmem>>, vector<1x1x128xi32>,
    %get3A_1308 = arith.constant 0 : index
    %get3A_1309 = arith.constant 0 : index
    %get3A_1310 = arith.constant 3456 : index
    %get3A_1311 = vector.load %arg1[%get3A_1308, %get3A_1309, %get3A_1310] : memref<1x1x4096xi32, #tpu.memory_space<vmem>>, vector<1x1x128xi32>
    %get3A_1312 = vector.shape_cast %get3A_1311 : vector<1x1x128xi32> to vector<128xi32>
    %broadcast_in_dim3A_1313 = vector.shape_cast %get3A_1312 : vector<128xi32> to vector<1x128xi32>
    %eq3A_1314 = vector.broadcast %broadcast_in_dim3A_1313 : vector<1x128xi32> to vector<128x128xi32>
    %eq3A_1315 = arith.cmpi eq, %eq3A_1314, %iota3A : vector<128x128xi32>
    %convert_element_type3A_1316 = arith.extui %eq3A_1315 : vector<128x128xi1> to vector<128x128xi32>
    %convert_element_type3A_1317 = arith.sitofp %convert_element_type3A_1316 : vector<128x128xi32> to vector<128x128xf32>
    %dot_general3A_1318 = arith.constant dense<0.000000e+00> : vector<128x128xf32>
    %dot_general3A_1319 = tpu.matmul %convert_element_type3A_1317, %convert_element_type3A_2, %dot_general3A_1318 {dimension_numbers = #tpu.dot_dimension_numbers<[1], [0], [0], [1], [0, 0, 1, 1], [], []>, precision = #tpu.contract_precision<fp32>, transpose_lhs_hint = false} : vector<128x128xf32>, vector<128x128xf32>, vector<128x128xf32> -> vector<128x128xf32>
    %slice3A_1320 = vector.extract_strided_slice %add3A_527 {offsets = [0, 27], sizes = [128, 1], strides = [1, 1]} : vector<128x32xf32> to vector<128x1xf32>
    %add3A_1321 = vector.broadcast %slice3A_1320 : vector<128x1xf32> to vector<128x128xf32>
    %add3A_1322 = arith.addf %dot_general3A_1319, %add3A_1321 : vector<128x128xf32>
    %mul3A_1323 = arith.mulf %add3A_1322, %convert_element_type3A_1317 : vector<128x128xf32>
    %reduce_sum3A_1324 = arith.constant dense<0.000000e+00> : vector<128xf32>
    %reduce_sum3A_1325 = vector.multi_reduction <add>, %mul3A_1323, %reduce_sum3A_1324 [0] : vector<128x128xf32> to vector<128xf32>
    %broadcast_in_dim3A_1326 = vector.shape_cast %reduce_sum3A_1325 : vector<128xf32> to vector<1x128xf32>
    %sub3A_1327 = arith.constant 1.000000e+00 : f32
    %sub3A_1328 = vector.broadcast %sub3A_1327 : f32 to vector<1x128xf32>
    %sub3A_1329 = arith.subf %broadcast_in_dim3A_1326, %sub3A_1328 : vector<1x128xf32>
    %convert_element_type3A_1330 = arith.fptosi %sub3A_1329 : vector<1x128xf32> to vector<1x128xi32>
    %swap3A_1331 = arith.constant 0 : index
    %swap3A_1332 = arith.constant 0 : index
    %swap3A_1333 = arith.constant 3456 : index
    %swap3A_1334 = vector.load %arg2[%swap3A_1331, %swap3A_1332, %swap3A_1333] : memref<1x1x4096xi32, #tpu.memory_space<vmem>>, vector<1x1x128xi32>
    %swap3A_1335 = vector.shape_cast %swap3A_1334 : vector<1x1x128xi32> to vector<1x128xi32>
    %swap3A_1336 = vector.shape_cast %convert_element_type3A_1330 : vector<1x128xi32> to vector<1x1x128xi32>
    tpu.vector_store %arg2[%swap3A_1331, %swap3A_1332, %swap3A_1333], %swap3A_1336 {strides = array<i32>} : memref<1x1x4096xi32, #tpu.memory_space<vmem>>, vector<1x1x128xi32>,
    %get3A_1337 = arith.constant 0 : index
    %get3A_1338 = arith.constant 0 : index
    %get3A_1339 = arith.constant 3584 : index
    %get3A_1340 = vector.load %arg1[%get3A_1337, %get3A_1338, %get3A_1339] : memref<1x1x4096xi32, #tpu.memory_space<vmem>>, vector<1x1x128xi32>
    %get3A_1341 = vector.shape_cast %get3A_1340 : vector<1x1x128xi32> to vector<128xi32>
    %broadcast_in_dim3A_1342 = vector.shape_cast %get3A_1341 : vector<128xi32> to vector<1x128xi32>
    %eq3A_1343 = vector.broadcast %broadcast_in_dim3A_1342 : vector<1x128xi32> to vector<128x128xi32>
    %eq3A_1344 = arith.cmpi eq, %eq3A_1343, %iota3A : vector<128x128xi32>
    %convert_element_type3A_1345 = arith.extui %eq3A_1344 : vector<128x128xi1> to vector<128x128xi32>
    %convert_element_type3A_1346 = arith.sitofp %convert_element_type3A_1345 : vector<128x128xi32> to vector<128x128xf32>
    %dot_general3A_1347 = arith.constant dense<0.000000e+00> : vector<128x128xf32>
    %dot_general3A_1348 = tpu.matmul %convert_element_type3A_1346, %convert_element_type3A_2, %dot_general3A_1347 {dimension_numbers = #tpu.dot_dimension_numbers<[1], [0], [0], [1], [0, 0, 1, 1], [], []>, precision = #tpu.contract_precision<fp32>, transpose_lhs_hint = false} : vector<128x128xf32>, vector<128x128xf32>, vector<128x128xf32> -> vector<128x128xf32>
    %slice3A_1349 = vector.extract_strided_slice %add3A_527 {offsets = [0, 28], sizes = [128, 1], strides = [1, 1]} : vector<128x32xf32> to vector<128x1xf32>
    %add3A_1350 = vector.broadcast %slice3A_1349 : vector<128x1xf32> to vector<128x128xf32>
    %add3A_1351 = arith.addf %dot_general3A_1348, %add3A_1350 : vector<128x128xf32>
    %mul3A_1352 = arith.mulf %add3A_1351, %convert_element_type3A_1346 : vector<128x128xf32>
    %reduce_sum3A_1353 = arith.constant dense<0.000000e+00> : vector<128xf32>
    %reduce_sum3A_1354 = vector.multi_reduction <add>, %mul3A_1352, %reduce_sum3A_1353 [0] : vector<128x128xf32> to vector<128xf32>
    %broadcast_in_dim3A_1355 = vector.shape_cast %reduce_sum3A_1354 : vector<128xf32> to vector<1x128xf32>
    %sub3A_1356 = arith.constant 1.000000e+00 : f32
    %sub3A_1357 = vector.broadcast %sub3A_1356 : f32 to vector<1x128xf32>
    %sub3A_1358 = arith.subf %broadcast_in_dim3A_1355, %sub3A_1357 : vector<1x128xf32>
    %convert_element_type3A_1359 = arith.fptosi %sub3A_1358 : vector<1x128xf32> to vector<1x128xi32>
    %swap3A_1360 = arith.constant 0 : index
    %swap3A_1361 = arith.constant 0 : index
    %swap3A_1362 = arith.constant 3584 : index
    %swap3A_1363 = vector.load %arg2[%swap3A_1360, %swap3A_1361, %swap3A_1362] : memref<1x1x4096xi32, #tpu.memory_space<vmem>>, vector<1x1x128xi32>
    %swap3A_1364 = vector.shape_cast %swap3A_1363 : vector<1x1x128xi32> to vector<1x128xi32>
    %swap3A_1365 = vector.shape_cast %convert_element_type3A_1359 : vector<1x128xi32> to vector<1x1x128xi32>
    tpu.vector_store %arg2[%swap3A_1360, %swap3A_1361, %swap3A_1362], %swap3A_1365 {strides = array<i32>} : memref<1x1x4096xi32, #tpu.memory_space<vmem>>, vector<1x1x128xi32>,
    %get3A_1366 = arith.constant 0 : index
    %get3A_1367 = arith.constant 0 : index
    %get3A_1368 = arith.constant 3712 : index
    %get3A_1369 = vector.load %arg1[%get3A_1366, %get3A_1367, %get3A_1368] : memref<1x1x4096xi32, #tpu.memory_space<vmem>>, vector<1x1x128xi32>
    %get3A_1370 = vector.shape_cast %get3A_1369 : vector<1x1x128xi32> to vector<128xi32>
    %broadcast_in_dim3A_1371 = vector.shape_cast %get3A_1370 : vector<128xi32> to vector<1x128xi32>
    %eq3A_1372 = vector.broadcast %broadcast_in_dim3A_1371 : vector<1x128xi32> to vector<128x128xi32>
    %eq3A_1373 = arith.cmpi eq, %eq3A_1372, %iota3A : vector<128x128xi32>
    %convert_element_type3A_1374 = arith.extui %eq3A_1373 : vector<128x128xi1> to vector<128x128xi32>
    %convert_element_type3A_1375 = arith.sitofp %convert_element_type3A_1374 : vector<128x128xi32> to vector<128x128xf32>
    %dot_general3A_1376 = arith.constant dense<0.000000e+00> : vector<128x128xf32>
    %dot_general3A_1377 = tpu.matmul %convert_element_type3A_1375, %convert_element_type3A_2, %dot_general3A_1376 {dimension_numbers = #tpu.dot_dimension_numbers<[1], [0], [0], [1], [0, 0, 1, 1], [], []>, precision = #tpu.contract_precision<fp32>, transpose_lhs_hint = false} : vector<128x128xf32>, vector<128x128xf32>, vector<128x128xf32> -> vector<128x128xf32>
    %slice3A_1378 = vector.extract_strided_slice %add3A_527 {offsets = [0, 29], sizes = [128, 1], strides = [1, 1]} : vector<128x32xf32> to vector<128x1xf32>
    %add3A_1379 = vector.broadcast %slice3A_1378 : vector<128x1xf32> to vector<128x128xf32>
    %add3A_1380 = arith.addf %dot_general3A_1377, %add3A_1379 : vector<128x128xf32>
    %mul3A_1381 = arith.mulf %add3A_1380, %convert_element_type3A_1375 : vector<128x128xf32>
    %reduce_sum3A_1382 = arith.constant dense<0.000000e+00> : vector<128xf32>
    %reduce_sum3A_1383 = vector.multi_reduction <add>, %mul3A_1381, %reduce_sum3A_1382 [0] : vector<128x128xf32> to vector<128xf32>
    %broadcast_in_dim3A_1384 = vector.shape_cast %reduce_sum3A_1383 : vector<128xf32> to vector<1x128xf32>
    %sub3A_1385 = arith.constant 1.000000e+00 : f32
    %sub3A_1386 = vector.broadcast %sub3A_1385 : f32 to vector<1x128xf32>
    %sub3A_1387 = arith.subf %broadcast_in_dim3A_1384, %sub3A_1386 : vector<1x128xf32>
    %convert_element_type3A_1388 = arith.fptosi %sub3A_1387 : vector<1x128xf32> to vector<1x128xi32>
    %swap3A_1389 = arith.constant 0 : index
    %swap3A_1390 = arith.constant 0 : index
    %swap3A_1391 = arith.constant 3712 : index
    %swap3A_1392 = vector.load %arg2[%swap3A_1389, %swap3A_1390, %swap3A_1391] : memref<1x1x4096xi32, #tpu.memory_space<vmem>>, vector<1x1x128xi32>
    %swap3A_1393 = vector.shape_cast %swap3A_1392 : vector<1x1x128xi32> to vector<1x128xi32>
    %swap3A_1394 = vector.shape_cast %convert_element_type3A_1388 : vector<1x128xi32> to vector<1x1x128xi32>
    tpu.vector_store %arg2[%swap3A_1389, %swap3A_1390, %swap3A_1391], %swap3A_1394 {strides = array<i32>} : memref<1x1x4096xi32, #tpu.memory_space<vmem>>, vector<1x1x128xi32>,
    %get3A_1395 = arith.constant 0 : index
    %get3A_1396 = arith.constant 0 : index
    %get3A_1397 = arith.constant 3840 : index
    %get3A_1398 = vector.load %arg1[%get3A_1395, %get3A_1396, %get3A_1397] : memref<1x1x4096xi32, #tpu.memory_space<vmem>>, vector<1x1x128xi32>
    %get3A_1399 = vector.shape_cast %get3A_1398 : vector<1x1x128xi32> to vector<128xi32>
    %broadcast_in_dim3A_1400 = vector.shape_cast %get3A_1399 : vector<128xi32> to vector<1x128xi32>
    %eq3A_1401 = vector.broadcast %broadcast_in_dim3A_1400 : vector<1x128xi32> to vector<128x128xi32>
    %eq3A_1402 = arith.cmpi eq, %eq3A_1401, %iota3A : vector<128x128xi32>
    %convert_element_type3A_1403 = arith.extui %eq3A_1402 : vector<128x128xi1> to vector<128x128xi32>
    %convert_element_type3A_1404 = arith.sitofp %convert_element_type3A_1403 : vector<128x128xi32> to vector<128x128xf32>
    %dot_general3A_1405 = arith.constant dense<0.000000e+00> : vector<128x128xf32>
    %dot_general3A_1406 = tpu.matmul %convert_element_type3A_1404, %convert_element_type3A_2, %dot_general3A_1405 {dimension_numbers = #tpu.dot_dimension_numbers<[1], [0], [0], [1], [0, 0, 1, 1], [], []>, precision = #tpu.contract_precision<fp32>, transpose_lhs_hint = false} : vector<128x128xf32>, vector<128x128xf32>, vector<128x128xf32> -> vector<128x128xf32>
    %slice3A_1407 = vector.extract_strided_slice %add3A_527 {offsets = [0, 30], sizes = [128, 1], strides = [1, 1]} : vector<128x32xf32> to vector<128x1xf32>
    %add3A_1408 = vector.broadcast %slice3A_1407 : vector<128x1xf32> to vector<128x128xf32>
    %add3A_1409 = arith.addf %dot_general3A_1406, %add3A_1408 : vector<128x128xf32>
    %mul3A_1410 = arith.mulf %add3A_1409, %convert_element_type3A_1404 : vector<128x128xf32>
    %reduce_sum3A_1411 = arith.constant dense<0.000000e+00> : vector<128xf32>
    %reduce_sum3A_1412 = vector.multi_reduction <add>, %mul3A_1410, %reduce_sum3A_1411 [0] : vector<128x128xf32> to vector<128xf32>
    %broadcast_in_dim3A_1413 = vector.shape_cast %reduce_sum3A_1412 : vector<128xf32> to vector<1x128xf32>
    %sub3A_1414 = arith.constant 1.000000e+00 : f32
    %sub3A_1415 = vector.broadcast %sub3A_1414 : f32 to vector<1x128xf32>
    %sub3A_1416 = arith.subf %broadcast_in_dim3A_1413, %sub3A_1415 : vector<1x128xf32>
    %convert_element_type3A_1417 = arith.fptosi %sub3A_1416 : vector<1x128xf32> to vector<1x128xi32>
    %swap3A_1418 = arith.constant 0 : index
    %swap3A_1419 = arith.constant 0 : index
    %swap3A_1420 = arith.constant 3840 : index
    %swap3A_1421 = vector.load %arg2[%swap3A_1418, %swap3A_1419, %swap3A_1420] : memref<1x1x4096xi32, #tpu.memory_space<vmem>>, vector<1x1x128xi32>
    %swap3A_1422 = vector.shape_cast %swap3A_1421 : vector<1x1x128xi32> to vector<1x128xi32>
    %swap3A_1423 = vector.shape_cast %convert_element_type3A_1417 : vector<1x128xi32> to vector<1x1x128xi32>
    tpu.vector_store %arg2[%swap3A_1418, %swap3A_1419, %swap3A_1420], %swap3A_1423 {strides = array<i32>} : memref<1x1x4096xi32, #tpu.memory_space<vmem>>, vector<1x1x128xi32>,
    %get3A_1424 = arith.constant 0 : index
    %get3A_1425 = arith.constant 0 : index
    %get3A_1426 = arith.constant 3968 : index
    %get3A_1427 = vector.load %arg1[%get3A_1424, %get3A_1425, %get3A_1426] : memref<1x1x4096xi32, #tpu.memory_space<vmem>>, vector<1x1x128xi32>
    %get3A_1428 = vector.shape_cast %get3A_1427 : vector<1x1x128xi32> to vector<128xi32>
    %broadcast_in_dim3A_1429 = vector.shape_cast %get3A_1428 : vector<128xi32> to vector<1x128xi32>
    %eq3A_1430 = vector.broadcast %broadcast_in_dim3A_1429 : vector<1x128xi32> to vector<128x128xi32>
    %eq3A_1431 = arith.cmpi eq, %eq3A_1430, %iota3A : vector<128x128xi32>
    %convert_element_type3A_1432 = arith.extui %eq3A_1431 : vector<128x128xi1> to vector<128x128xi32>
    %convert_element_type3A_1433 = arith.sitofp %convert_element_type3A_1432 : vector<128x128xi32> to vector<128x128xf32>
    %dot_general3A_1434 = arith.constant dense<0.000000e+00> : vector<128x128xf32>
    %dot_general3A_1435 = tpu.matmul %convert_element_type3A_1433, %convert_element_type3A_2, %dot_general3A_1434 {dimension_numbers = #tpu.dot_dimension_numbers<[1], [0], [0], [1], [0, 0, 1, 1], [], []>, precision = #tpu.contract_precision<fp32>, transpose_lhs_hint = false} : vector<128x128xf32>, vector<128x128xf32>, vector<128x128xf32> -> vector<128x128xf32>
    %slice3A_1436 = vector.extract_strided_slice %add3A_527 {offsets = [0, 31], sizes = [128, 1], strides = [1, 1]} : vector<128x32xf32> to vector<128x1xf32>
    %add3A_1437 = vector.broadcast %slice3A_1436 : vector<128x1xf32> to vector<128x128xf32>
    %add3A_1438 = arith.addf %dot_general3A_1435, %add3A_1437 : vector<128x128xf32>
    %mul3A_1439 = arith.mulf %add3A_1438, %convert_element_type3A_1433 : vector<128x128xf32>
    %reduce_sum3A_1440 = arith.constant dense<0.000000e+00> : vector<128xf32>
    %reduce_sum3A_1441 = vector.multi_reduction <add>, %mul3A_1439, %reduce_sum3A_1440 [0] : vector<128x128xf32> to vector<128xf32>
    %broadcast_in_dim3A_1442 = vector.shape_cast %reduce_sum3A_1441 : vector<128xf32> to vector<1x128xf32>
    %sub3A_1443 = arith.constant 1.000000e+00 : f32
    %sub3A_1444 = vector.broadcast %sub3A_1443 : f32 to vector<1x128xf32>
    %sub3A_1445 = arith.subf %broadcast_in_dim3A_1442, %sub3A_1444 : vector<1x128xf32>
    %convert_element_type3A_1446 = arith.fptosi %sub3A_1445 : vector<1x128xf32> to vector<1x128xi32>
    %swap3A_1447 = arith.constant 0 : index
    %swap3A_1448 = arith.constant 0 : index
    %swap3A_1449 = arith.constant 3968 : index
    %swap3A_1450 = vector.load %arg2[%swap3A_1447, %swap3A_1448, %swap3A_1449] : memref<1x1x4096xi32, #tpu.memory_space<vmem>>, vector<1x1x128xi32>
    %swap3A_1451 = vector.shape_cast %swap3A_1450 : vector<1x1x128xi32> to vector<1x128xi32>
    %swap3A_1452 = vector.shape_cast %convert_element_type3A_1446 : vector<1x128xi32> to vector<1x1x128xi32>
    tpu.vector_store %arg2[%swap3A_1447, %swap3A_1448, %swap3A_1449], %swap3A_1452 {strides = array<i32>} : memref<1x1x4096xi32, #tpu.memory_space<vmem>>, vector<1x1x128xi32>,
    return
  }
  func.func @transform_0(%arg0: i32) -> (i32, i32, i32) {
    %c0_i32 = arith.constant 0 : i32
    %c0_i32_0 = arith.constant 0 : i32
    %c0_i32_1 = arith.constant 0 : i32
    return %arg0, %c0_i32, %c0_i32_0 : i32, i32, i32
  }
  func.func @transform_1(%arg0: i32) -> (i32, i32, i32) {
    %c0_i32 = arith.constant 0 : i32
    %c0_i32_0 = arith.constant 0 : i32
    %c0_i32_1 = arith.constant 0 : i32
    return %arg0, %c0_i32, %c0_i32_0 : i32, i32, i32
  }
}

module attributes {stable_mosaic.version = 14 : i64} {
  func.func @_attn_body(%arg0: i32, %arg1: memref<1x4096x128xf32, #tpu.memory_space<vmem>>, %arg2: memref<1x4096x128xf32, #tpu.memory_space<vmem>>, %arg3: memref<1x256x128xf32, #tpu.memory_space<vmem>>, %arg4: memref<1x1x256xi32, #tpu.memory_space<vmem>>, %arg5: memref<1x4096x128xf32, #tpu.memory_space<vmem>>) attributes {dimension_semantics = [#tpu.dimension_semantics<arbitrary>], iteration_bounds = array<i64: 32>, scalar_prefetch = 0 : i64, scratch_operands = 0 : i64, tpu.core_type = #tpu.core_type<tc>, window_params = [{transform_indices = @transform_0, window_bounds = array<i64: 1, 4096, 128>}, {transform_indices = @transform_1, window_bounds = array<i64: 1, 4096, 128>}, {transform_indices = @transform_2, window_bounds = array<i64: 1, 256, 128>}, {transform_indices = @transform_3, window_bounds = array<i64: 1, 1, 256>}, {transform_indices = @transform_4, window_bounds = array<i64: 1, 4096, 128>}]} {
    %get3A = arith.constant 0 : index
    %get3A_0 = arith.constant 0 : index
    %get3A_1 = arith.constant 0 : index
    %get3A_2 = vector.load %arg3[%get3A, %get3A_0, %get3A_1] : memref<1x256x128xf32, #tpu.memory_space<vmem>>, vector<1x256x128xf32>
    %get3A_3 = vector.shape_cast %get3A_2 : vector<1x256x128xf32> to vector<256x128xf32>
    %get3A_4 = arith.constant 0 : index
    %get3A_5 = arith.constant 0 : index
    %get3A_6 = arith.constant 0 : index
    %get3A_7 = vector.load %arg4[%get3A_4, %get3A_5, %get3A_6] : memref<1x1x256xi32, #tpu.memory_space<vmem>>, vector<1x1x256xi32>
    %get3A_8 = vector.shape_cast %get3A_7 : vector<1x1x256xi32> to vector<256xi32>
    %get3A_9 = arith.constant 0 : index
    %get3A_10 = arith.constant 0 : index
    %get3A_11 = arith.constant 0 : index
    %get3A_12 = vector.load %arg1[%get3A_9, %get3A_10, %get3A_11] : memref<1x4096x128xf32, #tpu.memory_space<vmem>>, vector<1x256x128xf32>
    %get3A_13 = vector.shape_cast %get3A_12 : vector<1x256x128xf32> to vector<256x128xf32>
    %get3A_14 = arith.constant 0 : index
    %get3A_15 = arith.constant 0 : index
    %get3A_16 = arith.constant 0 : index
    %get3A_17 = vector.load %arg2[%get3A_14, %get3A_15, %get3A_16] : memref<1x4096x128xf32, #tpu.memory_space<vmem>>, vector<1x256x128xf32>
    %get3A_18 = vector.shape_cast %get3A_17 : vector<1x256x128xf32> to vector<256x128xf32>
    %dot_general3A = arith.constant dense<0.000000e+00> : vector<256x256xf32>
    %dot_general3A_19 = tpu.matmul %get3A_13, %get3A_18, %dot_general3A {dimension_numbers = #tpu.dot_dimension_numbers<[1], [1], [0], [0], [0, 0, 1, 0], [], []>, transpose_lhs_hint = false} : vector<256x128xf32>, vector<256x128xf32>, vector<256x256xf32> -> vector<256x256xf32>
    %mul3A = arith.constant 1.250000e-01 : f32
    %mul3A_20 = vector.broadcast %mul3A : f32 to vector<256x256xf32>
    %mul3A_21 = arith.mulf %dot_general3A_19, %mul3A_20 : vector<256x256xf32>
    %reduce_max3A = arith.constant dense<0xFF800000> : vector<256xf32>
    %reduce_max3A_22 = vector.multi_reduction <maximumf>, %mul3A_21, %reduce_max3A [1] : vector<256x256xf32> to vector<256xf32>
    %broadcast_in_dim3A = vector.shape_cast %reduce_max3A_22 : vector<256xf32> to vector<256x1xf32>
    %sub3A = vector.broadcast %broadcast_in_dim3A : vector<256x1xf32> to vector<256x256xf32>
    %sub3A_23 = arith.subf %mul3A_21, %sub3A : vector<256x256xf32>
    %exp3A = math.exp %sub3A_23 : vector<256x256xf32>
    %reduce_sum3A = arith.constant dense<0.000000e+00> : vector<256xf32>
    %reduce_sum3A_24 = vector.multi_reduction <add>, %exp3A, %reduce_sum3A [1] : vector<256x256xf32> to vector<256xf32>
    %dot_general3A_25 = arith.constant dense<0.000000e+00> : vector<256x128xf32>
    %dot_general3A_26 = tpu.matmul %exp3A, %get3A_18, %dot_general3A_25 {dimension_numbers = #tpu.dot_dimension_numbers<[1], [0], [0], [1], [0, 0, 1, 1], [], []>, transpose_lhs_hint = false} : vector<256x256xf32>, vector<256x128xf32>, vector<256x128xf32> -> vector<256x128xf32>
    %broadcast_in_dim3A_27 = vector.shape_cast %reduce_sum3A_24 : vector<256xf32> to vector<256x1xf32>
    %div3A = vector.broadcast %broadcast_in_dim3A_27 : vector<256x1xf32> to vector<256x128xf32>
    %div3A_28 = arith.divf %dot_general3A_26, %div3A : vector<256x128xf32>
    %log3A = math.log %reduce_sum3A_24 : vector<256xf32>
    %add3A = arith.addf %reduce_max3A_22, %log3A : vector<256xf32>
    %jit3A = arith.constant 256 : i32
    %div3A_29 = vector.broadcast %jit3A : i32 to vector<256xi32>
    %div3A_30 = arith.divsi %get3A_8, %div3A_29 : vector<256xi32>
    %sign3A = arith.constant 0 : i32
    %sign3A_31 = vector.broadcast %sign3A : i32 to vector<256xi32>
    %sign3A_32 = arith.cmpi sgt, %get3A_8, %sign3A_31 : vector<256xi32>
    %sign3A_33 = arith.extui %sign3A_32 : vector<256xi1> to vector<256xi32>
    %sign3A_34 = arith.constant 0 : i32
    %sign3A_35 = vector.broadcast %sign3A_34 : i32 to vector<256xi32>
    %sign3A_36 = arith.cmpi slt, %get3A_8, %sign3A_35 : vector<256xi32>
    %sign3A_37 = arith.extui %sign3A_36 : vector<256xi1> to vector<256xi32>
    %sign3A_38 = arith.subi %sign3A_33, %sign3A_37 : vector<256xi32>
    %sign3A_39 = arith.constant 0 : i32
    %sign3A_40 = arith.cmpi sgt, %jit3A, %sign3A_39 : i32
    %sign3A_41 = arith.extui %sign3A_40 : i1 to i32
    %sign3A_42 = arith.constant 0 : i32
    %sign3A_43 = arith.cmpi slt, %jit3A, %sign3A_42 : i32
    %sign3A_44 = arith.extui %sign3A_43 : i1 to i32
    %sign3A_45 = arith.subi %sign3A_41, %sign3A_44 : i32
    %ne3A = vector.broadcast %sign3A_45 : i32 to vector<256xi32>
    %ne3A_46 = arith.cmpi ne, %sign3A_38, %ne3A : vector<256xi32>
    %rem3A = vector.broadcast %jit3A : i32 to vector<256xi32>
    %rem3A_47 = arith.remsi %get3A_8, %rem3A : vector<256xi32>
    %ne3A_48 = arith.constant 0 : i32
    %ne3A_49 = vector.broadcast %ne3A_48 : i32 to vector<256xi32>
    %ne3A_50 = arith.cmpi ne, %rem3A_47, %ne3A_49 : vector<256xi32>
    %and3A = arith.andi %ne3A_46, %ne3A_50 : vector<256xi1>
    %sub3A_51 = arith.constant 1 : i32
    %sub3A_52 = vector.broadcast %sub3A_51 : i32 to vector<256xi32>
    %sub3A_53 = arith.subi %div3A_30, %sub3A_52 : vector<256xi32>
    %select_n3A = arith.select %and3A, %sub3A_53, %div3A_30 : vector<256xi1>, vector<256xi32>
    %eq3A = arith.constant 0 : i32
    %eq3A_54 = vector.broadcast %eq3A : i32 to vector<256xi32>
    %eq3A_55 = arith.cmpi eq, %select_n3A, %eq3A_54 : vector<256xi32>
    %jit3A_56 = arith.constant -3.40282347E+38 : f32
    %jit3A_57 = arith.constant 0.000000e+00 : f32
    %broadcast_in_dim3A_58 = vector.broadcast %jit3A_56 : f32 to vector<256xf32>
    %broadcast_in_dim3A_59 = vector.broadcast %jit3A_57 : f32 to vector<256xf32>
    %select_n3A_60 = arith.select %eq3A_55, %broadcast_in_dim3A_58, %broadcast_in_dim3A_59 : vector<256xi1>, vector<256xf32>
    %dot_general3A_61 = arith.constant dense<0.000000e+00> : vector<256x256xf32>
    %dot_general3A_62 = tpu.matmul %get3A_13, %get3A_3, %dot_general3A_61 {dimension_numbers = #tpu.dot_dimension_numbers<[1], [1], [0], [0], [0, 0, 1, 0], [], []>, transpose_lhs_hint = false} : vector<256x128xf32>, vector<256x128xf32>, vector<256x256xf32> -> vector<256x256xf32>
    %mul3A_63 = arith.constant 1.250000e-01 : f32
    %mul3A_64 = vector.broadcast %mul3A_63 : f32 to vector<256x256xf32>
    %mul3A_65 = arith.mulf %dot_general3A_62, %mul3A_64 : vector<256x256xf32>
    %broadcast_in_dim3A_66 = vector.shape_cast %select_n3A_60 : vector<256xf32> to vector<1x256xf32>
    %add3A_67 = vector.broadcast %broadcast_in_dim3A_66 : vector<1x256xf32> to vector<256x256xf32>
    %add3A_68 = arith.addf %mul3A_65, %add3A_67 : vector<256x256xf32>
    %reduce_max3A_69 = arith.constant dense<0xFF800000> : vector<256xf32>
    %reduce_max3A_70 = vector.multi_reduction <maximumf>, %add3A_68, %reduce_max3A_69 [1] : vector<256x256xf32> to vector<256xf32>
    %broadcast_in_dim3A_71 = vector.shape_cast %reduce_max3A_70 : vector<256xf32> to vector<256x1xf32>
    %sub3A_72 = vector.broadcast %broadcast_in_dim3A_71 : vector<256x1xf32> to vector<256x256xf32>
    %sub3A_73 = arith.subf %add3A_68, %sub3A_72 : vector<256x256xf32>
    %exp3A_74 = math.exp %sub3A_73 : vector<256x256xf32>
    %reduce_sum3A_75 = arith.constant dense<0.000000e+00> : vector<256xf32>
    %reduce_sum3A_76 = vector.multi_reduction <add>, %exp3A_74, %reduce_sum3A_75 [1] : vector<256x256xf32> to vector<256xf32>
    %dot_general3A_77 = arith.constant dense<0.000000e+00> : vector<256x128xf32>
    %dot_general3A_78 = tpu.matmul %exp3A_74, %get3A_3, %dot_general3A_77 {dimension_numbers = #tpu.dot_dimension_numbers<[1], [0], [0], [1], [0, 0, 1, 1], [], []>, transpose_lhs_hint = false} : vector<256x256xf32>, vector<256x128xf32>, vector<256x128xf32> -> vector<256x128xf32>
    %broadcast_in_dim3A_79 = vector.shape_cast %reduce_sum3A_76 : vector<256xf32> to vector<256x1xf32>
    %div3A_80 = vector.broadcast %broadcast_in_dim3A_79 : vector<256x1xf32> to vector<256x128xf32>
    %div3A_81 = arith.divf %dot_general3A_78, %div3A_80 : vector<256x128xf32>
    %log3A_82 = math.log %reduce_sum3A_76 : vector<256xf32>
    %add3A_83 = arith.addf %reduce_max3A_70, %log3A_82 : vector<256xf32>
    %add3A_84 = arith.constant 2.77258873 : f32
    %add3A_85 = vector.broadcast %add3A_84 : f32 to vector<256xf32>
    %add3A_86 = arith.addf %add3A_83, %add3A_85 : vector<256xf32>
    %sub3A_87 = arith.subf %add3A_86, %add3A : vector<256xf32>
    %exp3A_88 = math.exp %sub3A_87 : vector<256xf32>
    %add3A_89 = arith.constant 1.000000e+00 : f32
    %add3A_90 = vector.broadcast %add3A_89 : f32 to vector<256xf32>
    %add3A_91 = arith.addf %add3A_90, %exp3A_88 : vector<256xf32>
    %div3A_92 = arith.constant 1.000000e+00 : f32
    %div3A_93 = vector.broadcast %div3A_92 : f32 to vector<256xf32>
    %div3A_94 = arith.divf %div3A_93, %add3A_91 : vector<256xf32>
    %broadcast_in_dim3A_95 = vector.shape_cast %div3A_94 : vector<256xf32> to vector<256x1xf32>
    %mul3A_96 = vector.broadcast %broadcast_in_dim3A_95 : vector<256x1xf32> to vector<256x128xf32>
    %mul3A_97 = arith.mulf %mul3A_96, %div3A_28 : vector<256x128xf32>
    %broadcast_in_dim3A_98 = vector.shape_cast %div3A_94 : vector<256xf32> to vector<256x1xf32>
    %sub3A_99 = arith.constant 1.000000e+00 : f32
    %sub3A_100 = vector.broadcast %sub3A_99 : f32 to vector<256x1xf32>
    %sub3A_101 = arith.subf %sub3A_100, %broadcast_in_dim3A_98 : vector<256x1xf32>
    %mul3A_102 = vector.broadcast %sub3A_101 : vector<256x1xf32> to vector<256x128xf32>
    %mul3A_103 = arith.mulf %mul3A_102, %div3A_81 : vector<256x128xf32>
    %add3A_104 = arith.addf %mul3A_97, %mul3A_103 : vector<256x128xf32>
    %swap3A = arith.constant 0 : index
    %swap3A_105 = arith.constant 0 : index
    %swap3A_106 = arith.constant 0 : index
    %swap3A_107 = vector.load %arg5[%swap3A, %swap3A_105, %swap3A_106] : memref<1x4096x128xf32, #tpu.memory_space<vmem>>, vector<1x256x128xf32>
    %swap3A_108 = vector.shape_cast %swap3A_107 : vector<1x256x128xf32> to vector<256x128xf32>
    %swap3A_109 = vector.shape_cast %add3A_104 : vector<256x128xf32> to vector<1x256x128xf32>
    tpu.vector_store %arg5[%swap3A, %swap3A_105, %swap3A_106], %swap3A_109 {strides = array<i32>} : memref<1x4096x128xf32, #tpu.memory_space<vmem>>, vector<1x256x128xf32>,
    %get3A_110 = arith.constant 0 : index
    %get3A_111 = arith.constant 256 : index
    %get3A_112 = arith.constant 0 : index
    %get3A_113 = vector.load %arg1[%get3A_110, %get3A_111, %get3A_112] : memref<1x4096x128xf32, #tpu.memory_space<vmem>>, vector<1x256x128xf32>
    %get3A_114 = vector.shape_cast %get3A_113 : vector<1x256x128xf32> to vector<256x128xf32>
    %get3A_115 = arith.constant 0 : index
    %get3A_116 = arith.constant 256 : index
    %get3A_117 = arith.constant 0 : index
    %get3A_118 = vector.load %arg2[%get3A_115, %get3A_116, %get3A_117] : memref<1x4096x128xf32, #tpu.memory_space<vmem>>, vector<1x256x128xf32>
    %get3A_119 = vector.shape_cast %get3A_118 : vector<1x256x128xf32> to vector<256x128xf32>
    %dot_general3A_120 = arith.constant dense<0.000000e+00> : vector<256x256xf32>
    %dot_general3A_121 = tpu.matmul %get3A_114, %get3A_119, %dot_general3A_120 {dimension_numbers = #tpu.dot_dimension_numbers<[1], [1], [0], [0], [0, 0, 1, 0], [], []>, transpose_lhs_hint = false} : vector<256x128xf32>, vector<256x128xf32>, vector<256x256xf32> -> vector<256x256xf32>
    %mul3A_122 = arith.constant 1.250000e-01 : f32
    %mul3A_123 = vector.broadcast %mul3A_122 : f32 to vector<256x256xf32>
    %mul3A_124 = arith.mulf %dot_general3A_121, %mul3A_123 : vector<256x256xf32>
    %reduce_max3A_125 = arith.constant dense<0xFF800000> : vector<256xf32>
    %reduce_max3A_126 = vector.multi_reduction <maximumf>, %mul3A_124, %reduce_max3A_125 [1] : vector<256x256xf32> to vector<256xf32>
    %broadcast_in_dim3A_127 = vector.shape_cast %reduce_max3A_126 : vector<256xf32> to vector<256x1xf32>
    %sub3A_128 = vector.broadcast %broadcast_in_dim3A_127 : vector<256x1xf32> to vector<256x256xf32>
    %sub3A_129 = arith.subf %mul3A_124, %sub3A_128 : vector<256x256xf32>
    %exp3A_130 = math.exp %sub3A_129 : vector<256x256xf32>
    %reduce_sum3A_131 = arith.constant dense<0.000000e+00> : vector<256xf32>
    %reduce_sum3A_132 = vector.multi_reduction <add>, %exp3A_130, %reduce_sum3A_131 [1] : vector<256x256xf32> to vector<256xf32>
    %dot_general3A_133 = arith.constant dense<0.000000e+00> : vector<256x128xf32>
    %dot_general3A_134 = tpu.matmul %exp3A_130, %get3A_119, %dot_general3A_133 {dimension_numbers = #tpu.dot_dimension_numbers<[1], [0], [0], [1], [0, 0, 1, 1], [], []>, transpose_lhs_hint = false} : vector<256x256xf32>, vector<256x128xf32>, vector<256x128xf32> -> vector<256x128xf32>
    %broadcast_in_dim3A_135 = vector.shape_cast %reduce_sum3A_132 : vector<256xf32> to vector<256x1xf32>
    %div3A_136 = vector.broadcast %broadcast_in_dim3A_135 : vector<256x1xf32> to vector<256x128xf32>
    %div3A_137 = arith.divf %dot_general3A_134, %div3A_136 : vector<256x128xf32>
    %log3A_138 = math.log %reduce_sum3A_132 : vector<256xf32>
    %add3A_139 = arith.addf %reduce_max3A_126, %log3A_138 : vector<256xf32>
    %jit3A_140 = arith.constant 256 : i32
    %div3A_141 = vector.broadcast %jit3A_140 : i32 to vector<256xi32>
    %div3A_142 = arith.divsi %get3A_8, %div3A_141 : vector<256xi32>
    %sign3A_143 = arith.constant 0 : i32
    %sign3A_144 = vector.broadcast %sign3A_143 : i32 to vector<256xi32>
    %sign3A_145 = arith.cmpi sgt, %get3A_8, %sign3A_144 : vector<256xi32>
    %sign3A_146 = arith.extui %sign3A_145 : vector<256xi1> to vector<256xi32>
    %sign3A_147 = arith.constant 0 : i32
    %sign3A_148 = vector.broadcast %sign3A_147 : i32 to vector<256xi32>
    %sign3A_149 = arith.cmpi slt, %get3A_8, %sign3A_148 : vector<256xi32>
    %sign3A_150 = arith.extui %sign3A_149 : vector<256xi1> to vector<256xi32>
    %sign3A_151 = arith.subi %sign3A_146, %sign3A_150 : vector<256xi32>
    %sign3A_152 = arith.constant 0 : i32
    %sign3A_153 = arith.cmpi sgt, %jit3A_140, %sign3A_152 : i32
    %sign3A_154 = arith.extui %sign3A_153 : i1 to i32
    %sign3A_155 = arith.constant 0 : i32
    %sign3A_156 = arith.cmpi slt, %jit3A_140, %sign3A_155 : i32
    %sign3A_157 = arith.extui %sign3A_156 : i1 to i32
    %sign3A_158 = arith.subi %sign3A_154, %sign3A_157 : i32
    %ne3A_159 = vector.broadcast %sign3A_158 : i32 to vector<256xi32>
    %ne3A_160 = arith.cmpi ne, %sign3A_151, %ne3A_159 : vector<256xi32>
    %rem3A_161 = vector.broadcast %jit3A_140 : i32 to vector<256xi32>
    %rem3A_162 = arith.remsi %get3A_8, %rem3A_161 : vector<256xi32>
    %ne3A_163 = arith.constant 0 : i32
    %ne3A_164 = vector.broadcast %ne3A_163 : i32 to vector<256xi32>
    %ne3A_165 = arith.cmpi ne, %rem3A_162, %ne3A_164 : vector<256xi32>
    %and3A_166 = arith.andi %ne3A_160, %ne3A_165 : vector<256xi1>
    %sub3A_167 = arith.constant 1 : i32
    %sub3A_168 = vector.broadcast %sub3A_167 : i32 to vector<256xi32>
    %sub3A_169 = arith.subi %div3A_142, %sub3A_168 : vector<256xi32>
    %select_n3A_170 = arith.select %and3A_166, %sub3A_169, %div3A_142 : vector<256xi1>, vector<256xi32>
    %eq3A_171 = arith.constant 1 : i32
    %eq3A_172 = vector.broadcast %eq3A_171 : i32 to vector<256xi32>
    %eq3A_173 = arith.cmpi eq, %select_n3A_170, %eq3A_172 : vector<256xi32>
    %jit3A_174 = arith.constant -3.40282347E+38 : f32
    %jit3A_175 = arith.constant 0.000000e+00 : f32
    %broadcast_in_dim3A_176 = vector.broadcast %jit3A_174 : f32 to vector<256xf32>
    %broadcast_in_dim3A_177 = vector.broadcast %jit3A_175 : f32 to vector<256xf32>
    %select_n3A_178 = arith.select %eq3A_173, %broadcast_in_dim3A_176, %broadcast_in_dim3A_177 : vector<256xi1>, vector<256xf32>
    %dot_general3A_179 = arith.constant dense<0.000000e+00> : vector<256x256xf32>
    %dot_general3A_180 = tpu.matmul %get3A_114, %get3A_3, %dot_general3A_179 {dimension_numbers = #tpu.dot_dimension_numbers<[1], [1], [0], [0], [0, 0, 1, 0], [], []>, transpose_lhs_hint = false} : vector<256x128xf32>, vector<256x128xf32>, vector<256x256xf32> -> vector<256x256xf32>
    %mul3A_181 = arith.constant 1.250000e-01 : f32
    %mul3A_182 = vector.broadcast %mul3A_181 : f32 to vector<256x256xf32>
    %mul3A_183 = arith.mulf %dot_general3A_180, %mul3A_182 : vector<256x256xf32>
    %broadcast_in_dim3A_184 = vector.shape_cast %select_n3A_178 : vector<256xf32> to vector<1x256xf32>
    %add3A_185 = vector.broadcast %broadcast_in_dim3A_184 : vector<1x256xf32> to vector<256x256xf32>
    %add3A_186 = arith.addf %mul3A_183, %add3A_185 : vector<256x256xf32>
    %reduce_max3A_187 = arith.constant dense<0xFF800000> : vector<256xf32>
    %reduce_max3A_188 = vector.multi_reduction <maximumf>, %add3A_186, %reduce_max3A_187 [1] : vector<256x256xf32> to vector<256xf32>
    %broadcast_in_dim3A_189 = vector.shape_cast %reduce_max3A_188 : vector<256xf32> to vector<256x1xf32>
    %sub3A_190 = vector.broadcast %broadcast_in_dim3A_189 : vector<256x1xf32> to vector<256x256xf32>
    %sub3A_191 = arith.subf %add3A_186, %sub3A_190 : vector<256x256xf32>
    %exp3A_192 = math.exp %sub3A_191 : vector<256x256xf32>
    %reduce_sum3A_193 = arith.constant dense<0.000000e+00> : vector<256xf32>
    %reduce_sum3A_194 = vector.multi_reduction <add>, %exp3A_192, %reduce_sum3A_193 [1] : vector<256x256xf32> to vector<256xf32>
    %dot_general3A_195 = arith.constant dense<0.000000e+00> : vector<256x128xf32>
    %dot_general3A_196 = tpu.matmul %exp3A_192, %get3A_3, %dot_general3A_195 {dimension_numbers = #tpu.dot_dimension_numbers<[1], [0], [0], [1], [0, 0, 1, 1], [], []>, transpose_lhs_hint = false} : vector<256x256xf32>, vector<256x128xf32>, vector<256x128xf32> -> vector<256x128xf32>
    %broadcast_in_dim3A_197 = vector.shape_cast %reduce_sum3A_194 : vector<256xf32> to vector<256x1xf32>
    %div3A_198 = vector.broadcast %broadcast_in_dim3A_197 : vector<256x1xf32> to vector<256x128xf32>
    %div3A_199 = arith.divf %dot_general3A_196, %div3A_198 : vector<256x128xf32>
    %log3A_200 = math.log %reduce_sum3A_194 : vector<256xf32>
    %add3A_201 = arith.addf %reduce_max3A_188, %log3A_200 : vector<256xf32>
    %add3A_202 = arith.constant 2.77258873 : f32
    %add3A_203 = vector.broadcast %add3A_202 : f32 to vector<256xf32>
    %add3A_204 = arith.addf %add3A_201, %add3A_203 : vector<256xf32>
    %sub3A_205 = arith.subf %add3A_204, %add3A_139 : vector<256xf32>
    %exp3A_206 = math.exp %sub3A_205 : vector<256xf32>
    %add3A_207 = arith.constant 1.000000e+00 : f32
    %add3A_208 = vector.broadcast %add3A_207 : f32 to vector<256xf32>
    %add3A_209 = arith.addf %add3A_208, %exp3A_206 : vector<256xf32>
    %div3A_210 = arith.constant 1.000000e+00 : f32
    %div3A_211 = vector.broadcast %div3A_210 : f32 to vector<256xf32>
    %div3A_212 = arith.divf %div3A_211, %add3A_209 : vector<256xf32>
    %broadcast_in_dim3A_213 = vector.shape_cast %div3A_212 : vector<256xf32> to vector<256x1xf32>
    %mul3A_214 = vector.broadcast %broadcast_in_dim3A_213 : vector<256x1xf32> to vector<256x128xf32>
    %mul3A_215 = arith.mulf %mul3A_214, %div3A_137 : vector<256x128xf32>
    %broadcast_in_dim3A_216 = vector.shape_cast %div3A_212 : vector<256xf32> to vector<256x1xf32>
    %sub3A_217 = arith.constant 1.000000e+00 : f32
    %sub3A_218 = vector.broadcast %sub3A_217 : f32 to vector<256x1xf32>
    %sub3A_219 = arith.subf %sub3A_218, %broadcast_in_dim3A_216 : vector<256x1xf32>
    %mul3A_220 = vector.broadcast %sub3A_219 : vector<256x1xf32> to vector<256x128xf32>
    %mul3A_221 = arith.mulf %mul3A_220, %div3A_199 : vector<256x128xf32>
    %add3A_222 = arith.addf %mul3A_215, %mul3A_221 : vector<256x128xf32>
    %swap3A_223 = arith.constant 0 : index
    %swap3A_224 = arith.constant 256 : index
    %swap3A_225 = arith.constant 0 : index
    %swap3A_226 = vector.load %arg5[%swap3A_223, %swap3A_224, %swap3A_225] : memref<1x4096x128xf32, #tpu.memory_space<vmem>>, vector<1x256x128xf32>
    %swap3A_227 = vector.shape_cast %swap3A_226 : vector<1x256x128xf32> to vector<256x128xf32>
    %swap3A_228 = vector.shape_cast %add3A_222 : vector<256x128xf32> to vector<1x256x128xf32>
    tpu.vector_store %arg5[%swap3A_223, %swap3A_224, %swap3A_225], %swap3A_228 {strides = array<i32>} : memref<1x4096x128xf32, #tpu.memory_space<vmem>>, vector<1x256x128xf32>,
    %get3A_229 = arith.constant 0 : index
    %get3A_230 = arith.constant 512 : index
    %get3A_231 = arith.constant 0 : index
    %get3A_232 = vector.load %arg1[%get3A_229, %get3A_230, %get3A_231] : memref<1x4096x128xf32, #tpu.memory_space<vmem>>, vector<1x256x128xf32>
    %get3A_233 = vector.shape_cast %get3A_232 : vector<1x256x128xf32> to vector<256x128xf32>
    %get3A_234 = arith.constant 0 : index
    %get3A_235 = arith.constant 512 : index
    %get3A_236 = arith.constant 0 : index
    %get3A_237 = vector.load %arg2[%get3A_234, %get3A_235, %get3A_236] : memref<1x4096x128xf32, #tpu.memory_space<vmem>>, vector<1x256x128xf32>
    %get3A_238 = vector.shape_cast %get3A_237 : vector<1x256x128xf32> to vector<256x128xf32>
    %dot_general3A_239 = arith.constant dense<0.000000e+00> : vector<256x256xf32>
    %dot_general3A_240 = tpu.matmul %get3A_233, %get3A_238, %dot_general3A_239 {dimension_numbers = #tpu.dot_dimension_numbers<[1], [1], [0], [0], [0, 0, 1, 0], [], []>, transpose_lhs_hint = false} : vector<256x128xf32>, vector<256x128xf32>, vector<256x256xf32> -> vector<256x256xf32>
    %mul3A_241 = arith.constant 1.250000e-01 : f32
    %mul3A_242 = vector.broadcast %mul3A_241 : f32 to vector<256x256xf32>
    %mul3A_243 = arith.mulf %dot_general3A_240, %mul3A_242 : vector<256x256xf32>
    %reduce_max3A_244 = arith.constant dense<0xFF800000> : vector<256xf32>
    %reduce_max3A_245 = vector.multi_reduction <maximumf>, %mul3A_243, %reduce_max3A_244 [1] : vector<256x256xf32> to vector<256xf32>
    %broadcast_in_dim3A_246 = vector.shape_cast %reduce_max3A_245 : vector<256xf32> to vector<256x1xf32>
    %sub3A_247 = vector.broadcast %broadcast_in_dim3A_246 : vector<256x1xf32> to vector<256x256xf32>
    %sub3A_248 = arith.subf %mul3A_243, %sub3A_247 : vector<256x256xf32>
    %exp3A_249 = math.exp %sub3A_248 : vector<256x256xf32>
    %reduce_sum3A_250 = arith.constant dense<0.000000e+00> : vector<256xf32>
    %reduce_sum3A_251 = vector.multi_reduction <add>, %exp3A_249, %reduce_sum3A_250 [1] : vector<256x256xf32> to vector<256xf32>
    %dot_general3A_252 = arith.constant dense<0.000000e+00> : vector<256x128xf32>
    %dot_general3A_253 = tpu.matmul %exp3A_249, %get3A_238, %dot_general3A_252 {dimension_numbers = #tpu.dot_dimension_numbers<[1], [0], [0], [1], [0, 0, 1, 1], [], []>, transpose_lhs_hint = false} : vector<256x256xf32>, vector<256x128xf32>, vector<256x128xf32> -> vector<256x128xf32>
    %broadcast_in_dim3A_254 = vector.shape_cast %reduce_sum3A_251 : vector<256xf32> to vector<256x1xf32>
    %div3A_255 = vector.broadcast %broadcast_in_dim3A_254 : vector<256x1xf32> to vector<256x128xf32>
    %div3A_256 = arith.divf %dot_general3A_253, %div3A_255 : vector<256x128xf32>
    %log3A_257 = math.log %reduce_sum3A_251 : vector<256xf32>
    %add3A_258 = arith.addf %reduce_max3A_245, %log3A_257 : vector<256xf32>
    %jit3A_259 = arith.constant 256 : i32
    %div3A_260 = vector.broadcast %jit3A_259 : i32 to vector<256xi32>
    %div3A_261 = arith.divsi %get3A_8, %div3A_260 : vector<256xi32>
    %sign3A_262 = arith.constant 0 : i32
    %sign3A_263 = vector.broadcast %sign3A_262 : i32 to vector<256xi32>
    %sign3A_264 = arith.cmpi sgt, %get3A_8, %sign3A_263 : vector<256xi32>
    %sign3A_265 = arith.extui %sign3A_264 : vector<256xi1> to vector<256xi32>
    %sign3A_266 = arith.constant 0 : i32
    %sign3A_267 = vector.broadcast %sign3A_266 : i32 to vector<256xi32>
    %sign3A_268 = arith.cmpi slt, %get3A_8, %sign3A_267 : vector<256xi32>
    %sign3A_269 = arith.extui %sign3A_268 : vector<256xi1> to vector<256xi32>
    %sign3A_270 = arith.subi %sign3A_265, %sign3A_269 : vector<256xi32>
    %sign3A_271 = arith.constant 0 : i32
    %sign3A_272 = arith.cmpi sgt, %jit3A_259, %sign3A_271 : i32
    %sign3A_273 = arith.extui %sign3A_272 : i1 to i32
    %sign3A_274 = arith.constant 0 : i32
    %sign3A_275 = arith.cmpi slt, %jit3A_259, %sign3A_274 : i32
    %sign3A_276 = arith.extui %sign3A_275 : i1 to i32
    %sign3A_277 = arith.subi %sign3A_273, %sign3A_276 : i32
    %ne3A_278 = vector.broadcast %sign3A_277 : i32 to vector<256xi32>
    %ne3A_279 = arith.cmpi ne, %sign3A_270, %ne3A_278 : vector<256xi32>
    %rem3A_280 = vector.broadcast %jit3A_259 : i32 to vector<256xi32>
    %rem3A_281 = arith.remsi %get3A_8, %rem3A_280 : vector<256xi32>
    %ne3A_282 = arith.constant 0 : i32
    %ne3A_283 = vector.broadcast %ne3A_282 : i32 to vector<256xi32>
    %ne3A_284 = arith.cmpi ne, %rem3A_281, %ne3A_283 : vector<256xi32>
    %and3A_285 = arith.andi %ne3A_279, %ne3A_284 : vector<256xi1>
    %sub3A_286 = arith.constant 1 : i32
    %sub3A_287 = vector.broadcast %sub3A_286 : i32 to vector<256xi32>
    %sub3A_288 = arith.subi %div3A_261, %sub3A_287 : vector<256xi32>
    %select_n3A_289 = arith.select %and3A_285, %sub3A_288, %div3A_261 : vector<256xi1>, vector<256xi32>
    %eq3A_290 = arith.constant 2 : i32
    %eq3A_291 = vector.broadcast %eq3A_290 : i32 to vector<256xi32>
    %eq3A_292 = arith.cmpi eq, %select_n3A_289, %eq3A_291 : vector<256xi32>
    %jit3A_293 = arith.constant -3.40282347E+38 : f32
    %jit3A_294 = arith.constant 0.000000e+00 : f32
    %broadcast_in_dim3A_295 = vector.broadcast %jit3A_293 : f32 to vector<256xf32>
    %broadcast_in_dim3A_296 = vector.broadcast %jit3A_294 : f32 to vector<256xf32>
    %select_n3A_297 = arith.select %eq3A_292, %broadcast_in_dim3A_295, %broadcast_in_dim3A_296 : vector<256xi1>, vector<256xf32>
    %dot_general3A_298 = arith.constant dense<0.000000e+00> : vector<256x256xf32>
    %dot_general3A_299 = tpu.matmul %get3A_233, %get3A_3, %dot_general3A_298 {dimension_numbers = #tpu.dot_dimension_numbers<[1], [1], [0], [0], [0, 0, 1, 0], [], []>, transpose_lhs_hint = false} : vector<256x128xf32>, vector<256x128xf32>, vector<256x256xf32> -> vector<256x256xf32>
    %mul3A_300 = arith.constant 1.250000e-01 : f32
    %mul3A_301 = vector.broadcast %mul3A_300 : f32 to vector<256x256xf32>
    %mul3A_302 = arith.mulf %dot_general3A_299, %mul3A_301 : vector<256x256xf32>
    %broadcast_in_dim3A_303 = vector.shape_cast %select_n3A_297 : vector<256xf32> to vector<1x256xf32>
    %add3A_304 = vector.broadcast %broadcast_in_dim3A_303 : vector<1x256xf32> to vector<256x256xf32>
    %add3A_305 = arith.addf %mul3A_302, %add3A_304 : vector<256x256xf32>
    %reduce_max3A_306 = arith.constant dense<0xFF800000> : vector<256xf32>
    %reduce_max3A_307 = vector.multi_reduction <maximumf>, %add3A_305, %reduce_max3A_306 [1] : vector<256x256xf32> to vector<256xf32>
    %broadcast_in_dim3A_308 = vector.shape_cast %reduce_max3A_307 : vector<256xf32> to vector<256x1xf32>
    %sub3A_309 = vector.broadcast %broadcast_in_dim3A_308 : vector<256x1xf32> to vector<256x256xf32>
    %sub3A_310 = arith.subf %add3A_305, %sub3A_309 : vector<256x256xf32>
    %exp3A_311 = math.exp %sub3A_310 : vector<256x256xf32>
    %reduce_sum3A_312 = arith.constant dense<0.000000e+00> : vector<256xf32>
    %reduce_sum3A_313 = vector.multi_reduction <add>, %exp3A_311, %reduce_sum3A_312 [1] : vector<256x256xf32> to vector<256xf32>
    %dot_general3A_314 = arith.constant dense<0.000000e+00> : vector<256x128xf32>
    %dot_general3A_315 = tpu.matmul %exp3A_311, %get3A_3, %dot_general3A_314 {dimension_numbers = #tpu.dot_dimension_numbers<[1], [0], [0], [1], [0, 0, 1, 1], [], []>, transpose_lhs_hint = false} : vector<256x256xf32>, vector<256x128xf32>, vector<256x128xf32> -> vector<256x128xf32>
    %broadcast_in_dim3A_316 = vector.shape_cast %reduce_sum3A_313 : vector<256xf32> to vector<256x1xf32>
    %div3A_317 = vector.broadcast %broadcast_in_dim3A_316 : vector<256x1xf32> to vector<256x128xf32>
    %div3A_318 = arith.divf %dot_general3A_315, %div3A_317 : vector<256x128xf32>
    %log3A_319 = math.log %reduce_sum3A_313 : vector<256xf32>
    %add3A_320 = arith.addf %reduce_max3A_307, %log3A_319 : vector<256xf32>
    %add3A_321 = arith.constant 2.77258873 : f32
    %add3A_322 = vector.broadcast %add3A_321 : f32 to vector<256xf32>
    %add3A_323 = arith.addf %add3A_320, %add3A_322 : vector<256xf32>
    %sub3A_324 = arith.subf %add3A_323, %add3A_258 : vector<256xf32>
    %exp3A_325 = math.exp %sub3A_324 : vector<256xf32>
    %add3A_326 = arith.constant 1.000000e+00 : f32
    %add3A_327 = vector.broadcast %add3A_326 : f32 to vector<256xf32>
    %add3A_328 = arith.addf %add3A_327, %exp3A_325 : vector<256xf32>
    %div3A_329 = arith.constant 1.000000e+00 : f32
    %div3A_330 = vector.broadcast %div3A_329 : f32 to vector<256xf32>
    %div3A_331 = arith.divf %div3A_330, %add3A_328 : vector<256xf32>
    %broadcast_in_dim3A_332 = vector.shape_cast %div3A_331 : vector<256xf32> to vector<256x1xf32>
    %mul3A_333 = vector.broadcast %broadcast_in_dim3A_332 : vector<256x1xf32> to vector<256x128xf32>
    %mul3A_334 = arith.mulf %mul3A_333, %div3A_256 : vector<256x128xf32>
    %broadcast_in_dim3A_335 = vector.shape_cast %div3A_331 : vector<256xf32> to vector<256x1xf32>
    %sub3A_336 = arith.constant 1.000000e+00 : f32
    %sub3A_337 = vector.broadcast %sub3A_336 : f32 to vector<256x1xf32>
    %sub3A_338 = arith.subf %sub3A_337, %broadcast_in_dim3A_335 : vector<256x1xf32>
    %mul3A_339 = vector.broadcast %sub3A_338 : vector<256x1xf32> to vector<256x128xf32>
    %mul3A_340 = arith.mulf %mul3A_339, %div3A_318 : vector<256x128xf32>
    %add3A_341 = arith.addf %mul3A_334, %mul3A_340 : vector<256x128xf32>
    %swap3A_342 = arith.constant 0 : index
    %swap3A_343 = arith.constant 512 : index
    %swap3A_344 = arith.constant 0 : index
    %swap3A_345 = vector.load %arg5[%swap3A_342, %swap3A_343, %swap3A_344] : memref<1x4096x128xf32, #tpu.memory_space<vmem>>, vector<1x256x128xf32>
    %swap3A_346 = vector.shape_cast %swap3A_345 : vector<1x256x128xf32> to vector<256x128xf32>
    %swap3A_347 = vector.shape_cast %add3A_341 : vector<256x128xf32> to vector<1x256x128xf32>
    tpu.vector_store %arg5[%swap3A_342, %swap3A_343, %swap3A_344], %swap3A_347 {strides = array<i32>} : memref<1x4096x128xf32, #tpu.memory_space<vmem>>, vector<1x256x128xf32>,
    %get3A_348 = arith.constant 0 : index
    %get3A_349 = arith.constant 768 : index
    %get3A_350 = arith.constant 0 : index
    %get3A_351 = vector.load %arg1[%get3A_348, %get3A_349, %get3A_350] : memref<1x4096x128xf32, #tpu.memory_space<vmem>>, vector<1x256x128xf32>
    %get3A_352 = vector.shape_cast %get3A_351 : vector<1x256x128xf32> to vector<256x128xf32>
    %get3A_353 = arith.constant 0 : index
    %get3A_354 = arith.constant 768 : index
    %get3A_355 = arith.constant 0 : index
    %get3A_356 = vector.load %arg2[%get3A_353, %get3A_354, %get3A_355] : memref<1x4096x128xf32, #tpu.memory_space<vmem>>, vector<1x256x128xf32>
    %get3A_357 = vector.shape_cast %get3A_356 : vector<1x256x128xf32> to vector<256x128xf32>
    %dot_general3A_358 = arith.constant dense<0.000000e+00> : vector<256x256xf32>
    %dot_general3A_359 = tpu.matmul %get3A_352, %get3A_357, %dot_general3A_358 {dimension_numbers = #tpu.dot_dimension_numbers<[1], [1], [0], [0], [0, 0, 1, 0], [], []>, transpose_lhs_hint = false} : vector<256x128xf32>, vector<256x128xf32>, vector<256x256xf32> -> vector<256x256xf32>
    %mul3A_360 = arith.constant 1.250000e-01 : f32
    %mul3A_361 = vector.broadcast %mul3A_360 : f32 to vector<256x256xf32>
    %mul3A_362 = arith.mulf %dot_general3A_359, %mul3A_361 : vector<256x256xf32>
    %reduce_max3A_363 = arith.constant dense<0xFF800000> : vector<256xf32>
    %reduce_max3A_364 = vector.multi_reduction <maximumf>, %mul3A_362, %reduce_max3A_363 [1] : vector<256x256xf32> to vector<256xf32>
    %broadcast_in_dim3A_365 = vector.shape_cast %reduce_max3A_364 : vector<256xf32> to vector<256x1xf32>
    %sub3A_366 = vector.broadcast %broadcast_in_dim3A_365 : vector<256x1xf32> to vector<256x256xf32>
    %sub3A_367 = arith.subf %mul3A_362, %sub3A_366 : vector<256x256xf32>
    %exp3A_368 = math.exp %sub3A_367 : vector<256x256xf32>
    %reduce_sum3A_369 = arith.constant dense<0.000000e+00> : vector<256xf32>
    %reduce_sum3A_370 = vector.multi_reduction <add>, %exp3A_368, %reduce_sum3A_369 [1] : vector<256x256xf32> to vector<256xf32>
    %dot_general3A_371 = arith.constant dense<0.000000e+00> : vector<256x128xf32>
    %dot_general3A_372 = tpu.matmul %exp3A_368, %get3A_357, %dot_general3A_371 {dimension_numbers = #tpu.dot_dimension_numbers<[1], [0], [0], [1], [0, 0, 1, 1], [], []>, transpose_lhs_hint = false} : vector<256x256xf32>, vector<256x128xf32>, vector<256x128xf32> -> vector<256x128xf32>
    %broadcast_in_dim3A_373 = vector.shape_cast %reduce_sum3A_370 : vector<256xf32> to vector<256x1xf32>
    %div3A_374 = vector.broadcast %broadcast_in_dim3A_373 : vector<256x1xf32> to vector<256x128xf32>
    %div3A_375 = arith.divf %dot_general3A_372, %div3A_374 : vector<256x128xf32>
    %log3A_376 = math.log %reduce_sum3A_370 : vector<256xf32>
    %add3A_377 = arith.addf %reduce_max3A_364, %log3A_376 : vector<256xf32>
    %jit3A_378 = arith.constant 256 : i32
    %div3A_379 = vector.broadcast %jit3A_378 : i32 to vector<256xi32>
    %div3A_380 = arith.divsi %get3A_8, %div3A_379 : vector<256xi32>
    %sign3A_381 = arith.constant 0 : i32
    %sign3A_382 = vector.broadcast %sign3A_381 : i32 to vector<256xi32>
    %sign3A_383 = arith.cmpi sgt, %get3A_8, %sign3A_382 : vector<256xi32>
    %sign3A_384 = arith.extui %sign3A_383 : vector<256xi1> to vector<256xi32>
    %sign3A_385 = arith.constant 0 : i32
    %sign3A_386 = vector.broadcast %sign3A_385 : i32 to vector<256xi32>
    %sign3A_387 = arith.cmpi slt, %get3A_8, %sign3A_386 : vector<256xi32>
    %sign3A_388 = arith.extui %sign3A_387 : vector<256xi1> to vector<256xi32>
    %sign3A_389 = arith.subi %sign3A_384, %sign3A_388 : vector<256xi32>
    %sign3A_390 = arith.constant 0 : i32
    %sign3A_391 = arith.cmpi sgt, %jit3A_378, %sign3A_390 : i32
    %sign3A_392 = arith.extui %sign3A_391 : i1 to i32
    %sign3A_393 = arith.constant 0 : i32
    %sign3A_394 = arith.cmpi slt, %jit3A_378, %sign3A_393 : i32
    %sign3A_395 = arith.extui %sign3A_394 : i1 to i32
    %sign3A_396 = arith.subi %sign3A_392, %sign3A_395 : i32
    %ne3A_397 = vector.broadcast %sign3A_396 : i32 to vector<256xi32>
    %ne3A_398 = arith.cmpi ne, %sign3A_389, %ne3A_397 : vector<256xi32>
    %rem3A_399 = vector.broadcast %jit3A_378 : i32 to vector<256xi32>
    %rem3A_400 = arith.remsi %get3A_8, %rem3A_399 : vector<256xi32>
    %ne3A_401 = arith.constant 0 : i32
    %ne3A_402 = vector.broadcast %ne3A_401 : i32 to vector<256xi32>
    %ne3A_403 = arith.cmpi ne, %rem3A_400, %ne3A_402 : vector<256xi32>
    %and3A_404 = arith.andi %ne3A_398, %ne3A_403 : vector<256xi1>
    %sub3A_405 = arith.constant 1 : i32
    %sub3A_406 = vector.broadcast %sub3A_405 : i32 to vector<256xi32>
    %sub3A_407 = arith.subi %div3A_380, %sub3A_406 : vector<256xi32>
    %select_n3A_408 = arith.select %and3A_404, %sub3A_407, %div3A_380 : vector<256xi1>, vector<256xi32>
    %eq3A_409 = arith.constant 3 : i32
    %eq3A_410 = vector.broadcast %eq3A_409 : i32 to vector<256xi32>
    %eq3A_411 = arith.cmpi eq, %select_n3A_408, %eq3A_410 : vector<256xi32>
    %jit3A_412 = arith.constant -3.40282347E+38 : f32
    %jit3A_413 = arith.constant 0.000000e+00 : f32
    %broadcast_in_dim3A_414 = vector.broadcast %jit3A_412 : f32 to vector<256xf32>
    %broadcast_in_dim3A_415 = vector.broadcast %jit3A_413 : f32 to vector<256xf32>
    %select_n3A_416 = arith.select %eq3A_411, %broadcast_in_dim3A_414, %broadcast_in_dim3A_415 : vector<256xi1>, vector<256xf32>
    %dot_general3A_417 = arith.constant dense<0.000000e+00> : vector<256x256xf32>
    %dot_general3A_418 = tpu.matmul %get3A_352, %get3A_3, %dot_general3A_417 {dimension_numbers = #tpu.dot_dimension_numbers<[1], [1], [0], [0], [0, 0, 1, 0], [], []>, transpose_lhs_hint = false} : vector<256x128xf32>, vector<256x128xf32>, vector<256x256xf32> -> vector<256x256xf32>
    %mul3A_419 = arith.constant 1.250000e-01 : f32
    %mul3A_420 = vector.broadcast %mul3A_419 : f32 to vector<256x256xf32>
    %mul3A_421 = arith.mulf %dot_general3A_418, %mul3A_420 : vector<256x256xf32>
    %broadcast_in_dim3A_422 = vector.shape_cast %select_n3A_416 : vector<256xf32> to vector<1x256xf32>
    %add3A_423 = vector.broadcast %broadcast_in_dim3A_422 : vector<1x256xf32> to vector<256x256xf32>
    %add3A_424 = arith.addf %mul3A_421, %add3A_423 : vector<256x256xf32>
    %reduce_max3A_425 = arith.constant dense<0xFF800000> : vector<256xf32>
    %reduce_max3A_426 = vector.multi_reduction <maximumf>, %add3A_424, %reduce_max3A_425 [1] : vector<256x256xf32> to vector<256xf32>
    %broadcast_in_dim3A_427 = vector.shape_cast %reduce_max3A_426 : vector<256xf32> to vector<256x1xf32>
    %sub3A_428 = vector.broadcast %broadcast_in_dim3A_427 : vector<256x1xf32> to vector<256x256xf32>
    %sub3A_429 = arith.subf %add3A_424, %sub3A_428 : vector<256x256xf32>
    %exp3A_430 = math.exp %sub3A_429 : vector<256x256xf32>
    %reduce_sum3A_431 = arith.constant dense<0.000000e+00> : vector<256xf32>
    %reduce_sum3A_432 = vector.multi_reduction <add>, %exp3A_430, %reduce_sum3A_431 [1] : vector<256x256xf32> to vector<256xf32>
    %dot_general3A_433 = arith.constant dense<0.000000e+00> : vector<256x128xf32>
    %dot_general3A_434 = tpu.matmul %exp3A_430, %get3A_3, %dot_general3A_433 {dimension_numbers = #tpu.dot_dimension_numbers<[1], [0], [0], [1], [0, 0, 1, 1], [], []>, transpose_lhs_hint = false} : vector<256x256xf32>, vector<256x128xf32>, vector<256x128xf32> -> vector<256x128xf32>
    %broadcast_in_dim3A_435 = vector.shape_cast %reduce_sum3A_432 : vector<256xf32> to vector<256x1xf32>
    %div3A_436 = vector.broadcast %broadcast_in_dim3A_435 : vector<256x1xf32> to vector<256x128xf32>
    %div3A_437 = arith.divf %dot_general3A_434, %div3A_436 : vector<256x128xf32>
    %log3A_438 = math.log %reduce_sum3A_432 : vector<256xf32>
    %add3A_439 = arith.addf %reduce_max3A_426, %log3A_438 : vector<256xf32>
    %add3A_440 = arith.constant 2.77258873 : f32
    %add3A_441 = vector.broadcast %add3A_440 : f32 to vector<256xf32>
    %add3A_442 = arith.addf %add3A_439, %add3A_441 : vector<256xf32>
    %sub3A_443 = arith.subf %add3A_442, %add3A_377 : vector<256xf32>
    %exp3A_444 = math.exp %sub3A_443 : vector<256xf32>
    %add3A_445 = arith.constant 1.000000e+00 : f32
    %add3A_446 = vector.broadcast %add3A_445 : f32 to vector<256xf32>
    %add3A_447 = arith.addf %add3A_446, %exp3A_444 : vector<256xf32>
    %div3A_448 = arith.constant 1.000000e+00 : f32
    %div3A_449 = vector.broadcast %div3A_448 : f32 to vector<256xf32>
    %div3A_450 = arith.divf %div3A_449, %add3A_447 : vector<256xf32>
    %broadcast_in_dim3A_451 = vector.shape_cast %div3A_450 : vector<256xf32> to vector<256x1xf32>
    %mul3A_452 = vector.broadcast %broadcast_in_dim3A_451 : vector<256x1xf32> to vector<256x128xf32>
    %mul3A_453 = arith.mulf %mul3A_452, %div3A_375 : vector<256x128xf32>
    %broadcast_in_dim3A_454 = vector.shape_cast %div3A_450 : vector<256xf32> to vector<256x1xf32>
    %sub3A_455 = arith.constant 1.000000e+00 : f32
    %sub3A_456 = vector.broadcast %sub3A_455 : f32 to vector<256x1xf32>
    %sub3A_457 = arith.subf %sub3A_456, %broadcast_in_dim3A_454 : vector<256x1xf32>
    %mul3A_458 = vector.broadcast %sub3A_457 : vector<256x1xf32> to vector<256x128xf32>
    %mul3A_459 = arith.mulf %mul3A_458, %div3A_437 : vector<256x128xf32>
    %add3A_460 = arith.addf %mul3A_453, %mul3A_459 : vector<256x128xf32>
    %swap3A_461 = arith.constant 0 : index
    %swap3A_462 = arith.constant 768 : index
    %swap3A_463 = arith.constant 0 : index
    %swap3A_464 = vector.load %arg5[%swap3A_461, %swap3A_462, %swap3A_463] : memref<1x4096x128xf32, #tpu.memory_space<vmem>>, vector<1x256x128xf32>
    %swap3A_465 = vector.shape_cast %swap3A_464 : vector<1x256x128xf32> to vector<256x128xf32>
    %swap3A_466 = vector.shape_cast %add3A_460 : vector<256x128xf32> to vector<1x256x128xf32>
    tpu.vector_store %arg5[%swap3A_461, %swap3A_462, %swap3A_463], %swap3A_466 {strides = array<i32>} : memref<1x4096x128xf32, #tpu.memory_space<vmem>>, vector<1x256x128xf32>,
    %get3A_467 = arith.constant 0 : index
    %get3A_468 = arith.constant 1024 : index
    %get3A_469 = arith.constant 0 : index
    %get3A_470 = vector.load %arg1[%get3A_467, %get3A_468, %get3A_469] : memref<1x4096x128xf32, #tpu.memory_space<vmem>>, vector<1x256x128xf32>
    %get3A_471 = vector.shape_cast %get3A_470 : vector<1x256x128xf32> to vector<256x128xf32>
    %get3A_472 = arith.constant 0 : index
    %get3A_473 = arith.constant 1024 : index
    %get3A_474 = arith.constant 0 : index
    %get3A_475 = vector.load %arg2[%get3A_472, %get3A_473, %get3A_474] : memref<1x4096x128xf32, #tpu.memory_space<vmem>>, vector<1x256x128xf32>
    %get3A_476 = vector.shape_cast %get3A_475 : vector<1x256x128xf32> to vector<256x128xf32>
    %dot_general3A_477 = arith.constant dense<0.000000e+00> : vector<256x256xf32>
    %dot_general3A_478 = tpu.matmul %get3A_471, %get3A_476, %dot_general3A_477 {dimension_numbers = #tpu.dot_dimension_numbers<[1], [1], [0], [0], [0, 0, 1, 0], [], []>, transpose_lhs_hint = false} : vector<256x128xf32>, vector<256x128xf32>, vector<256x256xf32> -> vector<256x256xf32>
    %mul3A_479 = arith.constant 1.250000e-01 : f32
    %mul3A_480 = vector.broadcast %mul3A_479 : f32 to vector<256x256xf32>
    %mul3A_481 = arith.mulf %dot_general3A_478, %mul3A_480 : vector<256x256xf32>
    %reduce_max3A_482 = arith.constant dense<0xFF800000> : vector<256xf32>
    %reduce_max3A_483 = vector.multi_reduction <maximumf>, %mul3A_481, %reduce_max3A_482 [1] : vector<256x256xf32> to vector<256xf32>
    %broadcast_in_dim3A_484 = vector.shape_cast %reduce_max3A_483 : vector<256xf32> to vector<256x1xf32>
    %sub3A_485 = vector.broadcast %broadcast_in_dim3A_484 : vector<256x1xf32> to vector<256x256xf32>
    %sub3A_486 = arith.subf %mul3A_481, %sub3A_485 : vector<256x256xf32>
    %exp3A_487 = math.exp %sub3A_486 : vector<256x256xf32>
    %reduce_sum3A_488 = arith.constant dense<0.000000e+00> : vector<256xf32>
    %reduce_sum3A_489 = vector.multi_reduction <add>, %exp3A_487, %reduce_sum3A_488 [1] : vector<256x256xf32> to vector<256xf32>
    %dot_general3A_490 = arith.constant dense<0.000000e+00> : vector<256x128xf32>
    %dot_general3A_491 = tpu.matmul %exp3A_487, %get3A_476, %dot_general3A_490 {dimension_numbers = #tpu.dot_dimension_numbers<[1], [0], [0], [1], [0, 0, 1, 1], [], []>, transpose_lhs_hint = false} : vector<256x256xf32>, vector<256x128xf32>, vector<256x128xf32> -> vector<256x128xf32>
    %broadcast_in_dim3A_492 = vector.shape_cast %reduce_sum3A_489 : vector<256xf32> to vector<256x1xf32>
    %div3A_493 = vector.broadcast %broadcast_in_dim3A_492 : vector<256x1xf32> to vector<256x128xf32>
    %div3A_494 = arith.divf %dot_general3A_491, %div3A_493 : vector<256x128xf32>
    %log3A_495 = math.log %reduce_sum3A_489 : vector<256xf32>
    %add3A_496 = arith.addf %reduce_max3A_483, %log3A_495 : vector<256xf32>
    %jit3A_497 = arith.constant 256 : i32
    %div3A_498 = vector.broadcast %jit3A_497 : i32 to vector<256xi32>
    %div3A_499 = arith.divsi %get3A_8, %div3A_498 : vector<256xi32>
    %sign3A_500 = arith.constant 0 : i32
    %sign3A_501 = vector.broadcast %sign3A_500 : i32 to vector<256xi32>
    %sign3A_502 = arith.cmpi sgt, %get3A_8, %sign3A_501 : vector<256xi32>
    %sign3A_503 = arith.extui %sign3A_502 : vector<256xi1> to vector<256xi32>
    %sign3A_504 = arith.constant 0 : i32
    %sign3A_505 = vector.broadcast %sign3A_504 : i32 to vector<256xi32>
    %sign3A_506 = arith.cmpi slt, %get3A_8, %sign3A_505 : vector<256xi32>
    %sign3A_507 = arith.extui %sign3A_506 : vector<256xi1> to vector<256xi32>
    %sign3A_508 = arith.subi %sign3A_503, %sign3A_507 : vector<256xi32>
    %sign3A_509 = arith.constant 0 : i32
    %sign3A_510 = arith.cmpi sgt, %jit3A_497, %sign3A_509 : i32
    %sign3A_511 = arith.extui %sign3A_510 : i1 to i32
    %sign3A_512 = arith.constant 0 : i32
    %sign3A_513 = arith.cmpi slt, %jit3A_497, %sign3A_512 : i32
    %sign3A_514 = arith.extui %sign3A_513 : i1 to i32
    %sign3A_515 = arith.subi %sign3A_511, %sign3A_514 : i32
    %ne3A_516 = vector.broadcast %sign3A_515 : i32 to vector<256xi32>
    %ne3A_517 = arith.cmpi ne, %sign3A_508, %ne3A_516 : vector<256xi32>
    %rem3A_518 = vector.broadcast %jit3A_497 : i32 to vector<256xi32>
    %rem3A_519 = arith.remsi %get3A_8, %rem3A_518 : vector<256xi32>
    %ne3A_520 = arith.constant 0 : i32
    %ne3A_521 = vector.broadcast %ne3A_520 : i32 to vector<256xi32>
    %ne3A_522 = arith.cmpi ne, %rem3A_519, %ne3A_521 : vector<256xi32>
    %and3A_523 = arith.andi %ne3A_517, %ne3A_522 : vector<256xi1>
    %sub3A_524 = arith.constant 1 : i32
    %sub3A_525 = vector.broadcast %sub3A_524 : i32 to vector<256xi32>
    %sub3A_526 = arith.subi %div3A_499, %sub3A_525 : vector<256xi32>
    %select_n3A_527 = arith.select %and3A_523, %sub3A_526, %div3A_499 : vector<256xi1>, vector<256xi32>
    %eq3A_528 = arith.constant 4 : i32
    %eq3A_529 = vector.broadcast %eq3A_528 : i32 to vector<256xi32>
    %eq3A_530 = arith.cmpi eq, %select_n3A_527, %eq3A_529 : vector<256xi32>
    %jit3A_531 = arith.constant -3.40282347E+38 : f32
    %jit3A_532 = arith.constant 0.000000e+00 : f32
    %broadcast_in_dim3A_533 = vector.broadcast %jit3A_531 : f32 to vector<256xf32>
    %broadcast_in_dim3A_534 = vector.broadcast %jit3A_532 : f32 to vector<256xf32>
    %select_n3A_535 = arith.select %eq3A_530, %broadcast_in_dim3A_533, %broadcast_in_dim3A_534 : vector<256xi1>, vector<256xf32>
    %dot_general3A_536 = arith.constant dense<0.000000e+00> : vector<256x256xf32>
    %dot_general3A_537 = tpu.matmul %get3A_471, %get3A_3, %dot_general3A_536 {dimension_numbers = #tpu.dot_dimension_numbers<[1], [1], [0], [0], [0, 0, 1, 0], [], []>, transpose_lhs_hint = false} : vector<256x128xf32>, vector<256x128xf32>, vector<256x256xf32> -> vector<256x256xf32>
    %mul3A_538 = arith.constant 1.250000e-01 : f32
    %mul3A_539 = vector.broadcast %mul3A_538 : f32 to vector<256x256xf32>
    %mul3A_540 = arith.mulf %dot_general3A_537, %mul3A_539 : vector<256x256xf32>
    %broadcast_in_dim3A_541 = vector.shape_cast %select_n3A_535 : vector<256xf32> to vector<1x256xf32>
    %add3A_542 = vector.broadcast %broadcast_in_dim3A_541 : vector<1x256xf32> to vector<256x256xf32>
    %add3A_543 = arith.addf %mul3A_540, %add3A_542 : vector<256x256xf32>
    %reduce_max3A_544 = arith.constant dense<0xFF800000> : vector<256xf32>
    %reduce_max3A_545 = vector.multi_reduction <maximumf>, %add3A_543, %reduce_max3A_544 [1] : vector<256x256xf32> to vector<256xf32>
    %broadcast_in_dim3A_546 = vector.shape_cast %reduce_max3A_545 : vector<256xf32> to vector<256x1xf32>
    %sub3A_547 = vector.broadcast %broadcast_in_dim3A_546 : vector<256x1xf32> to vector<256x256xf32>
    %sub3A_548 = arith.subf %add3A_543, %sub3A_547 : vector<256x256xf32>
    %exp3A_549 = math.exp %sub3A_548 : vector<256x256xf32>
    %reduce_sum3A_550 = arith.constant dense<0.000000e+00> : vector<256xf32>
    %reduce_sum3A_551 = vector.multi_reduction <add>, %exp3A_549, %reduce_sum3A_550 [1] : vector<256x256xf32> to vector<256xf32>
    %dot_general3A_552 = arith.constant dense<0.000000e+00> : vector<256x128xf32>
    %dot_general3A_553 = tpu.matmul %exp3A_549, %get3A_3, %dot_general3A_552 {dimension_numbers = #tpu.dot_dimension_numbers<[1], [0], [0], [1], [0, 0, 1, 1], [], []>, transpose_lhs_hint = false} : vector<256x256xf32>, vector<256x128xf32>, vector<256x128xf32> -> vector<256x128xf32>
    %broadcast_in_dim3A_554 = vector.shape_cast %reduce_sum3A_551 : vector<256xf32> to vector<256x1xf32>
    %div3A_555 = vector.broadcast %broadcast_in_dim3A_554 : vector<256x1xf32> to vector<256x128xf32>
    %div3A_556 = arith.divf %dot_general3A_553, %div3A_555 : vector<256x128xf32>
    %log3A_557 = math.log %reduce_sum3A_551 : vector<256xf32>
    %add3A_558 = arith.addf %reduce_max3A_545, %log3A_557 : vector<256xf32>
    %add3A_559 = arith.constant 2.77258873 : f32
    %add3A_560 = vector.broadcast %add3A_559 : f32 to vector<256xf32>
    %add3A_561 = arith.addf %add3A_558, %add3A_560 : vector<256xf32>
    %sub3A_562 = arith.subf %add3A_561, %add3A_496 : vector<256xf32>
    %exp3A_563 = math.exp %sub3A_562 : vector<256xf32>
    %add3A_564 = arith.constant 1.000000e+00 : f32
    %add3A_565 = vector.broadcast %add3A_564 : f32 to vector<256xf32>
    %add3A_566 = arith.addf %add3A_565, %exp3A_563 : vector<256xf32>
    %div3A_567 = arith.constant 1.000000e+00 : f32
    %div3A_568 = vector.broadcast %div3A_567 : f32 to vector<256xf32>
    %div3A_569 = arith.divf %div3A_568, %add3A_566 : vector<256xf32>
    %broadcast_in_dim3A_570 = vector.shape_cast %div3A_569 : vector<256xf32> to vector<256x1xf32>
    %mul3A_571 = vector.broadcast %broadcast_in_dim3A_570 : vector<256x1xf32> to vector<256x128xf32>
    %mul3A_572 = arith.mulf %mul3A_571, %div3A_494 : vector<256x128xf32>
    %broadcast_in_dim3A_573 = vector.shape_cast %div3A_569 : vector<256xf32> to vector<256x1xf32>
    %sub3A_574 = arith.constant 1.000000e+00 : f32
    %sub3A_575 = vector.broadcast %sub3A_574 : f32 to vector<256x1xf32>
    %sub3A_576 = arith.subf %sub3A_575, %broadcast_in_dim3A_573 : vector<256x1xf32>
    %mul3A_577 = vector.broadcast %sub3A_576 : vector<256x1xf32> to vector<256x128xf32>
    %mul3A_578 = arith.mulf %mul3A_577, %div3A_556 : vector<256x128xf32>
    %add3A_579 = arith.addf %mul3A_572, %mul3A_578 : vector<256x128xf32>
    %swap3A_580 = arith.constant 0 : index
    %swap3A_581 = arith.constant 1024 : index
    %swap3A_582 = arith.constant 0 : index
    %swap3A_583 = vector.load %arg5[%swap3A_580, %swap3A_581, %swap3A_582] : memref<1x4096x128xf32, #tpu.memory_space<vmem>>, vector<1x256x128xf32>
    %swap3A_584 = vector.shape_cast %swap3A_583 : vector<1x256x128xf32> to vector<256x128xf32>
    %swap3A_585 = vector.shape_cast %add3A_579 : vector<256x128xf32> to vector<1x256x128xf32>
    tpu.vector_store %arg5[%swap3A_580, %swap3A_581, %swap3A_582], %swap3A_585 {strides = array<i32>} : memref<1x4096x128xf32, #tpu.memory_space<vmem>>, vector<1x256x128xf32>,
    %get3A_586 = arith.constant 0 : index
    %get3A_587 = arith.constant 1280 : index
    %get3A_588 = arith.constant 0 : index
    %get3A_589 = vector.load %arg1[%get3A_586, %get3A_587, %get3A_588] : memref<1x4096x128xf32, #tpu.memory_space<vmem>>, vector<1x256x128xf32>
    %get3A_590 = vector.shape_cast %get3A_589 : vector<1x256x128xf32> to vector<256x128xf32>
    %get3A_591 = arith.constant 0 : index
    %get3A_592 = arith.constant 1280 : index
    %get3A_593 = arith.constant 0 : index
    %get3A_594 = vector.load %arg2[%get3A_591, %get3A_592, %get3A_593] : memref<1x4096x128xf32, #tpu.memory_space<vmem>>, vector<1x256x128xf32>
    %get3A_595 = vector.shape_cast %get3A_594 : vector<1x256x128xf32> to vector<256x128xf32>
    %dot_general3A_596 = arith.constant dense<0.000000e+00> : vector<256x256xf32>
    %dot_general3A_597 = tpu.matmul %get3A_590, %get3A_595, %dot_general3A_596 {dimension_numbers = #tpu.dot_dimension_numbers<[1], [1], [0], [0], [0, 0, 1, 0], [], []>, transpose_lhs_hint = false} : vector<256x128xf32>, vector<256x128xf32>, vector<256x256xf32> -> vector<256x256xf32>
    %mul3A_598 = arith.constant 1.250000e-01 : f32
    %mul3A_599 = vector.broadcast %mul3A_598 : f32 to vector<256x256xf32>
    %mul3A_600 = arith.mulf %dot_general3A_597, %mul3A_599 : vector<256x256xf32>
    %reduce_max3A_601 = arith.constant dense<0xFF800000> : vector<256xf32>
    %reduce_max3A_602 = vector.multi_reduction <maximumf>, %mul3A_600, %reduce_max3A_601 [1] : vector<256x256xf32> to vector<256xf32>
    %broadcast_in_dim3A_603 = vector.shape_cast %reduce_max3A_602 : vector<256xf32> to vector<256x1xf32>
    %sub3A_604 = vector.broadcast %broadcast_in_dim3A_603 : vector<256x1xf32> to vector<256x256xf32>
    %sub3A_605 = arith.subf %mul3A_600, %sub3A_604 : vector<256x256xf32>
    %exp3A_606 = math.exp %sub3A_605 : vector<256x256xf32>
    %reduce_sum3A_607 = arith.constant dense<0.000000e+00> : vector<256xf32>
    %reduce_sum3A_608 = vector.multi_reduction <add>, %exp3A_606, %reduce_sum3A_607 [1] : vector<256x256xf32> to vector<256xf32>
    %dot_general3A_609 = arith.constant dense<0.000000e+00> : vector<256x128xf32>
    %dot_general3A_610 = tpu.matmul %exp3A_606, %get3A_595, %dot_general3A_609 {dimension_numbers = #tpu.dot_dimension_numbers<[1], [0], [0], [1], [0, 0, 1, 1], [], []>, transpose_lhs_hint = false} : vector<256x256xf32>, vector<256x128xf32>, vector<256x128xf32> -> vector<256x128xf32>
    %broadcast_in_dim3A_611 = vector.shape_cast %reduce_sum3A_608 : vector<256xf32> to vector<256x1xf32>
    %div3A_612 = vector.broadcast %broadcast_in_dim3A_611 : vector<256x1xf32> to vector<256x128xf32>
    %div3A_613 = arith.divf %dot_general3A_610, %div3A_612 : vector<256x128xf32>
    %log3A_614 = math.log %reduce_sum3A_608 : vector<256xf32>
    %add3A_615 = arith.addf %reduce_max3A_602, %log3A_614 : vector<256xf32>
    %jit3A_616 = arith.constant 256 : i32
    %div3A_617 = vector.broadcast %jit3A_616 : i32 to vector<256xi32>
    %div3A_618 = arith.divsi %get3A_8, %div3A_617 : vector<256xi32>
    %sign3A_619 = arith.constant 0 : i32
    %sign3A_620 = vector.broadcast %sign3A_619 : i32 to vector<256xi32>
    %sign3A_621 = arith.cmpi sgt, %get3A_8, %sign3A_620 : vector<256xi32>
    %sign3A_622 = arith.extui %sign3A_621 : vector<256xi1> to vector<256xi32>
    %sign3A_623 = arith.constant 0 : i32
    %sign3A_624 = vector.broadcast %sign3A_623 : i32 to vector<256xi32>
    %sign3A_625 = arith.cmpi slt, %get3A_8, %sign3A_624 : vector<256xi32>
    %sign3A_626 = arith.extui %sign3A_625 : vector<256xi1> to vector<256xi32>
    %sign3A_627 = arith.subi %sign3A_622, %sign3A_626 : vector<256xi32>
    %sign3A_628 = arith.constant 0 : i32
    %sign3A_629 = arith.cmpi sgt, %jit3A_616, %sign3A_628 : i32
    %sign3A_630 = arith.extui %sign3A_629 : i1 to i32
    %sign3A_631 = arith.constant 0 : i32
    %sign3A_632 = arith.cmpi slt, %jit3A_616, %sign3A_631 : i32
    %sign3A_633 = arith.extui %sign3A_632 : i1 to i32
    %sign3A_634 = arith.subi %sign3A_630, %sign3A_633 : i32
    %ne3A_635 = vector.broadcast %sign3A_634 : i32 to vector<256xi32>
    %ne3A_636 = arith.cmpi ne, %sign3A_627, %ne3A_635 : vector<256xi32>
    %rem3A_637 = vector.broadcast %jit3A_616 : i32 to vector<256xi32>
    %rem3A_638 = arith.remsi %get3A_8, %rem3A_637 : vector<256xi32>
    %ne3A_639 = arith.constant 0 : i32
    %ne3A_640 = vector.broadcast %ne3A_639 : i32 to vector<256xi32>
    %ne3A_641 = arith.cmpi ne, %rem3A_638, %ne3A_640 : vector<256xi32>
    %and3A_642 = arith.andi %ne3A_636, %ne3A_641 : vector<256xi1>
    %sub3A_643 = arith.constant 1 : i32
    %sub3A_644 = vector.broadcast %sub3A_643 : i32 to vector<256xi32>
    %sub3A_645 = arith.subi %div3A_618, %sub3A_644 : vector<256xi32>
    %select_n3A_646 = arith.select %and3A_642, %sub3A_645, %div3A_618 : vector<256xi1>, vector<256xi32>
    %eq3A_647 = arith.constant 5 : i32
    %eq3A_648 = vector.broadcast %eq3A_647 : i32 to vector<256xi32>
    %eq3A_649 = arith.cmpi eq, %select_n3A_646, %eq3A_648 : vector<256xi32>
    %jit3A_650 = arith.constant -3.40282347E+38 : f32
    %jit3A_651 = arith.constant 0.000000e+00 : f32
    %broadcast_in_dim3A_652 = vector.broadcast %jit3A_650 : f32 to vector<256xf32>
    %broadcast_in_dim3A_653 = vector.broadcast %jit3A_651 : f32 to vector<256xf32>
    %select_n3A_654 = arith.select %eq3A_649, %broadcast_in_dim3A_652, %broadcast_in_dim3A_653 : vector<256xi1>, vector<256xf32>
    %dot_general3A_655 = arith.constant dense<0.000000e+00> : vector<256x256xf32>
    %dot_general3A_656 = tpu.matmul %get3A_590, %get3A_3, %dot_general3A_655 {dimension_numbers = #tpu.dot_dimension_numbers<[1], [1], [0], [0], [0, 0, 1, 0], [], []>, transpose_lhs_hint = false} : vector<256x128xf32>, vector<256x128xf32>, vector<256x256xf32> -> vector<256x256xf32>
    %mul3A_657 = arith.constant 1.250000e-01 : f32
    %mul3A_658 = vector.broadcast %mul3A_657 : f32 to vector<256x256xf32>
    %mul3A_659 = arith.mulf %dot_general3A_656, %mul3A_658 : vector<256x256xf32>
    %broadcast_in_dim3A_660 = vector.shape_cast %select_n3A_654 : vector<256xf32> to vector<1x256xf32>
    %add3A_661 = vector.broadcast %broadcast_in_dim3A_660 : vector<1x256xf32> to vector<256x256xf32>
    %add3A_662 = arith.addf %mul3A_659, %add3A_661 : vector<256x256xf32>
    %reduce_max3A_663 = arith.constant dense<0xFF800000> : vector<256xf32>
    %reduce_max3A_664 = vector.multi_reduction <maximumf>, %add3A_662, %reduce_max3A_663 [1] : vector<256x256xf32> to vector<256xf32>
    %broadcast_in_dim3A_665 = vector.shape_cast %reduce_max3A_664 : vector<256xf32> to vector<256x1xf32>
    %sub3A_666 = vector.broadcast %broadcast_in_dim3A_665 : vector<256x1xf32> to vector<256x256xf32>
    %sub3A_667 = arith.subf %add3A_662, %sub3A_666 : vector<256x256xf32>
    %exp3A_668 = math.exp %sub3A_667 : vector<256x256xf32>
    %reduce_sum3A_669 = arith.constant dense<0.000000e+00> : vector<256xf32>
    %reduce_sum3A_670 = vector.multi_reduction <add>, %exp3A_668, %reduce_sum3A_669 [1] : vector<256x256xf32> to vector<256xf32>
    %dot_general3A_671 = arith.constant dense<0.000000e+00> : vector<256x128xf32>
    %dot_general3A_672 = tpu.matmul %exp3A_668, %get3A_3, %dot_general3A_671 {dimension_numbers = #tpu.dot_dimension_numbers<[1], [0], [0], [1], [0, 0, 1, 1], [], []>, transpose_lhs_hint = false} : vector<256x256xf32>, vector<256x128xf32>, vector<256x128xf32> -> vector<256x128xf32>
    %broadcast_in_dim3A_673 = vector.shape_cast %reduce_sum3A_670 : vector<256xf32> to vector<256x1xf32>
    %div3A_674 = vector.broadcast %broadcast_in_dim3A_673 : vector<256x1xf32> to vector<256x128xf32>
    %div3A_675 = arith.divf %dot_general3A_672, %div3A_674 : vector<256x128xf32>
    %log3A_676 = math.log %reduce_sum3A_670 : vector<256xf32>
    %add3A_677 = arith.addf %reduce_max3A_664, %log3A_676 : vector<256xf32>
    %add3A_678 = arith.constant 2.77258873 : f32
    %add3A_679 = vector.broadcast %add3A_678 : f32 to vector<256xf32>
    %add3A_680 = arith.addf %add3A_677, %add3A_679 : vector<256xf32>
    %sub3A_681 = arith.subf %add3A_680, %add3A_615 : vector<256xf32>
    %exp3A_682 = math.exp %sub3A_681 : vector<256xf32>
    %add3A_683 = arith.constant 1.000000e+00 : f32
    %add3A_684 = vector.broadcast %add3A_683 : f32 to vector<256xf32>
    %add3A_685 = arith.addf %add3A_684, %exp3A_682 : vector<256xf32>
    %div3A_686 = arith.constant 1.000000e+00 : f32
    %div3A_687 = vector.broadcast %div3A_686 : f32 to vector<256xf32>
    %div3A_688 = arith.divf %div3A_687, %add3A_685 : vector<256xf32>
    %broadcast_in_dim3A_689 = vector.shape_cast %div3A_688 : vector<256xf32> to vector<256x1xf32>
    %mul3A_690 = vector.broadcast %broadcast_in_dim3A_689 : vector<256x1xf32> to vector<256x128xf32>
    %mul3A_691 = arith.mulf %mul3A_690, %div3A_613 : vector<256x128xf32>
    %broadcast_in_dim3A_692 = vector.shape_cast %div3A_688 : vector<256xf32> to vector<256x1xf32>
    %sub3A_693 = arith.constant 1.000000e+00 : f32
    %sub3A_694 = vector.broadcast %sub3A_693 : f32 to vector<256x1xf32>
    %sub3A_695 = arith.subf %sub3A_694, %broadcast_in_dim3A_692 : vector<256x1xf32>
    %mul3A_696 = vector.broadcast %sub3A_695 : vector<256x1xf32> to vector<256x128xf32>
    %mul3A_697 = arith.mulf %mul3A_696, %div3A_675 : vector<256x128xf32>
    %add3A_698 = arith.addf %mul3A_691, %mul3A_697 : vector<256x128xf32>
    %swap3A_699 = arith.constant 0 : index
    %swap3A_700 = arith.constant 1280 : index
    %swap3A_701 = arith.constant 0 : index
    %swap3A_702 = vector.load %arg5[%swap3A_699, %swap3A_700, %swap3A_701] : memref<1x4096x128xf32, #tpu.memory_space<vmem>>, vector<1x256x128xf32>
    %swap3A_703 = vector.shape_cast %swap3A_702 : vector<1x256x128xf32> to vector<256x128xf32>
    %swap3A_704 = vector.shape_cast %add3A_698 : vector<256x128xf32> to vector<1x256x128xf32>
    tpu.vector_store %arg5[%swap3A_699, %swap3A_700, %swap3A_701], %swap3A_704 {strides = array<i32>} : memref<1x4096x128xf32, #tpu.memory_space<vmem>>, vector<1x256x128xf32>,
    %get3A_705 = arith.constant 0 : index
    %get3A_706 = arith.constant 1536 : index
    %get3A_707 = arith.constant 0 : index
    %get3A_708 = vector.load %arg1[%get3A_705, %get3A_706, %get3A_707] : memref<1x4096x128xf32, #tpu.memory_space<vmem>>, vector<1x256x128xf32>
    %get3A_709 = vector.shape_cast %get3A_708 : vector<1x256x128xf32> to vector<256x128xf32>
    %get3A_710 = arith.constant 0 : index
    %get3A_711 = arith.constant 1536 : index
    %get3A_712 = arith.constant 0 : index
    %get3A_713 = vector.load %arg2[%get3A_710, %get3A_711, %get3A_712] : memref<1x4096x128xf32, #tpu.memory_space<vmem>>, vector<1x256x128xf32>
    %get3A_714 = vector.shape_cast %get3A_713 : vector<1x256x128xf32> to vector<256x128xf32>
    %dot_general3A_715 = arith.constant dense<0.000000e+00> : vector<256x256xf32>
    %dot_general3A_716 = tpu.matmul %get3A_709, %get3A_714, %dot_general3A_715 {dimension_numbers = #tpu.dot_dimension_numbers<[1], [1], [0], [0], [0, 0, 1, 0], [], []>, transpose_lhs_hint = false} : vector<256x128xf32>, vector<256x128xf32>, vector<256x256xf32> -> vector<256x256xf32>
    %mul3A_717 = arith.constant 1.250000e-01 : f32
    %mul3A_718 = vector.broadcast %mul3A_717 : f32 to vector<256x256xf32>
    %mul3A_719 = arith.mulf %dot_general3A_716, %mul3A_718 : vector<256x256xf32>
    %reduce_max3A_720 = arith.constant dense<0xFF800000> : vector<256xf32>
    %reduce_max3A_721 = vector.multi_reduction <maximumf>, %mul3A_719, %reduce_max3A_720 [1] : vector<256x256xf32> to vector<256xf32>
    %broadcast_in_dim3A_722 = vector.shape_cast %reduce_max3A_721 : vector<256xf32> to vector<256x1xf32>
    %sub3A_723 = vector.broadcast %broadcast_in_dim3A_722 : vector<256x1xf32> to vector<256x256xf32>
    %sub3A_724 = arith.subf %mul3A_719, %sub3A_723 : vector<256x256xf32>
    %exp3A_725 = math.exp %sub3A_724 : vector<256x256xf32>
    %reduce_sum3A_726 = arith.constant dense<0.000000e+00> : vector<256xf32>
    %reduce_sum3A_727 = vector.multi_reduction <add>, %exp3A_725, %reduce_sum3A_726 [1] : vector<256x256xf32> to vector<256xf32>
    %dot_general3A_728 = arith.constant dense<0.000000e+00> : vector<256x128xf32>
    %dot_general3A_729 = tpu.matmul %exp3A_725, %get3A_714, %dot_general3A_728 {dimension_numbers = #tpu.dot_dimension_numbers<[1], [0], [0], [1], [0, 0, 1, 1], [], []>, transpose_lhs_hint = false} : vector<256x256xf32>, vector<256x128xf32>, vector<256x128xf32> -> vector<256x128xf32>
    %broadcast_in_dim3A_730 = vector.shape_cast %reduce_sum3A_727 : vector<256xf32> to vector<256x1xf32>
    %div3A_731 = vector.broadcast %broadcast_in_dim3A_730 : vector<256x1xf32> to vector<256x128xf32>
    %div3A_732 = arith.divf %dot_general3A_729, %div3A_731 : vector<256x128xf32>
    %log3A_733 = math.log %reduce_sum3A_727 : vector<256xf32>
    %add3A_734 = arith.addf %reduce_max3A_721, %log3A_733 : vector<256xf32>
    %jit3A_735 = arith.constant 256 : i32
    %div3A_736 = vector.broadcast %jit3A_735 : i32 to vector<256xi32>
    %div3A_737 = arith.divsi %get3A_8, %div3A_736 : vector<256xi32>
    %sign3A_738 = arith.constant 0 : i32
    %sign3A_739 = vector.broadcast %sign3A_738 : i32 to vector<256xi32>
    %sign3A_740 = arith.cmpi sgt, %get3A_8, %sign3A_739 : vector<256xi32>
    %sign3A_741 = arith.extui %sign3A_740 : vector<256xi1> to vector<256xi32>
    %sign3A_742 = arith.constant 0 : i32
    %sign3A_743 = vector.broadcast %sign3A_742 : i32 to vector<256xi32>
    %sign3A_744 = arith.cmpi slt, %get3A_8, %sign3A_743 : vector<256xi32>
    %sign3A_745 = arith.extui %sign3A_744 : vector<256xi1> to vector<256xi32>
    %sign3A_746 = arith.subi %sign3A_741, %sign3A_745 : vector<256xi32>
    %sign3A_747 = arith.constant 0 : i32
    %sign3A_748 = arith.cmpi sgt, %jit3A_735, %sign3A_747 : i32
    %sign3A_749 = arith.extui %sign3A_748 : i1 to i32
    %sign3A_750 = arith.constant 0 : i32
    %sign3A_751 = arith.cmpi slt, %jit3A_735, %sign3A_750 : i32
    %sign3A_752 = arith.extui %sign3A_751 : i1 to i32
    %sign3A_753 = arith.subi %sign3A_749, %sign3A_752 : i32
    %ne3A_754 = vector.broadcast %sign3A_753 : i32 to vector<256xi32>
    %ne3A_755 = arith.cmpi ne, %sign3A_746, %ne3A_754 : vector<256xi32>
    %rem3A_756 = vector.broadcast %jit3A_735 : i32 to vector<256xi32>
    %rem3A_757 = arith.remsi %get3A_8, %rem3A_756 : vector<256xi32>
    %ne3A_758 = arith.constant 0 : i32
    %ne3A_759 = vector.broadcast %ne3A_758 : i32 to vector<256xi32>
    %ne3A_760 = arith.cmpi ne, %rem3A_757, %ne3A_759 : vector<256xi32>
    %and3A_761 = arith.andi %ne3A_755, %ne3A_760 : vector<256xi1>
    %sub3A_762 = arith.constant 1 : i32
    %sub3A_763 = vector.broadcast %sub3A_762 : i32 to vector<256xi32>
    %sub3A_764 = arith.subi %div3A_737, %sub3A_763 : vector<256xi32>
    %select_n3A_765 = arith.select %and3A_761, %sub3A_764, %div3A_737 : vector<256xi1>, vector<256xi32>
    %eq3A_766 = arith.constant 6 : i32
    %eq3A_767 = vector.broadcast %eq3A_766 : i32 to vector<256xi32>
    %eq3A_768 = arith.cmpi eq, %select_n3A_765, %eq3A_767 : vector<256xi32>
    %jit3A_769 = arith.constant -3.40282347E+38 : f32
    %jit3A_770 = arith.constant 0.000000e+00 : f32
    %broadcast_in_dim3A_771 = vector.broadcast %jit3A_769 : f32 to vector<256xf32>
    %broadcast_in_dim3A_772 = vector.broadcast %jit3A_770 : f32 to vector<256xf32>
    %select_n3A_773 = arith.select %eq3A_768, %broadcast_in_dim3A_771, %broadcast_in_dim3A_772 : vector<256xi1>, vector<256xf32>
    %dot_general3A_774 = arith.constant dense<0.000000e+00> : vector<256x256xf32>
    %dot_general3A_775 = tpu.matmul %get3A_709, %get3A_3, %dot_general3A_774 {dimension_numbers = #tpu.dot_dimension_numbers<[1], [1], [0], [0], [0, 0, 1, 0], [], []>, transpose_lhs_hint = false} : vector<256x128xf32>, vector<256x128xf32>, vector<256x256xf32> -> vector<256x256xf32>
    %mul3A_776 = arith.constant 1.250000e-01 : f32
    %mul3A_777 = vector.broadcast %mul3A_776 : f32 to vector<256x256xf32>
    %mul3A_778 = arith.mulf %dot_general3A_775, %mul3A_777 : vector<256x256xf32>
    %broadcast_in_dim3A_779 = vector.shape_cast %select_n3A_773 : vector<256xf32> to vector<1x256xf32>
    %add3A_780 = vector.broadcast %broadcast_in_dim3A_779 : vector<1x256xf32> to vector<256x256xf32>
    %add3A_781 = arith.addf %mul3A_778, %add3A_780 : vector<256x256xf32>
    %reduce_max3A_782 = arith.constant dense<0xFF800000> : vector<256xf32>
    %reduce_max3A_783 = vector.multi_reduction <maximumf>, %add3A_781, %reduce_max3A_782 [1] : vector<256x256xf32> to vector<256xf32>
    %broadcast_in_dim3A_784 = vector.shape_cast %reduce_max3A_783 : vector<256xf32> to vector<256x1xf32>
    %sub3A_785 = vector.broadcast %broadcast_in_dim3A_784 : vector<256x1xf32> to vector<256x256xf32>
    %sub3A_786 = arith.subf %add3A_781, %sub3A_785 : vector<256x256xf32>
    %exp3A_787 = math.exp %sub3A_786 : vector<256x256xf32>
    %reduce_sum3A_788 = arith.constant dense<0.000000e+00> : vector<256xf32>
    %reduce_sum3A_789 = vector.multi_reduction <add>, %exp3A_787, %reduce_sum3A_788 [1] : vector<256x256xf32> to vector<256xf32>
    %dot_general3A_790 = arith.constant dense<0.000000e+00> : vector<256x128xf32>
    %dot_general3A_791 = tpu.matmul %exp3A_787, %get3A_3, %dot_general3A_790 {dimension_numbers = #tpu.dot_dimension_numbers<[1], [0], [0], [1], [0, 0, 1, 1], [], []>, transpose_lhs_hint = false} : vector<256x256xf32>, vector<256x128xf32>, vector<256x128xf32> -> vector<256x128xf32>
    %broadcast_in_dim3A_792 = vector.shape_cast %reduce_sum3A_789 : vector<256xf32> to vector<256x1xf32>
    %div3A_793 = vector.broadcast %broadcast_in_dim3A_792 : vector<256x1xf32> to vector<256x128xf32>
    %div3A_794 = arith.divf %dot_general3A_791, %div3A_793 : vector<256x128xf32>
    %log3A_795 = math.log %reduce_sum3A_789 : vector<256xf32>
    %add3A_796 = arith.addf %reduce_max3A_783, %log3A_795 : vector<256xf32>
    %add3A_797 = arith.constant 2.77258873 : f32
    %add3A_798 = vector.broadcast %add3A_797 : f32 to vector<256xf32>
    %add3A_799 = arith.addf %add3A_796, %add3A_798 : vector<256xf32>
    %sub3A_800 = arith.subf %add3A_799, %add3A_734 : vector<256xf32>
    %exp3A_801 = math.exp %sub3A_800 : vector<256xf32>
    %add3A_802 = arith.constant 1.000000e+00 : f32
    %add3A_803 = vector.broadcast %add3A_802 : f32 to vector<256xf32>
    %add3A_804 = arith.addf %add3A_803, %exp3A_801 : vector<256xf32>
    %div3A_805 = arith.constant 1.000000e+00 : f32
    %div3A_806 = vector.broadcast %div3A_805 : f32 to vector<256xf32>
    %div3A_807 = arith.divf %div3A_806, %add3A_804 : vector<256xf32>
    %broadcast_in_dim3A_808 = vector.shape_cast %div3A_807 : vector<256xf32> to vector<256x1xf32>
    %mul3A_809 = vector.broadcast %broadcast_in_dim3A_808 : vector<256x1xf32> to vector<256x128xf32>
    %mul3A_810 = arith.mulf %mul3A_809, %div3A_732 : vector<256x128xf32>
    %broadcast_in_dim3A_811 = vector.shape_cast %div3A_807 : vector<256xf32> to vector<256x1xf32>
    %sub3A_812 = arith.constant 1.000000e+00 : f32
    %sub3A_813 = vector.broadcast %sub3A_812 : f32 to vector<256x1xf32>
    %sub3A_814 = arith.subf %sub3A_813, %broadcast_in_dim3A_811 : vector<256x1xf32>
    %mul3A_815 = vector.broadcast %sub3A_814 : vector<256x1xf32> to vector<256x128xf32>
    %mul3A_816 = arith.mulf %mul3A_815, %div3A_794 : vector<256x128xf32>
    %add3A_817 = arith.addf %mul3A_810, %mul3A_816 : vector<256x128xf32>
    %swap3A_818 = arith.constant 0 : index
    %swap3A_819 = arith.constant 1536 : index
    %swap3A_820 = arith.constant 0 : index
    %swap3A_821 = vector.load %arg5[%swap3A_818, %swap3A_819, %swap3A_820] : memref<1x4096x128xf32, #tpu.memory_space<vmem>>, vector<1x256x128xf32>
    %swap3A_822 = vector.shape_cast %swap3A_821 : vector<1x256x128xf32> to vector<256x128xf32>
    %swap3A_823 = vector.shape_cast %add3A_817 : vector<256x128xf32> to vector<1x256x128xf32>
    tpu.vector_store %arg5[%swap3A_818, %swap3A_819, %swap3A_820], %swap3A_823 {strides = array<i32>} : memref<1x4096x128xf32, #tpu.memory_space<vmem>>, vector<1x256x128xf32>,
    %get3A_824 = arith.constant 0 : index
    %get3A_825 = arith.constant 1792 : index
    %get3A_826 = arith.constant 0 : index
    %get3A_827 = vector.load %arg1[%get3A_824, %get3A_825, %get3A_826] : memref<1x4096x128xf32, #tpu.memory_space<vmem>>, vector<1x256x128xf32>
    %get3A_828 = vector.shape_cast %get3A_827 : vector<1x256x128xf32> to vector<256x128xf32>
    %get3A_829 = arith.constant 0 : index
    %get3A_830 = arith.constant 1792 : index
    %get3A_831 = arith.constant 0 : index
    %get3A_832 = vector.load %arg2[%get3A_829, %get3A_830, %get3A_831] : memref<1x4096x128xf32, #tpu.memory_space<vmem>>, vector<1x256x128xf32>
    %get3A_833 = vector.shape_cast %get3A_832 : vector<1x256x128xf32> to vector<256x128xf32>
    %dot_general3A_834 = arith.constant dense<0.000000e+00> : vector<256x256xf32>
    %dot_general3A_835 = tpu.matmul %get3A_828, %get3A_833, %dot_general3A_834 {dimension_numbers = #tpu.dot_dimension_numbers<[1], [1], [0], [0], [0, 0, 1, 0], [], []>, transpose_lhs_hint = false} : vector<256x128xf32>, vector<256x128xf32>, vector<256x256xf32> -> vector<256x256xf32>
    %mul3A_836 = arith.constant 1.250000e-01 : f32
    %mul3A_837 = vector.broadcast %mul3A_836 : f32 to vector<256x256xf32>
    %mul3A_838 = arith.mulf %dot_general3A_835, %mul3A_837 : vector<256x256xf32>
    %reduce_max3A_839 = arith.constant dense<0xFF800000> : vector<256xf32>
    %reduce_max3A_840 = vector.multi_reduction <maximumf>, %mul3A_838, %reduce_max3A_839 [1] : vector<256x256xf32> to vector<256xf32>
    %broadcast_in_dim3A_841 = vector.shape_cast %reduce_max3A_840 : vector<256xf32> to vector<256x1xf32>
    %sub3A_842 = vector.broadcast %broadcast_in_dim3A_841 : vector<256x1xf32> to vector<256x256xf32>
    %sub3A_843 = arith.subf %mul3A_838, %sub3A_842 : vector<256x256xf32>
    %exp3A_844 = math.exp %sub3A_843 : vector<256x256xf32>
    %reduce_sum3A_845 = arith.constant dense<0.000000e+00> : vector<256xf32>
    %reduce_sum3A_846 = vector.multi_reduction <add>, %exp3A_844, %reduce_sum3A_845 [1] : vector<256x256xf32> to vector<256xf32>
    %dot_general3A_847 = arith.constant dense<0.000000e+00> : vector<256x128xf32>
    %dot_general3A_848 = tpu.matmul %exp3A_844, %get3A_833, %dot_general3A_847 {dimension_numbers = #tpu.dot_dimension_numbers<[1], [0], [0], [1], [0, 0, 1, 1], [], []>, transpose_lhs_hint = false} : vector<256x256xf32>, vector<256x128xf32>, vector<256x128xf32> -> vector<256x128xf32>
    %broadcast_in_dim3A_849 = vector.shape_cast %reduce_sum3A_846 : vector<256xf32> to vector<256x1xf32>
    %div3A_850 = vector.broadcast %broadcast_in_dim3A_849 : vector<256x1xf32> to vector<256x128xf32>
    %div3A_851 = arith.divf %dot_general3A_848, %div3A_850 : vector<256x128xf32>
    %log3A_852 = math.log %reduce_sum3A_846 : vector<256xf32>
    %add3A_853 = arith.addf %reduce_max3A_840, %log3A_852 : vector<256xf32>
    %jit3A_854 = arith.constant 256 : i32
    %div3A_855 = vector.broadcast %jit3A_854 : i32 to vector<256xi32>
    %div3A_856 = arith.divsi %get3A_8, %div3A_855 : vector<256xi32>
    %sign3A_857 = arith.constant 0 : i32
    %sign3A_858 = vector.broadcast %sign3A_857 : i32 to vector<256xi32>
    %sign3A_859 = arith.cmpi sgt, %get3A_8, %sign3A_858 : vector<256xi32>
    %sign3A_860 = arith.extui %sign3A_859 : vector<256xi1> to vector<256xi32>
    %sign3A_861 = arith.constant 0 : i32
    %sign3A_862 = vector.broadcast %sign3A_861 : i32 to vector<256xi32>
    %sign3A_863 = arith.cmpi slt, %get3A_8, %sign3A_862 : vector<256xi32>
    %sign3A_864 = arith.extui %sign3A_863 : vector<256xi1> to vector<256xi32>
    %sign3A_865 = arith.subi %sign3A_860, %sign3A_864 : vector<256xi32>
    %sign3A_866 = arith.constant 0 : i32
    %sign3A_867 = arith.cmpi sgt, %jit3A_854, %sign3A_866 : i32
    %sign3A_868 = arith.extui %sign3A_867 : i1 to i32
    %sign3A_869 = arith.constant 0 : i32
    %sign3A_870 = arith.cmpi slt, %jit3A_854, %sign3A_869 : i32
    %sign3A_871 = arith.extui %sign3A_870 : i1 to i32
    %sign3A_872 = arith.subi %sign3A_868, %sign3A_871 : i32
    %ne3A_873 = vector.broadcast %sign3A_872 : i32 to vector<256xi32>
    %ne3A_874 = arith.cmpi ne, %sign3A_865, %ne3A_873 : vector<256xi32>
    %rem3A_875 = vector.broadcast %jit3A_854 : i32 to vector<256xi32>
    %rem3A_876 = arith.remsi %get3A_8, %rem3A_875 : vector<256xi32>
    %ne3A_877 = arith.constant 0 : i32
    %ne3A_878 = vector.broadcast %ne3A_877 : i32 to vector<256xi32>
    %ne3A_879 = arith.cmpi ne, %rem3A_876, %ne3A_878 : vector<256xi32>
    %and3A_880 = arith.andi %ne3A_874, %ne3A_879 : vector<256xi1>
    %sub3A_881 = arith.constant 1 : i32
    %sub3A_882 = vector.broadcast %sub3A_881 : i32 to vector<256xi32>
    %sub3A_883 = arith.subi %div3A_856, %sub3A_882 : vector<256xi32>
    %select_n3A_884 = arith.select %and3A_880, %sub3A_883, %div3A_856 : vector<256xi1>, vector<256xi32>
    %eq3A_885 = arith.constant 7 : i32
    %eq3A_886 = vector.broadcast %eq3A_885 : i32 to vector<256xi32>
    %eq3A_887 = arith.cmpi eq, %select_n3A_884, %eq3A_886 : vector<256xi32>
    %jit3A_888 = arith.constant -3.40282347E+38 : f32
    %jit3A_889 = arith.constant 0.000000e+00 : f32
    %broadcast_in_dim3A_890 = vector.broadcast %jit3A_888 : f32 to vector<256xf32>
    %broadcast_in_dim3A_891 = vector.broadcast %jit3A_889 : f32 to vector<256xf32>
    %select_n3A_892 = arith.select %eq3A_887, %broadcast_in_dim3A_890, %broadcast_in_dim3A_891 : vector<256xi1>, vector<256xf32>
    %dot_general3A_893 = arith.constant dense<0.000000e+00> : vector<256x256xf32>
    %dot_general3A_894 = tpu.matmul %get3A_828, %get3A_3, %dot_general3A_893 {dimension_numbers = #tpu.dot_dimension_numbers<[1], [1], [0], [0], [0, 0, 1, 0], [], []>, transpose_lhs_hint = false} : vector<256x128xf32>, vector<256x128xf32>, vector<256x256xf32> -> vector<256x256xf32>
    %mul3A_895 = arith.constant 1.250000e-01 : f32
    %mul3A_896 = vector.broadcast %mul3A_895 : f32 to vector<256x256xf32>
    %mul3A_897 = arith.mulf %dot_general3A_894, %mul3A_896 : vector<256x256xf32>
    %broadcast_in_dim3A_898 = vector.shape_cast %select_n3A_892 : vector<256xf32> to vector<1x256xf32>
    %add3A_899 = vector.broadcast %broadcast_in_dim3A_898 : vector<1x256xf32> to vector<256x256xf32>
    %add3A_900 = arith.addf %mul3A_897, %add3A_899 : vector<256x256xf32>
    %reduce_max3A_901 = arith.constant dense<0xFF800000> : vector<256xf32>
    %reduce_max3A_902 = vector.multi_reduction <maximumf>, %add3A_900, %reduce_max3A_901 [1] : vector<256x256xf32> to vector<256xf32>
    %broadcast_in_dim3A_903 = vector.shape_cast %reduce_max3A_902 : vector<256xf32> to vector<256x1xf32>
    %sub3A_904 = vector.broadcast %broadcast_in_dim3A_903 : vector<256x1xf32> to vector<256x256xf32>
    %sub3A_905 = arith.subf %add3A_900, %sub3A_904 : vector<256x256xf32>
    %exp3A_906 = math.exp %sub3A_905 : vector<256x256xf32>
    %reduce_sum3A_907 = arith.constant dense<0.000000e+00> : vector<256xf32>
    %reduce_sum3A_908 = vector.multi_reduction <add>, %exp3A_906, %reduce_sum3A_907 [1] : vector<256x256xf32> to vector<256xf32>
    %dot_general3A_909 = arith.constant dense<0.000000e+00> : vector<256x128xf32>
    %dot_general3A_910 = tpu.matmul %exp3A_906, %get3A_3, %dot_general3A_909 {dimension_numbers = #tpu.dot_dimension_numbers<[1], [0], [0], [1], [0, 0, 1, 1], [], []>, transpose_lhs_hint = false} : vector<256x256xf32>, vector<256x128xf32>, vector<256x128xf32> -> vector<256x128xf32>
    %broadcast_in_dim3A_911 = vector.shape_cast %reduce_sum3A_908 : vector<256xf32> to vector<256x1xf32>
    %div3A_912 = vector.broadcast %broadcast_in_dim3A_911 : vector<256x1xf32> to vector<256x128xf32>
    %div3A_913 = arith.divf %dot_general3A_910, %div3A_912 : vector<256x128xf32>
    %log3A_914 = math.log %reduce_sum3A_908 : vector<256xf32>
    %add3A_915 = arith.addf %reduce_max3A_902, %log3A_914 : vector<256xf32>
    %add3A_916 = arith.constant 2.77258873 : f32
    %add3A_917 = vector.broadcast %add3A_916 : f32 to vector<256xf32>
    %add3A_918 = arith.addf %add3A_915, %add3A_917 : vector<256xf32>
    %sub3A_919 = arith.subf %add3A_918, %add3A_853 : vector<256xf32>
    %exp3A_920 = math.exp %sub3A_919 : vector<256xf32>
    %add3A_921 = arith.constant 1.000000e+00 : f32
    %add3A_922 = vector.broadcast %add3A_921 : f32 to vector<256xf32>
    %add3A_923 = arith.addf %add3A_922, %exp3A_920 : vector<256xf32>
    %div3A_924 = arith.constant 1.000000e+00 : f32
    %div3A_925 = vector.broadcast %div3A_924 : f32 to vector<256xf32>
    %div3A_926 = arith.divf %div3A_925, %add3A_923 : vector<256xf32>
    %broadcast_in_dim3A_927 = vector.shape_cast %div3A_926 : vector<256xf32> to vector<256x1xf32>
    %mul3A_928 = vector.broadcast %broadcast_in_dim3A_927 : vector<256x1xf32> to vector<256x128xf32>
    %mul3A_929 = arith.mulf %mul3A_928, %div3A_851 : vector<256x128xf32>
    %broadcast_in_dim3A_930 = vector.shape_cast %div3A_926 : vector<256xf32> to vector<256x1xf32>
    %sub3A_931 = arith.constant 1.000000e+00 : f32
    %sub3A_932 = vector.broadcast %sub3A_931 : f32 to vector<256x1xf32>
    %sub3A_933 = arith.subf %sub3A_932, %broadcast_in_dim3A_930 : vector<256x1xf32>
    %mul3A_934 = vector.broadcast %sub3A_933 : vector<256x1xf32> to vector<256x128xf32>
    %mul3A_935 = arith.mulf %mul3A_934, %div3A_913 : vector<256x128xf32>
    %add3A_936 = arith.addf %mul3A_929, %mul3A_935 : vector<256x128xf32>
    %swap3A_937 = arith.constant 0 : index
    %swap3A_938 = arith.constant 1792 : index
    %swap3A_939 = arith.constant 0 : index
    %swap3A_940 = vector.load %arg5[%swap3A_937, %swap3A_938, %swap3A_939] : memref<1x4096x128xf32, #tpu.memory_space<vmem>>, vector<1x256x128xf32>
    %swap3A_941 = vector.shape_cast %swap3A_940 : vector<1x256x128xf32> to vector<256x128xf32>
    %swap3A_942 = vector.shape_cast %add3A_936 : vector<256x128xf32> to vector<1x256x128xf32>
    tpu.vector_store %arg5[%swap3A_937, %swap3A_938, %swap3A_939], %swap3A_942 {strides = array<i32>} : memref<1x4096x128xf32, #tpu.memory_space<vmem>>, vector<1x256x128xf32>,
    %get3A_943 = arith.constant 0 : index
    %get3A_944 = arith.constant 2048 : index
    %get3A_945 = arith.constant 0 : index
    %get3A_946 = vector.load %arg1[%get3A_943, %get3A_944, %get3A_945] : memref<1x4096x128xf32, #tpu.memory_space<vmem>>, vector<1x256x128xf32>
    %get3A_947 = vector.shape_cast %get3A_946 : vector<1x256x128xf32> to vector<256x128xf32>
    %get3A_948 = arith.constant 0 : index
    %get3A_949 = arith.constant 2048 : index
    %get3A_950 = arith.constant 0 : index
    %get3A_951 = vector.load %arg2[%get3A_948, %get3A_949, %get3A_950] : memref<1x4096x128xf32, #tpu.memory_space<vmem>>, vector<1x256x128xf32>
    %get3A_952 = vector.shape_cast %get3A_951 : vector<1x256x128xf32> to vector<256x128xf32>
    %dot_general3A_953 = arith.constant dense<0.000000e+00> : vector<256x256xf32>
    %dot_general3A_954 = tpu.matmul %get3A_947, %get3A_952, %dot_general3A_953 {dimension_numbers = #tpu.dot_dimension_numbers<[1], [1], [0], [0], [0, 0, 1, 0], [], []>, transpose_lhs_hint = false} : vector<256x128xf32>, vector<256x128xf32>, vector<256x256xf32> -> vector<256x256xf32>
    %mul3A_955 = arith.constant 1.250000e-01 : f32
    %mul3A_956 = vector.broadcast %mul3A_955 : f32 to vector<256x256xf32>
    %mul3A_957 = arith.mulf %dot_general3A_954, %mul3A_956 : vector<256x256xf32>
    %reduce_max3A_958 = arith.constant dense<0xFF800000> : vector<256xf32>
    %reduce_max3A_959 = vector.multi_reduction <maximumf>, %mul3A_957, %reduce_max3A_958 [1] : vector<256x256xf32> to vector<256xf32>
    %broadcast_in_dim3A_960 = vector.shape_cast %reduce_max3A_959 : vector<256xf32> to vector<256x1xf32>
    %sub3A_961 = vector.broadcast %broadcast_in_dim3A_960 : vector<256x1xf32> to vector<256x256xf32>
    %sub3A_962 = arith.subf %mul3A_957, %sub3A_961 : vector<256x256xf32>
    %exp3A_963 = math.exp %sub3A_962 : vector<256x256xf32>
    %reduce_sum3A_964 = arith.constant dense<0.000000e+00> : vector<256xf32>
    %reduce_sum3A_965 = vector.multi_reduction <add>, %exp3A_963, %reduce_sum3A_964 [1] : vector<256x256xf32> to vector<256xf32>
    %dot_general3A_966 = arith.constant dense<0.000000e+00> : vector<256x128xf32>
    %dot_general3A_967 = tpu.matmul %exp3A_963, %get3A_952, %dot_general3A_966 {dimension_numbers = #tpu.dot_dimension_numbers<[1], [0], [0], [1], [0, 0, 1, 1], [], []>, transpose_lhs_hint = false} : vector<256x256xf32>, vector<256x128xf32>, vector<256x128xf32> -> vector<256x128xf32>
    %broadcast_in_dim3A_968 = vector.shape_cast %reduce_sum3A_965 : vector<256xf32> to vector<256x1xf32>
    %div3A_969 = vector.broadcast %broadcast_in_dim3A_968 : vector<256x1xf32> to vector<256x128xf32>
    %div3A_970 = arith.divf %dot_general3A_967, %div3A_969 : vector<256x128xf32>
    %log3A_971 = math.log %reduce_sum3A_965 : vector<256xf32>
    %add3A_972 = arith.addf %reduce_max3A_959, %log3A_971 : vector<256xf32>
    %jit3A_973 = arith.constant 256 : i32
    %div3A_974 = vector.broadcast %jit3A_973 : i32 to vector<256xi32>
    %div3A_975 = arith.divsi %get3A_8, %div3A_974 : vector<256xi32>
    %sign3A_976 = arith.constant 0 : i32
    %sign3A_977 = vector.broadcast %sign3A_976 : i32 to vector<256xi32>
    %sign3A_978 = arith.cmpi sgt, %get3A_8, %sign3A_977 : vector<256xi32>
    %sign3A_979 = arith.extui %sign3A_978 : vector<256xi1> to vector<256xi32>
    %sign3A_980 = arith.constant 0 : i32
    %sign3A_981 = vector.broadcast %sign3A_980 : i32 to vector<256xi32>
    %sign3A_982 = arith.cmpi slt, %get3A_8, %sign3A_981 : vector<256xi32>
    %sign3A_983 = arith.extui %sign3A_982 : vector<256xi1> to vector<256xi32>
    %sign3A_984 = arith.subi %sign3A_979, %sign3A_983 : vector<256xi32>
    %sign3A_985 = arith.constant 0 : i32
    %sign3A_986 = arith.cmpi sgt, %jit3A_973, %sign3A_985 : i32
    %sign3A_987 = arith.extui %sign3A_986 : i1 to i32
    %sign3A_988 = arith.constant 0 : i32
    %sign3A_989 = arith.cmpi slt, %jit3A_973, %sign3A_988 : i32
    %sign3A_990 = arith.extui %sign3A_989 : i1 to i32
    %sign3A_991 = arith.subi %sign3A_987, %sign3A_990 : i32
    %ne3A_992 = vector.broadcast %sign3A_991 : i32 to vector<256xi32>
    %ne3A_993 = arith.cmpi ne, %sign3A_984, %ne3A_992 : vector<256xi32>
    %rem3A_994 = vector.broadcast %jit3A_973 : i32 to vector<256xi32>
    %rem3A_995 = arith.remsi %get3A_8, %rem3A_994 : vector<256xi32>
    %ne3A_996 = arith.constant 0 : i32
    %ne3A_997 = vector.broadcast %ne3A_996 : i32 to vector<256xi32>
    %ne3A_998 = arith.cmpi ne, %rem3A_995, %ne3A_997 : vector<256xi32>
    %and3A_999 = arith.andi %ne3A_993, %ne3A_998 : vector<256xi1>
    %sub3A_1000 = arith.constant 1 : i32
    %sub3A_1001 = vector.broadcast %sub3A_1000 : i32 to vector<256xi32>
    %sub3A_1002 = arith.subi %div3A_975, %sub3A_1001 : vector<256xi32>
    %select_n3A_1003 = arith.select %and3A_999, %sub3A_1002, %div3A_975 : vector<256xi1>, vector<256xi32>
    %eq3A_1004 = arith.constant 8 : i32
    %eq3A_1005 = vector.broadcast %eq3A_1004 : i32 to vector<256xi32>
    %eq3A_1006 = arith.cmpi eq, %select_n3A_1003, %eq3A_1005 : vector<256xi32>
    %jit3A_1007 = arith.constant -3.40282347E+38 : f32
    %jit3A_1008 = arith.constant 0.000000e+00 : f32
    %broadcast_in_dim3A_1009 = vector.broadcast %jit3A_1007 : f32 to vector<256xf32>
    %broadcast_in_dim3A_1010 = vector.broadcast %jit3A_1008 : f32 to vector<256xf32>
    %select_n3A_1011 = arith.select %eq3A_1006, %broadcast_in_dim3A_1009, %broadcast_in_dim3A_1010 : vector<256xi1>, vector<256xf32>
    %dot_general3A_1012 = arith.constant dense<0.000000e+00> : vector<256x256xf32>
    %dot_general3A_1013 = tpu.matmul %get3A_947, %get3A_3, %dot_general3A_1012 {dimension_numbers = #tpu.dot_dimension_numbers<[1], [1], [0], [0], [0, 0, 1, 0], [], []>, transpose_lhs_hint = false} : vector<256x128xf32>, vector<256x128xf32>, vector<256x256xf32> -> vector<256x256xf32>
    %mul3A_1014 = arith.constant 1.250000e-01 : f32
    %mul3A_1015 = vector.broadcast %mul3A_1014 : f32 to vector<256x256xf32>
    %mul3A_1016 = arith.mulf %dot_general3A_1013, %mul3A_1015 : vector<256x256xf32>
    %broadcast_in_dim3A_1017 = vector.shape_cast %select_n3A_1011 : vector<256xf32> to vector<1x256xf32>
    %add3A_1018 = vector.broadcast %broadcast_in_dim3A_1017 : vector<1x256xf32> to vector<256x256xf32>
    %add3A_1019 = arith.addf %mul3A_1016, %add3A_1018 : vector<256x256xf32>
    %reduce_max3A_1020 = arith.constant dense<0xFF800000> : vector<256xf32>
    %reduce_max3A_1021 = vector.multi_reduction <maximumf>, %add3A_1019, %reduce_max3A_1020 [1] : vector<256x256xf32> to vector<256xf32>
    %broadcast_in_dim3A_1022 = vector.shape_cast %reduce_max3A_1021 : vector<256xf32> to vector<256x1xf32>
    %sub3A_1023 = vector.broadcast %broadcast_in_dim3A_1022 : vector<256x1xf32> to vector<256x256xf32>
    %sub3A_1024 = arith.subf %add3A_1019, %sub3A_1023 : vector<256x256xf32>
    %exp3A_1025 = math.exp %sub3A_1024 : vector<256x256xf32>
    %reduce_sum3A_1026 = arith.constant dense<0.000000e+00> : vector<256xf32>
    %reduce_sum3A_1027 = vector.multi_reduction <add>, %exp3A_1025, %reduce_sum3A_1026 [1] : vector<256x256xf32> to vector<256xf32>
    %dot_general3A_1028 = arith.constant dense<0.000000e+00> : vector<256x128xf32>
    %dot_general3A_1029 = tpu.matmul %exp3A_1025, %get3A_3, %dot_general3A_1028 {dimension_numbers = #tpu.dot_dimension_numbers<[1], [0], [0], [1], [0, 0, 1, 1], [], []>, transpose_lhs_hint = false} : vector<256x256xf32>, vector<256x128xf32>, vector<256x128xf32> -> vector<256x128xf32>
    %broadcast_in_dim3A_1030 = vector.shape_cast %reduce_sum3A_1027 : vector<256xf32> to vector<256x1xf32>
    %div3A_1031 = vector.broadcast %broadcast_in_dim3A_1030 : vector<256x1xf32> to vector<256x128xf32>
    %div3A_1032 = arith.divf %dot_general3A_1029, %div3A_1031 : vector<256x128xf32>
    %log3A_1033 = math.log %reduce_sum3A_1027 : vector<256xf32>
    %add3A_1034 = arith.addf %reduce_max3A_1021, %log3A_1033 : vector<256xf32>
    %add3A_1035 = arith.constant 2.77258873 : f32
    %add3A_1036 = vector.broadcast %add3A_1035 : f32 to vector<256xf32>
    %add3A_1037 = arith.addf %add3A_1034, %add3A_1036 : vector<256xf32>
    %sub3A_1038 = arith.subf %add3A_1037, %add3A_972 : vector<256xf32>
    %exp3A_1039 = math.exp %sub3A_1038 : vector<256xf32>
    %add3A_1040 = arith.constant 1.000000e+00 : f32
    %add3A_1041 = vector.broadcast %add3A_1040 : f32 to vector<256xf32>
    %add3A_1042 = arith.addf %add3A_1041, %exp3A_1039 : vector<256xf32>
    %div3A_1043 = arith.constant 1.000000e+00 : f32
    %div3A_1044 = vector.broadcast %div3A_1043 : f32 to vector<256xf32>
    %div3A_1045 = arith.divf %div3A_1044, %add3A_1042 : vector<256xf32>
    %broadcast_in_dim3A_1046 = vector.shape_cast %div3A_1045 : vector<256xf32> to vector<256x1xf32>
    %mul3A_1047 = vector.broadcast %broadcast_in_dim3A_1046 : vector<256x1xf32> to vector<256x128xf32>
    %mul3A_1048 = arith.mulf %mul3A_1047, %div3A_970 : vector<256x128xf32>
    %broadcast_in_dim3A_1049 = vector.shape_cast %div3A_1045 : vector<256xf32> to vector<256x1xf32>
    %sub3A_1050 = arith.constant 1.000000e+00 : f32
    %sub3A_1051 = vector.broadcast %sub3A_1050 : f32 to vector<256x1xf32>
    %sub3A_1052 = arith.subf %sub3A_1051, %broadcast_in_dim3A_1049 : vector<256x1xf32>
    %mul3A_1053 = vector.broadcast %sub3A_1052 : vector<256x1xf32> to vector<256x128xf32>
    %mul3A_1054 = arith.mulf %mul3A_1053, %div3A_1032 : vector<256x128xf32>
    %add3A_1055 = arith.addf %mul3A_1048, %mul3A_1054 : vector<256x128xf32>
    %swap3A_1056 = arith.constant 0 : index
    %swap3A_1057 = arith.constant 2048 : index
    %swap3A_1058 = arith.constant 0 : index
    %swap3A_1059 = vector.load %arg5[%swap3A_1056, %swap3A_1057, %swap3A_1058] : memref<1x4096x128xf32, #tpu.memory_space<vmem>>, vector<1x256x128xf32>
    %swap3A_1060 = vector.shape_cast %swap3A_1059 : vector<1x256x128xf32> to vector<256x128xf32>
    %swap3A_1061 = vector.shape_cast %add3A_1055 : vector<256x128xf32> to vector<1x256x128xf32>
    tpu.vector_store %arg5[%swap3A_1056, %swap3A_1057, %swap3A_1058], %swap3A_1061 {strides = array<i32>} : memref<1x4096x128xf32, #tpu.memory_space<vmem>>, vector<1x256x128xf32>,
    %get3A_1062 = arith.constant 0 : index
    %get3A_1063 = arith.constant 2304 : index
    %get3A_1064 = arith.constant 0 : index
    %get3A_1065 = vector.load %arg1[%get3A_1062, %get3A_1063, %get3A_1064] : memref<1x4096x128xf32, #tpu.memory_space<vmem>>, vector<1x256x128xf32>
    %get3A_1066 = vector.shape_cast %get3A_1065 : vector<1x256x128xf32> to vector<256x128xf32>
    %get3A_1067 = arith.constant 0 : index
    %get3A_1068 = arith.constant 2304 : index
    %get3A_1069 = arith.constant 0 : index
    %get3A_1070 = vector.load %arg2[%get3A_1067, %get3A_1068, %get3A_1069] : memref<1x4096x128xf32, #tpu.memory_space<vmem>>, vector<1x256x128xf32>
    %get3A_1071 = vector.shape_cast %get3A_1070 : vector<1x256x128xf32> to vector<256x128xf32>
    %dot_general3A_1072 = arith.constant dense<0.000000e+00> : vector<256x256xf32>
    %dot_general3A_1073 = tpu.matmul %get3A_1066, %get3A_1071, %dot_general3A_1072 {dimension_numbers = #tpu.dot_dimension_numbers<[1], [1], [0], [0], [0, 0, 1, 0], [], []>, transpose_lhs_hint = false} : vector<256x128xf32>, vector<256x128xf32>, vector<256x256xf32> -> vector<256x256xf32>
    %mul3A_1074 = arith.constant 1.250000e-01 : f32
    %mul3A_1075 = vector.broadcast %mul3A_1074 : f32 to vector<256x256xf32>
    %mul3A_1076 = arith.mulf %dot_general3A_1073, %mul3A_1075 : vector<256x256xf32>
    %reduce_max3A_1077 = arith.constant dense<0xFF800000> : vector<256xf32>
    %reduce_max3A_1078 = vector.multi_reduction <maximumf>, %mul3A_1076, %reduce_max3A_1077 [1] : vector<256x256xf32> to vector<256xf32>
    %broadcast_in_dim3A_1079 = vector.shape_cast %reduce_max3A_1078 : vector<256xf32> to vector<256x1xf32>
    %sub3A_1080 = vector.broadcast %broadcast_in_dim3A_1079 : vector<256x1xf32> to vector<256x256xf32>
    %sub3A_1081 = arith.subf %mul3A_1076, %sub3A_1080 : vector<256x256xf32>
    %exp3A_1082 = math.exp %sub3A_1081 : vector<256x256xf32>
    %reduce_sum3A_1083 = arith.constant dense<0.000000e+00> : vector<256xf32>
    %reduce_sum3A_1084 = vector.multi_reduction <add>, %exp3A_1082, %reduce_sum3A_1083 [1] : vector<256x256xf32> to vector<256xf32>
    %dot_general3A_1085 = arith.constant dense<0.000000e+00> : vector<256x128xf32>
    %dot_general3A_1086 = tpu.matmul %exp3A_1082, %get3A_1071, %dot_general3A_1085 {dimension_numbers = #tpu.dot_dimension_numbers<[1], [0], [0], [1], [0, 0, 1, 1], [], []>, transpose_lhs_hint = false} : vector<256x256xf32>, vector<256x128xf32>, vector<256x128xf32> -> vector<256x128xf32>
    %broadcast_in_dim3A_1087 = vector.shape_cast %reduce_sum3A_1084 : vector<256xf32> to vector<256x1xf32>
    %div3A_1088 = vector.broadcast %broadcast_in_dim3A_1087 : vector<256x1xf32> to vector<256x128xf32>
    %div3A_1089 = arith.divf %dot_general3A_1086, %div3A_1088 : vector<256x128xf32>
    %log3A_1090 = math.log %reduce_sum3A_1084 : vector<256xf32>
    %add3A_1091 = arith.addf %reduce_max3A_1078, %log3A_1090 : vector<256xf32>
    %jit3A_1092 = arith.constant 256 : i32
    %div3A_1093 = vector.broadcast %jit3A_1092 : i32 to vector<256xi32>
    %div3A_1094 = arith.divsi %get3A_8, %div3A_1093 : vector<256xi32>
    %sign3A_1095 = arith.constant 0 : i32
    %sign3A_1096 = vector.broadcast %sign3A_1095 : i32 to vector<256xi32>
    %sign3A_1097 = arith.cmpi sgt, %get3A_8, %sign3A_1096 : vector<256xi32>
    %sign3A_1098 = arith.extui %sign3A_1097 : vector<256xi1> to vector<256xi32>
    %sign3A_1099 = arith.constant 0 : i32
    %sign3A_1100 = vector.broadcast %sign3A_1099 : i32 to vector<256xi32>
    %sign3A_1101 = arith.cmpi slt, %get3A_8, %sign3A_1100 : vector<256xi32>
    %sign3A_1102 = arith.extui %sign3A_1101 : vector<256xi1> to vector<256xi32>
    %sign3A_1103 = arith.subi %sign3A_1098, %sign3A_1102 : vector<256xi32>
    %sign3A_1104 = arith.constant 0 : i32
    %sign3A_1105 = arith.cmpi sgt, %jit3A_1092, %sign3A_1104 : i32
    %sign3A_1106 = arith.extui %sign3A_1105 : i1 to i32
    %sign3A_1107 = arith.constant 0 : i32
    %sign3A_1108 = arith.cmpi slt, %jit3A_1092, %sign3A_1107 : i32
    %sign3A_1109 = arith.extui %sign3A_1108 : i1 to i32
    %sign3A_1110 = arith.subi %sign3A_1106, %sign3A_1109 : i32
    %ne3A_1111 = vector.broadcast %sign3A_1110 : i32 to vector<256xi32>
    %ne3A_1112 = arith.cmpi ne, %sign3A_1103, %ne3A_1111 : vector<256xi32>
    %rem3A_1113 = vector.broadcast %jit3A_1092 : i32 to vector<256xi32>
    %rem3A_1114 = arith.remsi %get3A_8, %rem3A_1113 : vector<256xi32>
    %ne3A_1115 = arith.constant 0 : i32
    %ne3A_1116 = vector.broadcast %ne3A_1115 : i32 to vector<256xi32>
    %ne3A_1117 = arith.cmpi ne, %rem3A_1114, %ne3A_1116 : vector<256xi32>
    %and3A_1118 = arith.andi %ne3A_1112, %ne3A_1117 : vector<256xi1>
    %sub3A_1119 = arith.constant 1 : i32
    %sub3A_1120 = vector.broadcast %sub3A_1119 : i32 to vector<256xi32>
    %sub3A_1121 = arith.subi %div3A_1094, %sub3A_1120 : vector<256xi32>
    %select_n3A_1122 = arith.select %and3A_1118, %sub3A_1121, %div3A_1094 : vector<256xi1>, vector<256xi32>
    %eq3A_1123 = arith.constant 9 : i32
    %eq3A_1124 = vector.broadcast %eq3A_1123 : i32 to vector<256xi32>
    %eq3A_1125 = arith.cmpi eq, %select_n3A_1122, %eq3A_1124 : vector<256xi32>
    %jit3A_1126 = arith.constant -3.40282347E+38 : f32
    %jit3A_1127 = arith.constant 0.000000e+00 : f32
    %broadcast_in_dim3A_1128 = vector.broadcast %jit3A_1126 : f32 to vector<256xf32>
    %broadcast_in_dim3A_1129 = vector.broadcast %jit3A_1127 : f32 to vector<256xf32>
    %select_n3A_1130 = arith.select %eq3A_1125, %broadcast_in_dim3A_1128, %broadcast_in_dim3A_1129 : vector<256xi1>, vector<256xf32>
    %dot_general3A_1131 = arith.constant dense<0.000000e+00> : vector<256x256xf32>
    %dot_general3A_1132 = tpu.matmul %get3A_1066, %get3A_3, %dot_general3A_1131 {dimension_numbers = #tpu.dot_dimension_numbers<[1], [1], [0], [0], [0, 0, 1, 0], [], []>, transpose_lhs_hint = false} : vector<256x128xf32>, vector<256x128xf32>, vector<256x256xf32> -> vector<256x256xf32>
    %mul3A_1133 = arith.constant 1.250000e-01 : f32
    %mul3A_1134 = vector.broadcast %mul3A_1133 : f32 to vector<256x256xf32>
    %mul3A_1135 = arith.mulf %dot_general3A_1132, %mul3A_1134 : vector<256x256xf32>
    %broadcast_in_dim3A_1136 = vector.shape_cast %select_n3A_1130 : vector<256xf32> to vector<1x256xf32>
    %add3A_1137 = vector.broadcast %broadcast_in_dim3A_1136 : vector<1x256xf32> to vector<256x256xf32>
    %add3A_1138 = arith.addf %mul3A_1135, %add3A_1137 : vector<256x256xf32>
    %reduce_max3A_1139 = arith.constant dense<0xFF800000> : vector<256xf32>
    %reduce_max3A_1140 = vector.multi_reduction <maximumf>, %add3A_1138, %reduce_max3A_1139 [1] : vector<256x256xf32> to vector<256xf32>
    %broadcast_in_dim3A_1141 = vector.shape_cast %reduce_max3A_1140 : vector<256xf32> to vector<256x1xf32>
    %sub3A_1142 = vector.broadcast %broadcast_in_dim3A_1141 : vector<256x1xf32> to vector<256x256xf32>
    %sub3A_1143 = arith.subf %add3A_1138, %sub3A_1142 : vector<256x256xf32>
    %exp3A_1144 = math.exp %sub3A_1143 : vector<256x256xf32>
    %reduce_sum3A_1145 = arith.constant dense<0.000000e+00> : vector<256xf32>
    %reduce_sum3A_1146 = vector.multi_reduction <add>, %exp3A_1144, %reduce_sum3A_1145 [1] : vector<256x256xf32> to vector<256xf32>
    %dot_general3A_1147 = arith.constant dense<0.000000e+00> : vector<256x128xf32>
    %dot_general3A_1148 = tpu.matmul %exp3A_1144, %get3A_3, %dot_general3A_1147 {dimension_numbers = #tpu.dot_dimension_numbers<[1], [0], [0], [1], [0, 0, 1, 1], [], []>, transpose_lhs_hint = false} : vector<256x256xf32>, vector<256x128xf32>, vector<256x128xf32> -> vector<256x128xf32>
    %broadcast_in_dim3A_1149 = vector.shape_cast %reduce_sum3A_1146 : vector<256xf32> to vector<256x1xf32>
    %div3A_1150 = vector.broadcast %broadcast_in_dim3A_1149 : vector<256x1xf32> to vector<256x128xf32>
    %div3A_1151 = arith.divf %dot_general3A_1148, %div3A_1150 : vector<256x128xf32>
    %log3A_1152 = math.log %reduce_sum3A_1146 : vector<256xf32>
    %add3A_1153 = arith.addf %reduce_max3A_1140, %log3A_1152 : vector<256xf32>
    %add3A_1154 = arith.constant 2.77258873 : f32
    %add3A_1155 = vector.broadcast %add3A_1154 : f32 to vector<256xf32>
    %add3A_1156 = arith.addf %add3A_1153, %add3A_1155 : vector<256xf32>
    %sub3A_1157 = arith.subf %add3A_1156, %add3A_1091 : vector<256xf32>
    %exp3A_1158 = math.exp %sub3A_1157 : vector<256xf32>
    %add3A_1159 = arith.constant 1.000000e+00 : f32
    %add3A_1160 = vector.broadcast %add3A_1159 : f32 to vector<256xf32>
    %add3A_1161 = arith.addf %add3A_1160, %exp3A_1158 : vector<256xf32>
    %div3A_1162 = arith.constant 1.000000e+00 : f32
    %div3A_1163 = vector.broadcast %div3A_1162 : f32 to vector<256xf32>
    %div3A_1164 = arith.divf %div3A_1163, %add3A_1161 : vector<256xf32>
    %broadcast_in_dim3A_1165 = vector.shape_cast %div3A_1164 : vector<256xf32> to vector<256x1xf32>
    %mul3A_1166 = vector.broadcast %broadcast_in_dim3A_1165 : vector<256x1xf32> to vector<256x128xf32>
    %mul3A_1167 = arith.mulf %mul3A_1166, %div3A_1089 : vector<256x128xf32>
    %broadcast_in_dim3A_1168 = vector.shape_cast %div3A_1164 : vector<256xf32> to vector<256x1xf32>
    %sub3A_1169 = arith.constant 1.000000e+00 : f32
    %sub3A_1170 = vector.broadcast %sub3A_1169 : f32 to vector<256x1xf32>
    %sub3A_1171 = arith.subf %sub3A_1170, %broadcast_in_dim3A_1168 : vector<256x1xf32>
    %mul3A_1172 = vector.broadcast %sub3A_1171 : vector<256x1xf32> to vector<256x128xf32>
    %mul3A_1173 = arith.mulf %mul3A_1172, %div3A_1151 : vector<256x128xf32>
    %add3A_1174 = arith.addf %mul3A_1167, %mul3A_1173 : vector<256x128xf32>
    %swap3A_1175 = arith.constant 0 : index
    %swap3A_1176 = arith.constant 2304 : index
    %swap3A_1177 = arith.constant 0 : index
    %swap3A_1178 = vector.load %arg5[%swap3A_1175, %swap3A_1176, %swap3A_1177] : memref<1x4096x128xf32, #tpu.memory_space<vmem>>, vector<1x256x128xf32>
    %swap3A_1179 = vector.shape_cast %swap3A_1178 : vector<1x256x128xf32> to vector<256x128xf32>
    %swap3A_1180 = vector.shape_cast %add3A_1174 : vector<256x128xf32> to vector<1x256x128xf32>
    tpu.vector_store %arg5[%swap3A_1175, %swap3A_1176, %swap3A_1177], %swap3A_1180 {strides = array<i32>} : memref<1x4096x128xf32, #tpu.memory_space<vmem>>, vector<1x256x128xf32>,
    %get3A_1181 = arith.constant 0 : index
    %get3A_1182 = arith.constant 2560 : index
    %get3A_1183 = arith.constant 0 : index
    %get3A_1184 = vector.load %arg1[%get3A_1181, %get3A_1182, %get3A_1183] : memref<1x4096x128xf32, #tpu.memory_space<vmem>>, vector<1x256x128xf32>
    %get3A_1185 = vector.shape_cast %get3A_1184 : vector<1x256x128xf32> to vector<256x128xf32>
    %get3A_1186 = arith.constant 0 : index
    %get3A_1187 = arith.constant 2560 : index
    %get3A_1188 = arith.constant 0 : index
    %get3A_1189 = vector.load %arg2[%get3A_1186, %get3A_1187, %get3A_1188] : memref<1x4096x128xf32, #tpu.memory_space<vmem>>, vector<1x256x128xf32>
    %get3A_1190 = vector.shape_cast %get3A_1189 : vector<1x256x128xf32> to vector<256x128xf32>
    %dot_general3A_1191 = arith.constant dense<0.000000e+00> : vector<256x256xf32>
    %dot_general3A_1192 = tpu.matmul %get3A_1185, %get3A_1190, %dot_general3A_1191 {dimension_numbers = #tpu.dot_dimension_numbers<[1], [1], [0], [0], [0, 0, 1, 0], [], []>, transpose_lhs_hint = false} : vector<256x128xf32>, vector<256x128xf32>, vector<256x256xf32> -> vector<256x256xf32>
    %mul3A_1193 = arith.constant 1.250000e-01 : f32
    %mul3A_1194 = vector.broadcast %mul3A_1193 : f32 to vector<256x256xf32>
    %mul3A_1195 = arith.mulf %dot_general3A_1192, %mul3A_1194 : vector<256x256xf32>
    %reduce_max3A_1196 = arith.constant dense<0xFF800000> : vector<256xf32>
    %reduce_max3A_1197 = vector.multi_reduction <maximumf>, %mul3A_1195, %reduce_max3A_1196 [1] : vector<256x256xf32> to vector<256xf32>
    %broadcast_in_dim3A_1198 = vector.shape_cast %reduce_max3A_1197 : vector<256xf32> to vector<256x1xf32>
    %sub3A_1199 = vector.broadcast %broadcast_in_dim3A_1198 : vector<256x1xf32> to vector<256x256xf32>
    %sub3A_1200 = arith.subf %mul3A_1195, %sub3A_1199 : vector<256x256xf32>
    %exp3A_1201 = math.exp %sub3A_1200 : vector<256x256xf32>
    %reduce_sum3A_1202 = arith.constant dense<0.000000e+00> : vector<256xf32>
    %reduce_sum3A_1203 = vector.multi_reduction <add>, %exp3A_1201, %reduce_sum3A_1202 [1] : vector<256x256xf32> to vector<256xf32>
    %dot_general3A_1204 = arith.constant dense<0.000000e+00> : vector<256x128xf32>
    %dot_general3A_1205 = tpu.matmul %exp3A_1201, %get3A_1190, %dot_general3A_1204 {dimension_numbers = #tpu.dot_dimension_numbers<[1], [0], [0], [1], [0, 0, 1, 1], [], []>, transpose_lhs_hint = false} : vector<256x256xf32>, vector<256x128xf32>, vector<256x128xf32> -> vector<256x128xf32>
    %broadcast_in_dim3A_1206 = vector.shape_cast %reduce_sum3A_1203 : vector<256xf32> to vector<256x1xf32>
    %div3A_1207 = vector.broadcast %broadcast_in_dim3A_1206 : vector<256x1xf32> to vector<256x128xf32>
    %div3A_1208 = arith.divf %dot_general3A_1205, %div3A_1207 : vector<256x128xf32>
    %log3A_1209 = math.log %reduce_sum3A_1203 : vector<256xf32>
    %add3A_1210 = arith.addf %reduce_max3A_1197, %log3A_1209 : vector<256xf32>
    %jit3A_1211 = arith.constant 256 : i32
    %div3A_1212 = vector.broadcast %jit3A_1211 : i32 to vector<256xi32>
    %div3A_1213 = arith.divsi %get3A_8, %div3A_1212 : vector<256xi32>
    %sign3A_1214 = arith.constant 0 : i32
    %sign3A_1215 = vector.broadcast %sign3A_1214 : i32 to vector<256xi32>
    %sign3A_1216 = arith.cmpi sgt, %get3A_8, %sign3A_1215 : vector<256xi32>
    %sign3A_1217 = arith.extui %sign3A_1216 : vector<256xi1> to vector<256xi32>
    %sign3A_1218 = arith.constant 0 : i32
    %sign3A_1219 = vector.broadcast %sign3A_1218 : i32 to vector<256xi32>
    %sign3A_1220 = arith.cmpi slt, %get3A_8, %sign3A_1219 : vector<256xi32>
    %sign3A_1221 = arith.extui %sign3A_1220 : vector<256xi1> to vector<256xi32>
    %sign3A_1222 = arith.subi %sign3A_1217, %sign3A_1221 : vector<256xi32>
    %sign3A_1223 = arith.constant 0 : i32
    %sign3A_1224 = arith.cmpi sgt, %jit3A_1211, %sign3A_1223 : i32
    %sign3A_1225 = arith.extui %sign3A_1224 : i1 to i32
    %sign3A_1226 = arith.constant 0 : i32
    %sign3A_1227 = arith.cmpi slt, %jit3A_1211, %sign3A_1226 : i32
    %sign3A_1228 = arith.extui %sign3A_1227 : i1 to i32
    %sign3A_1229 = arith.subi %sign3A_1225, %sign3A_1228 : i32
    %ne3A_1230 = vector.broadcast %sign3A_1229 : i32 to vector<256xi32>
    %ne3A_1231 = arith.cmpi ne, %sign3A_1222, %ne3A_1230 : vector<256xi32>
    %rem3A_1232 = vector.broadcast %jit3A_1211 : i32 to vector<256xi32>
    %rem3A_1233 = arith.remsi %get3A_8, %rem3A_1232 : vector<256xi32>
    %ne3A_1234 = arith.constant 0 : i32
    %ne3A_1235 = vector.broadcast %ne3A_1234 : i32 to vector<256xi32>
    %ne3A_1236 = arith.cmpi ne, %rem3A_1233, %ne3A_1235 : vector<256xi32>
    %and3A_1237 = arith.andi %ne3A_1231, %ne3A_1236 : vector<256xi1>
    %sub3A_1238 = arith.constant 1 : i32
    %sub3A_1239 = vector.broadcast %sub3A_1238 : i32 to vector<256xi32>
    %sub3A_1240 = arith.subi %div3A_1213, %sub3A_1239 : vector<256xi32>
    %select_n3A_1241 = arith.select %and3A_1237, %sub3A_1240, %div3A_1213 : vector<256xi1>, vector<256xi32>
    %eq3A_1242 = arith.constant 10 : i32
    %eq3A_1243 = vector.broadcast %eq3A_1242 : i32 to vector<256xi32>
    %eq3A_1244 = arith.cmpi eq, %select_n3A_1241, %eq3A_1243 : vector<256xi32>
    %jit3A_1245 = arith.constant -3.40282347E+38 : f32
    %jit3A_1246 = arith.constant 0.000000e+00 : f32
    %broadcast_in_dim3A_1247 = vector.broadcast %jit3A_1245 : f32 to vector<256xf32>
    %broadcast_in_dim3A_1248 = vector.broadcast %jit3A_1246 : f32 to vector<256xf32>
    %select_n3A_1249 = arith.select %eq3A_1244, %broadcast_in_dim3A_1247, %broadcast_in_dim3A_1248 : vector<256xi1>, vector<256xf32>
    %dot_general3A_1250 = arith.constant dense<0.000000e+00> : vector<256x256xf32>
    %dot_general3A_1251 = tpu.matmul %get3A_1185, %get3A_3, %dot_general3A_1250 {dimension_numbers = #tpu.dot_dimension_numbers<[1], [1], [0], [0], [0, 0, 1, 0], [], []>, transpose_lhs_hint = false} : vector<256x128xf32>, vector<256x128xf32>, vector<256x256xf32> -> vector<256x256xf32>
    %mul3A_1252 = arith.constant 1.250000e-01 : f32
    %mul3A_1253 = vector.broadcast %mul3A_1252 : f32 to vector<256x256xf32>
    %mul3A_1254 = arith.mulf %dot_general3A_1251, %mul3A_1253 : vector<256x256xf32>
    %broadcast_in_dim3A_1255 = vector.shape_cast %select_n3A_1249 : vector<256xf32> to vector<1x256xf32>
    %add3A_1256 = vector.broadcast %broadcast_in_dim3A_1255 : vector<1x256xf32> to vector<256x256xf32>
    %add3A_1257 = arith.addf %mul3A_1254, %add3A_1256 : vector<256x256xf32>
    %reduce_max3A_1258 = arith.constant dense<0xFF800000> : vector<256xf32>
    %reduce_max3A_1259 = vector.multi_reduction <maximumf>, %add3A_1257, %reduce_max3A_1258 [1] : vector<256x256xf32> to vector<256xf32>
    %broadcast_in_dim3A_1260 = vector.shape_cast %reduce_max3A_1259 : vector<256xf32> to vector<256x1xf32>
    %sub3A_1261 = vector.broadcast %broadcast_in_dim3A_1260 : vector<256x1xf32> to vector<256x256xf32>
    %sub3A_1262 = arith.subf %add3A_1257, %sub3A_1261 : vector<256x256xf32>
    %exp3A_1263 = math.exp %sub3A_1262 : vector<256x256xf32>
    %reduce_sum3A_1264 = arith.constant dense<0.000000e+00> : vector<256xf32>
    %reduce_sum3A_1265 = vector.multi_reduction <add>, %exp3A_1263, %reduce_sum3A_1264 [1] : vector<256x256xf32> to vector<256xf32>
    %dot_general3A_1266 = arith.constant dense<0.000000e+00> : vector<256x128xf32>
    %dot_general3A_1267 = tpu.matmul %exp3A_1263, %get3A_3, %dot_general3A_1266 {dimension_numbers = #tpu.dot_dimension_numbers<[1], [0], [0], [1], [0, 0, 1, 1], [], []>, transpose_lhs_hint = false} : vector<256x256xf32>, vector<256x128xf32>, vector<256x128xf32> -> vector<256x128xf32>
    %broadcast_in_dim3A_1268 = vector.shape_cast %reduce_sum3A_1265 : vector<256xf32> to vector<256x1xf32>
    %div3A_1269 = vector.broadcast %broadcast_in_dim3A_1268 : vector<256x1xf32> to vector<256x128xf32>
    %div3A_1270 = arith.divf %dot_general3A_1267, %div3A_1269 : vector<256x128xf32>
    %log3A_1271 = math.log %reduce_sum3A_1265 : vector<256xf32>
    %add3A_1272 = arith.addf %reduce_max3A_1259, %log3A_1271 : vector<256xf32>
    %add3A_1273 = arith.constant 2.77258873 : f32
    %add3A_1274 = vector.broadcast %add3A_1273 : f32 to vector<256xf32>
    %add3A_1275 = arith.addf %add3A_1272, %add3A_1274 : vector<256xf32>
    %sub3A_1276 = arith.subf %add3A_1275, %add3A_1210 : vector<256xf32>
    %exp3A_1277 = math.exp %sub3A_1276 : vector<256xf32>
    %add3A_1278 = arith.constant 1.000000e+00 : f32
    %add3A_1279 = vector.broadcast %add3A_1278 : f32 to vector<256xf32>
    %add3A_1280 = arith.addf %add3A_1279, %exp3A_1277 : vector<256xf32>
    %div3A_1281 = arith.constant 1.000000e+00 : f32
    %div3A_1282 = vector.broadcast %div3A_1281 : f32 to vector<256xf32>
    %div3A_1283 = arith.divf %div3A_1282, %add3A_1280 : vector<256xf32>
    %broadcast_in_dim3A_1284 = vector.shape_cast %div3A_1283 : vector<256xf32> to vector<256x1xf32>
    %mul3A_1285 = vector.broadcast %broadcast_in_dim3A_1284 : vector<256x1xf32> to vector<256x128xf32>
    %mul3A_1286 = arith.mulf %mul3A_1285, %div3A_1208 : vector<256x128xf32>
    %broadcast_in_dim3A_1287 = vector.shape_cast %div3A_1283 : vector<256xf32> to vector<256x1xf32>
    %sub3A_1288 = arith.constant 1.000000e+00 : f32
    %sub3A_1289 = vector.broadcast %sub3A_1288 : f32 to vector<256x1xf32>
    %sub3A_1290 = arith.subf %sub3A_1289, %broadcast_in_dim3A_1287 : vector<256x1xf32>
    %mul3A_1291 = vector.broadcast %sub3A_1290 : vector<256x1xf32> to vector<256x128xf32>
    %mul3A_1292 = arith.mulf %mul3A_1291, %div3A_1270 : vector<256x128xf32>
    %add3A_1293 = arith.addf %mul3A_1286, %mul3A_1292 : vector<256x128xf32>
    %swap3A_1294 = arith.constant 0 : index
    %swap3A_1295 = arith.constant 2560 : index
    %swap3A_1296 = arith.constant 0 : index
    %swap3A_1297 = vector.load %arg5[%swap3A_1294, %swap3A_1295, %swap3A_1296] : memref<1x4096x128xf32, #tpu.memory_space<vmem>>, vector<1x256x128xf32>
    %swap3A_1298 = vector.shape_cast %swap3A_1297 : vector<1x256x128xf32> to vector<256x128xf32>
    %swap3A_1299 = vector.shape_cast %add3A_1293 : vector<256x128xf32> to vector<1x256x128xf32>
    tpu.vector_store %arg5[%swap3A_1294, %swap3A_1295, %swap3A_1296], %swap3A_1299 {strides = array<i32>} : memref<1x4096x128xf32, #tpu.memory_space<vmem>>, vector<1x256x128xf32>,
    %get3A_1300 = arith.constant 0 : index
    %get3A_1301 = arith.constant 2816 : index
    %get3A_1302 = arith.constant 0 : index
    %get3A_1303 = vector.load %arg1[%get3A_1300, %get3A_1301, %get3A_1302] : memref<1x4096x128xf32, #tpu.memory_space<vmem>>, vector<1x256x128xf32>
    %get3A_1304 = vector.shape_cast %get3A_1303 : vector<1x256x128xf32> to vector<256x128xf32>
    %get3A_1305 = arith.constant 0 : index
    %get3A_1306 = arith.constant 2816 : index
    %get3A_1307 = arith.constant 0 : index
    %get3A_1308 = vector.load %arg2[%get3A_1305, %get3A_1306, %get3A_1307] : memref<1x4096x128xf32, #tpu.memory_space<vmem>>, vector<1x256x128xf32>
    %get3A_1309 = vector.shape_cast %get3A_1308 : vector<1x256x128xf32> to vector<256x128xf32>
    %dot_general3A_1310 = arith.constant dense<0.000000e+00> : vector<256x256xf32>
    %dot_general3A_1311 = tpu.matmul %get3A_1304, %get3A_1309, %dot_general3A_1310 {dimension_numbers = #tpu.dot_dimension_numbers<[1], [1], [0], [0], [0, 0, 1, 0], [], []>, transpose_lhs_hint = false} : vector<256x128xf32>, vector<256x128xf32>, vector<256x256xf32> -> vector<256x256xf32>
    %mul3A_1312 = arith.constant 1.250000e-01 : f32
    %mul3A_1313 = vector.broadcast %mul3A_1312 : f32 to vector<256x256xf32>
    %mul3A_1314 = arith.mulf %dot_general3A_1311, %mul3A_1313 : vector<256x256xf32>
    %reduce_max3A_1315 = arith.constant dense<0xFF800000> : vector<256xf32>
    %reduce_max3A_1316 = vector.multi_reduction <maximumf>, %mul3A_1314, %reduce_max3A_1315 [1] : vector<256x256xf32> to vector<256xf32>
    %broadcast_in_dim3A_1317 = vector.shape_cast %reduce_max3A_1316 : vector<256xf32> to vector<256x1xf32>
    %sub3A_1318 = vector.broadcast %broadcast_in_dim3A_1317 : vector<256x1xf32> to vector<256x256xf32>
    %sub3A_1319 = arith.subf %mul3A_1314, %sub3A_1318 : vector<256x256xf32>
    %exp3A_1320 = math.exp %sub3A_1319 : vector<256x256xf32>
    %reduce_sum3A_1321 = arith.constant dense<0.000000e+00> : vector<256xf32>
    %reduce_sum3A_1322 = vector.multi_reduction <add>, %exp3A_1320, %reduce_sum3A_1321 [1] : vector<256x256xf32> to vector<256xf32>
    %dot_general3A_1323 = arith.constant dense<0.000000e+00> : vector<256x128xf32>
    %dot_general3A_1324 = tpu.matmul %exp3A_1320, %get3A_1309, %dot_general3A_1323 {dimension_numbers = #tpu.dot_dimension_numbers<[1], [0], [0], [1], [0, 0, 1, 1], [], []>, transpose_lhs_hint = false} : vector<256x256xf32>, vector<256x128xf32>, vector<256x128xf32> -> vector<256x128xf32>
    %broadcast_in_dim3A_1325 = vector.shape_cast %reduce_sum3A_1322 : vector<256xf32> to vector<256x1xf32>
    %div3A_1326 = vector.broadcast %broadcast_in_dim3A_1325 : vector<256x1xf32> to vector<256x128xf32>
    %div3A_1327 = arith.divf %dot_general3A_1324, %div3A_1326 : vector<256x128xf32>
    %log3A_1328 = math.log %reduce_sum3A_1322 : vector<256xf32>
    %add3A_1329 = arith.addf %reduce_max3A_1316, %log3A_1328 : vector<256xf32>
    %jit3A_1330 = arith.constant 256 : i32
    %div3A_1331 = vector.broadcast %jit3A_1330 : i32 to vector<256xi32>
    %div3A_1332 = arith.divsi %get3A_8, %div3A_1331 : vector<256xi32>
    %sign3A_1333 = arith.constant 0 : i32
    %sign3A_1334 = vector.broadcast %sign3A_1333 : i32 to vector<256xi32>
    %sign3A_1335 = arith.cmpi sgt, %get3A_8, %sign3A_1334 : vector<256xi32>
    %sign3A_1336 = arith.extui %sign3A_1335 : vector<256xi1> to vector<256xi32>
    %sign3A_1337 = arith.constant 0 : i32
    %sign3A_1338 = vector.broadcast %sign3A_1337 : i32 to vector<256xi32>
    %sign3A_1339 = arith.cmpi slt, %get3A_8, %sign3A_1338 : vector<256xi32>
    %sign3A_1340 = arith.extui %sign3A_1339 : vector<256xi1> to vector<256xi32>
    %sign3A_1341 = arith.subi %sign3A_1336, %sign3A_1340 : vector<256xi32>
    %sign3A_1342 = arith.constant 0 : i32
    %sign3A_1343 = arith.cmpi sgt, %jit3A_1330, %sign3A_1342 : i32
    %sign3A_1344 = arith.extui %sign3A_1343 : i1 to i32
    %sign3A_1345 = arith.constant 0 : i32
    %sign3A_1346 = arith.cmpi slt, %jit3A_1330, %sign3A_1345 : i32
    %sign3A_1347 = arith.extui %sign3A_1346 : i1 to i32
    %sign3A_1348 = arith.subi %sign3A_1344, %sign3A_1347 : i32
    %ne3A_1349 = vector.broadcast %sign3A_1348 : i32 to vector<256xi32>
    %ne3A_1350 = arith.cmpi ne, %sign3A_1341, %ne3A_1349 : vector<256xi32>
    %rem3A_1351 = vector.broadcast %jit3A_1330 : i32 to vector<256xi32>
    %rem3A_1352 = arith.remsi %get3A_8, %rem3A_1351 : vector<256xi32>
    %ne3A_1353 = arith.constant 0 : i32
    %ne3A_1354 = vector.broadcast %ne3A_1353 : i32 to vector<256xi32>
    %ne3A_1355 = arith.cmpi ne, %rem3A_1352, %ne3A_1354 : vector<256xi32>
    %and3A_1356 = arith.andi %ne3A_1350, %ne3A_1355 : vector<256xi1>
    %sub3A_1357 = arith.constant 1 : i32
    %sub3A_1358 = vector.broadcast %sub3A_1357 : i32 to vector<256xi32>
    %sub3A_1359 = arith.subi %div3A_1332, %sub3A_1358 : vector<256xi32>
    %select_n3A_1360 = arith.select %and3A_1356, %sub3A_1359, %div3A_1332 : vector<256xi1>, vector<256xi32>
    %eq3A_1361 = arith.constant 11 : i32
    %eq3A_1362 = vector.broadcast %eq3A_1361 : i32 to vector<256xi32>
    %eq3A_1363 = arith.cmpi eq, %select_n3A_1360, %eq3A_1362 : vector<256xi32>
    %jit3A_1364 = arith.constant -3.40282347E+38 : f32
    %jit3A_1365 = arith.constant 0.000000e+00 : f32
    %broadcast_in_dim3A_1366 = vector.broadcast %jit3A_1364 : f32 to vector<256xf32>
    %broadcast_in_dim3A_1367 = vector.broadcast %jit3A_1365 : f32 to vector<256xf32>
    %select_n3A_1368 = arith.select %eq3A_1363, %broadcast_in_dim3A_1366, %broadcast_in_dim3A_1367 : vector<256xi1>, vector<256xf32>
    %dot_general3A_1369 = arith.constant dense<0.000000e+00> : vector<256x256xf32>
    %dot_general3A_1370 = tpu.matmul %get3A_1304, %get3A_3, %dot_general3A_1369 {dimension_numbers = #tpu.dot_dimension_numbers<[1], [1], [0], [0], [0, 0, 1, 0], [], []>, transpose_lhs_hint = false} : vector<256x128xf32>, vector<256x128xf32>, vector<256x256xf32> -> vector<256x256xf32>
    %mul3A_1371 = arith.constant 1.250000e-01 : f32
    %mul3A_1372 = vector.broadcast %mul3A_1371 : f32 to vector<256x256xf32>
    %mul3A_1373 = arith.mulf %dot_general3A_1370, %mul3A_1372 : vector<256x256xf32>
    %broadcast_in_dim3A_1374 = vector.shape_cast %select_n3A_1368 : vector<256xf32> to vector<1x256xf32>
    %add3A_1375 = vector.broadcast %broadcast_in_dim3A_1374 : vector<1x256xf32> to vector<256x256xf32>
    %add3A_1376 = arith.addf %mul3A_1373, %add3A_1375 : vector<256x256xf32>
    %reduce_max3A_1377 = arith.constant dense<0xFF800000> : vector<256xf32>
    %reduce_max3A_1378 = vector.multi_reduction <maximumf>, %add3A_1376, %reduce_max3A_1377 [1] : vector<256x256xf32> to vector<256xf32>
    %broadcast_in_dim3A_1379 = vector.shape_cast %reduce_max3A_1378 : vector<256xf32> to vector<256x1xf32>
    %sub3A_1380 = vector.broadcast %broadcast_in_dim3A_1379 : vector<256x1xf32> to vector<256x256xf32>
    %sub3A_1381 = arith.subf %add3A_1376, %sub3A_1380 : vector<256x256xf32>
    %exp3A_1382 = math.exp %sub3A_1381 : vector<256x256xf32>
    %reduce_sum3A_1383 = arith.constant dense<0.000000e+00> : vector<256xf32>
    %reduce_sum3A_1384 = vector.multi_reduction <add>, %exp3A_1382, %reduce_sum3A_1383 [1] : vector<256x256xf32> to vector<256xf32>
    %dot_general3A_1385 = arith.constant dense<0.000000e+00> : vector<256x128xf32>
    %dot_general3A_1386 = tpu.matmul %exp3A_1382, %get3A_3, %dot_general3A_1385 {dimension_numbers = #tpu.dot_dimension_numbers<[1], [0], [0], [1], [0, 0, 1, 1], [], []>, transpose_lhs_hint = false} : vector<256x256xf32>, vector<256x128xf32>, vector<256x128xf32> -> vector<256x128xf32>
    %broadcast_in_dim3A_1387 = vector.shape_cast %reduce_sum3A_1384 : vector<256xf32> to vector<256x1xf32>
    %div3A_1388 = vector.broadcast %broadcast_in_dim3A_1387 : vector<256x1xf32> to vector<256x128xf32>
    %div3A_1389 = arith.divf %dot_general3A_1386, %div3A_1388 : vector<256x128xf32>
    %log3A_1390 = math.log %reduce_sum3A_1384 : vector<256xf32>
    %add3A_1391 = arith.addf %reduce_max3A_1378, %log3A_1390 : vector<256xf32>
    %add3A_1392 = arith.constant 2.77258873 : f32
    %add3A_1393 = vector.broadcast %add3A_1392 : f32 to vector<256xf32>
    %add3A_1394 = arith.addf %add3A_1391, %add3A_1393 : vector<256xf32>
    %sub3A_1395 = arith.subf %add3A_1394, %add3A_1329 : vector<256xf32>
    %exp3A_1396 = math.exp %sub3A_1395 : vector<256xf32>
    %add3A_1397 = arith.constant 1.000000e+00 : f32
    %add3A_1398 = vector.broadcast %add3A_1397 : f32 to vector<256xf32>
    %add3A_1399 = arith.addf %add3A_1398, %exp3A_1396 : vector<256xf32>
    %div3A_1400 = arith.constant 1.000000e+00 : f32
    %div3A_1401 = vector.broadcast %div3A_1400 : f32 to vector<256xf32>
    %div3A_1402 = arith.divf %div3A_1401, %add3A_1399 : vector<256xf32>
    %broadcast_in_dim3A_1403 = vector.shape_cast %div3A_1402 : vector<256xf32> to vector<256x1xf32>
    %mul3A_1404 = vector.broadcast %broadcast_in_dim3A_1403 : vector<256x1xf32> to vector<256x128xf32>
    %mul3A_1405 = arith.mulf %mul3A_1404, %div3A_1327 : vector<256x128xf32>
    %broadcast_in_dim3A_1406 = vector.shape_cast %div3A_1402 : vector<256xf32> to vector<256x1xf32>
    %sub3A_1407 = arith.constant 1.000000e+00 : f32
    %sub3A_1408 = vector.broadcast %sub3A_1407 : f32 to vector<256x1xf32>
    %sub3A_1409 = arith.subf %sub3A_1408, %broadcast_in_dim3A_1406 : vector<256x1xf32>
    %mul3A_1410 = vector.broadcast %sub3A_1409 : vector<256x1xf32> to vector<256x128xf32>
    %mul3A_1411 = arith.mulf %mul3A_1410, %div3A_1389 : vector<256x128xf32>
    %add3A_1412 = arith.addf %mul3A_1405, %mul3A_1411 : vector<256x128xf32>
    %swap3A_1413 = arith.constant 0 : index
    %swap3A_1414 = arith.constant 2816 : index
    %swap3A_1415 = arith.constant 0 : index
    %swap3A_1416 = vector.load %arg5[%swap3A_1413, %swap3A_1414, %swap3A_1415] : memref<1x4096x128xf32, #tpu.memory_space<vmem>>, vector<1x256x128xf32>
    %swap3A_1417 = vector.shape_cast %swap3A_1416 : vector<1x256x128xf32> to vector<256x128xf32>
    %swap3A_1418 = vector.shape_cast %add3A_1412 : vector<256x128xf32> to vector<1x256x128xf32>
    tpu.vector_store %arg5[%swap3A_1413, %swap3A_1414, %swap3A_1415], %swap3A_1418 {strides = array<i32>} : memref<1x4096x128xf32, #tpu.memory_space<vmem>>, vector<1x256x128xf32>,
    %get3A_1419 = arith.constant 0 : index
    %get3A_1420 = arith.constant 3072 : index
    %get3A_1421 = arith.constant 0 : index
    %get3A_1422 = vector.load %arg1[%get3A_1419, %get3A_1420, %get3A_1421] : memref<1x4096x128xf32, #tpu.memory_space<vmem>>, vector<1x256x128xf32>
    %get3A_1423 = vector.shape_cast %get3A_1422 : vector<1x256x128xf32> to vector<256x128xf32>
    %get3A_1424 = arith.constant 0 : index
    %get3A_1425 = arith.constant 3072 : index
    %get3A_1426 = arith.constant 0 : index
    %get3A_1427 = vector.load %arg2[%get3A_1424, %get3A_1425, %get3A_1426] : memref<1x4096x128xf32, #tpu.memory_space<vmem>>, vector<1x256x128xf32>
    %get3A_1428 = vector.shape_cast %get3A_1427 : vector<1x256x128xf32> to vector<256x128xf32>
    %dot_general3A_1429 = arith.constant dense<0.000000e+00> : vector<256x256xf32>
    %dot_general3A_1430 = tpu.matmul %get3A_1423, %get3A_1428, %dot_general3A_1429 {dimension_numbers = #tpu.dot_dimension_numbers<[1], [1], [0], [0], [0, 0, 1, 0], [], []>, transpose_lhs_hint = false} : vector<256x128xf32>, vector<256x128xf32>, vector<256x256xf32> -> vector<256x256xf32>
    %mul3A_1431 = arith.constant 1.250000e-01 : f32
    %mul3A_1432 = vector.broadcast %mul3A_1431 : f32 to vector<256x256xf32>
    %mul3A_1433 = arith.mulf %dot_general3A_1430, %mul3A_1432 : vector<256x256xf32>
    %reduce_max3A_1434 = arith.constant dense<0xFF800000> : vector<256xf32>
    %reduce_max3A_1435 = vector.multi_reduction <maximumf>, %mul3A_1433, %reduce_max3A_1434 [1] : vector<256x256xf32> to vector<256xf32>
    %broadcast_in_dim3A_1436 = vector.shape_cast %reduce_max3A_1435 : vector<256xf32> to vector<256x1xf32>
    %sub3A_1437 = vector.broadcast %broadcast_in_dim3A_1436 : vector<256x1xf32> to vector<256x256xf32>
    %sub3A_1438 = arith.subf %mul3A_1433, %sub3A_1437 : vector<256x256xf32>
    %exp3A_1439 = math.exp %sub3A_1438 : vector<256x256xf32>
    %reduce_sum3A_1440 = arith.constant dense<0.000000e+00> : vector<256xf32>
    %reduce_sum3A_1441 = vector.multi_reduction <add>, %exp3A_1439, %reduce_sum3A_1440 [1] : vector<256x256xf32> to vector<256xf32>
    %dot_general3A_1442 = arith.constant dense<0.000000e+00> : vector<256x128xf32>
    %dot_general3A_1443 = tpu.matmul %exp3A_1439, %get3A_1428, %dot_general3A_1442 {dimension_numbers = #tpu.dot_dimension_numbers<[1], [0], [0], [1], [0, 0, 1, 1], [], []>, transpose_lhs_hint = false} : vector<256x256xf32>, vector<256x128xf32>, vector<256x128xf32> -> vector<256x128xf32>
    %broadcast_in_dim3A_1444 = vector.shape_cast %reduce_sum3A_1441 : vector<256xf32> to vector<256x1xf32>
    %div3A_1445 = vector.broadcast %broadcast_in_dim3A_1444 : vector<256x1xf32> to vector<256x128xf32>
    %div3A_1446 = arith.divf %dot_general3A_1443, %div3A_1445 : vector<256x128xf32>
    %log3A_1447 = math.log %reduce_sum3A_1441 : vector<256xf32>
    %add3A_1448 = arith.addf %reduce_max3A_1435, %log3A_1447 : vector<256xf32>
    %jit3A_1449 = arith.constant 256 : i32
    %div3A_1450 = vector.broadcast %jit3A_1449 : i32 to vector<256xi32>
    %div3A_1451 = arith.divsi %get3A_8, %div3A_1450 : vector<256xi32>
    %sign3A_1452 = arith.constant 0 : i32
    %sign3A_1453 = vector.broadcast %sign3A_1452 : i32 to vector<256xi32>
    %sign3A_1454 = arith.cmpi sgt, %get3A_8, %sign3A_1453 : vector<256xi32>
    %sign3A_1455 = arith.extui %sign3A_1454 : vector<256xi1> to vector<256xi32>
    %sign3A_1456 = arith.constant 0 : i32
    %sign3A_1457 = vector.broadcast %sign3A_1456 : i32 to vector<256xi32>
    %sign3A_1458 = arith.cmpi slt, %get3A_8, %sign3A_1457 : vector<256xi32>
    %sign3A_1459 = arith.extui %sign3A_1458 : vector<256xi1> to vector<256xi32>
    %sign3A_1460 = arith.subi %sign3A_1455, %sign3A_1459 : vector<256xi32>
    %sign3A_1461 = arith.constant 0 : i32
    %sign3A_1462 = arith.cmpi sgt, %jit3A_1449, %sign3A_1461 : i32
    %sign3A_1463 = arith.extui %sign3A_1462 : i1 to i32
    %sign3A_1464 = arith.constant 0 : i32
    %sign3A_1465 = arith.cmpi slt, %jit3A_1449, %sign3A_1464 : i32
    %sign3A_1466 = arith.extui %sign3A_1465 : i1 to i32
    %sign3A_1467 = arith.subi %sign3A_1463, %sign3A_1466 : i32
    %ne3A_1468 = vector.broadcast %sign3A_1467 : i32 to vector<256xi32>
    %ne3A_1469 = arith.cmpi ne, %sign3A_1460, %ne3A_1468 : vector<256xi32>
    %rem3A_1470 = vector.broadcast %jit3A_1449 : i32 to vector<256xi32>
    %rem3A_1471 = arith.remsi %get3A_8, %rem3A_1470 : vector<256xi32>
    %ne3A_1472 = arith.constant 0 : i32
    %ne3A_1473 = vector.broadcast %ne3A_1472 : i32 to vector<256xi32>
    %ne3A_1474 = arith.cmpi ne, %rem3A_1471, %ne3A_1473 : vector<256xi32>
    %and3A_1475 = arith.andi %ne3A_1469, %ne3A_1474 : vector<256xi1>
    %sub3A_1476 = arith.constant 1 : i32
    %sub3A_1477 = vector.broadcast %sub3A_1476 : i32 to vector<256xi32>
    %sub3A_1478 = arith.subi %div3A_1451, %sub3A_1477 : vector<256xi32>
    %select_n3A_1479 = arith.select %and3A_1475, %sub3A_1478, %div3A_1451 : vector<256xi1>, vector<256xi32>
    %eq3A_1480 = arith.constant 12 : i32
    %eq3A_1481 = vector.broadcast %eq3A_1480 : i32 to vector<256xi32>
    %eq3A_1482 = arith.cmpi eq, %select_n3A_1479, %eq3A_1481 : vector<256xi32>
    %jit3A_1483 = arith.constant -3.40282347E+38 : f32
    %jit3A_1484 = arith.constant 0.000000e+00 : f32
    %broadcast_in_dim3A_1485 = vector.broadcast %jit3A_1483 : f32 to vector<256xf32>
    %broadcast_in_dim3A_1486 = vector.broadcast %jit3A_1484 : f32 to vector<256xf32>
    %select_n3A_1487 = arith.select %eq3A_1482, %broadcast_in_dim3A_1485, %broadcast_in_dim3A_1486 : vector<256xi1>, vector<256xf32>
    %dot_general3A_1488 = arith.constant dense<0.000000e+00> : vector<256x256xf32>
    %dot_general3A_1489 = tpu.matmul %get3A_1423, %get3A_3, %dot_general3A_1488 {dimension_numbers = #tpu.dot_dimension_numbers<[1], [1], [0], [0], [0, 0, 1, 0], [], []>, transpose_lhs_hint = false} : vector<256x128xf32>, vector<256x128xf32>, vector<256x256xf32> -> vector<256x256xf32>
    %mul3A_1490 = arith.constant 1.250000e-01 : f32
    %mul3A_1491 = vector.broadcast %mul3A_1490 : f32 to vector<256x256xf32>
    %mul3A_1492 = arith.mulf %dot_general3A_1489, %mul3A_1491 : vector<256x256xf32>
    %broadcast_in_dim3A_1493 = vector.shape_cast %select_n3A_1487 : vector<256xf32> to vector<1x256xf32>
    %add3A_1494 = vector.broadcast %broadcast_in_dim3A_1493 : vector<1x256xf32> to vector<256x256xf32>
    %add3A_1495 = arith.addf %mul3A_1492, %add3A_1494 : vector<256x256xf32>
    %reduce_max3A_1496 = arith.constant dense<0xFF800000> : vector<256xf32>
    %reduce_max3A_1497 = vector.multi_reduction <maximumf>, %add3A_1495, %reduce_max3A_1496 [1] : vector<256x256xf32> to vector<256xf32>
    %broadcast_in_dim3A_1498 = vector.shape_cast %reduce_max3A_1497 : vector<256xf32> to vector<256x1xf32>
    %sub3A_1499 = vector.broadcast %broadcast_in_dim3A_1498 : vector<256x1xf32> to vector<256x256xf32>
    %sub3A_1500 = arith.subf %add3A_1495, %sub3A_1499 : vector<256x256xf32>
    %exp3A_1501 = math.exp %sub3A_1500 : vector<256x256xf32>
    %reduce_sum3A_1502 = arith.constant dense<0.000000e+00> : vector<256xf32>
    %reduce_sum3A_1503 = vector.multi_reduction <add>, %exp3A_1501, %reduce_sum3A_1502 [1] : vector<256x256xf32> to vector<256xf32>
    %dot_general3A_1504 = arith.constant dense<0.000000e+00> : vector<256x128xf32>
    %dot_general3A_1505 = tpu.matmul %exp3A_1501, %get3A_3, %dot_general3A_1504 {dimension_numbers = #tpu.dot_dimension_numbers<[1], [0], [0], [1], [0, 0, 1, 1], [], []>, transpose_lhs_hint = false} : vector<256x256xf32>, vector<256x128xf32>, vector<256x128xf32> -> vector<256x128xf32>
    %broadcast_in_dim3A_1506 = vector.shape_cast %reduce_sum3A_1503 : vector<256xf32> to vector<256x1xf32>
    %div3A_1507 = vector.broadcast %broadcast_in_dim3A_1506 : vector<256x1xf32> to vector<256x128xf32>
    %div3A_1508 = arith.divf %dot_general3A_1505, %div3A_1507 : vector<256x128xf32>
    %log3A_1509 = math.log %reduce_sum3A_1503 : vector<256xf32>
    %add3A_1510 = arith.addf %reduce_max3A_1497, %log3A_1509 : vector<256xf32>
    %add3A_1511 = arith.constant 2.77258873 : f32
    %add3A_1512 = vector.broadcast %add3A_1511 : f32 to vector<256xf32>
    %add3A_1513 = arith.addf %add3A_1510, %add3A_1512 : vector<256xf32>
    %sub3A_1514 = arith.subf %add3A_1513, %add3A_1448 : vector<256xf32>
    %exp3A_1515 = math.exp %sub3A_1514 : vector<256xf32>
    %add3A_1516 = arith.constant 1.000000e+00 : f32
    %add3A_1517 = vector.broadcast %add3A_1516 : f32 to vector<256xf32>
    %add3A_1518 = arith.addf %add3A_1517, %exp3A_1515 : vector<256xf32>
    %div3A_1519 = arith.constant 1.000000e+00 : f32
    %div3A_1520 = vector.broadcast %div3A_1519 : f32 to vector<256xf32>
    %div3A_1521 = arith.divf %div3A_1520, %add3A_1518 : vector<256xf32>
    %broadcast_in_dim3A_1522 = vector.shape_cast %div3A_1521 : vector<256xf32> to vector<256x1xf32>
    %mul3A_1523 = vector.broadcast %broadcast_in_dim3A_1522 : vector<256x1xf32> to vector<256x128xf32>
    %mul3A_1524 = arith.mulf %mul3A_1523, %div3A_1446 : vector<256x128xf32>
    %broadcast_in_dim3A_1525 = vector.shape_cast %div3A_1521 : vector<256xf32> to vector<256x1xf32>
    %sub3A_1526 = arith.constant 1.000000e+00 : f32
    %sub3A_1527 = vector.broadcast %sub3A_1526 : f32 to vector<256x1xf32>
    %sub3A_1528 = arith.subf %sub3A_1527, %broadcast_in_dim3A_1525 : vector<256x1xf32>
    %mul3A_1529 = vector.broadcast %sub3A_1528 : vector<256x1xf32> to vector<256x128xf32>
    %mul3A_1530 = arith.mulf %mul3A_1529, %div3A_1508 : vector<256x128xf32>
    %add3A_1531 = arith.addf %mul3A_1524, %mul3A_1530 : vector<256x128xf32>
    %swap3A_1532 = arith.constant 0 : index
    %swap3A_1533 = arith.constant 3072 : index
    %swap3A_1534 = arith.constant 0 : index
    %swap3A_1535 = vector.load %arg5[%swap3A_1532, %swap3A_1533, %swap3A_1534] : memref<1x4096x128xf32, #tpu.memory_space<vmem>>, vector<1x256x128xf32>
    %swap3A_1536 = vector.shape_cast %swap3A_1535 : vector<1x256x128xf32> to vector<256x128xf32>
    %swap3A_1537 = vector.shape_cast %add3A_1531 : vector<256x128xf32> to vector<1x256x128xf32>
    tpu.vector_store %arg5[%swap3A_1532, %swap3A_1533, %swap3A_1534], %swap3A_1537 {strides = array<i32>} : memref<1x4096x128xf32, #tpu.memory_space<vmem>>, vector<1x256x128xf32>,
    %get3A_1538 = arith.constant 0 : index
    %get3A_1539 = arith.constant 3328 : index
    %get3A_1540 = arith.constant 0 : index
    %get3A_1541 = vector.load %arg1[%get3A_1538, %get3A_1539, %get3A_1540] : memref<1x4096x128xf32, #tpu.memory_space<vmem>>, vector<1x256x128xf32>
    %get3A_1542 = vector.shape_cast %get3A_1541 : vector<1x256x128xf32> to vector<256x128xf32>
    %get3A_1543 = arith.constant 0 : index
    %get3A_1544 = arith.constant 3328 : index
    %get3A_1545 = arith.constant 0 : index
    %get3A_1546 = vector.load %arg2[%get3A_1543, %get3A_1544, %get3A_1545] : memref<1x4096x128xf32, #tpu.memory_space<vmem>>, vector<1x256x128xf32>
    %get3A_1547 = vector.shape_cast %get3A_1546 : vector<1x256x128xf32> to vector<256x128xf32>
    %dot_general3A_1548 = arith.constant dense<0.000000e+00> : vector<256x256xf32>
    %dot_general3A_1549 = tpu.matmul %get3A_1542, %get3A_1547, %dot_general3A_1548 {dimension_numbers = #tpu.dot_dimension_numbers<[1], [1], [0], [0], [0, 0, 1, 0], [], []>, transpose_lhs_hint = false} : vector<256x128xf32>, vector<256x128xf32>, vector<256x256xf32> -> vector<256x256xf32>
    %mul3A_1550 = arith.constant 1.250000e-01 : f32
    %mul3A_1551 = vector.broadcast %mul3A_1550 : f32 to vector<256x256xf32>
    %mul3A_1552 = arith.mulf %dot_general3A_1549, %mul3A_1551 : vector<256x256xf32>
    %reduce_max3A_1553 = arith.constant dense<0xFF800000> : vector<256xf32>
    %reduce_max3A_1554 = vector.multi_reduction <maximumf>, %mul3A_1552, %reduce_max3A_1553 [1] : vector<256x256xf32> to vector<256xf32>
    %broadcast_in_dim3A_1555 = vector.shape_cast %reduce_max3A_1554 : vector<256xf32> to vector<256x1xf32>
    %sub3A_1556 = vector.broadcast %broadcast_in_dim3A_1555 : vector<256x1xf32> to vector<256x256xf32>
    %sub3A_1557 = arith.subf %mul3A_1552, %sub3A_1556 : vector<256x256xf32>
    %exp3A_1558 = math.exp %sub3A_1557 : vector<256x256xf32>
    %reduce_sum3A_1559 = arith.constant dense<0.000000e+00> : vector<256xf32>
    %reduce_sum3A_1560 = vector.multi_reduction <add>, %exp3A_1558, %reduce_sum3A_1559 [1] : vector<256x256xf32> to vector<256xf32>
    %dot_general3A_1561 = arith.constant dense<0.000000e+00> : vector<256x128xf32>
    %dot_general3A_1562 = tpu.matmul %exp3A_1558, %get3A_1547, %dot_general3A_1561 {dimension_numbers = #tpu.dot_dimension_numbers<[1], [0], [0], [1], [0, 0, 1, 1], [], []>, transpose_lhs_hint = false} : vector<256x256xf32>, vector<256x128xf32>, vector<256x128xf32> -> vector<256x128xf32>
    %broadcast_in_dim3A_1563 = vector.shape_cast %reduce_sum3A_1560 : vector<256xf32> to vector<256x1xf32>
    %div3A_1564 = vector.broadcast %broadcast_in_dim3A_1563 : vector<256x1xf32> to vector<256x128xf32>
    %div3A_1565 = arith.divf %dot_general3A_1562, %div3A_1564 : vector<256x128xf32>
    %log3A_1566 = math.log %reduce_sum3A_1560 : vector<256xf32>
    %add3A_1567 = arith.addf %reduce_max3A_1554, %log3A_1566 : vector<256xf32>
    %jit3A_1568 = arith.constant 256 : i32
    %div3A_1569 = vector.broadcast %jit3A_1568 : i32 to vector<256xi32>
    %div3A_1570 = arith.divsi %get3A_8, %div3A_1569 : vector<256xi32>
    %sign3A_1571 = arith.constant 0 : i32
    %sign3A_1572 = vector.broadcast %sign3A_1571 : i32 to vector<256xi32>
    %sign3A_1573 = arith.cmpi sgt, %get3A_8, %sign3A_1572 : vector<256xi32>
    %sign3A_1574 = arith.extui %sign3A_1573 : vector<256xi1> to vector<256xi32>
    %sign3A_1575 = arith.constant 0 : i32
    %sign3A_1576 = vector.broadcast %sign3A_1575 : i32 to vector<256xi32>
    %sign3A_1577 = arith.cmpi slt, %get3A_8, %sign3A_1576 : vector<256xi32>
    %sign3A_1578 = arith.extui %sign3A_1577 : vector<256xi1> to vector<256xi32>
    %sign3A_1579 = arith.subi %sign3A_1574, %sign3A_1578 : vector<256xi32>
    %sign3A_1580 = arith.constant 0 : i32
    %sign3A_1581 = arith.cmpi sgt, %jit3A_1568, %sign3A_1580 : i32
    %sign3A_1582 = arith.extui %sign3A_1581 : i1 to i32
    %sign3A_1583 = arith.constant 0 : i32
    %sign3A_1584 = arith.cmpi slt, %jit3A_1568, %sign3A_1583 : i32
    %sign3A_1585 = arith.extui %sign3A_1584 : i1 to i32
    %sign3A_1586 = arith.subi %sign3A_1582, %sign3A_1585 : i32
    %ne3A_1587 = vector.broadcast %sign3A_1586 : i32 to vector<256xi32>
    %ne3A_1588 = arith.cmpi ne, %sign3A_1579, %ne3A_1587 : vector<256xi32>
    %rem3A_1589 = vector.broadcast %jit3A_1568 : i32 to vector<256xi32>
    %rem3A_1590 = arith.remsi %get3A_8, %rem3A_1589 : vector<256xi32>
    %ne3A_1591 = arith.constant 0 : i32
    %ne3A_1592 = vector.broadcast %ne3A_1591 : i32 to vector<256xi32>
    %ne3A_1593 = arith.cmpi ne, %rem3A_1590, %ne3A_1592 : vector<256xi32>
    %and3A_1594 = arith.andi %ne3A_1588, %ne3A_1593 : vector<256xi1>
    %sub3A_1595 = arith.constant 1 : i32
    %sub3A_1596 = vector.broadcast %sub3A_1595 : i32 to vector<256xi32>
    %sub3A_1597 = arith.subi %div3A_1570, %sub3A_1596 : vector<256xi32>
    %select_n3A_1598 = arith.select %and3A_1594, %sub3A_1597, %div3A_1570 : vector<256xi1>, vector<256xi32>
    %eq3A_1599 = arith.constant 13 : i32
    %eq3A_1600 = vector.broadcast %eq3A_1599 : i32 to vector<256xi32>
    %eq3A_1601 = arith.cmpi eq, %select_n3A_1598, %eq3A_1600 : vector<256xi32>
    %jit3A_1602 = arith.constant -3.40282347E+38 : f32
    %jit3A_1603 = arith.constant 0.000000e+00 : f32
    %broadcast_in_dim3A_1604 = vector.broadcast %jit3A_1602 : f32 to vector<256xf32>
    %broadcast_in_dim3A_1605 = vector.broadcast %jit3A_1603 : f32 to vector<256xf32>
    %select_n3A_1606 = arith.select %eq3A_1601, %broadcast_in_dim3A_1604, %broadcast_in_dim3A_1605 : vector<256xi1>, vector<256xf32>
    %dot_general3A_1607 = arith.constant dense<0.000000e+00> : vector<256x256xf32>
    %dot_general3A_1608 = tpu.matmul %get3A_1542, %get3A_3, %dot_general3A_1607 {dimension_numbers = #tpu.dot_dimension_numbers<[1], [1], [0], [0], [0, 0, 1, 0], [], []>, transpose_lhs_hint = false} : vector<256x128xf32>, vector<256x128xf32>, vector<256x256xf32> -> vector<256x256xf32>
    %mul3A_1609 = arith.constant 1.250000e-01 : f32
    %mul3A_1610 = vector.broadcast %mul3A_1609 : f32 to vector<256x256xf32>
    %mul3A_1611 = arith.mulf %dot_general3A_1608, %mul3A_1610 : vector<256x256xf32>
    %broadcast_in_dim3A_1612 = vector.shape_cast %select_n3A_1606 : vector<256xf32> to vector<1x256xf32>
    %add3A_1613 = vector.broadcast %broadcast_in_dim3A_1612 : vector<1x256xf32> to vector<256x256xf32>
    %add3A_1614 = arith.addf %mul3A_1611, %add3A_1613 : vector<256x256xf32>
    %reduce_max3A_1615 = arith.constant dense<0xFF800000> : vector<256xf32>
    %reduce_max3A_1616 = vector.multi_reduction <maximumf>, %add3A_1614, %reduce_max3A_1615 [1] : vector<256x256xf32> to vector<256xf32>
    %broadcast_in_dim3A_1617 = vector.shape_cast %reduce_max3A_1616 : vector<256xf32> to vector<256x1xf32>
    %sub3A_1618 = vector.broadcast %broadcast_in_dim3A_1617 : vector<256x1xf32> to vector<256x256xf32>
    %sub3A_1619 = arith.subf %add3A_1614, %sub3A_1618 : vector<256x256xf32>
    %exp3A_1620 = math.exp %sub3A_1619 : vector<256x256xf32>
    %reduce_sum3A_1621 = arith.constant dense<0.000000e+00> : vector<256xf32>
    %reduce_sum3A_1622 = vector.multi_reduction <add>, %exp3A_1620, %reduce_sum3A_1621 [1] : vector<256x256xf32> to vector<256xf32>
    %dot_general3A_1623 = arith.constant dense<0.000000e+00> : vector<256x128xf32>
    %dot_general3A_1624 = tpu.matmul %exp3A_1620, %get3A_3, %dot_general3A_1623 {dimension_numbers = #tpu.dot_dimension_numbers<[1], [0], [0], [1], [0, 0, 1, 1], [], []>, transpose_lhs_hint = false} : vector<256x256xf32>, vector<256x128xf32>, vector<256x128xf32> -> vector<256x128xf32>
    %broadcast_in_dim3A_1625 = vector.shape_cast %reduce_sum3A_1622 : vector<256xf32> to vector<256x1xf32>
    %div3A_1626 = vector.broadcast %broadcast_in_dim3A_1625 : vector<256x1xf32> to vector<256x128xf32>
    %div3A_1627 = arith.divf %dot_general3A_1624, %div3A_1626 : vector<256x128xf32>
    %log3A_1628 = math.log %reduce_sum3A_1622 : vector<256xf32>
    %add3A_1629 = arith.addf %reduce_max3A_1616, %log3A_1628 : vector<256xf32>
    %add3A_1630 = arith.constant 2.77258873 : f32
    %add3A_1631 = vector.broadcast %add3A_1630 : f32 to vector<256xf32>
    %add3A_1632 = arith.addf %add3A_1629, %add3A_1631 : vector<256xf32>
    %sub3A_1633 = arith.subf %add3A_1632, %add3A_1567 : vector<256xf32>
    %exp3A_1634 = math.exp %sub3A_1633 : vector<256xf32>
    %add3A_1635 = arith.constant 1.000000e+00 : f32
    %add3A_1636 = vector.broadcast %add3A_1635 : f32 to vector<256xf32>
    %add3A_1637 = arith.addf %add3A_1636, %exp3A_1634 : vector<256xf32>
    %div3A_1638 = arith.constant 1.000000e+00 : f32
    %div3A_1639 = vector.broadcast %div3A_1638 : f32 to vector<256xf32>
    %div3A_1640 = arith.divf %div3A_1639, %add3A_1637 : vector<256xf32>
    %broadcast_in_dim3A_1641 = vector.shape_cast %div3A_1640 : vector<256xf32> to vector<256x1xf32>
    %mul3A_1642 = vector.broadcast %broadcast_in_dim3A_1641 : vector<256x1xf32> to vector<256x128xf32>
    %mul3A_1643 = arith.mulf %mul3A_1642, %div3A_1565 : vector<256x128xf32>
    %broadcast_in_dim3A_1644 = vector.shape_cast %div3A_1640 : vector<256xf32> to vector<256x1xf32>
    %sub3A_1645 = arith.constant 1.000000e+00 : f32
    %sub3A_1646 = vector.broadcast %sub3A_1645 : f32 to vector<256x1xf32>
    %sub3A_1647 = arith.subf %sub3A_1646, %broadcast_in_dim3A_1644 : vector<256x1xf32>
    %mul3A_1648 = vector.broadcast %sub3A_1647 : vector<256x1xf32> to vector<256x128xf32>
    %mul3A_1649 = arith.mulf %mul3A_1648, %div3A_1627 : vector<256x128xf32>
    %add3A_1650 = arith.addf %mul3A_1643, %mul3A_1649 : vector<256x128xf32>
    %swap3A_1651 = arith.constant 0 : index
    %swap3A_1652 = arith.constant 3328 : index
    %swap3A_1653 = arith.constant 0 : index
    %swap3A_1654 = vector.load %arg5[%swap3A_1651, %swap3A_1652, %swap3A_1653] : memref<1x4096x128xf32, #tpu.memory_space<vmem>>, vector<1x256x128xf32>
    %swap3A_1655 = vector.shape_cast %swap3A_1654 : vector<1x256x128xf32> to vector<256x128xf32>
    %swap3A_1656 = vector.shape_cast %add3A_1650 : vector<256x128xf32> to vector<1x256x128xf32>
    tpu.vector_store %arg5[%swap3A_1651, %swap3A_1652, %swap3A_1653], %swap3A_1656 {strides = array<i32>} : memref<1x4096x128xf32, #tpu.memory_space<vmem>>, vector<1x256x128xf32>,
    %get3A_1657 = arith.constant 0 : index
    %get3A_1658 = arith.constant 3584 : index
    %get3A_1659 = arith.constant 0 : index
    %get3A_1660 = vector.load %arg1[%get3A_1657, %get3A_1658, %get3A_1659] : memref<1x4096x128xf32, #tpu.memory_space<vmem>>, vector<1x256x128xf32>
    %get3A_1661 = vector.shape_cast %get3A_1660 : vector<1x256x128xf32> to vector<256x128xf32>
    %get3A_1662 = arith.constant 0 : index
    %get3A_1663 = arith.constant 3584 : index
    %get3A_1664 = arith.constant 0 : index
    %get3A_1665 = vector.load %arg2[%get3A_1662, %get3A_1663, %get3A_1664] : memref<1x4096x128xf32, #tpu.memory_space<vmem>>, vector<1x256x128xf32>
    %get3A_1666 = vector.shape_cast %get3A_1665 : vector<1x256x128xf32> to vector<256x128xf32>
    %dot_general3A_1667 = arith.constant dense<0.000000e+00> : vector<256x256xf32>
    %dot_general3A_1668 = tpu.matmul %get3A_1661, %get3A_1666, %dot_general3A_1667 {dimension_numbers = #tpu.dot_dimension_numbers<[1], [1], [0], [0], [0, 0, 1, 0], [], []>, transpose_lhs_hint = false} : vector<256x128xf32>, vector<256x128xf32>, vector<256x256xf32> -> vector<256x256xf32>
    %mul3A_1669 = arith.constant 1.250000e-01 : f32
    %mul3A_1670 = vector.broadcast %mul3A_1669 : f32 to vector<256x256xf32>
    %mul3A_1671 = arith.mulf %dot_general3A_1668, %mul3A_1670 : vector<256x256xf32>
    %reduce_max3A_1672 = arith.constant dense<0xFF800000> : vector<256xf32>
    %reduce_max3A_1673 = vector.multi_reduction <maximumf>, %mul3A_1671, %reduce_max3A_1672 [1] : vector<256x256xf32> to vector<256xf32>
    %broadcast_in_dim3A_1674 = vector.shape_cast %reduce_max3A_1673 : vector<256xf32> to vector<256x1xf32>
    %sub3A_1675 = vector.broadcast %broadcast_in_dim3A_1674 : vector<256x1xf32> to vector<256x256xf32>
    %sub3A_1676 = arith.subf %mul3A_1671, %sub3A_1675 : vector<256x256xf32>
    %exp3A_1677 = math.exp %sub3A_1676 : vector<256x256xf32>
    %reduce_sum3A_1678 = arith.constant dense<0.000000e+00> : vector<256xf32>
    %reduce_sum3A_1679 = vector.multi_reduction <add>, %exp3A_1677, %reduce_sum3A_1678 [1] : vector<256x256xf32> to vector<256xf32>
    %dot_general3A_1680 = arith.constant dense<0.000000e+00> : vector<256x128xf32>
    %dot_general3A_1681 = tpu.matmul %exp3A_1677, %get3A_1666, %dot_general3A_1680 {dimension_numbers = #tpu.dot_dimension_numbers<[1], [0], [0], [1], [0, 0, 1, 1], [], []>, transpose_lhs_hint = false} : vector<256x256xf32>, vector<256x128xf32>, vector<256x128xf32> -> vector<256x128xf32>
    %broadcast_in_dim3A_1682 = vector.shape_cast %reduce_sum3A_1679 : vector<256xf32> to vector<256x1xf32>
    %div3A_1683 = vector.broadcast %broadcast_in_dim3A_1682 : vector<256x1xf32> to vector<256x128xf32>
    %div3A_1684 = arith.divf %dot_general3A_1681, %div3A_1683 : vector<256x128xf32>
    %log3A_1685 = math.log %reduce_sum3A_1679 : vector<256xf32>
    %add3A_1686 = arith.addf %reduce_max3A_1673, %log3A_1685 : vector<256xf32>
    %jit3A_1687 = arith.constant 256 : i32
    %div3A_1688 = vector.broadcast %jit3A_1687 : i32 to vector<256xi32>
    %div3A_1689 = arith.divsi %get3A_8, %div3A_1688 : vector<256xi32>
    %sign3A_1690 = arith.constant 0 : i32
    %sign3A_1691 = vector.broadcast %sign3A_1690 : i32 to vector<256xi32>
    %sign3A_1692 = arith.cmpi sgt, %get3A_8, %sign3A_1691 : vector<256xi32>
    %sign3A_1693 = arith.extui %sign3A_1692 : vector<256xi1> to vector<256xi32>
    %sign3A_1694 = arith.constant 0 : i32
    %sign3A_1695 = vector.broadcast %sign3A_1694 : i32 to vector<256xi32>
    %sign3A_1696 = arith.cmpi slt, %get3A_8, %sign3A_1695 : vector<256xi32>
    %sign3A_1697 = arith.extui %sign3A_1696 : vector<256xi1> to vector<256xi32>
    %sign3A_1698 = arith.subi %sign3A_1693, %sign3A_1697 : vector<256xi32>
    %sign3A_1699 = arith.constant 0 : i32
    %sign3A_1700 = arith.cmpi sgt, %jit3A_1687, %sign3A_1699 : i32
    %sign3A_1701 = arith.extui %sign3A_1700 : i1 to i32
    %sign3A_1702 = arith.constant 0 : i32
    %sign3A_1703 = arith.cmpi slt, %jit3A_1687, %sign3A_1702 : i32
    %sign3A_1704 = arith.extui %sign3A_1703 : i1 to i32
    %sign3A_1705 = arith.subi %sign3A_1701, %sign3A_1704 : i32
    %ne3A_1706 = vector.broadcast %sign3A_1705 : i32 to vector<256xi32>
    %ne3A_1707 = arith.cmpi ne, %sign3A_1698, %ne3A_1706 : vector<256xi32>
    %rem3A_1708 = vector.broadcast %jit3A_1687 : i32 to vector<256xi32>
    %rem3A_1709 = arith.remsi %get3A_8, %rem3A_1708 : vector<256xi32>
    %ne3A_1710 = arith.constant 0 : i32
    %ne3A_1711 = vector.broadcast %ne3A_1710 : i32 to vector<256xi32>
    %ne3A_1712 = arith.cmpi ne, %rem3A_1709, %ne3A_1711 : vector<256xi32>
    %and3A_1713 = arith.andi %ne3A_1707, %ne3A_1712 : vector<256xi1>
    %sub3A_1714 = arith.constant 1 : i32
    %sub3A_1715 = vector.broadcast %sub3A_1714 : i32 to vector<256xi32>
    %sub3A_1716 = arith.subi %div3A_1689, %sub3A_1715 : vector<256xi32>
    %select_n3A_1717 = arith.select %and3A_1713, %sub3A_1716, %div3A_1689 : vector<256xi1>, vector<256xi32>
    %eq3A_1718 = arith.constant 14 : i32
    %eq3A_1719 = vector.broadcast %eq3A_1718 : i32 to vector<256xi32>
    %eq3A_1720 = arith.cmpi eq, %select_n3A_1717, %eq3A_1719 : vector<256xi32>
    %jit3A_1721 = arith.constant -3.40282347E+38 : f32
    %jit3A_1722 = arith.constant 0.000000e+00 : f32
    %broadcast_in_dim3A_1723 = vector.broadcast %jit3A_1721 : f32 to vector<256xf32>
    %broadcast_in_dim3A_1724 = vector.broadcast %jit3A_1722 : f32 to vector<256xf32>
    %select_n3A_1725 = arith.select %eq3A_1720, %broadcast_in_dim3A_1723, %broadcast_in_dim3A_1724 : vector<256xi1>, vector<256xf32>
    %dot_general3A_1726 = arith.constant dense<0.000000e+00> : vector<256x256xf32>
    %dot_general3A_1727 = tpu.matmul %get3A_1661, %get3A_3, %dot_general3A_1726 {dimension_numbers = #tpu.dot_dimension_numbers<[1], [1], [0], [0], [0, 0, 1, 0], [], []>, transpose_lhs_hint = false} : vector<256x128xf32>, vector<256x128xf32>, vector<256x256xf32> -> vector<256x256xf32>
    %mul3A_1728 = arith.constant 1.250000e-01 : f32
    %mul3A_1729 = vector.broadcast %mul3A_1728 : f32 to vector<256x256xf32>
    %mul3A_1730 = arith.mulf %dot_general3A_1727, %mul3A_1729 : vector<256x256xf32>
    %broadcast_in_dim3A_1731 = vector.shape_cast %select_n3A_1725 : vector<256xf32> to vector<1x256xf32>
    %add3A_1732 = vector.broadcast %broadcast_in_dim3A_1731 : vector<1x256xf32> to vector<256x256xf32>
    %add3A_1733 = arith.addf %mul3A_1730, %add3A_1732 : vector<256x256xf32>
    %reduce_max3A_1734 = arith.constant dense<0xFF800000> : vector<256xf32>
    %reduce_max3A_1735 = vector.multi_reduction <maximumf>, %add3A_1733, %reduce_max3A_1734 [1] : vector<256x256xf32> to vector<256xf32>
    %broadcast_in_dim3A_1736 = vector.shape_cast %reduce_max3A_1735 : vector<256xf32> to vector<256x1xf32>
    %sub3A_1737 = vector.broadcast %broadcast_in_dim3A_1736 : vector<256x1xf32> to vector<256x256xf32>
    %sub3A_1738 = arith.subf %add3A_1733, %sub3A_1737 : vector<256x256xf32>
    %exp3A_1739 = math.exp %sub3A_1738 : vector<256x256xf32>
    %reduce_sum3A_1740 = arith.constant dense<0.000000e+00> : vector<256xf32>
    %reduce_sum3A_1741 = vector.multi_reduction <add>, %exp3A_1739, %reduce_sum3A_1740 [1] : vector<256x256xf32> to vector<256xf32>
    %dot_general3A_1742 = arith.constant dense<0.000000e+00> : vector<256x128xf32>
    %dot_general3A_1743 = tpu.matmul %exp3A_1739, %get3A_3, %dot_general3A_1742 {dimension_numbers = #tpu.dot_dimension_numbers<[1], [0], [0], [1], [0, 0, 1, 1], [], []>, transpose_lhs_hint = false} : vector<256x256xf32>, vector<256x128xf32>, vector<256x128xf32> -> vector<256x128xf32>
    %broadcast_in_dim3A_1744 = vector.shape_cast %reduce_sum3A_1741 : vector<256xf32> to vector<256x1xf32>
    %div3A_1745 = vector.broadcast %broadcast_in_dim3A_1744 : vector<256x1xf32> to vector<256x128xf32>
    %div3A_1746 = arith.divf %dot_general3A_1743, %div3A_1745 : vector<256x128xf32>
    %log3A_1747 = math.log %reduce_sum3A_1741 : vector<256xf32>
    %add3A_1748 = arith.addf %reduce_max3A_1735, %log3A_1747 : vector<256xf32>
    %add3A_1749 = arith.constant 2.77258873 : f32
    %add3A_1750 = vector.broadcast %add3A_1749 : f32 to vector<256xf32>
    %add3A_1751 = arith.addf %add3A_1748, %add3A_1750 : vector<256xf32>
    %sub3A_1752 = arith.subf %add3A_1751, %add3A_1686 : vector<256xf32>
    %exp3A_1753 = math.exp %sub3A_1752 : vector<256xf32>
    %add3A_1754 = arith.constant 1.000000e+00 : f32
    %add3A_1755 = vector.broadcast %add3A_1754 : f32 to vector<256xf32>
    %add3A_1756 = arith.addf %add3A_1755, %exp3A_1753 : vector<256xf32>
    %div3A_1757 = arith.constant 1.000000e+00 : f32
    %div3A_1758 = vector.broadcast %div3A_1757 : f32 to vector<256xf32>
    %div3A_1759 = arith.divf %div3A_1758, %add3A_1756 : vector<256xf32>
    %broadcast_in_dim3A_1760 = vector.shape_cast %div3A_1759 : vector<256xf32> to vector<256x1xf32>
    %mul3A_1761 = vector.broadcast %broadcast_in_dim3A_1760 : vector<256x1xf32> to vector<256x128xf32>
    %mul3A_1762 = arith.mulf %mul3A_1761, %div3A_1684 : vector<256x128xf32>
    %broadcast_in_dim3A_1763 = vector.shape_cast %div3A_1759 : vector<256xf32> to vector<256x1xf32>
    %sub3A_1764 = arith.constant 1.000000e+00 : f32
    %sub3A_1765 = vector.broadcast %sub3A_1764 : f32 to vector<256x1xf32>
    %sub3A_1766 = arith.subf %sub3A_1765, %broadcast_in_dim3A_1763 : vector<256x1xf32>
    %mul3A_1767 = vector.broadcast %sub3A_1766 : vector<256x1xf32> to vector<256x128xf32>
    %mul3A_1768 = arith.mulf %mul3A_1767, %div3A_1746 : vector<256x128xf32>
    %add3A_1769 = arith.addf %mul3A_1762, %mul3A_1768 : vector<256x128xf32>
    %swap3A_1770 = arith.constant 0 : index
    %swap3A_1771 = arith.constant 3584 : index
    %swap3A_1772 = arith.constant 0 : index
    %swap3A_1773 = vector.load %arg5[%swap3A_1770, %swap3A_1771, %swap3A_1772] : memref<1x4096x128xf32, #tpu.memory_space<vmem>>, vector<1x256x128xf32>
    %swap3A_1774 = vector.shape_cast %swap3A_1773 : vector<1x256x128xf32> to vector<256x128xf32>
    %swap3A_1775 = vector.shape_cast %add3A_1769 : vector<256x128xf32> to vector<1x256x128xf32>
    tpu.vector_store %arg5[%swap3A_1770, %swap3A_1771, %swap3A_1772], %swap3A_1775 {strides = array<i32>} : memref<1x4096x128xf32, #tpu.memory_space<vmem>>, vector<1x256x128xf32>,
    %get3A_1776 = arith.constant 0 : index
    %get3A_1777 = arith.constant 3840 : index
    %get3A_1778 = arith.constant 0 : index
    %get3A_1779 = vector.load %arg1[%get3A_1776, %get3A_1777, %get3A_1778] : memref<1x4096x128xf32, #tpu.memory_space<vmem>>, vector<1x256x128xf32>
    %get3A_1780 = vector.shape_cast %get3A_1779 : vector<1x256x128xf32> to vector<256x128xf32>
    %get3A_1781 = arith.constant 0 : index
    %get3A_1782 = arith.constant 3840 : index
    %get3A_1783 = arith.constant 0 : index
    %get3A_1784 = vector.load %arg2[%get3A_1781, %get3A_1782, %get3A_1783] : memref<1x4096x128xf32, #tpu.memory_space<vmem>>, vector<1x256x128xf32>
    %get3A_1785 = vector.shape_cast %get3A_1784 : vector<1x256x128xf32> to vector<256x128xf32>
    %dot_general3A_1786 = arith.constant dense<0.000000e+00> : vector<256x256xf32>
    %dot_general3A_1787 = tpu.matmul %get3A_1780, %get3A_1785, %dot_general3A_1786 {dimension_numbers = #tpu.dot_dimension_numbers<[1], [1], [0], [0], [0, 0, 1, 0], [], []>, transpose_lhs_hint = false} : vector<256x128xf32>, vector<256x128xf32>, vector<256x256xf32> -> vector<256x256xf32>
    %mul3A_1788 = arith.constant 1.250000e-01 : f32
    %mul3A_1789 = vector.broadcast %mul3A_1788 : f32 to vector<256x256xf32>
    %mul3A_1790 = arith.mulf %dot_general3A_1787, %mul3A_1789 : vector<256x256xf32>
    %reduce_max3A_1791 = arith.constant dense<0xFF800000> : vector<256xf32>
    %reduce_max3A_1792 = vector.multi_reduction <maximumf>, %mul3A_1790, %reduce_max3A_1791 [1] : vector<256x256xf32> to vector<256xf32>
    %broadcast_in_dim3A_1793 = vector.shape_cast %reduce_max3A_1792 : vector<256xf32> to vector<256x1xf32>
    %sub3A_1794 = vector.broadcast %broadcast_in_dim3A_1793 : vector<256x1xf32> to vector<256x256xf32>
    %sub3A_1795 = arith.subf %mul3A_1790, %sub3A_1794 : vector<256x256xf32>
    %exp3A_1796 = math.exp %sub3A_1795 : vector<256x256xf32>
    %reduce_sum3A_1797 = arith.constant dense<0.000000e+00> : vector<256xf32>
    %reduce_sum3A_1798 = vector.multi_reduction <add>, %exp3A_1796, %reduce_sum3A_1797 [1] : vector<256x256xf32> to vector<256xf32>
    %dot_general3A_1799 = arith.constant dense<0.000000e+00> : vector<256x128xf32>
    %dot_general3A_1800 = tpu.matmul %exp3A_1796, %get3A_1785, %dot_general3A_1799 {dimension_numbers = #tpu.dot_dimension_numbers<[1], [0], [0], [1], [0, 0, 1, 1], [], []>, transpose_lhs_hint = false} : vector<256x256xf32>, vector<256x128xf32>, vector<256x128xf32> -> vector<256x128xf32>
    %broadcast_in_dim3A_1801 = vector.shape_cast %reduce_sum3A_1798 : vector<256xf32> to vector<256x1xf32>
    %div3A_1802 = vector.broadcast %broadcast_in_dim3A_1801 : vector<256x1xf32> to vector<256x128xf32>
    %div3A_1803 = arith.divf %dot_general3A_1800, %div3A_1802 : vector<256x128xf32>
    %log3A_1804 = math.log %reduce_sum3A_1798 : vector<256xf32>
    %add3A_1805 = arith.addf %reduce_max3A_1792, %log3A_1804 : vector<256xf32>
    %jit3A_1806 = arith.constant 256 : i32
    %div3A_1807 = vector.broadcast %jit3A_1806 : i32 to vector<256xi32>
    %div3A_1808 = arith.divsi %get3A_8, %div3A_1807 : vector<256xi32>
    %sign3A_1809 = arith.constant 0 : i32
    %sign3A_1810 = vector.broadcast %sign3A_1809 : i32 to vector<256xi32>
    %sign3A_1811 = arith.cmpi sgt, %get3A_8, %sign3A_1810 : vector<256xi32>
    %sign3A_1812 = arith.extui %sign3A_1811 : vector<256xi1> to vector<256xi32>
    %sign3A_1813 = arith.constant 0 : i32
    %sign3A_1814 = vector.broadcast %sign3A_1813 : i32 to vector<256xi32>
    %sign3A_1815 = arith.cmpi slt, %get3A_8, %sign3A_1814 : vector<256xi32>
    %sign3A_1816 = arith.extui %sign3A_1815 : vector<256xi1> to vector<256xi32>
    %sign3A_1817 = arith.subi %sign3A_1812, %sign3A_1816 : vector<256xi32>
    %sign3A_1818 = arith.constant 0 : i32
    %sign3A_1819 = arith.cmpi sgt, %jit3A_1806, %sign3A_1818 : i32
    %sign3A_1820 = arith.extui %sign3A_1819 : i1 to i32
    %sign3A_1821 = arith.constant 0 : i32
    %sign3A_1822 = arith.cmpi slt, %jit3A_1806, %sign3A_1821 : i32
    %sign3A_1823 = arith.extui %sign3A_1822 : i1 to i32
    %sign3A_1824 = arith.subi %sign3A_1820, %sign3A_1823 : i32
    %ne3A_1825 = vector.broadcast %sign3A_1824 : i32 to vector<256xi32>
    %ne3A_1826 = arith.cmpi ne, %sign3A_1817, %ne3A_1825 : vector<256xi32>
    %rem3A_1827 = vector.broadcast %jit3A_1806 : i32 to vector<256xi32>
    %rem3A_1828 = arith.remsi %get3A_8, %rem3A_1827 : vector<256xi32>
    %ne3A_1829 = arith.constant 0 : i32
    %ne3A_1830 = vector.broadcast %ne3A_1829 : i32 to vector<256xi32>
    %ne3A_1831 = arith.cmpi ne, %rem3A_1828, %ne3A_1830 : vector<256xi32>
    %and3A_1832 = arith.andi %ne3A_1826, %ne3A_1831 : vector<256xi1>
    %sub3A_1833 = arith.constant 1 : i32
    %sub3A_1834 = vector.broadcast %sub3A_1833 : i32 to vector<256xi32>
    %sub3A_1835 = arith.subi %div3A_1808, %sub3A_1834 : vector<256xi32>
    %select_n3A_1836 = arith.select %and3A_1832, %sub3A_1835, %div3A_1808 : vector<256xi1>, vector<256xi32>
    %eq3A_1837 = arith.constant 15 : i32
    %eq3A_1838 = vector.broadcast %eq3A_1837 : i32 to vector<256xi32>
    %eq3A_1839 = arith.cmpi eq, %select_n3A_1836, %eq3A_1838 : vector<256xi32>
    %jit3A_1840 = arith.constant -3.40282347E+38 : f32
    %jit3A_1841 = arith.constant 0.000000e+00 : f32
    %broadcast_in_dim3A_1842 = vector.broadcast %jit3A_1840 : f32 to vector<256xf32>
    %broadcast_in_dim3A_1843 = vector.broadcast %jit3A_1841 : f32 to vector<256xf32>
    %select_n3A_1844 = arith.select %eq3A_1839, %broadcast_in_dim3A_1842, %broadcast_in_dim3A_1843 : vector<256xi1>, vector<256xf32>
    %dot_general3A_1845 = arith.constant dense<0.000000e+00> : vector<256x256xf32>
    %dot_general3A_1846 = tpu.matmul %get3A_1780, %get3A_3, %dot_general3A_1845 {dimension_numbers = #tpu.dot_dimension_numbers<[1], [1], [0], [0], [0, 0, 1, 0], [], []>, transpose_lhs_hint = false} : vector<256x128xf32>, vector<256x128xf32>, vector<256x256xf32> -> vector<256x256xf32>
    %mul3A_1847 = arith.constant 1.250000e-01 : f32
    %mul3A_1848 = vector.broadcast %mul3A_1847 : f32 to vector<256x256xf32>
    %mul3A_1849 = arith.mulf %dot_general3A_1846, %mul3A_1848 : vector<256x256xf32>
    %broadcast_in_dim3A_1850 = vector.shape_cast %select_n3A_1844 : vector<256xf32> to vector<1x256xf32>
    %add3A_1851 = vector.broadcast %broadcast_in_dim3A_1850 : vector<1x256xf32> to vector<256x256xf32>
    %add3A_1852 = arith.addf %mul3A_1849, %add3A_1851 : vector<256x256xf32>
    %reduce_max3A_1853 = arith.constant dense<0xFF800000> : vector<256xf32>
    %reduce_max3A_1854 = vector.multi_reduction <maximumf>, %add3A_1852, %reduce_max3A_1853 [1] : vector<256x256xf32> to vector<256xf32>
    %broadcast_in_dim3A_1855 = vector.shape_cast %reduce_max3A_1854 : vector<256xf32> to vector<256x1xf32>
    %sub3A_1856 = vector.broadcast %broadcast_in_dim3A_1855 : vector<256x1xf32> to vector<256x256xf32>
    %sub3A_1857 = arith.subf %add3A_1852, %sub3A_1856 : vector<256x256xf32>
    %exp3A_1858 = math.exp %sub3A_1857 : vector<256x256xf32>
    %reduce_sum3A_1859 = arith.constant dense<0.000000e+00> : vector<256xf32>
    %reduce_sum3A_1860 = vector.multi_reduction <add>, %exp3A_1858, %reduce_sum3A_1859 [1] : vector<256x256xf32> to vector<256xf32>
    %dot_general3A_1861 = arith.constant dense<0.000000e+00> : vector<256x128xf32>
    %dot_general3A_1862 = tpu.matmul %exp3A_1858, %get3A_3, %dot_general3A_1861 {dimension_numbers = #tpu.dot_dimension_numbers<[1], [0], [0], [1], [0, 0, 1, 1], [], []>, transpose_lhs_hint = false} : vector<256x256xf32>, vector<256x128xf32>, vector<256x128xf32> -> vector<256x128xf32>
    %broadcast_in_dim3A_1863 = vector.shape_cast %reduce_sum3A_1860 : vector<256xf32> to vector<256x1xf32>
    %div3A_1864 = vector.broadcast %broadcast_in_dim3A_1863 : vector<256x1xf32> to vector<256x128xf32>
    %div3A_1865 = arith.divf %dot_general3A_1862, %div3A_1864 : vector<256x128xf32>
    %log3A_1866 = math.log %reduce_sum3A_1860 : vector<256xf32>
    %add3A_1867 = arith.addf %reduce_max3A_1854, %log3A_1866 : vector<256xf32>
    %add3A_1868 = arith.constant 2.77258873 : f32
    %add3A_1869 = vector.broadcast %add3A_1868 : f32 to vector<256xf32>
    %add3A_1870 = arith.addf %add3A_1867, %add3A_1869 : vector<256xf32>
    %sub3A_1871 = arith.subf %add3A_1870, %add3A_1805 : vector<256xf32>
    %exp3A_1872 = math.exp %sub3A_1871 : vector<256xf32>
    %add3A_1873 = arith.constant 1.000000e+00 : f32
    %add3A_1874 = vector.broadcast %add3A_1873 : f32 to vector<256xf32>
    %add3A_1875 = arith.addf %add3A_1874, %exp3A_1872 : vector<256xf32>
    %div3A_1876 = arith.constant 1.000000e+00 : f32
    %div3A_1877 = vector.broadcast %div3A_1876 : f32 to vector<256xf32>
    %div3A_1878 = arith.divf %div3A_1877, %add3A_1875 : vector<256xf32>
    %broadcast_in_dim3A_1879 = vector.shape_cast %div3A_1878 : vector<256xf32> to vector<256x1xf32>
    %mul3A_1880 = vector.broadcast %broadcast_in_dim3A_1879 : vector<256x1xf32> to vector<256x128xf32>
    %mul3A_1881 = arith.mulf %mul3A_1880, %div3A_1803 : vector<256x128xf32>
    %broadcast_in_dim3A_1882 = vector.shape_cast %div3A_1878 : vector<256xf32> to vector<256x1xf32>
    %sub3A_1883 = arith.constant 1.000000e+00 : f32
    %sub3A_1884 = vector.broadcast %sub3A_1883 : f32 to vector<256x1xf32>
    %sub3A_1885 = arith.subf %sub3A_1884, %broadcast_in_dim3A_1882 : vector<256x1xf32>
    %mul3A_1886 = vector.broadcast %sub3A_1885 : vector<256x1xf32> to vector<256x128xf32>
    %mul3A_1887 = arith.mulf %mul3A_1886, %div3A_1865 : vector<256x128xf32>
    %add3A_1888 = arith.addf %mul3A_1881, %mul3A_1887 : vector<256x128xf32>
    %swap3A_1889 = arith.constant 0 : index
    %swap3A_1890 = arith.constant 3840 : index
    %swap3A_1891 = arith.constant 0 : index
    %swap3A_1892 = vector.load %arg5[%swap3A_1889, %swap3A_1890, %swap3A_1891] : memref<1x4096x128xf32, #tpu.memory_space<vmem>>, vector<1x256x128xf32>
    %swap3A_1893 = vector.shape_cast %swap3A_1892 : vector<1x256x128xf32> to vector<256x128xf32>
    %swap3A_1894 = vector.shape_cast %add3A_1888 : vector<256x128xf32> to vector<1x256x128xf32>
    tpu.vector_store %arg5[%swap3A_1889, %swap3A_1890, %swap3A_1891], %swap3A_1894 {strides = array<i32>} : memref<1x4096x128xf32, #tpu.memory_space<vmem>>, vector<1x256x128xf32>,
    return
  }
  func.func @transform_0(%arg0: i32) -> (i32, i32, i32) {
    %c0_i32 = arith.constant 0 : i32
    %c0_i32_0 = arith.constant 0 : i32
    %c0_i32_1 = arith.constant 0 : i32
    return %arg0, %c0_i32, %c0_i32_0 : i32, i32, i32
  }
  func.func @transform_1(%arg0: i32) -> (i32, i32, i32) {
    %c0_i32 = arith.constant 0 : i32
    %c0_i32_0 = arith.constant 0 : i32
    %c0_i32_1 = arith.constant 0 : i32
    return %arg0, %c0_i32, %c0_i32_0 : i32, i32, i32
  }
  func.func @transform_2(%arg0: i32) -> (i32, i32, i32) {
    %c0_i32 = arith.constant 0 : i32
    %c0_i32_0 = arith.constant 0 : i32
    %c0_i32_1 = arith.constant 0 : i32
    return %arg0, %c0_i32, %c0_i32_0 : i32, i32, i32
  }
  func.func @transform_3(%arg0: i32) -> (i32, i32, i32) {
    %c0_i32 = arith.constant 0 : i32
    %c0_i32_0 = arith.constant 0 : i32
    %c0_i32_1 = arith.constant 0 : i32
    return %arg0, %c0_i32, %c0_i32_0 : i32, i32, i32
  }
  func.func @transform_4(%arg0: i32) -> (i32, i32, i32) {
    %c0_i32 = arith.constant 0 : i32
    %c0_i32_0 = arith.constant 0 : i32
    %c0_i32_1 = arith.constant 0 : i32
    return %arg0, %c0_i32, %c0_i32_0 : i32, i32, i32
  }
}

</mosaic_0001>

<sc_bundles>
// kernel: kernel.6.cloned.1.call-start
scs
__scs_entry_jumppad:
0x0: {  	(pc) =	sbr.rel $0x88, $3  }
0x1: {  	(tag) =	ssettag $0x0;
	lr =	simm.s32 $0x1  }
0x2: {  	[smem:$0x3F9D] =	sst lr;
	_ =	strace $0xD0000000  }
0x3: {  	_ = 	snop  }
0x4: {  	_ = 	snop  }
0x5: {  	_ = 	snop  }
0x6: {  	_ = 	snop  }
0x7: {  	_ = 	snop  }
__scs_overlays_trampoline_lowered:
0x8: {  	[smem:$0x3FAC] =	sst s0  }
0x9: {  	[smem:$0x3FAD] =	sst s1  }
0xa: {  	[smem:$0x3FAE] =	sst s2  }
0xb: {  	[smem:$0x3FAF] =	sst s3  }
0xc: {  	[smem:$0x3FB0] =	sst s4  }
0xd: {  	[smem:$0x3FB1] =	sst s5  }
0xe: {  	[smem:$0x3FB2] =	sst s6  }
0xf: {  	[smem:$0x3FB3] =	sst s7  }
0x10: {  	[smem:$0x3FB4] =	sst s8  }
0x11: {  	[smem:$0x3FB5] =	sst s9;
	s0 =	simm.s32 @!p0 $0x0  }
0x12: {  	s1 =	sld [smem:$0x3F9B];
	s0 =	simm.s32 @p0 $0x1  }
0x13: {  	[smem:$0x3FB6] =	sst s0;
	s0 =	simm.s32 @!p1 $0x0  }
0x14: {  	s2 =	sld [smem:$0x3F9A];
	s0 =	simm.s32 @p1 $0x1  }
0x15: {  	[smem:$0x3FB7] =	sst s0;
	s0 =	simm.s32 @!p2 $0x0  }
0x16: {  	s3 =	sld [smem:$0x3FDB];
	s0 =	simm.s32 @p2 $0x1  }
0x17: {  	s4 =	simm.s32 $0x1BF5;
	[smem:$0x3FB9] =	sst s0  }
0x18: {  	s0 =	sld [smem:$0x3F9C];
	_ =	swait.ge [sflag:s4], $0x0  }
0x19: {  	s7 =	sld [smem:$0x3F9D]  }
0x1a: {  	s8 =	sadd.s32 $0xFFFFE003, lr  }
0x1b: {  	s9 =	sadd.s32 $0xFFFFFEF7, lr;
	s5 =	simm.s32 $0xFFFFFFFF;
	p2 =	slt.u32 s8, $0xFFFFF086  }
0x1c: {  	p1 =	slt.u32 s9, $0xF7A;
	s5 =	simm.s32 @!p2 $0x0  }
0x1d: {  	s5 =	simm.s32 @p1 $0x1;
	p0 =	seq.s32 s7, s2  }
0x1e: {  	s7 =	smul.u32 @!p0 $0xF7A, s2;
	p2 =	seq.s32 @!p0 s5, $0x0  }
0x1f: {  	s9 =	smul.u32 $0xF7A, s1;
	s8 =	simm.s32 @!p0 $0x1BF5;
	p2 =	por !p2, p0  }
0x20: {  	[sflag:s8] =	ssyncset.s32 @!p0 $0xFFFFF086;
	s6 =	sadd.s32 @!p0 s3, s7;
	s7 =	simm.s32 @!p0 $0x108  }
0x21: {  	s3 =	sadd.s32 s3, s9;
	s6 =	sadd.s32 @!p0 $0x88, s6;
	s7 =	simm.s32 @p2 $0x1082  }
0x22: {  	[simem:s7], [sflag:s8] =	dma.local @!p0 [hbm:s6], $0xF7A  }
0x23: {  	s9 =	sor.u32 $0xD0000000, s2;
	s6 =	simm.s32 $0x108;
	_ =	swait.ge @!p0 [sflag:s8], $0x0  }
0x24: {  	s3 =	sadd.s32 $0x88, s3;
	s6 =	simm.s32 @!p1 $0x1082;
	[sflag:s4] =	ssyncset.s32 $0xFFFFF086  }
0x25: {  	[simem:s6], [sflag:s4] =	dma.local [hbm:s3], $0xF7A  }
0x26: {  	[smem:$0x3F9D] =	sst s1;
	(tag) =	ssettag s2;
	_ =	strace s9  }
0x27: {  	s1 =	sld [smem:$0x3FAD]  }
0x28: {  	s2 =	sld [smem:$0x3FAE]  }
0x29: {  	s4 =	sld [smem:$0x3FB0]  }
0x2a: {  	p0 =	seq.s32 s5, $0x0;
	s5 =	sld [smem:$0x3FB1]  }
0x2b: {  	s6 =	sld [smem:$0x3FB2]  }
0x2c: {  	s7 =	sld [smem:$0x3FB3]  }
0x2d: {  	s3 =	simm.s32 $0x108;
	s8 =	sld [smem:$0x3FB4]  }
0x2e: {  	s3 =	simm.s32 @!p0 $0x1082;
	s9 =	sld [smem:$0x3FB5]  }
0x2f: {  	lr =	sadd.s32 s0, s3;
	s0 =	sld [smem:$0x3FAC]  }
0x30: {  	s3 =	sld [smem:$0x3FAF]  }
0x31: {  	[smem:$0x3FB8] =	sst s10  }
0x32: {  	s10 =	sld [smem:$0x3FB6];
	_ =	sdelay $0x3  }
0x33: {  	p0 =	seq.s32 s10, $0x1;
	s10 =	sld [smem:$0x3FB8];
	_ =	sdelay $0x3  }
0x34: {  	[smem:$0x3FB8] =	sst s10  }
0x35: {  	s10 =	sld [smem:$0x3FB7];
	_ =	sdelay $0x3  }
0x36: {  	p1 =	seq.s32 s10, $0x1;
	s10 =	sld [smem:$0x3FB8];
	_ =	sdelay $0x3  }
0x37: {  	[smem:$0x3FB8] =	sst s10  }
0x38: {  	s10 =	sld [smem:$0x3FB9]  }
0x39: {  	_ = 	snop;
	(pc) =	sbr.ind lr, $3  }
0x3a: {  	_ = 	snop  }
0x3b: {  	_ = 	snop  }
0x3c: {  	p2 =	seq.s32 s10, $0x1;
	s10 =	sld [smem:$0x3FB8]  }
0x3d: {  	_ =	shalt  }
0x3e: {  	_ =	shalt  }
0x3f: {  	_ =	shalt  }
0x40: {  	_ =	shalt  }
0x41: {  	_ =	shalt  }
0x42: {  	_ =	shalt  }
0x43: {  	_ =	shalt  }
0x44: {  	_ =	shalt  }
0x45: {  	_ =	shalt  }
0x46: {  	_ =	shalt  }
0x47: {  	_ =	shalt  }
0x48: {  	_ =	shalt  }
0x49: {  	_ =	shalt  }
0x4a: {  	_ =	shalt  }
0x4b: {  	_ =	shalt  }
0x4c: {  	_ =	shalt  }
0x4d: {  	_ =	shalt  }
0x4e: {  	_ =	shalt  }
0x4f: {  	_ =	shalt  }
0x50: {  	_ =	shalt  }
0x51: {  	_ =	shalt  }
0x52: {  	_ =	shalt  }
0x53: {  	_ =	shalt  }
0x54: {  	_ =	shalt  }
0x55: {  	_ =	shalt  }
0x56: {  	_ =	shalt  }
0x57: {  	_ =	shalt  }
0x58: {  	_ =	shalt  }
0x59: {  	_ =	shalt  }
0x5a: {  	_ =	shalt  }
0x5b: {  	_ =	shalt  }
0x5c: {  	_ =	shalt  }
0x5d: {  	_ =	shalt  }
0x5e: {  	_ =	shalt  }
0x5f: {  	_ =	shalt  }
0x60: {  	_ =	shalt  }
0x61: {  	_ =	shalt  }
0x62: {  	_ =	shalt  }
0x63: {  	_ =	shalt  }
0x64: {  	_ =	shalt  }
0x65: {  	_ =	shalt  }
0x66: {  	_ =	shalt  }
0x67: {  	_ =	shalt  }
0x68: {  	_ =	shalt  }
0x69: {  	_ =	shalt  }
0x6a: {  	_ =	shalt  }
0x6b: {  	_ =	shalt  }
0x6c: {  	_ =	shalt  }
0x6d: {  	_ =	shalt  }
0x6e: {  	_ =	shalt  }
0x6f: {  	_ =	shalt  }
0x70: {  	_ =	shalt  }
0x71: {  	_ =	shalt  }
0x72: {  	_ =	shalt  }
0x73: {  	_ =	shalt  }
0x74: {  	_ =	shalt  }
0x75: {  	_ =	shalt  }
0x76: {  	_ =	shalt  }
0x77: {  	_ =	shalt  }
0x78: {  	_ =	shalt  }
0x79: {  	_ =	shalt  }
0x7a: {  	_ =	shalt  }
0x7b: {  	_ =	shalt  }
0x7c: {  	_ =	shalt  }
0x7d: {  	_ =	shalt  }
0x7e: {  	_ =	shalt  }
0x7f: {  	_ =	shalt  }
0x80: {  	_ =	shalt  }
0x81: {  	_ =	shalt  }
0x82: {  	_ =	shalt  }
0x83: {  	_ =	shalt  }
0x84: {  	_ =	shalt  }
0x85: {  	_ =	shalt  }
0x86: {  	_ =	shalt  }
0x87: {  	_ =	shalt  }
.Lfunc_end0:
.L_simem_size_0:
called_computation.1_lowered:
.L_overlay_start_0:
0x88: {  	s2 =	sld [smem:$0x3FD9]  }
0x89: {  	s3 =	sld [smem:$0x3FFE];
	_ =	sdelay $0x1  }
0x8a: {  	s1 =	srdreg.scid  }
0x8b: {  	s0 =	sand.u32 $0x1, s1  }
0x8c: {  	s17 =	sshll.u32 s0, $0xA;
	s2 =	sadd.s32 s3, s2  }
0x8d: {  	s2 =	sadd.s32 s2, s17  }
0x8e: {  	[smem:$0x3FC4] =	sst s2  }
0x8f: {  	_ = 	snop  }
0x90: {  	s2 =	sld [smem:$0x3FD0];
	(tm) =	ssettm $0x1  }
0x91: {  	s18 =	sld [smem:$0x3FFB];
	_ =	sdelay $0x3  }
0x92: {  	_ =	strace s18  }
0x93: {  	s3 =	sld [smem:$0x3FFC];
	_ =	sdelay $0x3  }
0x94: {  	_ =	strace s3  }
0x95: {  	s3 =	sld [smem:$0x3FFD];
	_ =	sdelay $0x3  }
0x96: {  	_ =	strace s3  }
0x97: {  	_ =	strace $0x8FFFFFFF  }
0x98: {  	s19 =	sld [smem:$0x3FDB];
	_ =	sdelay $0x1  }
0x99: {  	s4 =	simm.s32 $_scs_section_size  }
0x9a: {  	s5 =	simm.s32 $_size__tile_overlayer_lowered;
	s6 =	simm.s32 $_tile_overlayer_lowered  }
0x9b: {  	s22 =	simm.s32 $0x1BFF;
	s21 =	sshll.u32 s6, $0x1;
	s3 =	sadd.s32 s4, s19  }
0x9c: {  	s7 =	simm.s32 $0x0;
	s20 =	sshll.u32 s5, $0x1;
	s5 =	sadd.s32 s21, s3  }
0x9d: {  	[timem:s7], [sflag:s22] =	dma.local [hbm:s5], s20  }
0x9e: {  	_ =	swait.ge [sflag:s22], s20  }
0x9f: {  	s4 =	ssub.s32 $0x0, s20;
	[sflag:s22] =	ssyncset.done $0x0  }
0xa0: {  	[sflag:s22] =	ssyncadd.s32 s4;
	_ =	sdelay $0x1  }
0xa1: {  	s23 =	simm.s32 $0x1B8B  }
0xa2: {  	_ =	swait.ge [sflag:s23], $0x1  }
0xa3: {  	[sflag:s23] =	ssyncset.done $0x0  }
0xa4: {  	s25 =	simm.s32 $0x1B8E;
	s24 =	sld [smem:$0x3FFE];
	[sflag:s23] =	ssyncadd.s32 $0xFFFFFFFF  }
0xa5: {  	s26 =	simm.s32 $execute0_lowered;
	[smem:$0x3FD2] =	sst s25  }
0xa6: {  	s5 =	sshll.u32 s26, $0x1;
	_ =	strace $0x80000046;
	[dreg:$0x1] =	wrdreg $0xFFFFFFFF  }
0xa7: {  	s28 =	simm.s32 $_size_execute0_lowered;
	s3 =	sadd.s32 s3, s5;
	[dreg:$0x0] =	wrdreg $0x0  }
0xa8: {  	s5 =	sshll.u32 s28, $0x1;
	[dreg:$0x2] =	wrdreg s3  }
0xa9: {  	[dreg:$0x3] =	wrdreg s5  }
0xaa: {  	[dreg:$0x4] =	wrdreg $0xC0  }
0xab: {  	_ =	task [dreg:s7], $0x5FFFF  }
0xac: {  	[dreg:$0x1] =	wrdreg $0xFFFFFFFF  }
0xad: {  	[dreg:$0x0] =	wrdreg $0x60  }
0xae: {  	[dreg:$0x2] =	wrdreg s24  }
0xaf: {  	[dreg:$0x3] =	wrdreg s2  }
0xb0: {  	[dreg:$0x4] =	wrdreg $0x9  }
0xb1: {  	_ =	task.clear_ibuf [dreg:s7], $0x5FFFF;
	_ =	strace $0x90000046  }
0xb2: {  	s29 =	simm.s32 $0x9;
	_ =	strace $0x80000048  }
0xb3: {  	_ =	swait.ge [sflag:s29], $0x1  }
0xb4: {  	[sflag:s29] =	ssyncadd.s32 $0xFFFFFFFF  }
0xb5: {  	_ =	strace $0x90000048  }
0xb6: {  	_ =	sfence  }
0xb7: {  	s30 =	sld [smem:$0x0];
	_ =	sdelay $0x2  }
0xb8: {  	s31 =	sshll.u32 s1, $0xD;
	s1 =	sshrl.u32 s1, $0x2  }
0xb9: {  	s3 =	sand.u32 $0x4000, s31;
	s1 =	sadd.s32 s1, s30  }
0xba: {  	s0 =	sor.u32 s3, s0;
	s1 =	sshll.u32 s1, $0x11  }
0xbb: {  	s0 =	sor.u32 s1, s0  }
0xbc: {  	s0 =	sadd.s32 $0x8F2B, s0  }
0xbd: {  	[sflag:s0] =	ssyncadd.remote.s32 $0x1  }
0xbe: {  	_ =	sfence.sel $0xFFFF  }
0xbf: {  	[dreg:$0x0] =	wrdreg $0xFFFFFFFF;
	(pc) =	sbr.abs _section_cstart, $3  }
0xc0: {  	[dreg:$0x1] =	wrdreg $0xFFFFFFFF  }
0xc1: {  	_ =	task.clear_ibuf [dreg:s7], $0x2FFFF;
	_ =	strace $0x9FFFFFFF  }
0xc2: {  	(tm) =	ssettm $0x7FFFFFFF  }
0xc3: {  	_ =	shalt  }
tec
execute0_lowered:
.L_overlay_start_1:
0x0: {  	(tag) =	ssettag $0x1  }
0x1: {  	s0 =	rddreg [dreg:$0x0]  }
0x2: {  	s1 =	rddreg [dreg:$0x1]  }
0x3: {  	s3 =	srdreg.scid;
	s17 =	stileid.u32  }
0x4: {  	s2 =	simm.s32 $0x0;
	s18 =	simm.s32 $0x5;
	s28 =	simm.s32 $0x10200  }
0x5: {  	s29 =	simm.s32 $0x1;
	s30 =	simm.s32 $0x3;
	s31 =	simm.s32 $0x2  }
0x6: {  	s5 =	sand.u32 $0x1, s3;
	s19 =	sshll.u32 s17, $0x1;
	[smem:$0x7FF] =	sst s2  }
0x7: {  	s16 =	sadd.s32 $0x200C00, s0;
	s25 =	sshll.u32 s17, $0xD;
	s26 =	sshll.u32 s17, $0x11  }
0x8: {  	s8 =	sor.u32 s5, s19;
	_ =	strace $0x80000047;
	s9 =	ssub.s32 $0x2, s5  }
0x9: {  	s15 =	sshll.u32 s5, $0xC;
	s5 =	sshll.u32 s5, $0x10;
	s19 =	simm.s32 $0x0  }
0xa: {  	s3 =	sshll.u32 s8, $0x9;
	s4 =	sshll.u32 s8, $0x5;
	s10 =	sshrl.u32 s9, $0x1  }
0xb: {  	s11 =	sshll.u32 s8, $0xC;
	s22 =	sshll.u32 s8, $0x10;
	s15 =	sor.u32 s15, s25  }
0xc: {  	s25 =	simm.s32 $0xC200;
	s6 =	sadd.s32 s3, s0;
	s3 =	sadd.s32 $0x609400, s0  }
0xd: {  	s7 =	sadd.s32 s4, s0;
	s4 =	sadd.s32 $0xC00, s0;
	s0 =	sadd.s32 $0x409400, s0  }
0xe: {  	s9 =	ssub.s32 s9, s10;
	s8 =	sadd.s32 s1, s11;
	s24 =	sor.u32 $0xF000, s22  }
0xf: {  	s13 =	sor.u32 $0xF800, s22;
	s1 =	sadd.s32 s26, s16;
	s20 =	sadd.s32 $0x401400, s6  }
0x10: {  	s22 =	simm.s32 $0x3000;
	s6 =	sadd.s32 $0x405400, s6;
	s21 =	sadd.s32 $0x401000, s7  }
0x11: {  	s23 =	smax.u32 s9, $0x1;
	s10 =	sadd.s32 s16, s24;
	s11 =	sadd.s32 s0, s24  }
0x12: {  	s12 =	sadd.s32 s16, s13;
	s13 =	sadd.s32 s0, s13;
	[dreg:$0x3] =	wrdreg s20  }
0x13: {  	s14 =	sadd.s32 $0x800, s8;
	s0 =	sadd.s32 s26, s0;
	[dreg:$0x4] =	wrdreg s6  }
0x14: {  	s17 =	sadd.s32 s5, s1;
	s24 =	simm.s32 $0x4200;
	[dreg:$0x5] =	wrdreg s21  }
0x15: {  	s26 =	simm.s32 $0x8200;
	[dreg:$0x6] =	wrdreg s23;
	s16 =	sadd.s32 s5, s0  }
0x16: {  	v0 =	vlaneseq.u32;
	s21 =	simm.s32 $0x2000;
	s23 =	simm.s32 $0x80;
	s0 =	simm.s32 $0x4  }
.LBB2_1:
0x17: {  	s1 =	rddreg [dreg:$0x3]  }
0x18: {  	[tilespmem:s2], [sflag:$0x5] =	stream.linear.gather [hbm4b:s1+s2], $0x1000, $0x38;
	[tilespmem:$0x14200] =	vst v63  }
0x19: {  	_ =	swait.ge [sflag:s18], $0x1000  }
0x1a: {  	[sflag:s18] =	ssyncset.done $0x0  }
0x1b: {  	s5 =	simm.s32 $0x1000;
	s6 =	rddreg [dreg:$0x4];
	[sflag:s18] =	ssyncadd.s32 $0xFFFFF000  }
0x1c: {  	[tilespmem:s5], [sflag:$0x5] =	stream.linear.gather [hbm4b:s6+s2], $0x1000, $0x38;
	[tilespmem:$0x14200] =	vst v63  }
0x1d: {  	_ =	swait.ge [sflag:s18], $0x1000  }
0x1e: {  	[sflag:s18] =	ssyncset.done $0x0  }
0x1f: {  	s9 =	simm.s32 $0x4000;
	s7 =	rddreg [dreg:$0x5];
	[sflag:s18] =	ssyncadd.s32 $0xFFFFF000  }
0x20: {  	[tilespmem:s9], [sflag:$0x5] =	stream.linear.gather [hbm4b:s7+s2], $0x100, $0x38;
	[tilespmem:$0x14200] =	vst v63  }
0x21: {  	_ =	swait.ge [sflag:s18], $0x100  }
0x22: {  	[sflag:s18] =	ssyncset.done $0x0  }
0x23: {  	s20 =	simm.s32 $0x0;
	[sflag:s18] =	ssyncadd.s32 $0xFFFFFF00  }
0x24: {  	v1 =	vld [tilespmem:s20+$0x0];
	_ =	sdelay $0x6  }
0x25: {  	v2 =	vor.u32 s15, v0  }
0x26: {  	[tilespmem:v1+s21+$0x0] =	vst.idx.msk $0xffff, v2  }
0x27: {  	v1 =	vld [tilespmem:s20+$0x1000];
	_ =	sdelay $0x7  }
0x28: {  	s1 =	smov.u32 s15;
	s5 =	simm.s32 $0x80;
	s20 =	simm.s32 $0x10;
	[tilespmem:v1+s22+$0x0] =	vst.idx.msk $0xffff, v2  }
.LBB2_2:
0x29: {  	p0 =	sne.s32 s5, $0x3FC0;
	v1 =	vld [tilespmem:s20+$0x0];
	_ =	sdelay $0x5  }
0x2a: {  	s1 =	sadd.s32 $0x10, s1  }
0x2b: {  	v2 =	vor.u32 s1, v0  }
0x2c: {  	[tilespmem:v1+s21+$0x0] =	vst.idx.msk $0xffff, v2  }
0x2d: {  	v1 =	vld [tilespmem:s20+$0x1000];
	_ =	sdelay $0x3  }
.Ltmp0:
0x2e: {  	(pc) =	sbr.rel @p0 .LBB2_2-.Ltmp0, $2  }
0x2f: {  	_ =	sdelay $0x2  }
0x30: {  	s20 =	sshra.s32 s5, $0x2;
	s5 =	sadd.s32 $0x40, s5;
	[tilespmem:v1+s22+$0x0] =	vst.idx.msk $0xffff, v2  }
0x31: {  	v1 =	vld [tilespmem:s20+$0x0];
	_ =	sdelay $0x5  }
0x32: {  	s1 =	sadd.s32 $0x10, s1  }
0x33: {  	v2 =	vor.u32 s1, v0  }
0x34: {  	[tilespmem:v1+s21+$0x0] =	vst.idx.msk $0xffff, v2  }
0x35: {  	v1 =	vld [tilespmem:s20+$0x1000];
	_ =	sdelay $0x7  }
0x36: {  	[tilespmem:v1+s22+$0x0] =	vst.idx.msk $0xffff, v2  }
0x37: {  	v1 =	vld [tilespmem:$0x4000];
	_ =	sdelay $0x5  }
0x38: {  	v2 =	vld [tilespmem:$0x4010];
	_ =	sdelay $0x1  }
0x39: {  	v1 =	vld.idx.msk [tilespmem:v1+s22+$0x0], $0xffff;
	_ =	sdelay $0x3  }
0x3a: {  	v3 =	vld [tilespmem:$0x4020]  }
0x3b: {  	[tilespmem:$0x4100] =	vst v1  }
0x3c: {  	v1 =	vld.idx.msk [tilespmem:v2+s22+$0x0], $0xffff;
	_ =	sdelay $0x3  }
0x3d: {  	v2 =	vld [tilespmem:$0x4030]  }
0x3e: {  	[tilespmem:$0x4110] =	vst v1  }
0x3f: {  	v1 =	vld.idx.msk [tilespmem:v3+s22+$0x0], $0xffff;
	_ =	sdelay $0x3  }
0x40: {  	v3 =	vld [tilespmem:$0x4040]  }
0x41: {  	[tilespmem:$0x4120] =	vst v1  }
0x42: {  	v1 =	vld.idx.msk [tilespmem:v2+s22+$0x0], $0xffff;
	_ =	sdelay $0x3  }
0x43: {  	v2 =	vld [tilespmem:$0x4050]  }
0x44: {  	[tilespmem:$0x4130] =	vst v1  }
0x45: {  	v1 =	vld.idx.msk [tilespmem:v3+s22+$0x0], $0xffff;
	_ =	sdelay $0x3  }
0x46: {  	v3 =	vld [tilespmem:$0x4060]  }
0x47: {  	[tilespmem:$0x4140] =	vst v1  }
0x48: {  	v1 =	vld.idx.msk [tilespmem:v2+s22+$0x0], $0xffff;
	_ =	sdelay $0x3  }
0x49: {  	v2 =	vld [tilespmem:$0x4070]  }
0x4a: {  	[tilespmem:$0x4150] =	vst v1  }
0x4b: {  	v1 =	vld.idx.msk [tilespmem:v3+s22+$0x0], $0xffff;
	_ =	sdelay $0x3  }
0x4c: {  	v3 =	vld [tilespmem:$0x4080]  }
0x4d: {  	[tilespmem:$0x4160] =	vst v1  }
0x4e: {  	v1 =	vld.idx.msk [tilespmem:v2+s22+$0x0], $0xffff;
	_ =	sdelay $0x3  }
0x4f: {  	v2 =	vld [tilespmem:$0x4090]  }
0x50: {  	[tilespmem:$0x4170] =	vst v1  }
0x51: {  	v1 =	vld.idx.msk [tilespmem:v3+s22+$0x0], $0xffff;
	_ =	sdelay $0x3  }
0x52: {  	v3 =	vld [tilespmem:$0x40A0]  }
0x53: {  	[tilespmem:$0x4180] =	vst v1  }
0x54: {  	v1 =	vld.idx.msk [tilespmem:v2+s22+$0x0], $0xffff;
	_ =	sdelay $0x3  }
0x55: {  	v2 =	vld [tilespmem:$0x40B0]  }
0x56: {  	[tilespmem:$0x4190] =	vst v1  }
0x57: {  	v1 =	vld.idx.msk [tilespmem:v3+s22+$0x0], $0xffff;
	_ =	sdelay $0x3  }
0x58: {  	v3 =	vld [tilespmem:$0x40C0]  }
0x59: {  	[tilespmem:$0x41A0] =	vst v1  }
0x5a: {  	v1 =	vld.idx.msk [tilespmem:v2+s22+$0x0], $0xffff;
	_ =	sdelay $0x3  }
0x5b: {  	v2 =	vld [tilespmem:$0x40D0]  }
0x5c: {  	[tilespmem:$0x41B0] =	vst v1  }
0x5d: {  	v1 =	vld.idx.msk [tilespmem:v3+s22+$0x0], $0xffff;
	_ =	sdelay $0x3  }
0x5e: {  	v3 =	vld [tilespmem:$0x40E0]  }
0x5f: {  	[tilespmem:$0x41C0] =	vst v1  }
0x60: {  	v1 =	vld.idx.msk [tilespmem:v2+s22+$0x0], $0xffff;
	_ =	sdelay $0x3  }
0x61: {  	v2 =	vld [tilespmem:$0x40F0]  }
0x62: {  	[tilespmem:$0x41D0] =	vst v1  }
0x63: {  	v1 =	vld.idx.msk [tilespmem:v3+s22+$0x0], $0xffff;
	_ =	sdelay $0x4  }
0x64: {  	[tilespmem:$0x41E0] =	vst v1  }
0x65: {  	v1 =	vld.idx.msk [tilespmem:v2+s22+$0x0], $0xffff;
	_ =	sdelay $0x4  }
0x66: {  	[tilespmem:$0x41F0] =	vst v1  }
0x67: {  	[tilespmem:s24], [sflag:$0x1] =	stream.indirect.gather [hbm4b:s3+s23], $0x80, s21, s23, $0xb8;
	[tilespmem:$0x14200] =	vst v63  }
0x68: {  	_ = 	snop  }
0x69: {  	[tilespmem:s25], [sflag:$0x3] =	stream.indirect.gather [hbm4b:s4+s23], $0x80, s22, s23, $0xb8;
	[tilespmem:$0x14200] =	vst v63  }
0x6a: {  	s20 =	simm.s32 $0x2080  }
0x6b: {  	[tilespmem:s26], [sflag:$0x2] =	stream.indirect.gather [hbm4b:s3+s23], $0x80, s20, s23, $0xb8;
	[tilespmem:$0x14200] =	vst v63  }
0x6c: {  	s1 =	simm.s32 $0x3080  }
0x6d: {  	[tilespmem:s28], [sflag:$0x4] =	stream.indirect.gather [hbm4b:s4+s23], $0x80, s1, s23, $0xb8;
	[tilespmem:$0x14200] =	vst v63  }
0x6e: {  	_ =	swait.ge [sflag:s29], $0x4000  }
0x6f: {  	[sflag:s29] =	ssyncset.done $0x0  }
0x70: {  	s5 =	sadd.s32 $0x0, s17;
	[sflag:s29] =	ssyncadd.s32 $0xFFFFC000  }
0x71: {  	[hbm4b:s5+s2] =	stream.linear.scatter [tilespmem:s24], [sflag:$0x5], $0x4000, $0x38;
	[tilespmem:$0x14200] =	vst v63  }
0x72: {  	_ =	swait.ge [sflag:s18], $0x4000  }
0x73: {  	[sflag:s18] =	ssyncset.done $0x0  }
0x74: {  	[sflag:s18] =	ssyncadd.s32 $0xFFFFC000  }
0x75: {  	_ =	swait.ge [sflag:s30], $0x4000  }
0x76: {  	[sflag:s30] =	ssyncset.done $0x0  }
0x77: {  	s6 =	sadd.s32 $0x0, s16;
	[sflag:s30] =	ssyncadd.s32 $0xFFFFC000  }
0x78: {  	[hbm4b:s6+s2] =	stream.linear.scatter [tilespmem:s25], [sflag:$0x5], $0x4000, $0x38;
	[tilespmem:$0x14200] =	vst v63  }
0x79: {  	_ =	swait.ge [sflag:s18], $0x4000  }
0x7a: {  	[sflag:s18] =	ssyncset.done $0x0  }
0x7b: {  	s7 =	simm.s32 $0x2100;
	[sflag:s18] =	ssyncadd.s32 $0xFFFFC000  }
0x7c: {  	[tilespmem:s24], [sflag:$0x1] =	stream.indirect.gather [hbm4b:s3+s23], $0x80, s7, s23, $0xb8;
	[tilespmem:$0x14200] =	vst v63  }
0x7d: {  	s9 =	simm.s32 $0x3100  }
0x7e: {  	[tilespmem:s25], [sflag:$0x3] =	stream.indirect.gather [hbm4b:s4+s23], $0x80, s9, s23, $0xb8;
	[tilespmem:$0x14200] =	vst v63  }
0x7f: {  	_ =	swait.ge [sflag:s31], $0x4000  }
0x80: {  	[sflag:s31] =	ssyncset.done $0x0  }
0x81: {  	s5 =	sadd.s32 $0x800, s5;
	[sflag:s31] =	ssyncadd.s32 $0xFFFFC000  }
0x82: {  	[hbm4b:s5+s2] =	stream.linear.scatter [tilespmem:s26], [sflag:$0x5], $0x4000, $0x38;
	[tilespmem:$0x14200] =	vst v63  }
0x83: {  	_ =	swait.ge [sflag:s18], $0x4000  }
0x84: {  	[sflag:s18] =	ssyncset.done $0x0  }
0x85: {  	[sflag:s18] =	ssyncadd.s32 $0xFFFFC000  }
0x86: {  	_ =	swait.ge [sflag:s0], $0x4000  }
0x87: {  	[sflag:s0] =	ssyncset.done $0x0  }
0x88: {  	s9 =	sadd.s32 $0x800, s6;
	[sflag:s0] =	ssyncadd.s32 $0xFFFFC000  }
0x89: {  	[hbm4b:s9+s2] =	stream.linear.scatter [tilespmem:s28], [sflag:$0x5], $0x4000, $0x38;
	[tilespmem:$0x14200] =	vst v63  }
0x8a: {  	_ =	swait.ge [sflag:s18], $0x4000  }
0x8b: {  	s5 =	simm.s32 $0x1000;
	[sflag:s18] =	ssyncset.done $0x0  }
.LBB2_4:
0x8c: {  	[sflag:s18] =	ssyncadd.s32 $0xFFFFC000;
	s20 =	sadd.s32 $0x100, s20;
	s1 =	sadd.s32 $0x100, s1  }
0x8d: {  	[tilespmem:s26], [sflag:$0x2] =	stream.indirect.gather [hbm4b:s3+s23], $0x80, s20, s23, $0xb8;
	[tilespmem:$0x14200] =	vst v63  }
0x8e: {  	p0 =	sne.s32 s5, $0xE000;
	s6 =	smov.u32 s5;
	s5 =	sadd.s32 $0x1000, s5  }
0x8f: {  	[tilespmem:s28], [sflag:$0x4] =	stream.indirect.gather [hbm4b:s4+s23], $0x80, s1, s23, $0xb8;
	[tilespmem:$0x14200] =	vst v63  }
0x90: {  	_ =	swait.ge [sflag:s29], $0x4000  }
0x91: {  	[sflag:s29] =	ssyncset.done $0x0  }
0x92: {  	s7 =	sadd.s32 s6, s17;
	[sflag:s29] =	ssyncadd.s32 $0xFFFFC000  }
0x93: {  	[hbm4b:s7+s2] =	stream.linear.scatter [tilespmem:s24], [sflag:$0x5], $0x4000, $0x38;
	[tilespmem:$0x14200] =	vst v63  }
0x94: {  	_ =	swait.ge [sflag:s18], $0x4000  }
0x95: {  	[sflag:s18] =	ssyncset.done $0x0  }
0x96: {  	[sflag:s18] =	ssyncadd.s32 $0xFFFFC000  }
0x97: {  	_ =	swait.ge [sflag:s30], $0x4000  }
0x98: {  	[sflag:s30] =	ssyncset.done $0x0  }
0x99: {  	s6 =	sadd.s32 s6, s16;
	[sflag:s30] =	ssyncadd.s32 $0xFFFFC000  }
0x9a: {  	[hbm4b:s6+s2] =	stream.linear.scatter [tilespmem:s25], [sflag:$0x5], $0x4000, $0x38;
	[tilespmem:$0x14200] =	vst v63  }
0x9b: {  	_ =	swait.ge [sflag:s18], $0x4000  }
0x9c: {  	[sflag:s18] =	ssyncset.done $0x0  }
0x9d: {  	s9 =	sadd.s32 $0x80, s20;
	[sflag:s18] =	ssyncadd.s32 $0xFFFFC000  }
0x9e: {  	[tilespmem:s24], [sflag:$0x1] =	stream.indirect.gather [hbm4b:s3+s23], $0x80, s9, s23, $0xb8;
	[tilespmem:$0x14200] =	vst v63  }
0x9f: {  	s9 =	sadd.s32 $0x80, s1  }
0xa0: {  	[tilespmem:s25], [sflag:$0x3] =	stream.indirect.gather [hbm4b:s4+s23], $0x80, s9, s23, $0xb8;
	[tilespmem:$0x14200] =	vst v63  }
0xa1: {  	_ =	swait.ge [sflag:s31], $0x4000  }
0xa2: {  	[sflag:s31] =	ssyncset.done $0x0  }
0xa3: {  	s7 =	sadd.s32 $0x800, s7;
	[sflag:s31] =	ssyncadd.s32 $0xFFFFC000  }
0xa4: {  	[hbm4b:s7+s2] =	stream.linear.scatter [tilespmem:s26], [sflag:$0x5], $0x4000, $0x38;
	[tilespmem:$0x14200] =	vst v63  }
0xa5: {  	_ =	swait.ge [sflag:s18], $0x4000  }
0xa6: {  	[sflag:s18] =	ssyncset.done $0x0  }
0xa7: {  	[sflag:s18] =	ssyncadd.s32 $0xFFFFC000  }
0xa8: {  	_ =	swait.ge [sflag:s0], $0x4000  }
.Ltmp1:
0xa9: {  	[sflag:s0] =	ssyncset.done $0x0;
	(pc) =	sbr.rel @p0 .LBB2_4-.Ltmp1, $4  }
0xaa: {  	s6 =	sadd.s32 $0x800, s6;
	[sflag:s0] =	ssyncadd.s32 $0xFFFFC000  }
0xab: {  	[hbm4b:s6+s2] =	stream.linear.scatter [tilespmem:s28], [sflag:$0x5], $0x4000, $0x38;
	[tilespmem:$0x14200] =	vst v63  }
0xac: {  	_ =	swait.ge [sflag:s18], $0x4000  }
0xad: {  	[sflag:s18] =	ssyncset.done $0x0  }
0xae: {  	[sflag:s18] =	ssyncadd.s32 $0xFFFFC000;
	s1 =	simm.s32 $0x2F80  }
0xaf: {  	[tilespmem:s26], [sflag:$0x2] =	stream.indirect.gather [hbm4b:s3+s23], $0x80, s1, s23, $0xb8;
	[tilespmem:$0x14200] =	vst v63  }
0xb0: {  	s6 =	simm.s32 $0x3F80  }
0xb1: {  	[tilespmem:s28], [sflag:$0x4] =	stream.indirect.gather [hbm4b:s4+s23], $0x80, s6, s23, $0xb8;
	[tilespmem:$0x14200] =	vst v63  }
0xb2: {  	_ =	swait.ge [sflag:s29], $0x4000  }
0xb3: {  	[sflag:s29] =	ssyncset.done $0x0  }
0xb4: {  	[sflag:s29] =	ssyncadd.s32 $0xFFFFC000  }
0xb5: {  	[hbm4b:s10+s2] =	stream.linear.scatter [tilespmem:s24], [sflag:$0x5], $0x4000, $0x38;
	[tilespmem:$0x14200] =	vst v63  }
0xb6: {  	_ =	swait.ge [sflag:s18], $0x4000  }
0xb7: {  	[sflag:s18] =	ssyncset.done $0x0  }
0xb8: {  	[sflag:s18] =	ssyncadd.s32 $0xFFFFC000  }
0xb9: {  	_ =	swait.ge [sflag:s30], $0x4000  }
0xba: {  	[sflag:s30] =	ssyncset.done $0x0  }
0xbb: {  	[sflag:s30] =	ssyncadd.s32 $0xFFFFC000  }
0xbc: {  	[hbm4b:s11+s2] =	stream.linear.scatter [tilespmem:s25], [sflag:$0x5], $0x4000, $0x38;
	[tilespmem:$0x14200] =	vst v63  }
0xbd: {  	_ =	swait.ge [sflag:s18], $0x4000  }
0xbe: {  	[sflag:s18] =	ssyncset.done $0x0  }
0xbf: {  	[sflag:s18] =	ssyncadd.s32 $0xFFFFC000  }
0xc0: {  	_ =	swait.ge [sflag:s31], $0x4000  }
0xc1: {  	[sflag:s31] =	ssyncset.done $0x0  }
0xc2: {  	[sflag:s31] =	ssyncadd.s32 $0xFFFFC000  }
0xc3: {  	[hbm4b:s12+s2] =	stream.linear.scatter [tilespmem:s26], [sflag:$0x5], $0x4000, $0x38;
	[tilespmem:$0x14200] =	vst v63  }
0xc4: {  	_ =	swait.ge [sflag:s18], $0x4000  }
0xc5: {  	[sflag:s18] =	ssyncset.done $0x0  }
0xc6: {  	[sflag:s18] =	ssyncadd.s32 $0xFFFFC000  }
0xc7: {  	_ =	swait.ge [sflag:s0], $0x4000  }
0xc8: {  	[sflag:s0] =	ssyncset.done $0x0  }
0xc9: {  	[sflag:s0] =	ssyncadd.s32 $0xFFFFC000  }
0xca: {  	[hbm4b:s13+s2] =	stream.linear.scatter [tilespmem:s28], [sflag:$0x5], $0x4000, $0x38;
	[tilespmem:$0x14200] =	vst v63  }
0xcb: {  	_ =	swait.ge [sflag:s18], $0x4000  }
0xcc: {  	[sflag:s18] =	ssyncset.done $0x0  }
0xcd: {  	s7 =	simm.s32 $0x4100;
	[sflag:s18] =	ssyncadd.s32 $0xFFFFC000  }
0xce: {  	[tilespmem:s24], [sflag:$0x1] =	stream.indirect.gather [hbm4b:s4+s23], $0x80, s7, s23, $0xb8;
	[tilespmem:$0x14200] =	vst v63  }
0xcf: {  	_ =	swait.ge [sflag:s29], $0x4000  }
0xd0: {  	[sflag:s29] =	ssyncset.done $0x0  }
0xd1: {  	[sflag:s29] =	ssyncadd.s32 $0xFFFFC000  }
0xd2: {  	[hbm4b:s8+s2] =	stream.linear.scatter [tilespmem:s24], [sflag:$0x5], $0x4000, $0x38;
	[tilespmem:$0x14200] =	vst v63  }
0xd3: {  	_ =	swait.ge [sflag:s18], $0x4000  }
0xd4: {  	[sflag:s18] =	ssyncset.done $0x0  }
0xd5: {  	s9 =	simm.s32 $0x4180;
	[sflag:s18] =	ssyncadd.s32 $0xFFFFC000  }
0xd6: {  	[tilespmem:s24], [sflag:$0x1] =	stream.indirect.gather [hbm4b:s4+s23], $0x80, s9, s23, $0xb8;
	[tilespmem:$0x14200] =	vst v63  }
0xd7: {  	_ =	swait.ge [sflag:s29], $0x4000  }
0xd8: {  	[sflag:s29] =	ssyncset.done $0x0  }
0xd9: {  	[sflag:s29] =	ssyncadd.s32 $0xFFFFC000  }
0xda: {  	[hbm4b:s14+s2] =	stream.linear.scatter [tilespmem:s24], [sflag:$0x5], $0x4000, $0x38;
	[tilespmem:$0x14200] =	vst v63  }
0xdb: {  	_ =	swait.ge [sflag:s18], $0x4000  }
0xdc: {  	s19 =	sadd.s32 $0x1, s19;
	s20 =	rddreg [dreg:$0x6]  }
0xdd: {  	p0 =	sne.s32 s19, s20  }
.Ltmp2:
0xde: {  	_ = 	snop;
	(pc) =	sbr.rel @p0 .LBB2_1-.Ltmp2, $3  }
0xdf: {  	_ =	sdelay $0x1  }
0xe0: {  	[sflag:s18] =	ssyncset.done $0x0  }
0xe1: {  	[sflag:s18] =	ssyncadd.s32 $0xFFFFC000  }
0xe2: {  	_ =	sfence.sel $0x180000  }
0xe3: {  	[bflag:$0x0] =	sbarrier.arrive $0xFFFF  }
0xe4: {  	_ =	strace $0x90000047  }
0xe5: {  	s0 =	stileid.u32;
	[bflag:$0x2] =	sbarrier.arrive $0xFFFF  }
0xe6: {  	p0 =	sne.s32 s0, $0x0;
	s0 =	rddreg [dreg:$0x2]  }
0xe7: {  	s0 =	sadd.s32 @!p0 $0x100000, s0  }
0xe8: {  	[sflag:s0] =	ssyncadd.tile.s32 @!p0 $0x1;
	_ =	shalt  }
.Lfunc_end2:
_tile_overlayer_lowered:
.L_overlay_start_2:
0xe9: {  	(tag) =	ssettag $0x2  }
0xea: {  	s0 =	rddreg [dreg:$0x0];
	s2 =	stileid.u32  }
0xeb: {  	s1 =	rddreg [dreg:$0x1];
	p0 =	sne.s32 s2, $0x0  }
0xec: {  	s3 =	rddreg [dreg:$0x2];
	[bflag:$0x3] =	sbarrier.arrive $0xFFFF;
	s2 =	simm.s32 @!p0 $0x1C05  }
0xed: {  	[timem:s3], [sflag:s2] =	dma.local @!p0 [hbm:s0], s1  }
0xee: {  	s0 =	simm.s32 @!p0 $0x5  }
0xef: {  	_ =	swait.ge @!p0 [sflag:s0], s1  }
0xf0: {  	s1 =	ssub.s32 @!p0 $0x0, s1;
	[sflag:s0] =	ssyncset.done @!p0 $0x0  }
0xf1: {  	[sflag:s0] =	ssyncadd.s32 @!p0 s1  }
0xf2: {  	[bflag:$0x3] =	sbarrier.arrive $0xFFFF  }
0xf3: {  	_ =	shalt  }

// kernel: kernel.9.cloned.1.call-start
scs
__scs_entry_jumppad:
0x0: {  	(pc) =	sbr.rel $0x88, $3  }
0x1: {  	(tag) =	ssettag $0x0;
	lr =	simm.s32 $0x1  }
0x2: {  	[smem:$0x3F9D] =	sst lr;
	_ =	strace $0xD0000000  }
0x3: {  	_ = 	snop  }
0x4: {  	_ = 	snop  }
0x5: {  	_ = 	snop  }
0x6: {  	_ = 	snop  }
0x7: {  	_ = 	snop  }
__scs_overlays_trampoline_lowered:
0x8: {  	[smem:$0x3FAC] =	sst s0  }
0x9: {  	[smem:$0x3FAD] =	sst s1  }
0xa: {  	[smem:$0x3FAE] =	sst s2  }
0xb: {  	[smem:$0x3FAF] =	sst s3  }
0xc: {  	[smem:$0x3FB0] =	sst s4  }
0xd: {  	[smem:$0x3FB1] =	sst s5  }
0xe: {  	[smem:$0x3FB2] =	sst s6  }
0xf: {  	[smem:$0x3FB3] =	sst s7  }
0x10: {  	[smem:$0x3FB4] =	sst s8  }
0x11: {  	[smem:$0x3FB5] =	sst s9;
	s0 =	simm.s32 @!p0 $0x0  }
0x12: {  	s1 =	sld [smem:$0x3F9B];
	s0 =	simm.s32 @p0 $0x1  }
0x13: {  	[smem:$0x3FB6] =	sst s0;
	s0 =	simm.s32 @!p1 $0x0  }
0x14: {  	s2 =	sld [smem:$0x3F9A];
	s0 =	simm.s32 @p1 $0x1  }
0x15: {  	[smem:$0x3FB7] =	sst s0;
	s0 =	simm.s32 @!p2 $0x0  }
0x16: {  	s3 =	sld [smem:$0x3FDB];
	s0 =	simm.s32 @p2 $0x1  }
0x17: {  	s4 =	simm.s32 $0x1BF5;
	[smem:$0x3FB9] =	sst s0  }
0x18: {  	s0 =	sld [smem:$0x3F9C];
	_ =	swait.ge [sflag:s4], $0x0  }
0x19: {  	s7 =	sld [smem:$0x3F9D]  }
0x1a: {  	s8 =	sadd.s32 $0xFFFFE003, lr  }
0x1b: {  	s9 =	sadd.s32 $0xFFFFFEF7, lr;
	s5 =	simm.s32 $0xFFFFFFFF;
	p2 =	slt.u32 s8, $0xFFFFF086  }
0x1c: {  	p1 =	slt.u32 s9, $0xF7A;
	s5 =	simm.s32 @!p2 $0x0  }
0x1d: {  	s5 =	simm.s32 @p1 $0x1;
	p0 =	seq.s32 s7, s2  }
0x1e: {  	s7 =	smul.u32 @!p0 $0xF7A, s2;
	p2 =	seq.s32 @!p0 s5, $0x0  }
0x1f: {  	s9 =	smul.u32 $0xF7A, s1;
	s8 =	simm.s32 @!p0 $0x1BF5;
	p2 =	por !p2, p0  }
0x20: {  	[sflag:s8] =	ssyncset.s32 @!p0 $0xFFFFF086;
	s6 =	sadd.s32 @!p0 s3, s7;
	s7 =	simm.s32 @!p0 $0x108  }
0x21: {  	s3 =	sadd.s32 s3, s9;
	s6 =	sadd.s32 @!p0 $0x88, s6;
	s7 =	simm.s32 @p2 $0x1082  }
0x22: {  	[simem:s7], [sflag:s8] =	dma.local @!p0 [hbm:s6], $0xF7A  }
0x23: {  	s9 =	sor.u32 $0xD0000000, s2;
	s6 =	simm.s32 $0x108;
	_ =	swait.ge @!p0 [sflag:s8], $0x0  }
0x24: {  	s3 =	sadd.s32 $0x88, s3;
	s6 =	simm.s32 @!p1 $0x1082;
	[sflag:s4] =	ssyncset.s32 $0xFFFFF086  }
0x25: {  	[simem:s6], [sflag:s4] =	dma.local [hbm:s3], $0xF7A  }
0x26: {  	[smem:$0x3F9D] =	sst s1;
	(tag) =	ssettag s2;
	_ =	strace s9  }
0x27: {  	s1 =	sld [smem:$0x3FAD]  }
0x28: {  	s2 =	sld [smem:$0x3FAE]  }
0x29: {  	s4 =	sld [smem:$0x3FB0]  }
0x2a: {  	p0 =	seq.s32 s5, $0x0;
	s5 =	sld [smem:$0x3FB1]  }
0x2b: {  	s6 =	sld [smem:$0x3FB2]  }
0x2c: {  	s7 =	sld [smem:$0x3FB3]  }
0x2d: {  	s3 =	simm.s32 $0x108;
	s8 =	sld [smem:$0x3FB4]  }
0x2e: {  	s3 =	simm.s32 @!p0 $0x1082;
	s9 =	sld [smem:$0x3FB5]  }
0x2f: {  	lr =	sadd.s32 s0, s3;
	s0 =	sld [smem:$0x3FAC]  }
0x30: {  	s3 =	sld [smem:$0x3FAF]  }
0x31: {  	[smem:$0x3FB8] =	sst s10  }
0x32: {  	s10 =	sld [smem:$0x3FB6];
	_ =	sdelay $0x3  }
0x33: {  	p0 =	seq.s32 s10, $0x1;
	s10 =	sld [smem:$0x3FB8];
	_ =	sdelay $0x3  }
0x34: {  	[smem:$0x3FB8] =	sst s10  }
0x35: {  	s10 =	sld [smem:$0x3FB7];
	_ =	sdelay $0x3  }
0x36: {  	p1 =	seq.s32 s10, $0x1;
	s10 =	sld [smem:$0x3FB8];
	_ =	sdelay $0x3  }
0x37: {  	[smem:$0x3FB8] =	sst s10  }
0x38: {  	s10 =	sld [smem:$0x3FB9]  }
0x39: {  	_ = 	snop;
	(pc) =	sbr.ind lr, $3  }
0x3a: {  	_ = 	snop  }
0x3b: {  	_ = 	snop  }
0x3c: {  	p2 =	seq.s32 s10, $0x1;
	s10 =	sld [smem:$0x3FB8]  }
0x3d: {  	_ =	shalt  }
0x3e: {  	_ =	shalt  }
0x3f: {  	_ =	shalt  }
0x40: {  	_ =	shalt  }
0x41: {  	_ =	shalt  }
0x42: {  	_ =	shalt  }
0x43: {  	_ =	shalt  }
0x44: {  	_ =	shalt  }
0x45: {  	_ =	shalt  }
0x46: {  	_ =	shalt  }
0x47: {  	_ =	shalt  }
0x48: {  	_ =	shalt  }
0x49: {  	_ =	shalt  }
0x4a: {  	_ =	shalt  }
0x4b: {  	_ =	shalt  }
0x4c: {  	_ =	shalt  }
0x4d: {  	_ =	shalt  }
0x4e: {  	_ =	shalt  }
0x4f: {  	_ =	shalt  }
0x50: {  	_ =	shalt  }
0x51: {  	_ =	shalt  }
0x52: {  	_ =	shalt  }
0x53: {  	_ =	shalt  }
0x54: {  	_ =	shalt  }
0x55: {  	_ =	shalt  }
0x56: {  	_ =	shalt  }
0x57: {  	_ =	shalt  }
0x58: {  	_ =	shalt  }
0x59: {  	_ =	shalt  }
0x5a: {  	_ =	shalt  }
0x5b: {  	_ =	shalt  }
0x5c: {  	_ =	shalt  }
0x5d: {  	_ =	shalt  }
0x5e: {  	_ =	shalt  }
0x5f: {  	_ =	shalt  }
0x60: {  	_ =	shalt  }
0x61: {  	_ =	shalt  }
0x62: {  	_ =	shalt  }
0x63: {  	_ =	shalt  }
0x64: {  	_ =	shalt  }
0x65: {  	_ =	shalt  }
0x66: {  	_ =	shalt  }
0x67: {  	_ =	shalt  }
0x68: {  	_ =	shalt  }
0x69: {  	_ =	shalt  }
0x6a: {  	_ =	shalt  }
0x6b: {  	_ =	shalt  }
0x6c: {  	_ =	shalt  }
0x6d: {  	_ =	shalt  }
0x6e: {  	_ =	shalt  }
0x6f: {  	_ =	shalt  }
0x70: {  	_ =	shalt  }
0x71: {  	_ =	shalt  }
0x72: {  	_ =	shalt  }
0x73: {  	_ =	shalt  }
0x74: {  	_ =	shalt  }
0x75: {  	_ =	shalt  }
0x76: {  	_ =	shalt  }
0x77: {  	_ =	shalt  }
0x78: {  	_ =	shalt  }
0x79: {  	_ =	shalt  }
0x7a: {  	_ =	shalt  }
0x7b: {  	_ =	shalt  }
0x7c: {  	_ =	shalt  }
0x7d: {  	_ =	shalt  }
0x7e: {  	_ =	shalt  }
0x7f: {  	_ =	shalt  }
0x80: {  	_ =	shalt  }
0x81: {  	_ =	shalt  }
0x82: {  	_ =	shalt  }
0x83: {  	_ =	shalt  }
0x84: {  	_ =	shalt  }
0x85: {  	_ =	shalt  }
0x86: {  	_ =	shalt  }
0x87: {  	_ =	shalt  }
.Lfunc_end0:
.L_simem_size_0:
called_computation.2_lowered:
.L_overlay_start_0:
0x88: {  	s2 =	sld [smem:$0x3FD9]  }
0x89: {  	s3 =	sld [smem:$0x3FFE];
	_ =	sdelay $0x1  }
0x8a: {  	s1 =	srdreg.scid  }
0x8b: {  	s0 =	sand.u32 $0x1, s1  }
0x8c: {  	s16 =	sshll.u32 s0, $0xA;
	s2 =	sadd.s32 s3, s2  }
0x8d: {  	s2 =	sadd.s32 s2, s16  }
0x8e: {  	[smem:$0x3FC4] =	sst s2  }
0x8f: {  	_ = 	snop  }
0x90: {  	(tm) =	ssettm $0x1  }
0x91: {  	s17 =	sld [smem:$0x3FFB];
	_ =	sdelay $0x3  }
0x92: {  	_ =	strace s17  }
0x93: {  	s2 =	sld [smem:$0x3FFC];
	_ =	sdelay $0x3  }
0x94: {  	_ =	strace s2  }
0x95: {  	s2 =	sld [smem:$0x3FFD];
	_ =	sdelay $0x3  }
0x96: {  	_ =	strace s2  }
0x97: {  	_ =	strace $0x8FFFFFFF  }
0x98: {  	s18 =	sld [smem:$0x3FDB];
	_ =	sdelay $0x1  }
0x99: {  	s19 =	simm.s32 $_scs_section_size  }
0x9a: {  	s4 =	simm.s32 $_size__tile_overlayer_lowered;
	s5 =	simm.s32 $_tile_overlayer_lowered  }
0x9b: {  	s22 =	simm.s32 $0x1BFF;
	s21 =	sshll.u32 s5, $0x1;
	s2 =	sadd.s32 s19, s18  }
0x9c: {  	s6 =	simm.s32 $0x0;
	s20 =	sshll.u32 s4, $0x1;
	s4 =	sadd.s32 s21, s2  }
0x9d: {  	[timem:s6], [sflag:s22] =	dma.local [hbm:s4], s20  }
0x9e: {  	_ =	swait.ge [sflag:s22], s20  }
0x9f: {  	s3 =	ssub.s32 $0x0, s20;
	[sflag:s22] =	ssyncset.done $0x0  }
0xa0: {  	[sflag:s22] =	ssyncadd.s32 s3;
	_ =	sdelay $0x1  }
0xa1: {  	s23 =	simm.s32 $0x1B8B  }
0xa2: {  	_ =	swait.ge [sflag:s23], $0x1  }
0xa3: {  	[sflag:s23] =	ssyncset.done $0x0  }
0xa4: {  	s25 =	simm.s32 $0x1B8E;
	s24 =	sld [smem:$0x3FFE];
	[sflag:s23] =	ssyncadd.s32 $0xFFFFFFFF  }
0xa5: {  	s26 =	simm.s32 $execute0_lowered;
	[smem:$0x3FD2] =	sst s25  }
0xa6: {  	s4 =	sshll.u32 s26, $0x1;
	_ =	strace $0x80000049;
	[dreg:$0x1] =	wrdreg $0xFFFFFFFF  }
0xa7: {  	s28 =	simm.s32 $_size_execute0_lowered;
	s2 =	sadd.s32 s2, s4;
	[dreg:$0x0] =	wrdreg $0x0  }
0xa8: {  	s4 =	sshll.u32 s28, $0x1;
	[dreg:$0x2] =	wrdreg s2  }
0xa9: {  	[dreg:$0x3] =	wrdreg s4  }
0xaa: {  	[dreg:$0x4] =	wrdreg $0xC0  }
0xab: {  	_ =	task [dreg:s6], $0x5FFFF  }
0xac: {  	[dreg:$0x1] =	wrdreg $0xFFFFFFFF  }
0xad: {  	[dreg:$0x0] =	wrdreg $0x60  }
0xae: {  	[dreg:$0x2] =	wrdreg s24  }
0xaf: {  	[dreg:$0x3] =	wrdreg $0x9  }
0xb0: {  	_ =	task.clear_ibuf [dreg:s6], $0x4FFFF;
	_ =	strace $0x90000049  }
0xb1: {  	s29 =	simm.s32 $0x9;
	_ =	strace $0x8000004B  }
0xb2: {  	_ =	swait.ge [sflag:s29], $0x1  }
0xb3: {  	[sflag:s29] =	ssyncadd.s32 $0xFFFFFFFF  }
0xb4: {  	_ =	strace $0x9000004B  }
0xb5: {  	_ =	sfence  }
0xb6: {  	s30 =	sld [smem:$0x0];
	_ =	sdelay $0x2  }
0xb7: {  	s31 =	sshll.u32 s1, $0xD;
	s1 =	sshrl.u32 s1, $0x2  }
0xb8: {  	s3 =	sand.u32 $0x4000, s31;
	s1 =	sadd.s32 s1, s30  }
0xb9: {  	s0 =	sor.u32 s3, s0;
	s1 =	sshll.u32 s1, $0x11  }
0xba: {  	s0 =	sor.u32 s1, s0  }
0xbb: {  	s0 =	sadd.s32 $0x8F2B, s0  }
0xbc: {  	[sflag:s0] =	ssyncadd.remote.s32 $0x1  }
0xbd: {  	_ =	sfence.sel $0xFFFF  }
0xbe: {  	[dreg:$0x0] =	wrdreg $0xFFFFFFFF;
	(pc) =	sbr.abs _section_cstart, $3  }
0xbf: {  	[dreg:$0x1] =	wrdreg $0xFFFFFFFF  }
0xc0: {  	_ =	task.clear_ibuf [dreg:s6], $0x2FFFF;
	_ =	strace $0x9FFFFFFF  }
0xc1: {  	(tm) =	ssettm $0x7FFFFFFF  }
tec
execute0_lowered:
.L_overlay_start_1:
0x0: {  	(tag) =	ssettag $0x1  }
0x1: {  	s4 =	rddreg [dreg:$0x0];
	s2 =	srdreg.scid  }
0x2: {  	s0 =	rddreg [dreg:$0x1];
	s1 =	stileid.u32  }
0x3: {  	s10 =	simm.s32 $0x80;
	s11 =	simm.s32 $0x1000;
	s12 =	simm.s32 $0x2000  }
0x4: {  	s13 =	simm.s32 $0x6000;
	s14 =	simm.s32 $0x1;
	s16 =	simm.s32 $0x1F80  }
0x5: {  	s17 =	simm.s32 $0x0;
	s6 =	sand.u32 $0x1, s2;
	s2 =	simm.s32 $0x0  }
0x6: {  	s3 =	sshll.u32 s1, $0xD;
	s9 =	sadd.s32 $0x200C00, s4;
	s30 =	sshll.u32 s1, $0x11  }
0x7: {  	s5 =	sshll.u32 s6, $0xC;
	[smem:$0x7FF] =	sst s2;
	s26 =	ssub.s32 $0x2, s6  }
0x8: {  	s31 =	sshll.u32 s6, $0x10;
	s15 =	sor.u32 s5, s3;
	s8 =	sshrl.u32 s26, $0x1  }
0x9: {  	_ =	strace $0x8000004A;
	s3 =	sshrl.u32 s15, $0x3;
	s5 =	ssub.s32 s26, s8  }
0xa: {  	s28 =	sshll.u32 s15, $0x4;
	s8 =	sadd.s32 s30, s9;
	v0 =	vmov s15;
	s15 =	simm.s32 $0x2  }
0xb: {  	s7 =	sadd.s32 s3, s4;
	s3 =	sadd.s32 $0xC00, s4;
	s29 =	sadd.s32 s9, s28  }
0xc: {  	s5 =	smax.u32 s5, $0x1;
	s8 =	sadd.s32 s31, s8;
	s9 =	simm.s32 $0x3  }
0xd: {  	s4 =	sadd.s32 $0x401400, s7;
	s6 =	sadd.s32 $0xF000, s29;
	s7 =	sadd.s32 $0xF800, s29  }
.LBB2_1:
0xe: {  	[tilespmem:s2], [sflag:$0x3] =	stream.linear.gather [hbm4b:s4+s2], $0x1000, $0x38;
	[tilespmem:$0xA000] =	vst v63  }
0xf: {  	s18 =	sand.u32 $0x3E00, s2;
	_ =	swait.ge [sflag:s9], $0x1000  }
0x10: {  	s19 =	sand.u32 $0x70, s2;
	s20 =	sshrl.u32 s18, $0x2;
	[sflag:s9] =	ssyncset.done $0x0  }
0x11: {  	s20 =	sor.u32 s19, s20;
	[sflag:s9] =	ssyncadd.s32 $0xFFFFF000  }
0x12: {  	v1 =	vld [tilespmem:s20+$0x0];
	_ =	sdelay $0x2  }
0x13: {  	s21 =	simm.s32 $0x0;
	s18 =	simm.s32 $0x40  }
0x14: {  	s19 =	simm.s32 $0x10;
	s22 =	sand.u32 $0x3E00, s18;
	s20 =	simm.s32 $0x80  }
.LBB2_2:
0x15: {  	p0 =	sne.s32 s20, $0x3FC0;
	s23 =	sand.u32 $0x70, s19;
	s22 =	sshrl.u32 s22, $0x2;
	v1 =	vadd.s32 v0, v1  }
0x16: {  	s22 =	sor.u32 s23, s22;
	[tilespmem:s21+$0x1000] =	vst v1;
	s21 =	smov.u32 s18;
	s18 =	smov.u32 s20  }
.Ltmp0:
0x17: {  	v1 =	vld [tilespmem:s22+$0x0];
	(pc) =	sbr.rel @p0 .LBB2_2-.Ltmp0, $3  }
0x18: {  	_ =	sdelay $0x1  }
0x19: {  	s19 =	sadd.s32 $0x10, s19  }
0x1a: {  	s20 =	sadd.s32 $0x40, s20;
	s22 =	sand.u32 $0x3E00, s18;
	s21 =	sshra.s32 s21, $0x2  }
0x1b: {  	s19 =	sand.u32 $0x70, s19;
	s20 =	sshrl.u32 s22, $0x2;
	v1 =	vadd.s32 v0, v1  }
0x1c: {  	s19 =	sor.u32 s19, s20;
	[tilespmem:s21+$0x1000] =	vst v1  }
0x1d: {  	v1 =	vld [tilespmem:s19+$0x0];
	_ =	sdelay $0x4  }
0x1e: {  	s18 =	sshra.s32 s18, $0x2;
	v1 =	vadd.s32 v0, v1  }
0x1f: {  	[tilespmem:s18+$0x1000] =	vst v1  }
0x20: {  	[tilespmem:s12], [sflag:$0x1] =	stream.indirect.gather [hbm4b:s3+s10], $0x80, s11, s10, $0xb8;
	[tilespmem:$0xA000] =	vst v63  }
0x21: {  	s18 =	simm.s32 $0x1080  }
0x22: {  	[tilespmem:s13], [sflag:$0x2] =	stream.indirect.gather [hbm4b:s3+s10], $0x80, s18, s10, $0xb8;
	[tilespmem:$0xA000] =	vst v63  }
0x23: {  	_ =	swait.ge [sflag:s14], $0x4000  }
0x24: {  	[sflag:s14] =	ssyncset.done $0x0  }
0x25: {  	s30 =	sadd.s32 $0x0, s8;
	[sflag:s14] =	ssyncadd.s32 $0xFFFFC000  }
0x26: {  	[hbm4b:s30+s2] =	stream.linear.scatter [tilespmem:s12], [sflag:$0x3], $0x4000, $0x38;
	[tilespmem:$0xA000] =	vst v63  }
0x27: {  	_ =	swait.ge [sflag:s9], $0x4000  }
0x28: {  	[sflag:s9] =	ssyncset.done $0x0  }
0x29: {  	s31 =	simm.s32 $0x1100;
	[sflag:s9] =	ssyncadd.s32 $0xFFFFC000  }
0x2a: {  	[tilespmem:s12], [sflag:$0x1] =	stream.indirect.gather [hbm4b:s3+s10], $0x80, s31, s10, $0xb8;
	[tilespmem:$0xA000] =	vst v63  }
0x2b: {  	_ =	swait.ge [sflag:s15], $0x4000  }
0x2c: {  	[sflag:s15] =	ssyncset.done $0x0  }
0x2d: {  	s19 =	sadd.s32 $0x800, s30;
	[sflag:s15] =	ssyncadd.s32 $0xFFFFC000  }
0x2e: {  	[hbm4b:s19+s2] =	stream.linear.scatter [tilespmem:s13], [sflag:$0x3], $0x4000, $0x38;
	[tilespmem:$0xA000] =	vst v63  }
0x2f: {  	_ =	swait.ge [sflag:s9], $0x4000  }
0x30: {  	s19 =	simm.s32 $0x1000;
	[sflag:s9] =	ssyncset.done $0x0  }
.LBB2_4:
0x31: {  	p0 =	sne.s32 s19, $0xE000;
	[sflag:s9] =	ssyncadd.s32 $0xFFFFC000;
	s18 =	sadd.s32 $0x100, s18  }
0x32: {  	[tilespmem:s13], [sflag:$0x2] =	stream.indirect.gather [hbm4b:s3+s10], $0x80, s18, s10, $0xb8;
	[tilespmem:$0xA000] =	vst v63  }
0x33: {  	s20 =	smov.u32 s19;
	s19 =	sadd.s32 $0x1000, s19;
	_ =	swait.ge [sflag:s14], $0x4000  }
0x34: {  	[sflag:s14] =	ssyncset.done $0x0  }
0x35: {  	s20 =	sadd.s32 s20, s8;
	[sflag:s14] =	ssyncadd.s32 $0xFFFFC000  }
0x36: {  	[hbm4b:s20+s2] =	stream.linear.scatter [tilespmem:s12], [sflag:$0x3], $0x4000, $0x38;
	[tilespmem:$0xA000] =	vst v63  }
0x37: {  	_ =	swait.ge [sflag:s9], $0x4000  }
0x38: {  	[sflag:s9] =	ssyncset.done $0x0  }
0x39: {  	s21 =	sadd.s32 $0x80, s18;
	[sflag:s9] =	ssyncadd.s32 $0xFFFFC000  }
0x3a: {  	[tilespmem:s12], [sflag:$0x1] =	stream.indirect.gather [hbm4b:s3+s10], $0x80, s21, s10, $0xb8;
	[tilespmem:$0xA000] =	vst v63  }
0x3b: {  	_ =	swait.ge [sflag:s15], $0x4000  }
.Ltmp1:
0x3c: {  	[sflag:s15] =	ssyncset.done $0x0;
	(pc) =	sbr.rel @p0 .LBB2_4-.Ltmp1, $4  }
0x3d: {  	s20 =	sadd.s32 $0x800, s20;
	[sflag:s15] =	ssyncadd.s32 $0xFFFFC000  }
0x3e: {  	[hbm4b:s20+s2] =	stream.linear.scatter [tilespmem:s13], [sflag:$0x3], $0x4000, $0x38;
	[tilespmem:$0xA000] =	vst v63  }
0x3f: {  	_ =	swait.ge [sflag:s9], $0x4000  }
0x40: {  	[sflag:s9] =	ssyncset.done $0x0  }
0x41: {  	[sflag:s9] =	ssyncadd.s32 $0xFFFFC000  }
0x42: {  	[tilespmem:s13], [sflag:$0x2] =	stream.indirect.gather [hbm4b:s3+s10], $0x80, s16, s10, $0xb8;
	[tilespmem:$0xA000] =	vst v63  }
0x43: {  	_ =	swait.ge [sflag:s14], $0x4000  }
0x44: {  	[sflag:s14] =	ssyncset.done $0x0  }
0x45: {  	[sflag:s14] =	ssyncadd.s32 $0xFFFFC000  }
0x46: {  	[hbm4b:s6+s2] =	stream.linear.scatter [tilespmem:s12], [sflag:$0x3], $0x4000, $0x38;
	[tilespmem:$0xA000] =	vst v63  }
0x47: {  	_ =	swait.ge [sflag:s9], $0x4000  }
0x48: {  	[sflag:s9] =	ssyncset.done $0x0  }
0x49: {  	[sflag:s9] =	ssyncadd.s32 $0xFFFFC000  }
0x4a: {  	s17 =	sadd.s32 $0x1, s17;
	_ =	swait.ge [sflag:s15], $0x4000  }
0x4b: {  	p0 =	sne.s32 s17, s5;
	[sflag:s15] =	ssyncset.done $0x0  }
.Ltmp2:
0x4c: {  	[sflag:s15] =	ssyncadd.s32 $0xFFFFC000;
	(pc) =	sbr.rel @p0 .LBB2_1-.Ltmp2, $4  }
0x4d: {  	[hbm4b:s7+s2] =	stream.linear.scatter [tilespmem:s13], [sflag:$0x3], $0x4000, $0x38;
	[tilespmem:$0xA000] =	vst v63  }
0x4e: {  	_ =	swait.ge [sflag:s9], $0x4000  }
0x4f: {  	[sflag:s9] =	ssyncset.done $0x0  }
0x50: {  	[sflag:s9] =	ssyncadd.s32 $0xFFFFC000  }
0x51: {  	_ =	sfence.sel $0x180000  }
0x52: {  	[bflag:$0x0] =	sbarrier.arrive $0xFFFF  }
0x53: {  	p0 =	sne.s32 s1, $0x0;
	_ =	strace $0x9000004A  }
0x54: {  	s0 =	sadd.s32 @!p0 $0x100000, s0;
	[bflag:$0x2] =	sbarrier.arrive $0xFFFF  }
0x55: {  	[sflag:s0] =	ssyncadd.tile.s32 @!p0 $0x1;
	_ =	shalt  }
.Lfunc_end2:
_tile_overlayer_lowered:
.L_overlay_start_2:
0x56: {  	(tag) =	ssettag $0x2  }
0x57: {  	s0 =	rddreg [dreg:$0x0];
	s2 =	stileid.u32  }
0x58: {  	s1 =	rddreg [dreg:$0x1];
	p0 =	sne.s32 s2, $0x0  }
0x59: {  	s3 =	rddreg [dreg:$0x2];
	[bflag:$0x3] =	sbarrier.arrive $0xFFFF;
	s2 =	simm.s32 @!p0 $0x1C03  }
0x5a: {  	[timem:s3], [sflag:s2] =	dma.local @!p0 [hbm:s0], s1  }
0x5b: {  	s0 =	simm.s32 @!p0 $0x3  }
0x5c: {  	_ =	swait.ge @!p0 [sflag:s0], s1  }
0x5d: {  	s1 =	ssub.s32 @!p0 $0x0, s1;
	[sflag:s0] =	ssyncset.done @!p0 $0x0  }
0x5e: {  	[sflag:s0] =	ssyncadd.s32 @!p0 s1  }
0x5f: {  	[bflag:$0x3] =	sbarrier.arrive $0xFFFF  }
0x60: {  	_ =	shalt  }

// kernel: sparse-core-data-format-call.cloned.1.call-start
scs
called_computation_lowered:
.L_overlay_start_0:
0x0: {  	s2 =	sld [smem:$0x3FD9]  }
0x1: {  	s3 =	sld [smem:$0x3FFE];
	_ =	sdelay $0x1  }
0x2: {  	s1 =	srdreg.scid  }
0x3: {  	s0 =	sand.u32 $0x1, s1  }
0x4: {  	s18 =	sshll.u32 s0, $0xA;
	s2 =	sadd.s32 s3, s2  }
0x5: {  	s2 =	sadd.s32 s2, s18  }
0x6: {  	[smem:$0x3FC4] =	sst s2  }
0x7: {  	_ = 	snop  }
0x8: {  	s2 =	sld [smem:$0x3FD0];
	(tm) =	ssettm $0x1  }
0x9: {  	s19 =	sld [smem:$0x3FFB];
	_ =	sdelay $0x3  }
0xa: {  	_ =	strace s19  }
0xb: {  	s3 =	sld [smem:$0x3FFC];
	_ =	sdelay $0x3  }
0xc: {  	_ =	strace s3  }
0xd: {  	s3 =	sld [smem:$0x3FFD];
	_ =	sdelay $0x3  }
0xe: {  	_ =	strace s3  }
0xf: {  	_ =	strace $0x8FFFFFFF  }
0x10: {  	s20 =	sld [smem:$0x3FDB];
	_ =	sdelay $0x1  }
0x11: {  	s4 =	simm.s32 $_scs_section_size  }
0x12: {  	s5 =	simm.s32 $_size__tile_overlayer_lowered;
	s6 =	simm.s32 $_tile_overlayer_lowered  }
0x13: {  	s23 =	simm.s32 $0x1BFF;
	s22 =	sshll.u32 s6, $0x1;
	s3 =	sadd.s32 s4, s20  }
0x14: {  	s7 =	simm.s32 $0x0;
	s21 =	sshll.u32 s5, $0x1;
	s5 =	sadd.s32 s22, s3  }
0x15: {  	[timem:s7], [sflag:s23] =	dma.local [hbm:s5], s21  }
0x16: {  	_ =	swait.ge [sflag:s23], s21  }
0x17: {  	s4 =	ssub.s32 $0x0, s21;
	[sflag:s23] =	ssyncset.done $0x0  }
0x18: {  	[sflag:s23] =	ssyncadd.s32 s4;
	_ =	sdelay $0x1  }
0x19: {  	s24 =	simm.s32 $0x1B8B  }
0x1a: {  	_ =	swait.ge [sflag:s24], $0x1  }
0x1b: {  	[sflag:s24] =	ssyncset.done $0x0  }
0x1c: {  	s26 =	simm.s32 $0x1B8E;
	s25 =	sld [smem:$0x3FFE];
	[sflag:s24] =	ssyncadd.s32 $0xFFFFFFFF  }
0x1d: {  	s27 =	simm.s32 $execute0_lowered;
	[smem:$0x3FD2] =	sst s26  }
0x1e: {  	s5 =	sshll.u32 s27, $0x1;
	_ =	strace $0x8000004C;
	[dreg:$0x1] =	wrdreg $0xFFFFFFFF  }
0x1f: {  	s28 =	simm.s32 $_size_execute0_lowered;
	s3 =	sadd.s32 s3, s5;
	[dreg:$0x0] =	wrdreg $0x0  }
0x20: {  	s5 =	sshll.u32 s28, $0x1;
	[dreg:$0x2] =	wrdreg s3  }
0x21: {  	[dreg:$0x3] =	wrdreg s5  }
0x22: {  	[dreg:$0x4] =	wrdreg $0xC0  }
0x23: {  	_ =	task [dreg:s7], $0x5FFFF  }
0x24: {  	[dreg:$0x1] =	wrdreg $0xFFFFFFFF  }
0x25: {  	[dreg:$0x0] =	wrdreg $0x60  }
0x26: {  	[dreg:$0x2] =	wrdreg s25  }
0x27: {  	[dreg:$0x3] =	wrdreg s2  }
0x28: {  	[dreg:$0x4] =	wrdreg $0x9  }
0x29: {  	_ =	task.clear_ibuf [dreg:s7], $0x5FFFF;
	_ =	strace $0x9000004C  }
0x2a: {  	s29 =	simm.s32 $0x9;
	_ =	strace $0x8000004E  }
0x2b: {  	_ =	swait.ge [sflag:s29], $0x1  }
0x2c: {  	[sflag:s29] =	ssyncadd.s32 $0xFFFFFFFF  }
0x2d: {  	_ =	strace $0x9000004E  }
0x2e: {  	_ =	sfence  }
0x2f: {  	s30 =	sld [smem:$0x0];
	_ =	sdelay $0x2  }
0x30: {  	s31 =	sshll.u32 s1, $0xD;
	s1 =	sshrl.u32 s1, $0x2  }
0x31: {  	s3 =	sand.u32 $0x4000, s31;
	s1 =	sadd.s32 s1, s30  }
0x32: {  	s0 =	sor.u32 s3, s0;
	s1 =	sshll.u32 s1, $0x11  }
0x33: {  	s0 =	sor.u32 s1, s0  }
0x34: {  	s0 =	sadd.s32 $0x8F2B, s0  }
0x35: {  	[sflag:s0] =	ssyncadd.remote.s32 $0x1  }
0x36: {  	_ =	sfence.sel $0xFFFF  }
0x37: {  	[dreg:$0x0] =	wrdreg $0xFFFFFFFF;
	(pc) =	sbr.abs _section_cstart, $3  }
0x38: {  	[dreg:$0x1] =	wrdreg $0xFFFFFFFF  }
0x39: {  	_ =	task.clear_ibuf [dreg:s7], $0x2FFFF;
	_ =	strace $0x9FFFFFFF  }
0x3a: {  	(tm) =	ssettm $0x7FFFFFFF  }
0x3b: {  	_ =	shalt  }
tec
execute0_lowered:
.L_overlay_start_1:
0x0: {  	(tag) =	ssettag $0x1  }
0x1: {  	s9 =	rddreg [dreg:$0x0]  }
0x2: {  	s1 =	rddreg [dreg:$0x1];
	s0 =	stileid.u32  }
0x3: {  	s4 =	srdreg.scid;
	s31 =	simm.s32 $0x2;
	s16 =	simm.s32 $0x0  }
0x4: {  	s11 =	simm.s32 $0x8000;
	s17 =	simm.s32 $0x0;
	s18 =	simm.s32 $0x0  }
0x5: {  	s15 =	simm.s32 $0x0;
	s2 =	sand.u32 $0x1, s0;
	s3 =	sand.u32 $0xE, s0  }
0x6: {  	s4 =	sshll.u32 s4, $0x7;
	s5 =	ssub.s32 $0x2, s2;
	s6 =	ssub.s32 $0x10, s3  }
0x7: {  	s4 =	sand.u32 $0x80, s4;
	s13 =	smov.u32 s3;
	s8 =	sand.u32 $0xE, s6  }
0x8: {  	s7 =	sshrl.u32 s5, $0x1;
	p0 =	sne.s32 s8, $0x0;
	s8 =	simm.s32 $0x1  }
0x9: {  	s5 =	sand.u32 $0x1, s5;
	s6 =	sshrl.u32 s6, $0x4;
	s8 =	simm.s32 @!p0 $0x0  }
0xa: {  	s10 =	ssub.s32 $0x1000, s4;
	s5 =	sadd.s32 s5, s7;
	s6 =	sadd.s32 s8, s6  }
0xb: {  	s14 =	smov.u32 s2;
	s28 =	sshrl.u32 s10, $0x7;
	s30 =	smul.u32 s5, s6  }
.Ltmp0:
0xc: {  	s29 =	sshrl.u32 s10, $0x8;
	s7 =	sand.u32 $0x1, s28;
	(pc) =	sbr.rel .LBB1_1-.Ltmp0, $4  }
0xd: {  	s12 =	smov.u32 s4;
	s7 =	sadd.s32 s29, s7;
	s5 =	rddreg [dreg:$0x2]  }
0xe: {  	_ =	strace $0x8000004D;
	s6 =	simm.s32 $0x1;
	s7 =	smul.u32 s7, s30  }
0xf: {  	p0 =	por $0x0, $0x0;
	s8 =	sadd.s32 $0xC00, s9;
	[sflag:s6] =	ssyncpa.u1 $0x0  }
0x10: {  	s9 =	sadd.s32 $0x10C00, s9;
	[sflag:s31] =	ssyncpa.u1 $0x0;
	s10 =	sadd.s32 $0x1, s7  }
.LBB1_7:
0x11: {  	s19 =	sadd.s32 $0x100, s12  }
0x12: {  	s16 =	sadd.s32 $0x10, s13;
	s20 =	smov.u32 s13;
	p2 =	sgt.s32 s19, $0xFFF  }
0x13: {  	s20 =	smov.u32 @p2 s16  }
0x14: {  	s22 =	smov.u32 s14;
	s16 =	sadd.s32 $0x2, s14;
	p3 =	sgt.s32 s20, $0xF  }
0x15: {  	s22 =	smov.u32 @p3 s16  }
0x16: {  	s19 =	smov.u32 @p2 s4;
	p2 =	sgt.s32 s22, $0x1  }
0x17: {  	p1 =	slt.u32 s15, $0x2;
	s22 =	smov.u32 @p2 s2;
	p2 =	sne.s32 s15, s10  }
.Ltmp1:
0x18: {  	s21 =	simm.s32 @!p1 $0x2;
	(pc) =	sbr.rel @!p2 .LBB1_8-.Ltmp1, $4  }
0x19: {  	s17 =	smov.u32 s13;
	s18 =	smov.u32 s14;
	_ =	swait.ge @!p1 [sflag:s21], $0x4000  }
0x1a: {  	p0 =	por !p0, !p0;
	[sflag:s21] =	ssyncset.done @!p1 $0x0;
	s20 =	smov.u32 @p3 s3  }
0x1b: {  	s16 =	smov.u32 s12;
	[sflag:s21] =	ssyncadd.s32 @!p1 $0xFFFFC000;
	s12 =	smov.u32 s19  }
0x1c: {  	s13 =	smov.u32 s20;
	s15 =	sadd.s32 $0x1, s15;
	s14 =	smov.u32 s22  }
.LBB1_1:
0x1d: {  	p1 =	sge.u32 s15, s7  }
0x1e: {  	s19 =	sxor.u32 @!p1 $0xFFFFFFFF, s15;
	s20 =	sshll.u32 @!p1 s14, $0x14  }
0x1f: {  	s21 =	sshll.u32 @!p1 s13, $0x10;
	s23 =	sshll.u32 @!p1 s12, $0x4;
	s24 =	simm.s32 @!p1 $0x40  }
0x20: {  	s25 =	simm.s32 @!p1 $0x80;
	s19 =	sshll.u32 @!p1 s19, $0xE;
	s22 =	sadd.s32 @!p1 s20, s21  }
0x21: {  	s23 =	sand.u32 @!p1 $0xFFF0, s23;
	s20 =	sadd.s32 @!p1 s20, s9;
	s22 =	sadd.s32 @!p1 s8, s22  }
0x22: {  	s19 =	sand.u32 @!p1 $0x4000, s19;
	s20 =	sadd.s32 @!p1 s21, s20;
	s22 =	sadd.s32 @!p1 s23, s22  }
0x23: {  	[tilespmem:s19], [sflag:$0x1] =	stream.strided.gather @!p1 [hbm4b:s22+s24], $0x2000, s25, s24, $0x38;
	[tilespmem:$0x10100] =	vst v63  }
0x24: {  	s31 =	sadd.s32 $0xFFFFFFFF, s15;
	s20 =	sadd.s32 @!p1 s23, s20;
	s19 =	sor.u32 @!p1 $0x2000, s19  }
0x25: {  	[tilespmem:s19], [sflag:$0x1] =	stream.strided.gather @!p1 [hbm4b:s20+s24], $0x2000, s25, s24, $0x38;
	[tilespmem:$0x10100] =	vst v63  }
0x26: {  	p1 =	sge.u32 s31, s7  }
.Ltmp2:
0x27: {  	_ = 	snop;
	(pc) =	sbr.rel @p1 .LBB1_7-.Ltmp2, $1  }
0x28: {  	_ =	sdelay $0x3  }
0x29: {  	s19 =	simm.s32 $0x1;
	s21 =	sand.u32 $0x1, s15  }
0x2a: {  	_ =	swait.ge [sflag:s6], $0x4000;
	s19 =	simm.s32 @!p0 $0x0;
	s21 =	smul.u32 $0x10200, s21  }
0x2b: {  	p2 =	por $0x1, $0x1;
	[sflag:s6] =	ssyncset.done $0x0;
	s20 =	smul.u32 $0x10200, s19  }
0x2c: {  	s22 =	sshll.u32 s19, $0x10;
	[sflag:s6] =	ssyncadd.s32 $0xFFFFC000;
	s30 =	sshrl.u32 s21, $0x2  }
0x2d: {  	s31 =	sshrl.u32 s22, $0x2;
	s22 =	simm.s32 $0x0;
	s20 =	sshrl.u32 s20, $0x2  }
0x2e: {  	s19 =	sor.u32 $0x8000, s30;
	s21 =	sadd.s32 $0x20, s31;
	s20 =	sor.u32 $0x8000, s20  }
.LBB1_3:
0x2f: {  	s23 =	sshll.u32 s22, $0xD  }
0x30: {  	s23 =	sand.u32 $0x3FFFE000, s23  }
0x31: {  	s25 =	sadd.s32 s23, s21  }
0x32: {  	s31 =	smul.u32 $0x8100, s22;
	v3 =	vld [tilespmem:s25+$0x10]  }
0x33: {  	v1 =	vld [tilespmem:s25+$0xFFFFFFF0]  }
0x34: {  	s22 =	sshra.s32 s31, $0x2;
	v0 =	vld [tilespmem:s25+$0x0]  }
0x35: {  	s22 =	sadd.s32 s22, s20;
	v2 =	vld [tilespmem:s25+$0xFFFFFFE0]  }
0x36: {  	s23 =	sadd.s32 $0x0, s22  }
0x37: {  	p1 =	por p2, p2;
	s24 =	simm.s32 $0x4;
	s25 =	sadd.s32 $0x40, s25;
	[tilespmem:s23+$0x1830 ss:$0x81] =	vst.msk $0xffff, v3  }
.LBB1_4:
0x38: {  	v3 =	vld [tilespmem:s25+$0x10];
	p2 =	sne.s32 s24, $0x1FC;
	[tilespmem:s23+$0x810 ss:$0x81] =	vst.msk $0xffff, v1;
	s26 =	smov.u32 s24;
	s24 =	sadd.s32 $0x4, s24  }
.Ltmp3:
0x39: {  	v1 =	vld [tilespmem:s25+$0xFFFFFFF0];
	[tilespmem:s23+$0x1020 ss:$0x81] =	vst.msk $0xffff, v0;
	(pc) =	sbr.rel @p2 .LBB1_4-.Ltmp3, $4  }
0x3a: {  	v0 =	vld [tilespmem:s25+$0x0];
	[tilespmem:s23+$0x0 ss:$0x81] =	vst.msk $0xffff, v2  }
0x3b: {  	s23 =	sshra.s32 s26, $0x2;
	v2 =	vld [tilespmem:s25+$0xFFFFFFE0]  }
0x3c: {  	s23 =	sadd.s32 s23, s22  }
0x3d: {  	s25 =	sadd.s32 $0x40, s25;
	[tilespmem:s23+$0x1830 ss:$0x81] =	vst.msk $0xffff, v3  }
.Ltmp4:
0x3e: {  	(pc) =	sbr.rel @p1 .LBB1_3-.Ltmp4, $4  }
0x3f: {  	_ = 	snop  }
0x40: {  	[tilespmem:s23+$0x810 ss:$0x81] =	vst.msk $0xffff, v1  }
0x41: {  	[tilespmem:s23+$0x1020 ss:$0x81] =	vst.msk $0xffff, v0  }
0x42: {  	s22 =	simm.s32 $0x1;
	p2 =	por $0x0, $0x0;
	[tilespmem:s23+$0x0 ss:$0x81] =	vst.msk $0xffff, v2  }
0x43: {  	s20 =	sshll.u32 s16, $0x3;
	s21 =	sand.u32 $0x78, s16  }
0x44: {  	s18 =	sshll.u32 s18, $0x13;
	s17 =	sshll.u32 s17, $0xF;
	s29 =	sand.u32 $0x7E00, s16  }
.Ltmp5:
0x45: {  	s20 =	sand.u32 $0xC00, s20;
	s18 =	sadd.s32 s1, s18;
	(pc) =	sbr.rel .LBB1_7-.Ltmp5, $4  }
0x46: {  	s30 =	sand.u32 $0x7, s16;
	s20 =	sor.u32 s21, s20;
	s17 =	sadd.s32 s17, s18  }
0x47: {  	s16 =	sshll.u32 s30, $0x12;
	s31 =	sshrl.u32 s20, $0x3;
	s17 =	sadd.s32 s29, s17  }
0x48: {  	s16 =	sor.u32 $0x400, s16;
	s17 =	sadd.s32 s31, s17  }
0x49: {  	[hbm4b:s17+s16] =	stream.strided.scatter [tilespmem:s19], [sflag:$0x2], $0x4000, s11, s16, $0x20;
	[tilespmem:$0x10100] =	vst v63  }
.LBB1_8:
0x4a: {  	_ =	sfence.sel $0x180000  }
0x4b: {  	s1 =	simm.s32 $0x1;
	[bflag:$0x0] =	sbarrier.arrive $0xFFFF  }
0x4c: {  	s31 =	simm.s32 $0x2;
	[sflag:s1] =	ssyncpa.u1 $0x1  }
0x4d: {  	[sflag:s31] =	ssyncpa.u1 $0x1  }
0x4e: {  	p0 =	sne.s32 s0, $0x0;
	_ =	strace $0x9000004D  }
0x4f: {  	s0 =	sadd.s32 @!p0 $0x100000, s5;
	[bflag:$0x2] =	sbarrier.arrive $0xFFFF  }
0x50: {  	[sflag:s0] =	ssyncadd.tile.s32 @!p0 $0x1;
	_ =	shalt  }
.Lfunc_end1:
_tile_overlayer_lowered:
.L_overlay_start_2:
0x51: {  	(tag) =	ssettag $0x2  }
0x52: {  	s0 =	rddreg [dreg:$0x0];
	s2 =	stileid.u32  }
0x53: {  	s1 =	rddreg [dreg:$0x1];
	p0 =	sne.s32 s2, $0x0  }
0x54: {  	s3 =	rddreg [dreg:$0x2];
	[bflag:$0x3] =	sbarrier.arrive $0xFFFF;
	s2 =	simm.s32 @!p0 $0x1C01  }
0x55: {  	[timem:s3], [sflag:s2] =	dma.local @!p0 [hbm:s0], s1  }
0x56: {  	s0 =	simm.s32 @!p0 $0x1  }
0x57: {  	_ =	swait.ge @!p0 [sflag:s0], s1  }
0x58: {  	s1 =	ssub.s32 @!p0 $0x0, s1;
	[sflag:s0] =	ssyncset.done @!p0 $0x0  }
0x59: {  	[sflag:s0] =	ssyncadd.s32 @!p0 s1  }
0x5a: {  	[bflag:$0x3] =	sbarrier.arrive $0xFFFF  }
0x5b: {  	_ =	shalt  }

</sc_bundles>
